<compile_context>
chip_gen: v7x
topology: tpu7x:2x2x1
jax: 0.10.2.dev20260603
libtpu: 0.0.44.dev20260713+nightly
codegen_flags: <defaults>
</compile_context>

<pallas_src>
import functools

import jax
import jax.numpy as jnp
from jax import lax
from jax.experimental import pallas as pl
from jax.experimental.pallas import tpu as pltpu
from jax.experimental.pallas import tpu_sc as plsc


def _prescale(table, inv2d):
    V, D = table.shape

    def body(t_ref, w_ref, o_ref):
        rows = lax.broadcasted_iota(jnp.int32, (V, D), 0)
        o_ref[...] = jnp.where(rows == 0, jnp.float32(0.0), t_ref[...] * w_ref[...])

    return pl.pallas_call(
        body,
        out_shape=jax.ShapeDtypeStruct((V, D), table.dtype),
    )(table, inv2d)


def _sc_gather_t(tab2, idx, B, T, D):
    V2 = tab2.shape[0]
    info = plsc.get_sparse_core_info()
    NC, NS = info.num_cores, info.num_subcores
    NW = NC * NS
    bpw = B // NW
    NB = 4
    G8 = bpw // 16

    mesh = plsc.VectorSubcoreMesh(core_axis_name="c", subcore_axis_name="s")

    @functools.partial(
        pl.kernel,
        mesh=mesh,
        out_type=jax.ShapeDtypeStruct((T, D, B), jnp.float32),
        scratch_types=[
            pltpu.VMEM((V2, 2 * D), jnp.float32),
            pltpu.VMEM((bpw * T,), jnp.int32),
            pltpu.VMEM((NB, D, bpw), jnp.float32),
            pltpu.VMEM((bpw,), jnp.int32),
            pltpu.VMEM((bpw,), jnp.int32),
        ] + [pltpu.SemaphoreType.DMA] * NB,
        compiler_params=pltpu.CompilerParams(
            use_tc_tiling_on_sc=True, needs_layout_passes=False),
    )
    def k(tab_hbm, idx_hbm, x_hbm, tab_v, idx_v, tbuf, icol, ioff, *wsems):
        wid = lax.axis_index("s") * NC + lax.axis_index("c")
        base_b = wid * bpw
        pltpu.sync_copy(tab_hbm, tab_v)
        pltpu.sync_copy(idx_hbm.at[pl.ds(base_b * T, bpw * T)], idx_v)

        lane = lax.iota(jnp.int32, 16)
        lane_t = lane * T

        def wcopy(t, nb):
            return pltpu.make_async_copy(
                tbuf.at[nb], x_hbm.at[t, :, pl.ds(base_b, bpw)], wsems[nb])

        def unit(t, nb):
            for g in range(G8):
                iv = lane_t + (g * 16 * T + t)
                v = plsc.load_gather(idx_v, [iv])
                icol[pl.ds(g * 16, 16)] = lax.shift_right_logical(v, 1)
                ioff[pl.ds(g * 16, 16)] = lax.shift_left((v & 1), 6)

            @pl.when(t >= NB)
            def _():
                wcopy(t, nb).wait()

            t2 = tbuf.at[nb]
            rows = [icol[pl.ds(g * 16, 16)] for g in range(G8)]
            offs = [ioff[pl.ds(g * 16, 16)] for g in range(G8)]
            ivs = [lane + g * 16 for g in range(G8)]

            @plsc.parallel_loop(0, D, unroll=4)
            def jbody(j):
                jd = (lane + j) & (D - 1)
                for g in range(G8):
                    v = plsc.load_gather(tab_v, [rows[g], offs[g] + jd])
                    plsc.store_scatter(t2, [jd, ivs[g]], v)

            wcopy(t, nb).start()

        def outer(i, carry):
            for nb in range(NB):
                unit(NB * i + nb, nb)
            return carry

        lax.fori_loop(0, T // NB, outer, 0)
        for nb in range(NB):
            wcopy(T - NB + nb, nb).wait()

    return k(tab2, idx)


def kernel(input, table, inv_freq):
    B, T = input.shape
    V, D = table.shape
    scaled = _prescale(table, inv_freq.reshape(V, 1))
    tab2 = scaled.reshape(V // 2, 2 * D)
    x = _sc_gather_t(tab2, input.reshape(-1), B, T, D)
    return jnp.transpose(x, (2, 0, 1))

# --- scband reference (transcript-rebuilt; emitter-appended) ---
"""Pipeline reference for scband-frequency-aware-embedding-80006650790081 (READ-ONLY COPY).

The authoritative reference and input builder live on the scoring server;
editing this copy changes nothing except your own understanding.
"""

import jax, jax.numpy as jnp
import numpy as np

NUM_EMBEDDINGS = 1000
EMBEDDING_DIM = 64
BATCH = 4096
HIST_LEN = 200


def _make_inv_freq():
    # location_frequencies = tile([1,2,4,8,16,32,64,128,256,512], 100), matching init_kwargs
    freqs = jnp.tile(jnp.array([1.0, 2.0, 4.0, 8.0, 16.0, 32.0, 64.0, 128.0, 256.0, 512.0], dtype=jnp.float32), 100)
    inv = 1.0 / (freqs + 1e-06)
    inv = inv / jnp.mean(inv)
    return jnp.clip(inv, 0.5, 2.0)


def setup_inputs(seed: int = 0) -> dict:
    key = jax.random.key(seed)
    k1, k2 = jax.random.split(key)
    indices = jax.random.randint(k1, (BATCH, HIST_LEN), 0, NUM_EMBEDDINGS, dtype=jnp.int32)
    table = jax.random.normal(k2, (NUM_EMBEDDINGS, EMBEDDING_DIM), dtype=jnp.float32)
    table = table.at[0].set(0.0)  # padding_idx=0 row zeroed like nn.Embedding
    inv_freq = _make_inv_freq()
    return {"input": indices, "table": table, "inv_freq": inv_freq}


def reference(input, table, inv_freq):
    # Faithful translation of FrequencyAwareEmbedding.forward
    tbl = table.at[0].set(0.0)  # enforce padding row = 0
    emb = jnp.take(tbl, input, axis=0)                 # embedding gather
    weights = jnp.take(inv_freq, input, axis=0)[..., None]  # inv_freq[input].unsqueeze(-1)
    return emb * weights

if __name__ == "__main__":
    import jax
    _d = setup_inputs()
    print(jax.jit(kernel)(*tuple(_d.values())))

</pallas_src>

<mosaic_0001>
#map = affine_map<(d0, d1) -> (0, 0)>
#map1 = affine_map<(d0, d1) -> (0)>
#map2 = affine_map<(d0, d1) -> (0, 0, 0)>
module attributes {stable_mosaic.version = 14 : i64} {
  func.func @k(%arg0: i32, %arg1: i32, %arg2: memref<500x128xf32, #tpu.memory_space<hbm>>, %arg3: memref<819200xi32, #tpu.memory_space<hbm>>, %arg4: memref<200x64x4096xf32, #tpu.memory_space<hbm>>, %arg5: memref<500x128xf32, #tpu.memory_space<vmem>>, %arg6: memref<25600xi32, #tpu.memory_space<vmem>>, %arg7: memref<4x64x128xf32, #tpu.memory_space<vmem>>, %arg8: memref<128xi32, #tpu.memory_space<vmem>>, %arg9: memref<128xi32, #tpu.memory_space<vmem>>, %arg10: memref<!tpu.dma_semaphore, #tpu.memory_space<semaphore_mem>>, %arg11: memref<!tpu.dma_semaphore, #tpu.memory_space<semaphore_mem>>, %arg12: memref<!tpu.dma_semaphore, #tpu.memory_space<semaphore_mem>>, %arg13: memref<!tpu.dma_semaphore, #tpu.memory_space<semaphore_mem>>) attributes {dimension_semantics = [#tpu.dimension_semantics<core_parallel>, #tpu.dimension_semantics<subcore_parallel>], iteration_bounds = array<i64: 2, 16>, scalar_prefetch = 0 : i64, scratch_operands = 9 : i64, tpu.core_type = #tpu.core_type<sc_vector_subcore>, window_params = [{transform_indices = #map}, {transform_indices = #map1}, {transform_indices = #map2}]} {
    %mul3A = arith.constant 2 : i32
    %mul3A_0 = arith.muli %arg1, %mul3A : i32
    %add3A = arith.addi %mul3A_0, %arg0 : i32
    %mul3A_1 = arith.constant 128 : i32
    %mul3A_2 = arith.muli %add3A, %mul3A_1 : i32
    "tpu.region"() ({
      %run_scoped3A = tpu.sem_alloc : memref<!tpu.dma_semaphore, #tpu.memory_space<semaphore_mem>>
      tpu.enqueue_dma source(%arg2 : memref<500x128xf32, #tpu.memory_space<hbm>>) target(%arg5 : memref<500x128xf32, #tpu.memory_space<vmem>>) target_semaphore(%run_scoped3A : memref<!tpu.dma_semaphore, #tpu.memory_space<semaphore_mem>>)
      tpu.wait_dma2 semaphore(%run_scoped3A : memref<!tpu.dma_semaphore, #tpu.memory_space<semaphore_mem>>) src(%arg2 : memref<500x128xf32, #tpu.memory_space<hbm>>) dst(%arg5 : memref<500x128xf32, #tpu.memory_space<vmem>>)
      tpu.yield
    }) : () -> ()
    %mul3A_3 = arith.constant 200 : i32
    %mul3A_4 = arith.muli %mul3A_2, %mul3A_3 : i32
    "tpu.region"() ({
      %run_scoped3A = tpu.sem_alloc : memref<!tpu.dma_semaphore, #tpu.memory_space<semaphore_mem>>
      %dma_start3A = tpu.memref_slice %arg3[%mul3A_4] : memref<819200xi32, #tpu.memory_space<hbm>> -> memref<25600xi32, #tpu.memory_space<hbm>>
      %dma_start3A_76 = tpu.memref_slice %arg3[%mul3A_4] : memref<819200xi32, #tpu.memory_space<hbm>> -> memref<25600xi32, #tpu.memory_space<hbm>>
      tpu.enqueue_dma source(%dma_start3A_76 : memref<25600xi32, #tpu.memory_space<hbm>>) target(%arg6 : memref<25600xi32, #tpu.memory_space<vmem>>) target_semaphore(%run_scoped3A : memref<!tpu.dma_semaphore, #tpu.memory_space<semaphore_mem>>)
      %dma_wait3A_77 = tpu.memref_slice %arg3[%mul3A_4] : memref<819200xi32, #tpu.memory_space<hbm>> -> memref<25600xi32, #tpu.memory_space<hbm>>
      %dma_wait3A_78 = tpu.memref_slice %arg3[%mul3A_4] : memref<819200xi32, #tpu.memory_space<hbm>> -> memref<25600xi32, #tpu.memory_space<hbm>>
      tpu.wait_dma2 semaphore(%run_scoped3A : memref<!tpu.dma_semaphore, #tpu.memory_space<semaphore_mem>>) src(%dma_wait3A_78 : memref<25600xi32, #tpu.memory_space<hbm>>) dst(%arg6 : memref<25600xi32, #tpu.memory_space<vmem>>)
      tpu.yield
    }) : () -> ()
    %iota3A = tpu.iota {dimensions = array<i32: 0>} : vector<16xi32>
    %mul3A_5 = arith.constant 200 : i32
    %mul3A_6 = vector.broadcast %mul3A_5 : i32 to vector<16xi32>
    %mul3A_7 = arith.muli %iota3A, %mul3A_6 : vector<16xi32>
    %scan3A = arith.constant 0 : i32
    %scan3A_8 = arith.constant 0 : i32
    %scan3A_9 = arith.constant 50 : i32
    %scan3A_10 = arith.addi %scan3A_8, %scan3A_9 : i32
    %scan3A_11 = arith.constant 1 : i32
    scf.for %scan3A_76 = %scan3A_8 to %scan3A_10 step %scan3A_11  : i32 {
      %mul3A_77 = arith.constant 4 : i32
      %mul3A_78 = arith.muli %mul3A_77, %scan3A_76 : i32
      %add3A_79 = arith.constant 0 : i32
      %add3A_80 = arith.addi %mul3A_78, %add3A_79 : i32
      %add3A_81 = arith.constant 0 : i32
      %add3A_82 = arith.addi %add3A_81, %add3A_80 : i32
      %add3A_83 = vector.broadcast %add3A_82 : i32 to vector<16xi32>
      %add3A_84 = arith.addi %mul3A_7, %add3A_83 : vector<16xi32>
      %gather3A = tpu.vector_load_idx %arg6[%add3A_84] : memref<25600xi32, #tpu.memory_space<vmem>>[vector<16xi32>], vector<16xi32>,
      %shift_right_logical3A = arith.constant 1 : i32
      %shift_right_logical3A_85 = vector.broadcast %shift_right_logical3A : i32 to vector<16xi32>
      %shift_right_logical3A_86 = arith.shrui %gather3A, %shift_right_logical3A_85 : vector<16xi32>
      %swap3A = arith.constant 0 : index
      %swap3A_87 = tpu.vector_load %arg8[%swap3A] {strides = array<i32>} : memref<128xi32, #tpu.memory_space<vmem>>, vector<16xi32>,
      tpu.vector_store %arg8[%swap3A], %shift_right_logical3A_86 {strides = array<i32>} : memref<128xi32, #tpu.memory_space<vmem>>, vector<16xi32>,
      %and3A = arith.constant 1 : i32
      %and3A_88 = vector.broadcast %and3A : i32 to vector<16xi32>
      %and3A_89 = arith.andi %gather3A, %and3A_88 : vector<16xi32>
      %shift_left3A = arith.constant 6 : i32
      %shift_left3A_90 = vector.broadcast %shift_left3A : i32 to vector<16xi32>
      %shift_left3A_91 = arith.shli %and3A_89, %shift_left3A_90 : vector<16xi32>
      %swap3A_92 = arith.constant 0 : index
      %swap3A_93 = tpu.vector_load %arg9[%swap3A_92] {strides = array<i32>} : memref<128xi32, #tpu.memory_space<vmem>>, vector<16xi32>,
      tpu.vector_store %arg9[%swap3A_92], %shift_left3A_91 {strides = array<i32>} : memref<128xi32, #tpu.memory_space<vmem>>, vector<16xi32>,
      %add3A_94 = arith.constant 3200 : i32
      %add3A_95 = arith.addi %add3A_94, %add3A_80 : i32
      %add3A_96 = vector.broadcast %add3A_95 : i32 to vector<16xi32>
      %add3A_97 = arith.addi %mul3A_7, %add3A_96 : vector<16xi32>
      %gather3A_98 = tpu.vector_load_idx %arg6[%add3A_97] : memref<25600xi32, #tpu.memory_space<vmem>>[vector<16xi32>], vector<16xi32>,
      %shift_right_logical3A_99 = arith.constant 1 : i32
      %shift_right_logical3A_100 = vector.broadcast %shift_right_logical3A_99 : i32 to vector<16xi32>
      %shift_right_logical3A_101 = arith.shrui %gather3A_98, %shift_right_logical3A_100 : vector<16xi32>
      %swap3A_102 = arith.constant 16 : index
      %swap3A_103 = tpu.vector_load %arg8[%swap3A_102] {strides = array<i32>} : memref<128xi32, #tpu.memory_space<vmem>>, vector<16xi32>,
      tpu.vector_store %arg8[%swap3A_102], %shift_right_logical3A_101 {strides = array<i32>} : memref<128xi32, #tpu.memory_space<vmem>>, vector<16xi32>,
      %and3A_104 = arith.constant 1 : i32
      %and3A_105 = vector.broadcast %and3A_104 : i32 to vector<16xi32>
      %and3A_106 = arith.andi %gather3A_98, %and3A_105 : vector<16xi32>
      %shift_left3A_107 = arith.constant 6 : i32
      %shift_left3A_108 = vector.broadcast %shift_left3A_107 : i32 to vector<16xi32>
      %shift_left3A_109 = arith.shli %and3A_106, %shift_left3A_108 : vector<16xi32>
      %swap3A_110 = arith.constant 16 : index
      %swap3A_111 = tpu.vector_load %arg9[%swap3A_110] {strides = array<i32>} : memref<128xi32, #tpu.memory_space<vmem>>, vector<16xi32>,
      tpu.vector_store %arg9[%swap3A_110], %shift_left3A_109 {strides = array<i32>} : memref<128xi32, #tpu.memory_space<vmem>>, vector<16xi32>,
      %add3A_112 = arith.constant 6400 : i32
      %add3A_113 = arith.addi %add3A_112, %add3A_80 : i32
      %add3A_114 = vector.broadcast %add3A_113 : i32 to vector<16xi32>
      %add3A_115 = arith.addi %mul3A_7, %add3A_114 : vector<16xi32>
      %gather3A_116 = tpu.vector_load_idx %arg6[%add3A_115] : memref<25600xi32, #tpu.memory_space<vmem>>[vector<16xi32>], vector<16xi32>,
      %shift_right_logical3A_117 = arith.constant 1 : i32
      %shift_right_logical3A_118 = vector.broadcast %shift_right_logical3A_117 : i32 to vector<16xi32>
      %shift_right_logical3A_119 = arith.shrui %gather3A_116, %shift_right_logical3A_118 : vector<16xi32>
      %swap3A_120 = arith.constant 32 : index
      %swap3A_121 = tpu.vector_load %arg8[%swap3A_120] {strides = array<i32>} : memref<128xi32, #tpu.memory_space<vmem>>, vector<16xi32>,
      tpu.vector_store %arg8[%swap3A_120], %shift_right_logical3A_119 {strides = array<i32>} : memref<128xi32, #tpu.memory_space<vmem>>, vector<16xi32>,
      %and3A_122 = arith.constant 1 : i32
      %and3A_123 = vector.broadcast %and3A_122 : i32 to vector<16xi32>
      %and3A_124 = arith.andi %gather3A_116, %and3A_123 : vector<16xi32>
      %shift_left3A_125 = arith.constant 6 : i32
      %shift_left3A_126 = vector.broadcast %shift_left3A_125 : i32 to vector<16xi32>
      %shift_left3A_127 = arith.shli %and3A_124, %shift_left3A_126 : vector<16xi32>
      %swap3A_128 = arith.constant 32 : index
      %swap3A_129 = tpu.vector_load %arg9[%swap3A_128] {strides = array<i32>} : memref<128xi32, #tpu.memory_space<vmem>>, vector<16xi32>,
      tpu.vector_store %arg9[%swap3A_128], %shift_left3A_127 {strides = array<i32>} : memref<128xi32, #tpu.memory_space<vmem>>, vector<16xi32>,
      %add3A_130 = arith.constant 9600 : i32
      %add3A_131 = arith.addi %add3A_130, %add3A_80 : i32
      %add3A_132 = vector.broadcast %add3A_131 : i32 to vector<16xi32>
      %add3A_133 = arith.addi %mul3A_7, %add3A_132 : vector<16xi32>
      %gather3A_134 = tpu.vector_load_idx %arg6[%add3A_133] : memref<25600xi32, #tpu.memory_space<vmem>>[vector<16xi32>], vector<16xi32>,
      %shift_right_logical3A_135 = arith.constant 1 : i32
      %shift_right_logical3A_136 = vector.broadcast %shift_right_logical3A_135 : i32 to vector<16xi32>
      %shift_right_logical3A_137 = arith.shrui %gather3A_134, %shift_right_logical3A_136 : vector<16xi32>
      %swap3A_138 = arith.constant 48 : index
      %swap3A_139 = tpu.vector_load %arg8[%swap3A_138] {strides = array<i32>} : memref<128xi32, #tpu.memory_space<vmem>>, vector<16xi32>,
      tpu.vector_store %arg8[%swap3A_138], %shift_right_logical3A_137 {strides = array<i32>} : memref<128xi32, #tpu.memory_space<vmem>>, vector<16xi32>,
      %and3A_140 = arith.constant 1 : i32
      %and3A_141 = vector.broadcast %and3A_140 : i32 to vector<16xi32>
      %and3A_142 = arith.andi %gather3A_134, %and3A_141 : vector<16xi32>
      %shift_left3A_143 = arith.constant 6 : i32
      %shift_left3A_144 = vector.broadcast %shift_left3A_143 : i32 to vector<16xi32>
      %shift_left3A_145 = arith.shli %and3A_142, %shift_left3A_144 : vector<16xi32>
      %swap3A_146 = arith.constant 48 : index
      %swap3A_147 = tpu.vector_load %arg9[%swap3A_146] {strides = array<i32>} : memref<128xi32, #tpu.memory_space<vmem>>, vector<16xi32>,
      tpu.vector_store %arg9[%swap3A_146], %shift_left3A_145 {strides = array<i32>} : memref<128xi32, #tpu.memory_space<vmem>>, vector<16xi32>,
      %add3A_148 = arith.constant 12800 : i32
      %add3A_149 = arith.addi %add3A_148, %add3A_80 : i32
      %add3A_150 = vector.broadcast %add3A_149 : i32 to vector<16xi32>
      %add3A_151 = arith.addi %mul3A_7, %add3A_150 : vector<16xi32>
      %gather3A_152 = tpu.vector_load_idx %arg6[%add3A_151] : memref<25600xi32, #tpu.memory_space<vmem>>[vector<16xi32>], vector<16xi32>,
      %shift_right_logical3A_153 = arith.constant 1 : i32
      %shift_right_logical3A_154 = vector.broadcast %shift_right_logical3A_153 : i32 to vector<16xi32>
      %shift_right_logical3A_155 = arith.shrui %gather3A_152, %shift_right_logical3A_154 : vector<16xi32>
      %swap3A_156 = arith.constant 64 : index
      %swap3A_157 = tpu.vector_load %arg8[%swap3A_156] {strides = array<i32>} : memref<128xi32, #tpu.memory_space<vmem>>, vector<16xi32>,
      tpu.vector_store %arg8[%swap3A_156], %shift_right_logical3A_155 {strides = array<i32>} : memref<128xi32, #tpu.memory_space<vmem>>, vector<16xi32>,
      %and3A_158 = arith.constant 1 : i32
      %and3A_159 = vector.broadcast %and3A_158 : i32 to vector<16xi32>
      %and3A_160 = arith.andi %gather3A_152, %and3A_159 : vector<16xi32>
      %shift_left3A_161 = arith.constant 6 : i32
      %shift_left3A_162 = vector.broadcast %shift_left3A_161 : i32 to vector<16xi32>
      %shift_left3A_163 = arith.shli %and3A_160, %shift_left3A_162 : vector<16xi32>
      %swap3A_164 = arith.constant 64 : index
      %swap3A_165 = tpu.vector_load %arg9[%swap3A_164] {strides = array<i32>} : memref<128xi32, #tpu.memory_space<vmem>>, vector<16xi32>,
      tpu.vector_store %arg9[%swap3A_164], %shift_left3A_163 {strides = array<i32>} : memref<128xi32, #tpu.memory_space<vmem>>, vector<16xi32>,
      %add3A_166 = arith.constant 16000 : i32
      %add3A_167 = arith.addi %add3A_166, %add3A_80 : i32
      %add3A_168 = vector.broadcast %add3A_167 : i32 to vector<16xi32>
      %add3A_169 = arith.addi %mul3A_7, %add3A_168 : vector<16xi32>
      %gather3A_170 = tpu.vector_load_idx %arg6[%add3A_169] : memref<25600xi32, #tpu.memory_space<vmem>>[vector<16xi32>], vector<16xi32>,
      %shift_right_logical3A_171 = arith.constant 1 : i32
      %shift_right_logical3A_172 = vector.broadcast %shift_right_logical3A_171 : i32 to vector<16xi32>
      %shift_right_logical3A_173 = arith.shrui %gather3A_170, %shift_right_logical3A_172 : vector<16xi32>
      %swap3A_174 = arith.constant 80 : index
      %swap3A_175 = tpu.vector_load %arg8[%swap3A_174] {strides = array<i32>} : memref<128xi32, #tpu.memory_space<vmem>>, vector<16xi32>,
      tpu.vector_store %arg8[%swap3A_174], %shift_right_logical3A_173 {strides = array<i32>} : memref<128xi32, #tpu.memory_space<vmem>>, vector<16xi32>,
      %and3A_176 = arith.constant 1 : i32
      %and3A_177 = vector.broadcast %and3A_176 : i32 to vector<16xi32>
      %and3A_178 = arith.andi %gather3A_170, %and3A_177 : vector<16xi32>
      %shift_left3A_179 = arith.constant 6 : i32
      %shift_left3A_180 = vector.broadcast %shift_left3A_179 : i32 to vector<16xi32>
      %shift_left3A_181 = arith.shli %and3A_178, %shift_left3A_180 : vector<16xi32>
      %swap3A_182 = arith.constant 80 : index
      %swap3A_183 = tpu.vector_load %arg9[%swap3A_182] {strides = array<i32>} : memref<128xi32, #tpu.memory_space<vmem>>, vector<16xi32>,
      tpu.vector_store %arg9[%swap3A_182], %shift_left3A_181 {strides = array<i32>} : memref<128xi32, #tpu.memory_space<vmem>>, vector<16xi32>,
      %add3A_184 = arith.constant 19200 : i32
      %add3A_185 = arith.addi %add3A_184, %add3A_80 : i32
      %add3A_186 = vector.broadcast %add3A_185 : i32 to vector<16xi32>
      %add3A_187 = arith.addi %mul3A_7, %add3A_186 : vector<16xi32>
      %gather3A_188 = tpu.vector_load_idx %arg6[%add3A_187] : memref<25600xi32, #tpu.memory_space<vmem>>[vector<16xi32>], vector<16xi32>,
      %shift_right_logical3A_189 = arith.constant 1 : i32
      %shift_right_logical3A_190 = vector.broadcast %shift_right_logical3A_189 : i32 to vector<16xi32>
      %shift_right_logical3A_191 = arith.shrui %gather3A_188, %shift_right_logical3A_190 : vector<16xi32>
      %swap3A_192 = arith.constant 96 : index
      %swap3A_193 = tpu.vector_load %arg8[%swap3A_192] {strides = array<i32>} : memref<128xi32, #tpu.memory_space<vmem>>, vector<16xi32>,
      tpu.vector_store %arg8[%swap3A_192], %shift_right_logical3A_191 {strides = array<i32>} : memref<128xi32, #tpu.memory_space<vmem>>, vector<16xi32>,
      %and3A_194 = arith.constant 1 : i32
      %and3A_195 = vector.broadcast %and3A_194 : i32 to vector<16xi32>
      %and3A_196 = arith.andi %gather3A_188, %and3A_195 : vector<16xi32>
      %shift_left3A_197 = arith.constant 6 : i32
      %shift_left3A_198 = vector.broadcast %shift_left3A_197 : i32 to vector<16xi32>
      %shift_left3A_199 = arith.shli %and3A_196, %shift_left3A_198 : vector<16xi32>
      %swap3A_200 = arith.constant 96 : index
      %swap3A_201 = tpu.vector_load %arg9[%swap3A_200] {strides = array<i32>} : memref<128xi32, #tpu.memory_space<vmem>>, vector<16xi32>,
      tpu.vector_store %arg9[%swap3A_200], %shift_left3A_199 {strides = array<i32>} : memref<128xi32, #tpu.memory_space<vmem>>, vector<16xi32>,
      %add3A_202 = arith.constant 22400 : i32
      %add3A_203 = arith.addi %add3A_202, %add3A_80 : i32
      %add3A_204 = vector.broadcast %add3A_203 : i32 to vector<16xi32>
      %add3A_205 = arith.addi %mul3A_7, %add3A_204 : vector<16xi32>
      %gather3A_206 = tpu.vector_load_idx %arg6[%add3A_205] : memref<25600xi32, #tpu.memory_space<vmem>>[vector<16xi32>], vector<16xi32>,
      %shift_right_logical3A_207 = arith.constant 1 : i32
      %shift_right_logical3A_208 = vector.broadcast %shift_right_logical3A_207 : i32 to vector<16xi32>
      %shift_right_logical3A_209 = arith.shrui %gather3A_206, %shift_right_logical3A_208 : vector<16xi32>
      %swap3A_210 = arith.constant 112 : index
      %swap3A_211 = tpu.vector_load %arg8[%swap3A_210] {strides = array<i32>} : memref<128xi32, #tpu.memory_space<vmem>>, vector<16xi32>,
      tpu.vector_store %arg8[%swap3A_210], %shift_right_logical3A_209 {strides = array<i32>} : memref<128xi32, #tpu.memory_space<vmem>>, vector<16xi32>,
      %and3A_212 = arith.constant 1 : i32
      %and3A_213 = vector.broadcast %and3A_212 : i32 to vector<16xi32>
      %and3A_214 = arith.andi %gather3A_206, %and3A_213 : vector<16xi32>
      %shift_left3A_215 = arith.constant 6 : i32
      %shift_left3A_216 = vector.broadcast %shift_left3A_215 : i32 to vector<16xi32>
      %shift_left3A_217 = arith.shli %and3A_214, %shift_left3A_216 : vector<16xi32>
      %swap3A_218 = arith.constant 112 : index
      %swap3A_219 = tpu.vector_load %arg9[%swap3A_218] {strides = array<i32>} : memref<128xi32, #tpu.memory_space<vmem>>, vector<16xi32>,
      tpu.vector_store %arg9[%swap3A_218], %shift_left3A_217 {strides = array<i32>} : memref<128xi32, #tpu.memory_space<vmem>>, vector<16xi32>,
      %ge3A = arith.constant 4 : i32
      %ge3A_220 = arith.cmpi sge, %add3A_80, %ge3A : i32
      %convert_element_type3A = arith.extui %ge3A_220 : i1 to i32
      %cond3A = arith.constant 0 : i32
      %cond3A_221 = arith.cmpi ne, %convert_element_type3A, %cond3A : i32
      scf.if %cond3A_221 {
        %dma_wait3A_978 = arith.constant 0 : i32
        %dma_wait3A_979 = arith.constant 0 : i32
        %dma_wait3A_980 = arith.constant 0 : i32
        %dma_wait3A_981 = tpu.memref_slice %arg7[%dma_wait3A_978, %dma_wait3A_979, %dma_wait3A_980] : memref<4x64x128xf32, #tpu.memory_space<vmem>> -> memref<1x64x128xf32, #tpu.memory_space<vmem>>
        %dma_wait3A_982 = tpu.memref_squeeze %dma_wait3A_981 : memref<1x64x128xf32, #tpu.memory_space<vmem>> -> memref<64x128xf32, #tpu.memory_space<vmem>>
        %dma_wait3A_983 = arith.constant 0 : i32
        %dma_wait3A_984 = tpu.memref_slice %arg4[%add3A_80, %dma_wait3A_983, %mul3A_2] : memref<200x64x4096xf32, #tpu.memory_space<hbm>> -> memref<1x64x128xf32, #tpu.memory_space<hbm>>
        %dma_wait3A_985 = tpu.memref_squeeze %dma_wait3A_984 : memref<1x64x128xf32, #tpu.memory_space<hbm>> -> memref<64x128xf32, #tpu.memory_space<hbm>>
        %dma_wait3A_986 = arith.constant 0 : i32
        %dma_wait3A_987 = tpu.memref_slice %arg4[%add3A_80, %dma_wait3A_986, %mul3A_2] : memref<200x64x4096xf32, #tpu.memory_space<hbm>> -> memref<1x64x128xf32, #tpu.memory_space<hbm>>
        %dma_wait3A_988 = tpu.memref_squeeze %dma_wait3A_987 : memref<1x64x128xf32, #tpu.memory_space<hbm>> -> memref<64x128xf32, #tpu.memory_space<hbm>>
        %dma_wait3A_989 = arith.constant 0 : i32
        %dma_wait3A_990 = arith.constant 0 : i32
        %dma_wait3A_991 = tpu.memref_slice %arg7[%dma_wait3A_978, %dma_wait3A_989, %dma_wait3A_990] : memref<4x64x128xf32, #tpu.memory_space<vmem>> -> memref<1x64x128xf32, #tpu.memory_space<vmem>>
        %dma_wait3A_992 = tpu.memref_squeeze %dma_wait3A_991 : memref<1x64x128xf32, #tpu.memory_space<vmem>> -> memref<64x128xf32, #tpu.memory_space<vmem>>
        tpu.wait_dma2 semaphore(%arg10 : memref<!tpu.dma_semaphore, #tpu.memory_space<semaphore_mem>>) src(%dma_wait3A_992 : memref<64x128xf32, #tpu.memory_space<vmem>>) dst(%dma_wait3A_988 : memref<64x128xf32, #tpu.memory_space<hbm>>)
      } else {
      }
      %get3A = arith.constant 0 : index
      %get3A_222 = tpu.vector_load %arg8[%get3A] {strides = array<i32>} : memref<128xi32, #tpu.memory_space<vmem>>, vector<16xi32>,
      %get3A_223 = arith.constant 16 : index
      %get3A_224 = tpu.vector_load %arg8[%get3A_223] {strides = array<i32>} : memref<128xi32, #tpu.memory_space<vmem>>, vector<16xi32>,
      %get3A_225 = arith.constant 32 : index
      %get3A_226 = tpu.vector_load %arg8[%get3A_225] {strides = array<i32>} : memref<128xi32, #tpu.memory_space<vmem>>, vector<16xi32>,
      %get3A_227 = arith.constant 48 : index
      %get3A_228 = tpu.vector_load %arg8[%get3A_227] {strides = array<i32>} : memref<128xi32, #tpu.memory_space<vmem>>, vector<16xi32>,
      %get3A_229 = arith.constant 64 : index
      %get3A_230 = tpu.vector_load %arg8[%get3A_229] {strides = array<i32>} : memref<128xi32, #tpu.memory_space<vmem>>, vector<16xi32>,
      %get3A_231 = arith.constant 80 : index
      %get3A_232 = tpu.vector_load %arg8[%get3A_231] {strides = array<i32>} : memref<128xi32, #tpu.memory_space<vmem>>, vector<16xi32>,
      %get3A_233 = arith.constant 96 : index
      %get3A_234 = tpu.vector_load %arg8[%get3A_233] {strides = array<i32>} : memref<128xi32, #tpu.memory_space<vmem>>, vector<16xi32>,
      %get3A_235 = arith.constant 112 : index
      %get3A_236 = tpu.vector_load %arg8[%get3A_235] {strides = array<i32>} : memref<128xi32, #tpu.memory_space<vmem>>, vector<16xi32>,
      %get3A_237 = arith.constant 0 : index
      %get3A_238 = tpu.vector_load %arg9[%get3A_237] {strides = array<i32>} : memref<128xi32, #tpu.memory_space<vmem>>, vector<16xi32>,
      %get3A_239 = arith.constant 16 : index
      %get3A_240 = tpu.vector_load %arg9[%get3A_239] {strides = array<i32>} : memref<128xi32, #tpu.memory_space<vmem>>, vector<16xi32>,
      %get3A_241 = arith.constant 32 : index
      %get3A_242 = tpu.vector_load %arg9[%get3A_241] {strides = array<i32>} : memref<128xi32, #tpu.memory_space<vmem>>, vector<16xi32>,
      %get3A_243 = arith.constant 48 : index
      %get3A_244 = tpu.vector_load %arg9[%get3A_243] {strides = array<i32>} : memref<128xi32, #tpu.memory_space<vmem>>, vector<16xi32>,
      %get3A_245 = arith.constant 64 : index
      %get3A_246 = tpu.vector_load %arg9[%get3A_245] {strides = array<i32>} : memref<128xi32, #tpu.memory_space<vmem>>, vector<16xi32>,
      %get3A_247 = arith.constant 80 : index
      %get3A_248 = tpu.vector_load %arg9[%get3A_247] {strides = array<i32>} : memref<128xi32, #tpu.memory_space<vmem>>, vector<16xi32>,
      %get3A_249 = arith.constant 96 : index
      %get3A_250 = tpu.vector_load %arg9[%get3A_249] {strides = array<i32>} : memref<128xi32, #tpu.memory_space<vmem>>, vector<16xi32>,
      %get3A_251 = arith.constant 112 : index
      %get3A_252 = tpu.vector_load %arg9[%get3A_251] {strides = array<i32>} : memref<128xi32, #tpu.memory_space<vmem>>, vector<16xi32>,
      %add3A_253 = arith.constant 0 : i32
      %add3A_254 = vector.broadcast %add3A_253 : i32 to vector<16xi32>
      %add3A_255 = arith.addi %iota3A, %add3A_254 : vector<16xi32>
      %add3A_256 = arith.constant 16 : i32
      %add3A_257 = vector.broadcast %add3A_256 : i32 to vector<16xi32>
      %add3A_258 = arith.addi %iota3A, %add3A_257 : vector<16xi32>
      %add3A_259 = arith.constant 32 : i32
      %add3A_260 = vector.broadcast %add3A_259 : i32 to vector<16xi32>
      %add3A_261 = arith.addi %iota3A, %add3A_260 : vector<16xi32>
      %add3A_262 = arith.constant 48 : i32
      %add3A_263 = vector.broadcast %add3A_262 : i32 to vector<16xi32>
      %add3A_264 = arith.addi %iota3A, %add3A_263 : vector<16xi32>
      %add3A_265 = arith.constant 64 : i32
      %add3A_266 = vector.broadcast %add3A_265 : i32 to vector<16xi32>
      %add3A_267 = arith.addi %iota3A, %add3A_266 : vector<16xi32>
      %add3A_268 = arith.constant 80 : i32
      %add3A_269 = vector.broadcast %add3A_268 : i32 to vector<16xi32>
      %add3A_270 = arith.addi %iota3A, %add3A_269 : vector<16xi32>
      %add3A_271 = arith.constant 96 : i32
      %add3A_272 = vector.broadcast %add3A_271 : i32 to vector<16xi32>
      %add3A_273 = arith.addi %iota3A, %add3A_272 : vector<16xi32>
      %add3A_274 = arith.constant 112 : i32
      %add3A_275 = vector.broadcast %add3A_274 : i32 to vector<16xi32>
      %add3A_276 = arith.addi %iota3A, %add3A_275 : vector<16xi32>
      %parallel_loop3A = arith.constant 0 : i32
      %parallel_loop3A_277 = arith.constant 64 : i32
      %parallel_loop3A_278 = arith.constant 1 : i32
      %parallel_loop3A_279 = arith.constant 0 : i32
      scf.for %parallel_loop3A_978 = %parallel_loop3A to %parallel_loop3A_277 step %parallel_loop3A_278  : i32 {
        %parallel_loop3A_979 = vector.broadcast %parallel_loop3A_978 : i32 to vector<16xi32>
        %parallel_loop3A_980 = arith.addi %iota3A, %parallel_loop3A_979 : vector<16xi32>
        %parallel_loop3A_981 = arith.constant 63 : i32
        %parallel_loop3A_982 = vector.broadcast %parallel_loop3A_981 : i32 to vector<16xi32>
        %parallel_loop3A_983 = arith.andi %parallel_loop3A_980, %parallel_loop3A_982 : vector<16xi32>
        %parallel_loop3A_984 = arith.addi %get3A_238, %parallel_loop3A_983 : vector<16xi32>
        %parallel_loop3A_985 = tpu.vector_load_idx %arg5[%get3A_222, %parallel_loop3A_984] : memref<500x128xf32, #tpu.memory_space<vmem>>[vector<16xi32>, vector<16xi32>], vector<16xf32>,
        %parallel_loop3A_986 = arith.constant 0 : i32
        %parallel_loop3A_987 = arith.constant 0 : i32
        %parallel_loop3A_988 = tpu.memref_slice %arg7[%parallel_loop3A_279, %parallel_loop3A_986, %parallel_loop3A_987] : memref<4x64x128xf32, #tpu.memory_space<vmem>> -> memref<1x64x128xf32, #tpu.memory_space<vmem>>
        %parallel_loop3A_989 = tpu.memref_squeeze %parallel_loop3A_988 : memref<1x64x128xf32, #tpu.memory_space<vmem>> -> memref<64x128xf32, #tpu.memory_space<vmem>>
        tpu.vector_store_idx %parallel_loop3A_989[%parallel_loop3A_983, %add3A_255], %parallel_loop3A_985 : memref<64x128xf32, #tpu.memory_space<vmem>>[vector<16xi32>, vector<16xi32>], vector<16xf32>,
        %parallel_loop3A_990 = arith.addi %get3A_240, %parallel_loop3A_983 : vector<16xi32>
        %parallel_loop3A_991 = tpu.vector_load_idx %arg5[%get3A_224, %parallel_loop3A_990] : memref<500x128xf32, #tpu.memory_space<vmem>>[vector<16xi32>, vector<16xi32>], vector<16xf32>,
        %parallel_loop3A_992 = arith.constant 0 : i32
        %parallel_loop3A_993 = arith.constant 0 : i32
        %parallel_loop3A_994 = tpu.memref_slice %arg7[%parallel_loop3A_279, %parallel_loop3A_992, %parallel_loop3A_993] : memref<4x64x128xf32, #tpu.memory_space<vmem>> -> memref<1x64x128xf32, #tpu.memory_space<vmem>>
        %parallel_loop3A_995 = tpu.memref_squeeze %parallel_loop3A_994 : memref<1x64x128xf32, #tpu.memory_space<vmem>> -> memref<64x128xf32, #tpu.memory_space<vmem>>
        tpu.vector_store_idx %parallel_loop3A_995[%parallel_loop3A_983, %add3A_258], %parallel_loop3A_991 : memref<64x128xf32, #tpu.memory_space<vmem>>[vector<16xi32>, vector<16xi32>], vector<16xf32>,
        %parallel_loop3A_996 = arith.addi %get3A_242, %parallel_loop3A_983 : vector<16xi32>
        %parallel_loop3A_997 = tpu.vector_load_idx %arg5[%get3A_226, %parallel_loop3A_996] : memref<500x128xf32, #tpu.memory_space<vmem>>[vector<16xi32>, vector<16xi32>], vector<16xf32>,
        %parallel_loop3A_998 = arith.constant 0 : i32
        %parallel_loop3A_999 = arith.constant 0 : i32
        %parallel_loop3A_1000 = tpu.memref_slice %arg7[%parallel_loop3A_279, %parallel_loop3A_998, %parallel_loop3A_999] : memref<4x64x128xf32, #tpu.memory_space<vmem>> -> memref<1x64x128xf32, #tpu.memory_space<vmem>>
        %parallel_loop3A_1001 = tpu.memref_squeeze %parallel_loop3A_1000 : memref<1x64x128xf32, #tpu.memory_space<vmem>> -> memref<64x128xf32, #tpu.memory_space<vmem>>
        tpu.vector_store_idx %parallel_loop3A_1001[%parallel_loop3A_983, %add3A_261], %parallel_loop3A_997 : memref<64x128xf32, #tpu.memory_space<vmem>>[vector<16xi32>, vector<16xi32>], vector<16xf32>,
        %parallel_loop3A_1002 = arith.addi %get3A_244, %parallel_loop3A_983 : vector<16xi32>
        %parallel_loop3A_1003 = tpu.vector_load_idx %arg5[%get3A_228, %parallel_loop3A_1002] : memref<500x128xf32, #tpu.memory_space<vmem>>[vector<16xi32>, vector<16xi32>], vector<16xf32>,
        %parallel_loop3A_1004 = arith.constant 0 : i32
        %parallel_loop3A_1005 = arith.constant 0 : i32
        %parallel_loop3A_1006 = tpu.memref_slice %arg7[%parallel_loop3A_279, %parallel_loop3A_1004, %parallel_loop3A_1005] : memref<4x64x128xf32, #tpu.memory_space<vmem>> -> memref<1x64x128xf32, #tpu.memory_space<vmem>>
        %parallel_loop3A_1007 = tpu.memref_squeeze %parallel_loop3A_1006 : memref<1x64x128xf32, #tpu.memory_space<vmem>> -> memref<64x128xf32, #tpu.memory_space<vmem>>
        tpu.vector_store_idx %parallel_loop3A_1007[%parallel_loop3A_983, %add3A_264], %parallel_loop3A_1003 : memref<64x128xf32, #tpu.memory_space<vmem>>[vector<16xi32>, vector<16xi32>], vector<16xf32>,
        %parallel_loop3A_1008 = arith.addi %get3A_246, %parallel_loop3A_983 : vector<16xi32>
        %parallel_loop3A_1009 = tpu.vector_load_idx %arg5[%get3A_230, %parallel_loop3A_1008] : memref<500x128xf32, #tpu.memory_space<vmem>>[vector<16xi32>, vector<16xi32>], vector<16xf32>,
        %parallel_loop3A_1010 = arith.constant 0 : i32
        %parallel_loop3A_1011 = arith.constant 0 : i32
        %parallel_loop3A_1012 = tpu.memref_slice %arg7[%parallel_loop3A_279, %parallel_loop3A_1010, %parallel_loop3A_1011] : memref<4x64x128xf32, #tpu.memory_space<vmem>> -> memref<1x64x128xf32, #tpu.memory_space<vmem>>
        %parallel_loop3A_1013 = tpu.memref_squeeze %parallel_loop3A_1012 : memref<1x64x128xf32, #tpu.memory_space<vmem>> -> memref<64x128xf32, #tpu.memory_space<vmem>>
        tpu.vector_store_idx %parallel_loop3A_1013[%parallel_loop3A_983, %add3A_267], %parallel_loop3A_1009 : memref<64x128xf32, #tpu.memory_space<vmem>>[vector<16xi32>, vector<16xi32>], vector<16xf32>,
        %parallel_loop3A_1014 = arith.addi %get3A_248, %parallel_loop3A_983 : vector<16xi32>
        %parallel_loop3A_1015 = tpu.vector_load_idx %arg5[%get3A_232, %parallel_loop3A_1014] : memref<500x128xf32, #tpu.memory_space<vmem>>[vector<16xi32>, vector<16xi32>], vector<16xf32>,
        %parallel_loop3A_1016 = arith.constant 0 : i32
        %parallel_loop3A_1017 = arith.constant 0 : i32
        %parallel_loop3A_1018 = tpu.memref_slice %arg7[%parallel_loop3A_279, %parallel_loop3A_1016, %parallel_loop3A_1017] : memref<4x64x128xf32, #tpu.memory_space<vmem>> -> memref<1x64x128xf32, #tpu.memory_space<vmem>>
        %parallel_loop3A_1019 = tpu.memref_squeeze %parallel_loop3A_1018 : memref<1x64x128xf32, #tpu.memory_space<vmem>> -> memref<64x128xf32, #tpu.memory_space<vmem>>
        tpu.vector_store_idx %parallel_loop3A_1019[%parallel_loop3A_983, %add3A_270], %parallel_loop3A_1015 : memref<64x128xf32, #tpu.memory_space<vmem>>[vector<16xi32>, vector<16xi32>], vector<16xf32>,
        %parallel_loop3A_1020 = arith.addi %get3A_250, %parallel_loop3A_983 : vector<16xi32>
        %parallel_loop3A_1021 = tpu.vector_load_idx %arg5[%get3A_234, %parallel_loop3A_1020] : memref<500x128xf32, #tpu.memory_space<vmem>>[vector<16xi32>, vector<16xi32>], vector<16xf32>,
        %parallel_loop3A_1022 = arith.constant 0 : i32
        %parallel_loop3A_1023 = arith.constant 0 : i32
        %parallel_loop3A_1024 = tpu.memref_slice %arg7[%parallel_loop3A_279, %parallel_loop3A_1022, %parallel_loop3A_1023] : memref<4x64x128xf32, #tpu.memory_space<vmem>> -> memref<1x64x128xf32, #tpu.memory_space<vmem>>
        %parallel_loop3A_1025 = tpu.memref_squeeze %parallel_loop3A_1024 : memref<1x64x128xf32, #tpu.memory_space<vmem>> -> memref<64x128xf32, #tpu.memory_space<vmem>>
        tpu.vector_store_idx %parallel_loop3A_1025[%parallel_loop3A_983, %add3A_273], %parallel_loop3A_1021 : memref<64x128xf32, #tpu.memory_space<vmem>>[vector<16xi32>, vector<16xi32>], vector<16xf32>,
        %parallel_loop3A_1026 = arith.addi %get3A_252, %parallel_loop3A_983 : vector<16xi32>
        %parallel_loop3A_1027 = tpu.vector_load_idx %arg5[%get3A_236, %parallel_loop3A_1026] : memref<500x128xf32, #tpu.memory_space<vmem>>[vector<16xi32>, vector<16xi32>], vector<16xf32>,
        %parallel_loop3A_1028 = arith.constant 0 : i32
        %parallel_loop3A_1029 = arith.constant 0 : i32
        %parallel_loop3A_1030 = tpu.memref_slice %arg7[%parallel_loop3A_279, %parallel_loop3A_1028, %parallel_loop3A_1029] : memref<4x64x128xf32, #tpu.memory_space<vmem>> -> memref<1x64x128xf32, #tpu.memory_space<vmem>>
        %parallel_loop3A_1031 = tpu.memref_squeeze %parallel_loop3A_1030 : memref<1x64x128xf32, #tpu.memory_space<vmem>> -> memref<64x128xf32, #tpu.memory_space<vmem>>
        tpu.vector_store_idx %parallel_loop3A_1031[%parallel_loop3A_983, %add3A_276], %parallel_loop3A_1027 : memref<64x128xf32, #tpu.memory_space<vmem>>[vector<16xi32>, vector<16xi32>], vector<16xf32>,
      } {sc.loop_unroll_factor = 4 : i64, sc.parallel_access}
      %dma_start3A = arith.constant 0 : i32
      %dma_start3A_280 = arith.constant 0 : i32
      %dma_start3A_281 = arith.constant 0 : i32
      %dma_start3A_282 = tpu.memref_slice %arg7[%dma_start3A, %dma_start3A_280, %dma_start3A_281] : memref<4x64x128xf32, #tpu.memory_space<vmem>> -> memref<1x64x128xf32, #tpu.memory_space<vmem>>
      %dma_start3A_283 = tpu.memref_squeeze %dma_start3A_282 : memref<1x64x128xf32, #tpu.memory_space<vmem>> -> memref<64x128xf32, #tpu.memory_space<vmem>>
      %dma_start3A_284 = arith.constant 0 : i32
      %dma_start3A_285 = tpu.memref_slice %arg4[%add3A_80, %dma_start3A_284, %mul3A_2] : memref<200x64x4096xf32, #tpu.memory_space<hbm>> -> memref<1x64x128xf32, #tpu.memory_space<hbm>>
      %dma_start3A_286 = tpu.memref_squeeze %dma_start3A_285 : memref<1x64x128xf32, #tpu.memory_space<hbm>> -> memref<64x128xf32, #tpu.memory_space<hbm>>
      %dma_start3A_287 = arith.constant 0 : i32
      %dma_start3A_288 = tpu.memref_slice %arg4[%add3A_80, %dma_start3A_287, %mul3A_2] : memref<200x64x4096xf32, #tpu.memory_space<hbm>> -> memref<1x64x128xf32, #tpu.memory_space<hbm>>
      %dma_start3A_289 = tpu.memref_squeeze %dma_start3A_288 : memref<1x64x128xf32, #tpu.memory_space<hbm>> -> memref<64x128xf32, #tpu.memory_space<hbm>>
      %dma_start3A_290 = arith.constant 0 : i32
      %dma_start3A_291 = arith.constant 0 : i32
      %dma_start3A_292 = tpu.memref_slice %arg7[%dma_start3A, %dma_start3A_290, %dma_start3A_291] : memref<4x64x128xf32, #tpu.memory_space<vmem>> -> memref<1x64x128xf32, #tpu.memory_space<vmem>>
      %dma_start3A_293 = tpu.memref_squeeze %dma_start3A_292 : memref<1x64x128xf32, #tpu.memory_space<vmem>> -> memref<64x128xf32, #tpu.memory_space<vmem>>
      tpu.enqueue_dma source(%dma_start3A_293 : memref<64x128xf32, #tpu.memory_space<vmem>>) target(%dma_start3A_289 : memref<64x128xf32, #tpu.memory_space<hbm>>) target_semaphore(%arg10 : memref<!tpu.dma_semaphore, #tpu.memory_space<semaphore_mem>>)
      %mul3A_294 = arith.constant 4 : i32
      %mul3A_295 = arith.muli %mul3A_294, %scan3A_76 : i32
      %add3A_296 = arith.constant 1 : i32
      %add3A_297 = arith.addi %mul3A_295, %add3A_296 : i32
      %add3A_298 = arith.constant 0 : i32
      %add3A_299 = arith.addi %add3A_298, %add3A_297 : i32
      %add3A_300 = vector.broadcast %add3A_299 : i32 to vector<16xi32>
      %add3A_301 = arith.addi %mul3A_7, %add3A_300 : vector<16xi32>
      %gather3A_302 = tpu.vector_load_idx %arg6[%add3A_301] : memref<25600xi32, #tpu.memory_space<vmem>>[vector<16xi32>], vector<16xi32>,
      %shift_right_logical3A_303 = arith.constant 1 : i32
      %shift_right_logical3A_304 = vector.broadcast %shift_right_logical3A_303 : i32 to vector<16xi32>
      %shift_right_logical3A_305 = arith.shrui %gather3A_302, %shift_right_logical3A_304 : vector<16xi32>
      %swap3A_306 = arith.constant 0 : index
      %swap3A_307 = tpu.vector_load %arg8[%swap3A_306] {strides = array<i32>} : memref<128xi32, #tpu.memory_space<vmem>>, vector<16xi32>,
      tpu.vector_store %arg8[%swap3A_306], %shift_right_logical3A_305 {strides = array<i32>} : memref<128xi32, #tpu.memory_space<vmem>>, vector<16xi32>,
      %and3A_308 = arith.constant 1 : i32
      %and3A_309 = vector.broadcast %and3A_308 : i32 to vector<16xi32>
      %and3A_310 = arith.andi %gather3A_302, %and3A_309 : vector<16xi32>
      %shift_left3A_311 = arith.constant 6 : i32
      %shift_left3A_312 = vector.broadcast %shift_left3A_311 : i32 to vector<16xi32>
      %shift_left3A_313 = arith.shli %and3A_310, %shift_left3A_312 : vector<16xi32>
      %swap3A_314 = arith.constant 0 : index
      %swap3A_315 = tpu.vector_load %arg9[%swap3A_314] {strides = array<i32>} : memref<128xi32, #tpu.memory_space<vmem>>, vector<16xi32>,
      tpu.vector_store %arg9[%swap3A_314], %shift_left3A_313 {strides = array<i32>} : memref<128xi32, #tpu.memory_space<vmem>>, vector<16xi32>,
      %add3A_316 = arith.constant 3200 : i32
      %add3A_317 = arith.addi %add3A_316, %add3A_297 : i32
      %add3A_318 = vector.broadcast %add3A_317 : i32 to vector<16xi32>
      %add3A_319 = arith.addi %mul3A_7, %add3A_318 : vector<16xi32>
      %gather3A_320 = tpu.vector_load_idx %arg6[%add3A_319] : memref<25600xi32, #tpu.memory_space<vmem>>[vector<16xi32>], vector<16xi32>,
      %shift_right_logical3A_321 = arith.constant 1 : i32
      %shift_right_logical3A_322 = vector.broadcast %shift_right_logical3A_321 : i32 to vector<16xi32>
      %shift_right_logical3A_323 = arith.shrui %gather3A_320, %shift_right_logical3A_322 : vector<16xi32>
      %swap3A_324 = arith.constant 16 : index
      %swap3A_325 = tpu.vector_load %arg8[%swap3A_324] {strides = array<i32>} : memref<128xi32, #tpu.memory_space<vmem>>, vector<16xi32>,
      tpu.vector_store %arg8[%swap3A_324], %shift_right_logical3A_323 {strides = array<i32>} : memref<128xi32, #tpu.memory_space<vmem>>, vector<16xi32>,
      %and3A_326 = arith.constant 1 : i32
      %and3A_327 = vector.broadcast %and3A_326 : i32 to vector<16xi32>
      %and3A_328 = arith.andi %gather3A_320, %and3A_327 : vector<16xi32>
      %shift_left3A_329 = arith.constant 6 : i32
      %shift_left3A_330 = vector.broadcast %shift_left3A_329 : i32 to vector<16xi32>
      %shift_left3A_331 = arith.shli %and3A_328, %shift_left3A_330 : vector<16xi32>
      %swap3A_332 = arith.constant 16 : index
      %swap3A_333 = tpu.vector_load %arg9[%swap3A_332] {strides = array<i32>} : memref<128xi32, #tpu.memory_space<vmem>>, vector<16xi32>,
      tpu.vector_store %arg9[%swap3A_332], %shift_left3A_331 {strides = array<i32>} : memref<128xi32, #tpu.memory_space<vmem>>, vector<16xi32>,
      %add3A_334 = arith.constant 6400 : i32
      %add3A_335 = arith.addi %add3A_334, %add3A_297 : i32
      %add3A_336 = vector.broadcast %add3A_335 : i32 to vector<16xi32>
      %add3A_337 = arith.addi %mul3A_7, %add3A_336 : vector<16xi32>
      %gather3A_338 = tpu.vector_load_idx %arg6[%add3A_337] : memref<25600xi32, #tpu.memory_space<vmem>>[vector<16xi32>], vector<16xi32>,
      %shift_right_logical3A_339 = arith.constant 1 : i32
      %shift_right_logical3A_340 = vector.broadcast %shift_right_logical3A_339 : i32 to vector<16xi32>
      %shift_right_logical3A_341 = arith.shrui %gather3A_338, %shift_right_logical3A_340 : vector<16xi32>
      %swap3A_342 = arith.constant 32 : index
      %swap3A_343 = tpu.vector_load %arg8[%swap3A_342] {strides = array<i32>} : memref<128xi32, #tpu.memory_space<vmem>>, vector<16xi32>,
      tpu.vector_store %arg8[%swap3A_342], %shift_right_logical3A_341 {strides = array<i32>} : memref<128xi32, #tpu.memory_space<vmem>>, vector<16xi32>,
      %and3A_344 = arith.constant 1 : i32
      %and3A_345 = vector.broadcast %and3A_344 : i32 to vector<16xi32>
      %and3A_346 = arith.andi %gather3A_338, %and3A_345 : vector<16xi32>
      %shift_left3A_347 = arith.constant 6 : i32
      %shift_left3A_348 = vector.broadcast %shift_left3A_347 : i32 to vector<16xi32>
      %shift_left3A_349 = arith.shli %and3A_346, %shift_left3A_348 : vector<16xi32>
      %swap3A_350 = arith.constant 32 : index
      %swap3A_351 = tpu.vector_load %arg9[%swap3A_350] {strides = array<i32>} : memref<128xi32, #tpu.memory_space<vmem>>, vector<16xi32>,
      tpu.vector_store %arg9[%swap3A_350], %shift_left3A_349 {strides = array<i32>} : memref<128xi32, #tpu.memory_space<vmem>>, vector<16xi32>,
      %add3A_352 = arith.constant 9600 : i32
      %add3A_353 = arith.addi %add3A_352, %add3A_297 : i32
      %add3A_354 = vector.broadcast %add3A_353 : i32 to vector<16xi32>
      %add3A_355 = arith.addi %mul3A_7, %add3A_354 : vector<16xi32>
      %gather3A_356 = tpu.vector_load_idx %arg6[%add3A_355] : memref<25600xi32, #tpu.memory_space<vmem>>[vector<16xi32>], vector<16xi32>,
      %shift_right_logical3A_357 = arith.constant 1 : i32
      %shift_right_logical3A_358 = vector.broadcast %shift_right_logical3A_357 : i32 to vector<16xi32>
      %shift_right_logical3A_359 = arith.shrui %gather3A_356, %shift_right_logical3A_358 : vector<16xi32>
      %swap3A_360 = arith.constant 48 : index
      %swap3A_361 = tpu.vector_load %arg8[%swap3A_360] {strides = array<i32>} : memref<128xi32, #tpu.memory_space<vmem>>, vector<16xi32>,
      tpu.vector_store %arg8[%swap3A_360], %shift_right_logical3A_359 {strides = array<i32>} : memref<128xi32, #tpu.memory_space<vmem>>, vector<16xi32>,
      %and3A_362 = arith.constant 1 : i32
      %and3A_363 = vector.broadcast %and3A_362 : i32 to vector<16xi32>
      %and3A_364 = arith.andi %gather3A_356, %and3A_363 : vector<16xi32>
      %shift_left3A_365 = arith.constant 6 : i32
      %shift_left3A_366 = vector.broadcast %shift_left3A_365 : i32 to vector<16xi32>
      %shift_left3A_367 = arith.shli %and3A_364, %shift_left3A_366 : vector<16xi32>
      %swap3A_368 = arith.constant 48 : index
      %swap3A_369 = tpu.vector_load %arg9[%swap3A_368] {strides = array<i32>} : memref<128xi32, #tpu.memory_space<vmem>>, vector<16xi32>,
      tpu.vector_store %arg9[%swap3A_368], %shift_left3A_367 {strides = array<i32>} : memref<128xi32, #tpu.memory_space<vmem>>, vector<16xi32>,
      %add3A_370 = arith.constant 12800 : i32
      %add3A_371 = arith.addi %add3A_370, %add3A_297 : i32
      %add3A_372 = vector.broadcast %add3A_371 : i32 to vector<16xi32>
      %add3A_373 = arith.addi %mul3A_7, %add3A_372 : vector<16xi32>
      %gather3A_374 = tpu.vector_load_idx %arg6[%add3A_373] : memref<25600xi32, #tpu.memory_space<vmem>>[vector<16xi32>], vector<16xi32>,
      %shift_right_logical3A_375 = arith.constant 1 : i32
      %shift_right_logical3A_376 = vector.broadcast %shift_right_logical3A_375 : i32 to vector<16xi32>
      %shift_right_logical3A_377 = arith.shrui %gather3A_374, %shift_right_logical3A_376 : vector<16xi32>
      %swap3A_378 = arith.constant 64 : index
      %swap3A_379 = tpu.vector_load %arg8[%swap3A_378] {strides = array<i32>} : memref<128xi32, #tpu.memory_space<vmem>>, vector<16xi32>,
      tpu.vector_store %arg8[%swap3A_378], %shift_right_logical3A_377 {strides = array<i32>} : memref<128xi32, #tpu.memory_space<vmem>>, vector<16xi32>,
      %and3A_380 = arith.constant 1 : i32
      %and3A_381 = vector.broadcast %and3A_380 : i32 to vector<16xi32>
      %and3A_382 = arith.andi %gather3A_374, %and3A_381 : vector<16xi32>
      %shift_left3A_383 = arith.constant 6 : i32
      %shift_left3A_384 = vector.broadcast %shift_left3A_383 : i32 to vector<16xi32>
      %shift_left3A_385 = arith.shli %and3A_382, %shift_left3A_384 : vector<16xi32>
      %swap3A_386 = arith.constant 64 : index
      %swap3A_387 = tpu.vector_load %arg9[%swap3A_386] {strides = array<i32>} : memref<128xi32, #tpu.memory_space<vmem>>, vector<16xi32>,
      tpu.vector_store %arg9[%swap3A_386], %shift_left3A_385 {strides = array<i32>} : memref<128xi32, #tpu.memory_space<vmem>>, vector<16xi32>,
      %add3A_388 = arith.constant 16000 : i32
      %add3A_389 = arith.addi %add3A_388, %add3A_297 : i32
      %add3A_390 = vector.broadcast %add3A_389 : i32 to vector<16xi32>
      %add3A_391 = arith.addi %mul3A_7, %add3A_390 : vector<16xi32>
      %gather3A_392 = tpu.vector_load_idx %arg6[%add3A_391] : memref<25600xi32, #tpu.memory_space<vmem>>[vector<16xi32>], vector<16xi32>,
      %shift_right_logical3A_393 = arith.constant 1 : i32
      %shift_right_logical3A_394 = vector.broadcast %shift_right_logical3A_393 : i32 to vector<16xi32>
      %shift_right_logical3A_395 = arith.shrui %gather3A_392, %shift_right_logical3A_394 : vector<16xi32>
      %swap3A_396 = arith.constant 80 : index
      %swap3A_397 = tpu.vector_load %arg8[%swap3A_396] {strides = array<i32>} : memref<128xi32, #tpu.memory_space<vmem>>, vector<16xi32>,
      tpu.vector_store %arg8[%swap3A_396], %shift_right_logical3A_395 {strides = array<i32>} : memref<128xi32, #tpu.memory_space<vmem>>, vector<16xi32>,
      %and3A_398 = arith.constant 1 : i32
      %and3A_399 = vector.broadcast %and3A_398 : i32 to vector<16xi32>
      %and3A_400 = arith.andi %gather3A_392, %and3A_399 : vector<16xi32>
      %shift_left3A_401 = arith.constant 6 : i32
      %shift_left3A_402 = vector.broadcast %shift_left3A_401 : i32 to vector<16xi32>
      %shift_left3A_403 = arith.shli %and3A_400, %shift_left3A_402 : vector<16xi32>
      %swap3A_404 = arith.constant 80 : index
      %swap3A_405 = tpu.vector_load %arg9[%swap3A_404] {strides = array<i32>} : memref<128xi32, #tpu.memory_space<vmem>>, vector<16xi32>,
      tpu.vector_store %arg9[%swap3A_404], %shift_left3A_403 {strides = array<i32>} : memref<128xi32, #tpu.memory_space<vmem>>, vector<16xi32>,
      %add3A_406 = arith.constant 19200 : i32
      %add3A_407 = arith.addi %add3A_406, %add3A_297 : i32
      %add3A_408 = vector.broadcast %add3A_407 : i32 to vector<16xi32>
      %add3A_409 = arith.addi %mul3A_7, %add3A_408 : vector<16xi32>
      %gather3A_410 = tpu.vector_load_idx %arg6[%add3A_409] : memref<25600xi32, #tpu.memory_space<vmem>>[vector<16xi32>], vector<16xi32>,
      %shift_right_logical3A_411 = arith.constant 1 : i32
      %shift_right_logical3A_412 = vector.broadcast %shift_right_logical3A_411 : i32 to vector<16xi32>
      %shift_right_logical3A_413 = arith.shrui %gather3A_410, %shift_right_logical3A_412 : vector<16xi32>
      %swap3A_414 = arith.constant 96 : index
      %swap3A_415 = tpu.vector_load %arg8[%swap3A_414] {strides = array<i32>} : memref<128xi32, #tpu.memory_space<vmem>>, vector<16xi32>,
      tpu.vector_store %arg8[%swap3A_414], %shift_right_logical3A_413 {strides = array<i32>} : memref<128xi32, #tpu.memory_space<vmem>>, vector<16xi32>,
      %and3A_416 = arith.constant 1 : i32
      %and3A_417 = vector.broadcast %and3A_416 : i32 to vector<16xi32>
      %and3A_418 = arith.andi %gather3A_410, %and3A_417 : vector<16xi32>
      %shift_left3A_419 = arith.constant 6 : i32
      %shift_left3A_420 = vector.broadcast %shift_left3A_419 : i32 to vector<16xi32>
      %shift_left3A_421 = arith.shli %and3A_418, %shift_left3A_420 : vector<16xi32>
      %swap3A_422 = arith.constant 96 : index
      %swap3A_423 = tpu.vector_load %arg9[%swap3A_422] {strides = array<i32>} : memref<128xi32, #tpu.memory_space<vmem>>, vector<16xi32>,
      tpu.vector_store %arg9[%swap3A_422], %shift_left3A_421 {strides = array<i32>} : memref<128xi32, #tpu.memory_space<vmem>>, vector<16xi32>,
      %add3A_424 = arith.constant 22400 : i32
      %add3A_425 = arith.addi %add3A_424, %add3A_297 : i32
      %add3A_426 = vector.broadcast %add3A_425 : i32 to vector<16xi32>
      %add3A_427 = arith.addi %mul3A_7, %add3A_426 : vector<16xi32>
      %gather3A_428 = tpu.vector_load_idx %arg6[%add3A_427] : memref<25600xi32, #tpu.memory_space<vmem>>[vector<16xi32>], vector<16xi32>,
      %shift_right_logical3A_429 = arith.constant 1 : i32
      %shift_right_logical3A_430 = vector.broadcast %shift_right_logical3A_429 : i32 to vector<16xi32>
      %shift_right_logical3A_431 = arith.shrui %gather3A_428, %shift_right_logical3A_430 : vector<16xi32>
      %swap3A_432 = arith.constant 112 : index
      %swap3A_433 = tpu.vector_load %arg8[%swap3A_432] {strides = array<i32>} : memref<128xi32, #tpu.memory_space<vmem>>, vector<16xi32>,
      tpu.vector_store %arg8[%swap3A_432], %shift_right_logical3A_431 {strides = array<i32>} : memref<128xi32, #tpu.memory_space<vmem>>, vector<16xi32>,
      %and3A_434 = arith.constant 1 : i32
      %and3A_435 = vector.broadcast %and3A_434 : i32 to vector<16xi32>
      %and3A_436 = arith.andi %gather3A_428, %and3A_435 : vector<16xi32>
      %shift_left3A_437 = arith.constant 6 : i32
      %shift_left3A_438 = vector.broadcast %shift_left3A_437 : i32 to vector<16xi32>
      %shift_left3A_439 = arith.shli %and3A_436, %shift_left3A_438 : vector<16xi32>
      %swap3A_440 = arith.constant 112 : index
      %swap3A_441 = tpu.vector_load %arg9[%swap3A_440] {strides = array<i32>} : memref<128xi32, #tpu.memory_space<vmem>>, vector<16xi32>,
      tpu.vector_store %arg9[%swap3A_440], %shift_left3A_439 {strides = array<i32>} : memref<128xi32, #tpu.memory_space<vmem>>, vector<16xi32>,
      %ge3A_442 = arith.constant 4 : i32
      %ge3A_443 = arith.cmpi sge, %add3A_297, %ge3A_442 : i32
      %convert_element_type3A_444 = arith.extui %ge3A_443 : i1 to i32
      %cond3A_445 = arith.constant 0 : i32
      %cond3A_446 = arith.cmpi ne, %convert_element_type3A_444, %cond3A_445 : i32
      scf.if %cond3A_446 {
        %dma_wait3A_978 = arith.constant 1 : i32
        %dma_wait3A_979 = arith.constant 0 : i32
        %dma_wait3A_980 = arith.constant 0 : i32
        %dma_wait3A_981 = tpu.memref_slice %arg7[%dma_wait3A_978, %dma_wait3A_979, %dma_wait3A_980] : memref<4x64x128xf32, #tpu.memory_space<vmem>> -> memref<1x64x128xf32, #tpu.memory_space<vmem>>
        %dma_wait3A_982 = tpu.memref_squeeze %dma_wait3A_981 : memref<1x64x128xf32, #tpu.memory_space<vmem>> -> memref<64x128xf32, #tpu.memory_space<vmem>>
        %dma_wait3A_983 = arith.constant 0 : i32
        %dma_wait3A_984 = tpu.memref_slice %arg4[%add3A_297, %dma_wait3A_983, %mul3A_2] : memref<200x64x4096xf32, #tpu.memory_space<hbm>> -> memref<1x64x128xf32, #tpu.memory_space<hbm>>
        %dma_wait3A_985 = tpu.memref_squeeze %dma_wait3A_984 : memref<1x64x128xf32, #tpu.memory_space<hbm>> -> memref<64x128xf32, #tpu.memory_space<hbm>>
        %dma_wait3A_986 = arith.constant 0 : i32
        %dma_wait3A_987 = tpu.memref_slice %arg4[%add3A_297, %dma_wait3A_986, %mul3A_2] : memref<200x64x4096xf32, #tpu.memory_space<hbm>> -> memref<1x64x128xf32, #tpu.memory_space<hbm>>
        %dma_wait3A_988 = tpu.memref_squeeze %dma_wait3A_987 : memref<1x64x128xf32, #tpu.memory_space<hbm>> -> memref<64x128xf32, #tpu.memory_space<hbm>>
        %dma_wait3A_989 = arith.constant 0 : i32
        %dma_wait3A_990 = arith.constant 0 : i32
        %dma_wait3A_991 = tpu.memref_slice %arg7[%dma_wait3A_978, %dma_wait3A_989, %dma_wait3A_990] : memref<4x64x128xf32, #tpu.memory_space<vmem>> -> memref<1x64x128xf32, #tpu.memory_space<vmem>>
        %dma_wait3A_992 = tpu.memref_squeeze %dma_wait3A_991 : memref<1x64x128xf32, #tpu.memory_space<vmem>> -> memref<64x128xf32, #tpu.memory_space<vmem>>
        tpu.wait_dma2 semaphore(%arg11 : memref<!tpu.dma_semaphore, #tpu.memory_space<semaphore_mem>>) src(%dma_wait3A_992 : memref<64x128xf32, #tpu.memory_space<vmem>>) dst(%dma_wait3A_988 : memref<64x128xf32, #tpu.memory_space<hbm>>)
      } else {
      }
      %get3A_447 = arith.constant 0 : index
      %get3A_448 = tpu.vector_load %arg8[%get3A_447] {strides = array<i32>} : memref<128xi32, #tpu.memory_space<vmem>>, vector<16xi32>,
      %get3A_449 = arith.constant 16 : index
      %get3A_450 = tpu.vector_load %arg8[%get3A_449] {strides = array<i32>} : memref<128xi32, #tpu.memory_space<vmem>>, vector<16xi32>,
      %get3A_451 = arith.constant 32 : index
      %get3A_452 = tpu.vector_load %arg8[%get3A_451] {strides = array<i32>} : memref<128xi32, #tpu.memory_space<vmem>>, vector<16xi32>,
      %get3A_453 = arith.constant 48 : index
      %get3A_454 = tpu.vector_load %arg8[%get3A_453] {strides = array<i32>} : memref<128xi32, #tpu.memory_space<vmem>>, vector<16xi32>,
      %get3A_455 = arith.constant 64 : index
      %get3A_456 = tpu.vector_load %arg8[%get3A_455] {strides = array<i32>} : memref<128xi32, #tpu.memory_space<vmem>>, vector<16xi32>,
      %get3A_457 = arith.constant 80 : index
      %get3A_458 = tpu.vector_load %arg8[%get3A_457] {strides = array<i32>} : memref<128xi32, #tpu.memory_space<vmem>>, vector<16xi32>,
      %get3A_459 = arith.constant 96 : index
      %get3A_460 = tpu.vector_load %arg8[%get3A_459] {strides = array<i32>} : memref<128xi32, #tpu.memory_space<vmem>>, vector<16xi32>,
      %get3A_461 = arith.constant 112 : index
      %get3A_462 = tpu.vector_load %arg8[%get3A_461] {strides = array<i32>} : memref<128xi32, #tpu.memory_space<vmem>>, vector<16xi32>,
      %get3A_463 = arith.constant 0 : index
      %get3A_464 = tpu.vector_load %arg9[%get3A_463] {strides = array<i32>} : memref<128xi32, #tpu.memory_space<vmem>>, vector<16xi32>,
      %get3A_465 = arith.constant 16 : index
      %get3A_466 = tpu.vector_load %arg9[%get3A_465] {strides = array<i32>} : memref<128xi32, #tpu.memory_space<vmem>>, vector<16xi32>,
      %get3A_467 = arith.constant 32 : index
      %get3A_468 = tpu.vector_load %arg9[%get3A_467] {strides = array<i32>} : memref<128xi32, #tpu.memory_space<vmem>>, vector<16xi32>,
      %get3A_469 = arith.constant 48 : index
      %get3A_470 = tpu.vector_load %arg9[%get3A_469] {strides = array<i32>} : memref<128xi32, #tpu.memory_space<vmem>>, vector<16xi32>,
      %get3A_471 = arith.constant 64 : index
      %get3A_472 = tpu.vector_load %arg9[%get3A_471] {strides = array<i32>} : memref<128xi32, #tpu.memory_space<vmem>>, vector<16xi32>,
      %get3A_473 = arith.constant 80 : index
      %get3A_474 = tpu.vector_load %arg9[%get3A_473] {strides = array<i32>} : memref<128xi32, #tpu.memory_space<vmem>>, vector<16xi32>,
      %get3A_475 = arith.constant 96 : index
      %get3A_476 = tpu.vector_load %arg9[%get3A_475] {strides = array<i32>} : memref<128xi32, #tpu.memory_space<vmem>>, vector<16xi32>,
      %get3A_477 = arith.constant 112 : index
      %get3A_478 = tpu.vector_load %arg9[%get3A_477] {strides = array<i32>} : memref<128xi32, #tpu.memory_space<vmem>>, vector<16xi32>,
      %add3A_479 = arith.constant 0 : i32
      %add3A_480 = vector.broadcast %add3A_479 : i32 to vector<16xi32>
      %add3A_481 = arith.addi %iota3A, %add3A_480 : vector<16xi32>
      %add3A_482 = arith.constant 16 : i32
      %add3A_483 = vector.broadcast %add3A_482 : i32 to vector<16xi32>
      %add3A_484 = arith.addi %iota3A, %add3A_483 : vector<16xi32>
      %add3A_485 = arith.constant 32 : i32
      %add3A_486 = vector.broadcast %add3A_485 : i32 to vector<16xi32>
      %add3A_487 = arith.addi %iota3A, %add3A_486 : vector<16xi32>
      %add3A_488 = arith.constant 48 : i32
      %add3A_489 = vector.broadcast %add3A_488 : i32 to vector<16xi32>
      %add3A_490 = arith.addi %iota3A, %add3A_489 : vector<16xi32>
      %add3A_491 = arith.constant 64 : i32
      %add3A_492 = vector.broadcast %add3A_491 : i32 to vector<16xi32>
      %add3A_493 = arith.addi %iota3A, %add3A_492 : vector<16xi32>
      %add3A_494 = arith.constant 80 : i32
      %add3A_495 = vector.broadcast %add3A_494 : i32 to vector<16xi32>
      %add3A_496 = arith.addi %iota3A, %add3A_495 : vector<16xi32>
      %add3A_497 = arith.constant 96 : i32
      %add3A_498 = vector.broadcast %add3A_497 : i32 to vector<16xi32>
      %add3A_499 = arith.addi %iota3A, %add3A_498 : vector<16xi32>
      %add3A_500 = arith.constant 112 : i32
      %add3A_501 = vector.broadcast %add3A_500 : i32 to vector<16xi32>
      %add3A_502 = arith.addi %iota3A, %add3A_501 : vector<16xi32>
      %parallel_loop3A_503 = arith.constant 0 : i32
      %parallel_loop3A_504 = arith.constant 64 : i32
      %parallel_loop3A_505 = arith.constant 1 : i32
      %parallel_loop3A_506 = arith.constant 1 : i32
      scf.for %parallel_loop3A_978 = %parallel_loop3A_503 to %parallel_loop3A_504 step %parallel_loop3A_505  : i32 {
        %parallel_loop3A_979 = vector.broadcast %parallel_loop3A_978 : i32 to vector<16xi32>
        %parallel_loop3A_980 = arith.addi %iota3A, %parallel_loop3A_979 : vector<16xi32>
        %parallel_loop3A_981 = arith.constant 63 : i32
        %parallel_loop3A_982 = vector.broadcast %parallel_loop3A_981 : i32 to vector<16xi32>
        %parallel_loop3A_983 = arith.andi %parallel_loop3A_980, %parallel_loop3A_982 : vector<16xi32>
        %parallel_loop3A_984 = arith.addi %get3A_464, %parallel_loop3A_983 : vector<16xi32>
        %parallel_loop3A_985 = tpu.vector_load_idx %arg5[%get3A_448, %parallel_loop3A_984] : memref<500x128xf32, #tpu.memory_space<vmem>>[vector<16xi32>, vector<16xi32>], vector<16xf32>,
        %parallel_loop3A_986 = arith.constant 0 : i32
        %parallel_loop3A_987 = arith.constant 0 : i32
        %parallel_loop3A_988 = tpu.memref_slice %arg7[%parallel_loop3A_506, %parallel_loop3A_986, %parallel_loop3A_987] : memref<4x64x128xf32, #tpu.memory_space<vmem>> -> memref<1x64x128xf32, #tpu.memory_space<vmem>>
        %parallel_loop3A_989 = tpu.memref_squeeze %parallel_loop3A_988 : memref<1x64x128xf32, #tpu.memory_space<vmem>> -> memref<64x128xf32, #tpu.memory_space<vmem>>
        tpu.vector_store_idx %parallel_loop3A_989[%parallel_loop3A_983, %add3A_481], %parallel_loop3A_985 : memref<64x128xf32, #tpu.memory_space<vmem>>[vector<16xi32>, vector<16xi32>], vector<16xf32>,
        %parallel_loop3A_990 = arith.addi %get3A_466, %parallel_loop3A_983 : vector<16xi32>
        %parallel_loop3A_991 = tpu.vector_load_idx %arg5[%get3A_450, %parallel_loop3A_990] : memref<500x128xf32, #tpu.memory_space<vmem>>[vector<16xi32>, vector<16xi32>], vector<16xf32>,
        %parallel_loop3A_992 = arith.constant 0 : i32
        %parallel_loop3A_993 = arith.constant 0 : i32
        %parallel_loop3A_994 = tpu.memref_slice %arg7[%parallel_loop3A_506, %parallel_loop3A_992, %parallel_loop3A_993] : memref<4x64x128xf32, #tpu.memory_space<vmem>> -> memref<1x64x128xf32, #tpu.memory_space<vmem>>
        %parallel_loop3A_995 = tpu.memref_squeeze %parallel_loop3A_994 : memref<1x64x128xf32, #tpu.memory_space<vmem>> -> memref<64x128xf32, #tpu.memory_space<vmem>>
        tpu.vector_store_idx %parallel_loop3A_995[%parallel_loop3A_983, %add3A_484], %parallel_loop3A_991 : memref<64x128xf32, #tpu.memory_space<vmem>>[vector<16xi32>, vector<16xi32>], vector<16xf32>,
        %parallel_loop3A_996 = arith.addi %get3A_468, %parallel_loop3A_983 : vector<16xi32>
        %parallel_loop3A_997 = tpu.vector_load_idx %arg5[%get3A_452, %parallel_loop3A_996] : memref<500x128xf32, #tpu.memory_space<vmem>>[vector<16xi32>, vector<16xi32>], vector<16xf32>,
        %parallel_loop3A_998 = arith.constant 0 : i32
        %parallel_loop3A_999 = arith.constant 0 : i32
        %parallel_loop3A_1000 = tpu.memref_slice %arg7[%parallel_loop3A_506, %parallel_loop3A_998, %parallel_loop3A_999] : memref<4x64x128xf32, #tpu.memory_space<vmem>> -> memref<1x64x128xf32, #tpu.memory_space<vmem>>
        %parallel_loop3A_1001 = tpu.memref_squeeze %parallel_loop3A_1000 : memref<1x64x128xf32, #tpu.memory_space<vmem>> -> memref<64x128xf32, #tpu.memory_space<vmem>>
        tpu.vector_store_idx %parallel_loop3A_1001[%parallel_loop3A_983, %add3A_487], %parallel_loop3A_997 : memref<64x128xf32, #tpu.memory_space<vmem>>[vector<16xi32>, vector<16xi32>], vector<16xf32>,
        %parallel_loop3A_1002 = arith.addi %get3A_470, %parallel_loop3A_983 : vector<16xi32>
        %parallel_loop3A_1003 = tpu.vector_load_idx %arg5[%get3A_454, %parallel_loop3A_1002] : memref<500x128xf32, #tpu.memory_space<vmem>>[vector<16xi32>, vector<16xi32>], vector<16xf32>,
        %parallel_loop3A_1004 = arith.constant 0 : i32
        %parallel_loop3A_1005 = arith.constant 0 : i32
        %parallel_loop3A_1006 = tpu.memref_slice %arg7[%parallel_loop3A_506, %parallel_loop3A_1004, %parallel_loop3A_1005] : memref<4x64x128xf32, #tpu.memory_space<vmem>> -> memref<1x64x128xf32, #tpu.memory_space<vmem>>
        %parallel_loop3A_1007 = tpu.memref_squeeze %parallel_loop3A_1006 : memref<1x64x128xf32, #tpu.memory_space<vmem>> -> memref<64x128xf32, #tpu.memory_space<vmem>>
        tpu.vector_store_idx %parallel_loop3A_1007[%parallel_loop3A_983, %add3A_490], %parallel_loop3A_1003 : memref<64x128xf32, #tpu.memory_space<vmem>>[vector<16xi32>, vector<16xi32>], vector<16xf32>,
        %parallel_loop3A_1008 = arith.addi %get3A_472, %parallel_loop3A_983 : vector<16xi32>
        %parallel_loop3A_1009 = tpu.vector_load_idx %arg5[%get3A_456, %parallel_loop3A_1008] : memref<500x128xf32, #tpu.memory_space<vmem>>[vector<16xi32>, vector<16xi32>], vector<16xf32>,
        %parallel_loop3A_1010 = arith.constant 0 : i32
        %parallel_loop3A_1011 = arith.constant 0 : i32
        %parallel_loop3A_1012 = tpu.memref_slice %arg7[%parallel_loop3A_506, %parallel_loop3A_1010, %parallel_loop3A_1011] : memref<4x64x128xf32, #tpu.memory_space<vmem>> -> memref<1x64x128xf32, #tpu.memory_space<vmem>>
        %parallel_loop3A_1013 = tpu.memref_squeeze %parallel_loop3A_1012 : memref<1x64x128xf32, #tpu.memory_space<vmem>> -> memref<64x128xf32, #tpu.memory_space<vmem>>
        tpu.vector_store_idx %parallel_loop3A_1013[%parallel_loop3A_983, %add3A_493], %parallel_loop3A_1009 : memref<64x128xf32, #tpu.memory_space<vmem>>[vector<16xi32>, vector<16xi32>], vector<16xf32>,
        %parallel_loop3A_1014 = arith.addi %get3A_474, %parallel_loop3A_983 : vector<16xi32>
        %parallel_loop3A_1015 = tpu.vector_load_idx %arg5[%get3A_458, %parallel_loop3A_1014] : memref<500x128xf32, #tpu.memory_space<vmem>>[vector<16xi32>, vector<16xi32>], vector<16xf32>,
        %parallel_loop3A_1016 = arith.constant 0 : i32
        %parallel_loop3A_1017 = arith.constant 0 : i32
        %parallel_loop3A_1018 = tpu.memref_slice %arg7[%parallel_loop3A_506, %parallel_loop3A_1016, %parallel_loop3A_1017] : memref<4x64x128xf32, #tpu.memory_space<vmem>> -> memref<1x64x128xf32, #tpu.memory_space<vmem>>
        %parallel_loop3A_1019 = tpu.memref_squeeze %parallel_loop3A_1018 : memref<1x64x128xf32, #tpu.memory_space<vmem>> -> memref<64x128xf32, #tpu.memory_space<vmem>>
        tpu.vector_store_idx %parallel_loop3A_1019[%parallel_loop3A_983, %add3A_496], %parallel_loop3A_1015 : memref<64x128xf32, #tpu.memory_space<vmem>>[vector<16xi32>, vector<16xi32>], vector<16xf32>,
        %parallel_loop3A_1020 = arith.addi %get3A_476, %parallel_loop3A_983 : vector<16xi32>
        %parallel_loop3A_1021 = tpu.vector_load_idx %arg5[%get3A_460, %parallel_loop3A_1020] : memref<500x128xf32, #tpu.memory_space<vmem>>[vector<16xi32>, vector<16xi32>], vector<16xf32>,
        %parallel_loop3A_1022 = arith.constant 0 : i32
        %parallel_loop3A_1023 = arith.constant 0 : i32
        %parallel_loop3A_1024 = tpu.memref_slice %arg7[%parallel_loop3A_506, %parallel_loop3A_1022, %parallel_loop3A_1023] : memref<4x64x128xf32, #tpu.memory_space<vmem>> -> memref<1x64x128xf32, #tpu.memory_space<vmem>>
        %parallel_loop3A_1025 = tpu.memref_squeeze %parallel_loop3A_1024 : memref<1x64x128xf32, #tpu.memory_space<vmem>> -> memref<64x128xf32, #tpu.memory_space<vmem>>
        tpu.vector_store_idx %parallel_loop3A_1025[%parallel_loop3A_983, %add3A_499], %parallel_loop3A_1021 : memref<64x128xf32, #tpu.memory_space<vmem>>[vector<16xi32>, vector<16xi32>], vector<16xf32>,
        %parallel_loop3A_1026 = arith.addi %get3A_478, %parallel_loop3A_983 : vector<16xi32>
        %parallel_loop3A_1027 = tpu.vector_load_idx %arg5[%get3A_462, %parallel_loop3A_1026] : memref<500x128xf32, #tpu.memory_space<vmem>>[vector<16xi32>, vector<16xi32>], vector<16xf32>,
        %parallel_loop3A_1028 = arith.constant 0 : i32
        %parallel_loop3A_1029 = arith.constant 0 : i32
        %parallel_loop3A_1030 = tpu.memref_slice %arg7[%parallel_loop3A_506, %parallel_loop3A_1028, %parallel_loop3A_1029] : memref<4x64x128xf32, #tpu.memory_space<vmem>> -> memref<1x64x128xf32, #tpu.memory_space<vmem>>
        %parallel_loop3A_1031 = tpu.memref_squeeze %parallel_loop3A_1030 : memref<1x64x128xf32, #tpu.memory_space<vmem>> -> memref<64x128xf32, #tpu.memory_space<vmem>>
        tpu.vector_store_idx %parallel_loop3A_1031[%parallel_loop3A_983, %add3A_502], %parallel_loop3A_1027 : memref<64x128xf32, #tpu.memory_space<vmem>>[vector<16xi32>, vector<16xi32>], vector<16xf32>,
      } {sc.loop_unroll_factor = 4 : i64, sc.parallel_access}
      %dma_start3A_507 = arith.constant 1 : i32
      %dma_start3A_508 = arith.constant 0 : i32
      %dma_start3A_509 = arith.constant 0 : i32
      %dma_start3A_510 = tpu.memref_slice %arg7[%dma_start3A_507, %dma_start3A_508, %dma_start3A_509] : memref<4x64x128xf32, #tpu.memory_space<vmem>> -> memref<1x64x128xf32, #tpu.memory_space<vmem>>
      %dma_start3A_511 = tpu.memref_squeeze %dma_start3A_510 : memref<1x64x128xf32, #tpu.memory_space<vmem>> -> memref<64x128xf32, #tpu.memory_space<vmem>>
      %dma_start3A_512 = arith.constant 0 : i32
      %dma_start3A_513 = tpu.memref_slice %arg4[%add3A_297, %dma_start3A_512, %mul3A_2] : memref<200x64x4096xf32, #tpu.memory_space<hbm>> -> memref<1x64x128xf32, #tpu.memory_space<hbm>>
      %dma_start3A_514 = tpu.memref_squeeze %dma_start3A_513 : memref<1x64x128xf32, #tpu.memory_space<hbm>> -> memref<64x128xf32, #tpu.memory_space<hbm>>
      %dma_start3A_515 = arith.constant 0 : i32
      %dma_start3A_516 = tpu.memref_slice %arg4[%add3A_297, %dma_start3A_515, %mul3A_2] : memref<200x64x4096xf32, #tpu.memory_space<hbm>> -> memref<1x64x128xf32, #tpu.memory_space<hbm>>
      %dma_start3A_517 = tpu.memref_squeeze %dma_start3A_516 : memref<1x64x128xf32, #tpu.memory_space<hbm>> -> memref<64x128xf32, #tpu.memory_space<hbm>>
      %dma_start3A_518 = arith.constant 0 : i32
      %dma_start3A_519 = arith.constant 0 : i32
      %dma_start3A_520 = tpu.memref_slice %arg7[%dma_start3A_507, %dma_start3A_518, %dma_start3A_519] : memref<4x64x128xf32, #tpu.memory_space<vmem>> -> memref<1x64x128xf32, #tpu.memory_space<vmem>>
      %dma_start3A_521 = tpu.memref_squeeze %dma_start3A_520 : memref<1x64x128xf32, #tpu.memory_space<vmem>> -> memref<64x128xf32, #tpu.memory_space<vmem>>
      tpu.enqueue_dma source(%dma_start3A_521 : memref<64x128xf32, #tpu.memory_space<vmem>>) target(%dma_start3A_517 : memref<64x128xf32, #tpu.memory_space<hbm>>) target_semaphore(%arg11 : memref<!tpu.dma_semaphore, #tpu.memory_space<semaphore_mem>>)
      %mul3A_522 = arith.constant 4 : i32
      %mul3A_523 = arith.muli %mul3A_522, %scan3A_76 : i32
      %add3A_524 = arith.constant 2 : i32
      %add3A_525 = arith.addi %mul3A_523, %add3A_524 : i32
      %add3A_526 = arith.constant 0 : i32
      %add3A_527 = arith.addi %add3A_526, %add3A_525 : i32
      %add3A_528 = vector.broadcast %add3A_527 : i32 to vector<16xi32>
      %add3A_529 = arith.addi %mul3A_7, %add3A_528 : vector<16xi32>
      %gather3A_530 = tpu.vector_load_idx %arg6[%add3A_529] : memref<25600xi32, #tpu.memory_space<vmem>>[vector<16xi32>], vector<16xi32>,
      %shift_right_logical3A_531 = arith.constant 1 : i32
      %shift_right_logical3A_532 = vector.broadcast %shift_right_logical3A_531 : i32 to vector<16xi32>
      %shift_right_logical3A_533 = arith.shrui %gather3A_530, %shift_right_logical3A_532 : vector<16xi32>
      %swap3A_534 = arith.constant 0 : index
      %swap3A_535 = tpu.vector_load %arg8[%swap3A_534] {strides = array<i32>} : memref<128xi32, #tpu.memory_space<vmem>>, vector<16xi32>,
      tpu.vector_store %arg8[%swap3A_534], %shift_right_logical3A_533 {strides = array<i32>} : memref<128xi32, #tpu.memory_space<vmem>>, vector<16xi32>,
      %and3A_536 = arith.constant 1 : i32
      %and3A_537 = vector.broadcast %and3A_536 : i32 to vector<16xi32>
      %and3A_538 = arith.andi %gather3A_530, %and3A_537 : vector<16xi32>
      %shift_left3A_539 = arith.constant 6 : i32
      %shift_left3A_540 = vector.broadcast %shift_left3A_539 : i32 to vector<16xi32>
      %shift_left3A_541 = arith.shli %and3A_538, %shift_left3A_540 : vector<16xi32>
      %swap3A_542 = arith.constant 0 : index
      %swap3A_543 = tpu.vector_load %arg9[%swap3A_542] {strides = array<i32>} : memref<128xi32, #tpu.memory_space<vmem>>, vector<16xi32>,
      tpu.vector_store %arg9[%swap3A_542], %shift_left3A_541 {strides = array<i32>} : memref<128xi32, #tpu.memory_space<vmem>>, vector<16xi32>,
      %add3A_544 = arith.constant 3200 : i32
      %add3A_545 = arith.addi %add3A_544, %add3A_525 : i32
      %add3A_546 = vector.broadcast %add3A_545 : i32 to vector<16xi32>
      %add3A_547 = arith.addi %mul3A_7, %add3A_546 : vector<16xi32>
      %gather3A_548 = tpu.vector_load_idx %arg6[%add3A_547] : memref<25600xi32, #tpu.memory_space<vmem>>[vector<16xi32>], vector<16xi32>,
      %shift_right_logical3A_549 = arith.constant 1 : i32
      %shift_right_logical3A_550 = vector.broadcast %shift_right_logical3A_549 : i32 to vector<16xi32>
      %shift_right_logical3A_551 = arith.shrui %gather3A_548, %shift_right_logical3A_550 : vector<16xi32>
      %swap3A_552 = arith.constant 16 : index
      %swap3A_553 = tpu.vector_load %arg8[%swap3A_552] {strides = array<i32>} : memref<128xi32, #tpu.memory_space<vmem>>, vector<16xi32>,
      tpu.vector_store %arg8[%swap3A_552], %shift_right_logical3A_551 {strides = array<i32>} : memref<128xi32, #tpu.memory_space<vmem>>, vector<16xi32>,
      %and3A_554 = arith.constant 1 : i32
      %and3A_555 = vector.broadcast %and3A_554 : i32 to vector<16xi32>
      %and3A_556 = arith.andi %gather3A_548, %and3A_555 : vector<16xi32>
      %shift_left3A_557 = arith.constant 6 : i32
      %shift_left3A_558 = vector.broadcast %shift_left3A_557 : i32 to vector<16xi32>
      %shift_left3A_559 = arith.shli %and3A_556, %shift_left3A_558 : vector<16xi32>
      %swap3A_560 = arith.constant 16 : index
      %swap3A_561 = tpu.vector_load %arg9[%swap3A_560] {strides = array<i32>} : memref<128xi32, #tpu.memory_space<vmem>>, vector<16xi32>,
      tpu.vector_store %arg9[%swap3A_560], %shift_left3A_559 {strides = array<i32>} : memref<128xi32, #tpu.memory_space<vmem>>, vector<16xi32>,
      %add3A_562 = arith.constant 6400 : i32
      %add3A_563 = arith.addi %add3A_562, %add3A_525 : i32
      %add3A_564 = vector.broadcast %add3A_563 : i32 to vector<16xi32>
      %add3A_565 = arith.addi %mul3A_7, %add3A_564 : vector<16xi32>
      %gather3A_566 = tpu.vector_load_idx %arg6[%add3A_565] : memref<25600xi32, #tpu.memory_space<vmem>>[vector<16xi32>], vector<16xi32>,
      %shift_right_logical3A_567 = arith.constant 1 : i32
      %shift_right_logical3A_568 = vector.broadcast %shift_right_logical3A_567 : i32 to vector<16xi32>
      %shift_right_logical3A_569 = arith.shrui %gather3A_566, %shift_right_logical3A_568 : vector<16xi32>
      %swap3A_570 = arith.constant 32 : index
      %swap3A_571 = tpu.vector_load %arg8[%swap3A_570] {strides = array<i32>} : memref<128xi32, #tpu.memory_space<vmem>>, vector<16xi32>,
      tpu.vector_store %arg8[%swap3A_570], %shift_right_logical3A_569 {strides = array<i32>} : memref<128xi32, #tpu.memory_space<vmem>>, vector<16xi32>,
      %and3A_572 = arith.constant 1 : i32
      %and3A_573 = vector.broadcast %and3A_572 : i32 to vector<16xi32>
      %and3A_574 = arith.andi %gather3A_566, %and3A_573 : vector<16xi32>
      %shift_left3A_575 = arith.constant 6 : i32
      %shift_left3A_576 = vector.broadcast %shift_left3A_575 : i32 to vector<16xi32>
      %shift_left3A_577 = arith.shli %and3A_574, %shift_left3A_576 : vector<16xi32>
      %swap3A_578 = arith.constant 32 : index
      %swap3A_579 = tpu.vector_load %arg9[%swap3A_578] {strides = array<i32>} : memref<128xi32, #tpu.memory_space<vmem>>, vector<16xi32>,
      tpu.vector_store %arg9[%swap3A_578], %shift_left3A_577 {strides = array<i32>} : memref<128xi32, #tpu.memory_space<vmem>>, vector<16xi32>,
      %add3A_580 = arith.constant 9600 : i32
      %add3A_581 = arith.addi %add3A_580, %add3A_525 : i32
      %add3A_582 = vector.broadcast %add3A_581 : i32 to vector<16xi32>
      %add3A_583 = arith.addi %mul3A_7, %add3A_582 : vector<16xi32>
      %gather3A_584 = tpu.vector_load_idx %arg6[%add3A_583] : memref<25600xi32, #tpu.memory_space<vmem>>[vector<16xi32>], vector<16xi32>,
      %shift_right_logical3A_585 = arith.constant 1 : i32
      %shift_right_logical3A_586 = vector.broadcast %shift_right_logical3A_585 : i32 to vector<16xi32>
      %shift_right_logical3A_587 = arith.shrui %gather3A_584, %shift_right_logical3A_586 : vector<16xi32>
      %swap3A_588 = arith.constant 48 : index
      %swap3A_589 = tpu.vector_load %arg8[%swap3A_588] {strides = array<i32>} : memref<128xi32, #tpu.memory_space<vmem>>, vector<16xi32>,
      tpu.vector_store %arg8[%swap3A_588], %shift_right_logical3A_587 {strides = array<i32>} : memref<128xi32, #tpu.memory_space<vmem>>, vector<16xi32>,
      %and3A_590 = arith.constant 1 : i32
      %and3A_591 = vector.broadcast %and3A_590 : i32 to vector<16xi32>
      %and3A_592 = arith.andi %gather3A_584, %and3A_591 : vector<16xi32>
      %shift_left3A_593 = arith.constant 6 : i32
      %shift_left3A_594 = vector.broadcast %shift_left3A_593 : i32 to vector<16xi32>
      %shift_left3A_595 = arith.shli %and3A_592, %shift_left3A_594 : vector<16xi32>
      %swap3A_596 = arith.constant 48 : index
      %swap3A_597 = tpu.vector_load %arg9[%swap3A_596] {strides = array<i32>} : memref<128xi32, #tpu.memory_space<vmem>>, vector<16xi32>,
      tpu.vector_store %arg9[%swap3A_596], %shift_left3A_595 {strides = array<i32>} : memref<128xi32, #tpu.memory_space<vmem>>, vector<16xi32>,
      %add3A_598 = arith.constant 12800 : i32
      %add3A_599 = arith.addi %add3A_598, %add3A_525 : i32
      %add3A_600 = vector.broadcast %add3A_599 : i32 to vector<16xi32>
      %add3A_601 = arith.addi %mul3A_7, %add3A_600 : vector<16xi32>
      %gather3A_602 = tpu.vector_load_idx %arg6[%add3A_601] : memref<25600xi32, #tpu.memory_space<vmem>>[vector<16xi32>], vector<16xi32>,
      %shift_right_logical3A_603 = arith.constant 1 : i32
      %shift_right_logical3A_604 = vector.broadcast %shift_right_logical3A_603 : i32 to vector<16xi32>
      %shift_right_logical3A_605 = arith.shrui %gather3A_602, %shift_right_logical3A_604 : vector<16xi32>
      %swap3A_606 = arith.constant 64 : index
      %swap3A_607 = tpu.vector_load %arg8[%swap3A_606] {strides = array<i32>} : memref<128xi32, #tpu.memory_space<vmem>>, vector<16xi32>,
      tpu.vector_store %arg8[%swap3A_606], %shift_right_logical3A_605 {strides = array<i32>} : memref<128xi32, #tpu.memory_space<vmem>>, vector<16xi32>,
      %and3A_608 = arith.constant 1 : i32
      %and3A_609 = vector.broadcast %and3A_608 : i32 to vector<16xi32>
      %and3A_610 = arith.andi %gather3A_602, %and3A_609 : vector<16xi32>
      %shift_left3A_611 = arith.constant 6 : i32
      %shift_left3A_612 = vector.broadcast %shift_left3A_611 : i32 to vector<16xi32>
      %shift_left3A_613 = arith.shli %and3A_610, %shift_left3A_612 : vector<16xi32>
      %swap3A_614 = arith.constant 64 : index
      %swap3A_615 = tpu.vector_load %arg9[%swap3A_614] {strides = array<i32>} : memref<128xi32, #tpu.memory_space<vmem>>, vector<16xi32>,
      tpu.vector_store %arg9[%swap3A_614], %shift_left3A_613 {strides = array<i32>} : memref<128xi32, #tpu.memory_space<vmem>>, vector<16xi32>,
      %add3A_616 = arith.constant 16000 : i32
      %add3A_617 = arith.addi %add3A_616, %add3A_525 : i32
      %add3A_618 = vector.broadcast %add3A_617 : i32 to vector<16xi32>
      %add3A_619 = arith.addi %mul3A_7, %add3A_618 : vector<16xi32>
      %gather3A_620 = tpu.vector_load_idx %arg6[%add3A_619] : memref<25600xi32, #tpu.memory_space<vmem>>[vector<16xi32>], vector<16xi32>,
      %shift_right_logical3A_621 = arith.constant 1 : i32
      %shift_right_logical3A_622 = vector.broadcast %shift_right_logical3A_621 : i32 to vector<16xi32>
      %shift_right_logical3A_623 = arith.shrui %gather3A_620, %shift_right_logical3A_622 : vector<16xi32>
      %swap3A_624 = arith.constant 80 : index
      %swap3A_625 = tpu.vector_load %arg8[%swap3A_624] {strides = array<i32>} : memref<128xi32, #tpu.memory_space<vmem>>, vector<16xi32>,
      tpu.vector_store %arg8[%swap3A_624], %shift_right_logical3A_623 {strides = array<i32>} : memref<128xi32, #tpu.memory_space<vmem>>, vector<16xi32>,
      %and3A_626 = arith.constant 1 : i32
      %and3A_627 = vector.broadcast %and3A_626 : i32 to vector<16xi32>
      %and3A_628 = arith.andi %gather3A_620, %and3A_627 : vector<16xi32>
      %shift_left3A_629 = arith.constant 6 : i32
      %shift_left3A_630 = vector.broadcast %shift_left3A_629 : i32 to vector<16xi32>
      %shift_left3A_631 = arith.shli %and3A_628, %shift_left3A_630 : vector<16xi32>
      %swap3A_632 = arith.constant 80 : index
      %swap3A_633 = tpu.vector_load %arg9[%swap3A_632] {strides = array<i32>} : memref<128xi32, #tpu.memory_space<vmem>>, vector<16xi32>,
      tpu.vector_store %arg9[%swap3A_632], %shift_left3A_631 {strides = array<i32>} : memref<128xi32, #tpu.memory_space<vmem>>, vector<16xi32>,
      %add3A_634 = arith.constant 19200 : i32
      %add3A_635 = arith.addi %add3A_634, %add3A_525 : i32
      %add3A_636 = vector.broadcast %add3A_635 : i32 to vector<16xi32>
      %add3A_637 = arith.addi %mul3A_7, %add3A_636 : vector<16xi32>
      %gather3A_638 = tpu.vector_load_idx %arg6[%add3A_637] : memref<25600xi32, #tpu.memory_space<vmem>>[vector<16xi32>], vector<16xi32>,
      %shift_right_logical3A_639 = arith.constant 1 : i32
      %shift_right_logical3A_640 = vector.broadcast %shift_right_logical3A_639 : i32 to vector<16xi32>
      %shift_right_logical3A_641 = arith.shrui %gather3A_638, %shift_right_logical3A_640 : vector<16xi32>
      %swap3A_642 = arith.constant 96 : index
      %swap3A_643 = tpu.vector_load %arg8[%swap3A_642] {strides = array<i32>} : memref<128xi32, #tpu.memory_space<vmem>>, vector<16xi32>,
      tpu.vector_store %arg8[%swap3A_642], %shift_right_logical3A_641 {strides = array<i32>} : memref<128xi32, #tpu.memory_space<vmem>>, vector<16xi32>,
      %and3A_644 = arith.constant 1 : i32
      %and3A_645 = vector.broadcast %and3A_644 : i32 to vector<16xi32>
      %and3A_646 = arith.andi %gather3A_638, %and3A_645 : vector<16xi32>
      %shift_left3A_647 = arith.constant 6 : i32
      %shift_left3A_648 = vector.broadcast %shift_left3A_647 : i32 to vector<16xi32>
      %shift_left3A_649 = arith.shli %and3A_646, %shift_left3A_648 : vector<16xi32>
      %swap3A_650 = arith.constant 96 : index
      %swap3A_651 = tpu.vector_load %arg9[%swap3A_650] {strides = array<i32>} : memref<128xi32, #tpu.memory_space<vmem>>, vector<16xi32>,
      tpu.vector_store %arg9[%swap3A_650], %shift_left3A_649 {strides = array<i32>} : memref<128xi32, #tpu.memory_space<vmem>>, vector<16xi32>,
      %add3A_652 = arith.constant 22400 : i32
      %add3A_653 = arith.addi %add3A_652, %add3A_525 : i32
      %add3A_654 = vector.broadcast %add3A_653 : i32 to vector<16xi32>
      %add3A_655 = arith.addi %mul3A_7, %add3A_654 : vector<16xi32>
      %gather3A_656 = tpu.vector_load_idx %arg6[%add3A_655] : memref<25600xi32, #tpu.memory_space<vmem>>[vector<16xi32>], vector<16xi32>,
      %shift_right_logical3A_657 = arith.constant 1 : i32
      %shift_right_logical3A_658 = vector.broadcast %shift_right_logical3A_657 : i32 to vector<16xi32>
      %shift_right_logical3A_659 = arith.shrui %gather3A_656, %shift_right_logical3A_658 : vector<16xi32>
      %swap3A_660 = arith.constant 112 : index
      %swap3A_661 = tpu.vector_load %arg8[%swap3A_660] {strides = array<i32>} : memref<128xi32, #tpu.memory_space<vmem>>, vector<16xi32>,
      tpu.vector_store %arg8[%swap3A_660], %shift_right_logical3A_659 {strides = array<i32>} : memref<128xi32, #tpu.memory_space<vmem>>, vector<16xi32>,
      %and3A_662 = arith.constant 1 : i32
      %and3A_663 = vector.broadcast %and3A_662 : i32 to vector<16xi32>
      %and3A_664 = arith.andi %gather3A_656, %and3A_663 : vector<16xi32>
      %shift_left3A_665 = arith.constant 6 : i32
      %shift_left3A_666 = vector.broadcast %shift_left3A_665 : i32 to vector<16xi32>
      %shift_left3A_667 = arith.shli %and3A_664, %shift_left3A_666 : vector<16xi32>
      %swap3A_668 = arith.constant 112 : index
      %swap3A_669 = tpu.vector_load %arg9[%swap3A_668] {strides = array<i32>} : memref<128xi32, #tpu.memory_space<vmem>>, vector<16xi32>,
      tpu.vector_store %arg9[%swap3A_668], %shift_left3A_667 {strides = array<i32>} : memref<128xi32, #tpu.memory_space<vmem>>, vector<16xi32>,
      %ge3A_670 = arith.constant 4 : i32
      %ge3A_671 = arith.cmpi sge, %add3A_525, %ge3A_670 : i32
      %convert_element_type3A_672 = arith.extui %ge3A_671 : i1 to i32
      %cond3A_673 = arith.constant 0 : i32
      %cond3A_674 = arith.cmpi ne, %convert_element_type3A_672, %cond3A_673 : i32
      scf.if %cond3A_674 {
        %dma_wait3A_978 = arith.constant 2 : i32
        %dma_wait3A_979 = arith.constant 0 : i32
        %dma_wait3A_980 = arith.constant 0 : i32
        %dma_wait3A_981 = tpu.memref_slice %arg7[%dma_wait3A_978, %dma_wait3A_979, %dma_wait3A_980] : memref<4x64x128xf32, #tpu.memory_space<vmem>> -> memref<1x64x128xf32, #tpu.memory_space<vmem>>
        %dma_wait3A_982 = tpu.memref_squeeze %dma_wait3A_981 : memref<1x64x128xf32, #tpu.memory_space<vmem>> -> memref<64x128xf32, #tpu.memory_space<vmem>>
        %dma_wait3A_983 = arith.constant 0 : i32
        %dma_wait3A_984 = tpu.memref_slice %arg4[%add3A_525, %dma_wait3A_983, %mul3A_2] : memref<200x64x4096xf32, #tpu.memory_space<hbm>> -> memref<1x64x128xf32, #tpu.memory_space<hbm>>
        %dma_wait3A_985 = tpu.memref_squeeze %dma_wait3A_984 : memref<1x64x128xf32, #tpu.memory_space<hbm>> -> memref<64x128xf32, #tpu.memory_space<hbm>>
        %dma_wait3A_986 = arith.constant 0 : i32
        %dma_wait3A_987 = tpu.memref_slice %arg4[%add3A_525, %dma_wait3A_986, %mul3A_2] : memref<200x64x4096xf32, #tpu.memory_space<hbm>> -> memref<1x64x128xf32, #tpu.memory_space<hbm>>
        %dma_wait3A_988 = tpu.memref_squeeze %dma_wait3A_987 : memref<1x64x128xf32, #tpu.memory_space<hbm>> -> memref<64x128xf32, #tpu.memory_space<hbm>>
        %dma_wait3A_989 = arith.constant 0 : i32
        %dma_wait3A_990 = arith.constant 0 : i32
        %dma_wait3A_991 = tpu.memref_slice %arg7[%dma_wait3A_978, %dma_wait3A_989, %dma_wait3A_990] : memref<4x64x128xf32, #tpu.memory_space<vmem>> -> memref<1x64x128xf32, #tpu.memory_space<vmem>>
        %dma_wait3A_992 = tpu.memref_squeeze %dma_wait3A_991 : memref<1x64x128xf32, #tpu.memory_space<vmem>> -> memref<64x128xf32, #tpu.memory_space<vmem>>
        tpu.wait_dma2 semaphore(%arg12 : memref<!tpu.dma_semaphore, #tpu.memory_space<semaphore_mem>>) src(%dma_wait3A_992 : memref<64x128xf32, #tpu.memory_space<vmem>>) dst(%dma_wait3A_988 : memref<64x128xf32, #tpu.memory_space<hbm>>)
      } else {
      }
      %get3A_675 = arith.constant 0 : index
      %get3A_676 = tpu.vector_load %arg8[%get3A_675] {strides = array<i32>} : memref<128xi32, #tpu.memory_space<vmem>>, vector<16xi32>,
      %get3A_677 = arith.constant 16 : index
      %get3A_678 = tpu.vector_load %arg8[%get3A_677] {strides = array<i32>} : memref<128xi32, #tpu.memory_space<vmem>>, vector<16xi32>,
      %get3A_679 = arith.constant 32 : index
      %get3A_680 = tpu.vector_load %arg8[%get3A_679] {strides = array<i32>} : memref<128xi32, #tpu.memory_space<vmem>>, vector<16xi32>,
      %get3A_681 = arith.constant 48 : index
      %get3A_682 = tpu.vector_load %arg8[%get3A_681] {strides = array<i32>} : memref<128xi32, #tpu.memory_space<vmem>>, vector<16xi32>,
      %get3A_683 = arith.constant 64 : index
      %get3A_684 = tpu.vector_load %arg8[%get3A_683] {strides = array<i32>} : memref<128xi32, #tpu.memory_space<vmem>>, vector<16xi32>,
      %get3A_685 = arith.constant 80 : index
      %get3A_686 = tpu.vector_load %arg8[%get3A_685] {strides = array<i32>} : memref<128xi32, #tpu.memory_space<vmem>>, vector<16xi32>,
      %get3A_687 = arith.constant 96 : index
      %get3A_688 = tpu.vector_load %arg8[%get3A_687] {strides = array<i32>} : memref<128xi32, #tpu.memory_space<vmem>>, vector<16xi32>,
      %get3A_689 = arith.constant 112 : index
      %get3A_690 = tpu.vector_load %arg8[%get3A_689] {strides = array<i32>} : memref<128xi32, #tpu.memory_space<vmem>>, vector<16xi32>,
      %get3A_691 = arith.constant 0 : index
      %get3A_692 = tpu.vector_load %arg9[%get3A_691] {strides = array<i32>} : memref<128xi32, #tpu.memory_space<vmem>>, vector<16xi32>,
      %get3A_693 = arith.constant 16 : index
      %get3A_694 = tpu.vector_load %arg9[%get3A_693] {strides = array<i32>} : memref<128xi32, #tpu.memory_space<vmem>>, vector<16xi32>,
      %get3A_695 = arith.constant 32 : index
      %get3A_696 = tpu.vector_load %arg9[%get3A_695] {strides = array<i32>} : memref<128xi32, #tpu.memory_space<vmem>>, vector<16xi32>,
      %get3A_697 = arith.constant 48 : index
      %get3A_698 = tpu.vector_load %arg9[%get3A_697] {strides = array<i32>} : memref<128xi32, #tpu.memory_space<vmem>>, vector<16xi32>,
      %get3A_699 = arith.constant 64 : index
      %get3A_700 = tpu.vector_load %arg9[%get3A_699] {strides = array<i32>} : memref<128xi32, #tpu.memory_space<vmem>>, vector<16xi32>,
      %get3A_701 = arith.constant 80 : index
      %get3A_702 = tpu.vector_load %arg9[%get3A_701] {strides = array<i32>} : memref<128xi32, #tpu.memory_space<vmem>>, vector<16xi32>,
      %get3A_703 = arith.constant 96 : index
      %get3A_704 = tpu.vector_load %arg9[%get3A_703] {strides = array<i32>} : memref<128xi32, #tpu.memory_space<vmem>>, vector<16xi32>,
      %get3A_705 = arith.constant 112 : index
      %get3A_706 = tpu.vector_load %arg9[%get3A_705] {strides = array<i32>} : memref<128xi32, #tpu.memory_space<vmem>>, vector<16xi32>,
      %add3A_707 = arith.constant 0 : i32
      %add3A_708 = vector.broadcast %add3A_707 : i32 to vector<16xi32>
      %add3A_709 = arith.addi %iota3A, %add3A_708 : vector<16xi32>
      %add3A_710 = arith.constant 16 : i32
      %add3A_711 = vector.broadcast %add3A_710 : i32 to vector<16xi32>
      %add3A_712 = arith.addi %iota3A, %add3A_711 : vector<16xi32>
      %add3A_713 = arith.constant 32 : i32
      %add3A_714 = vector.broadcast %add3A_713 : i32 to vector<16xi32>
      %add3A_715 = arith.addi %iota3A, %add3A_714 : vector<16xi32>
      %add3A_716 = arith.constant 48 : i32
      %add3A_717 = vector.broadcast %add3A_716 : i32 to vector<16xi32>
      %add3A_718 = arith.addi %iota3A, %add3A_717 : vector<16xi32>
      %add3A_719 = arith.constant 64 : i32
      %add3A_720 = vector.broadcast %add3A_719 : i32 to vector<16xi32>
      %add3A_721 = arith.addi %iota3A, %add3A_720 : vector<16xi32>
      %add3A_722 = arith.constant 80 : i32
      %add3A_723 = vector.broadcast %add3A_722 : i32 to vector<16xi32>
      %add3A_724 = arith.addi %iota3A, %add3A_723 : vector<16xi32>
      %add3A_725 = arith.constant 96 : i32
      %add3A_726 = vector.broadcast %add3A_725 : i32 to vector<16xi32>
      %add3A_727 = arith.addi %iota3A, %add3A_726 : vector<16xi32>
      %add3A_728 = arith.constant 112 : i32
      %add3A_729 = vector.broadcast %add3A_728 : i32 to vector<16xi32>
      %add3A_730 = arith.addi %iota3A, %add3A_729 : vector<16xi32>
      %parallel_loop3A_731 = arith.constant 0 : i32
      %parallel_loop3A_732 = arith.constant 64 : i32
      %parallel_loop3A_733 = arith.constant 1 : i32
      %parallel_loop3A_734 = arith.constant 2 : i32
      scf.for %parallel_loop3A_978 = %parallel_loop3A_731 to %parallel_loop3A_732 step %parallel_loop3A_733  : i32 {
        %parallel_loop3A_979 = vector.broadcast %parallel_loop3A_978 : i32 to vector<16xi32>
        %parallel_loop3A_980 = arith.addi %iota3A, %parallel_loop3A_979 : vector<16xi32>
        %parallel_loop3A_981 = arith.constant 63 : i32
        %parallel_loop3A_982 = vector.broadcast %parallel_loop3A_981 : i32 to vector<16xi32>
        %parallel_loop3A_983 = arith.andi %parallel_loop3A_980, %parallel_loop3A_982 : vector<16xi32>
        %parallel_loop3A_984 = arith.addi %get3A_692, %parallel_loop3A_983 : vector<16xi32>
        %parallel_loop3A_985 = tpu.vector_load_idx %arg5[%get3A_676, %parallel_loop3A_984] : memref<500x128xf32, #tpu.memory_space<vmem>>[vector<16xi32>, vector<16xi32>], vector<16xf32>,
        %parallel_loop3A_986 = arith.constant 0 : i32
        %parallel_loop3A_987 = arith.constant 0 : i32
        %parallel_loop3A_988 = tpu.memref_slice %arg7[%parallel_loop3A_734, %parallel_loop3A_986, %parallel_loop3A_987] : memref<4x64x128xf32, #tpu.memory_space<vmem>> -> memref<1x64x128xf32, #tpu.memory_space<vmem>>
        %parallel_loop3A_989 = tpu.memref_squeeze %parallel_loop3A_988 : memref<1x64x128xf32, #tpu.memory_space<vmem>> -> memref<64x128xf32, #tpu.memory_space<vmem>>
        tpu.vector_store_idx %parallel_loop3A_989[%parallel_loop3A_983, %add3A_709], %parallel_loop3A_985 : memref<64x128xf32, #tpu.memory_space<vmem>>[vector<16xi32>, vector<16xi32>], vector<16xf32>,
        %parallel_loop3A_990 = arith.addi %get3A_694, %parallel_loop3A_983 : vector<16xi32>
        %parallel_loop3A_991 = tpu.vector_load_idx %arg5[%get3A_678, %parallel_loop3A_990] : memref<500x128xf32, #tpu.memory_space<vmem>>[vector<16xi32>, vector<16xi32>], vector<16xf32>,
        %parallel_loop3A_992 = arith.constant 0 : i32
        %parallel_loop3A_993 = arith.constant 0 : i32
        %parallel_loop3A_994 = tpu.memref_slice %arg7[%parallel_loop3A_734, %parallel_loop3A_992, %parallel_loop3A_993] : memref<4x64x128xf32, #tpu.memory_space<vmem>> -> memref<1x64x128xf32, #tpu.memory_space<vmem>>
        %parallel_loop3A_995 = tpu.memref_squeeze %parallel_loop3A_994 : memref<1x64x128xf32, #tpu.memory_space<vmem>> -> memref<64x128xf32, #tpu.memory_space<vmem>>
        tpu.vector_store_idx %parallel_loop3A_995[%parallel_loop3A_983, %add3A_712], %parallel_loop3A_991 : memref<64x128xf32, #tpu.memory_space<vmem>>[vector<16xi32>, vector<16xi32>], vector<16xf32>,
        %parallel_loop3A_996 = arith.addi %get3A_696, %parallel_loop3A_983 : vector<16xi32>
        %parallel_loop3A_997 = tpu.vector_load_idx %arg5[%get3A_680, %parallel_loop3A_996] : memref<500x128xf32, #tpu.memory_space<vmem>>[vector<16xi32>, vector<16xi32>], vector<16xf32>,
        %parallel_loop3A_998 = arith.constant 0 : i32
        %parallel_loop3A_999 = arith.constant 0 : i32
        %parallel_loop3A_1000 = tpu.memref_slice %arg7[%parallel_loop3A_734, %parallel_loop3A_998, %parallel_loop3A_999] : memref<4x64x128xf32, #tpu.memory_space<vmem>> -> memref<1x64x128xf32, #tpu.memory_space<vmem>>
        %parallel_loop3A_1001 = tpu.memref_squeeze %parallel_loop3A_1000 : memref<1x64x128xf32, #tpu.memory_space<vmem>> -> memref<64x128xf32, #tpu.memory_space<vmem>>
        tpu.vector_store_idx %parallel_loop3A_1001[%parallel_loop3A_983, %add3A_715], %parallel_loop3A_997 : memref<64x128xf32, #tpu.memory_space<vmem>>[vector<16xi32>, vector<16xi32>], vector<16xf32>,
        %parallel_loop3A_1002 = arith.addi %get3A_698, %parallel_loop3A_983 : vector<16xi32>
        %parallel_loop3A_1003 = tpu.vector_load_idx %arg5[%get3A_682, %parallel_loop3A_1002] : memref<500x128xf32, #tpu.memory_space<vmem>>[vector<16xi32>, vector<16xi32>], vector<16xf32>,
        %parallel_loop3A_1004 = arith.constant 0 : i32
        %parallel_loop3A_1005 = arith.constant 0 : i32
        %parallel_loop3A_1006 = tpu.memref_slice %arg7[%parallel_loop3A_734, %parallel_loop3A_1004, %parallel_loop3A_1005] : memref<4x64x128xf32, #tpu.memory_space<vmem>> -> memref<1x64x128xf32, #tpu.memory_space<vmem>>
        %parallel_loop3A_1007 = tpu.memref_squeeze %parallel_loop3A_1006 : memref<1x64x128xf32, #tpu.memory_space<vmem>> -> memref<64x128xf32, #tpu.memory_space<vmem>>
        tpu.vector_store_idx %parallel_loop3A_1007[%parallel_loop3A_983, %add3A_718], %parallel_loop3A_1003 : memref<64x128xf32, #tpu.memory_space<vmem>>[vector<16xi32>, vector<16xi32>], vector<16xf32>,
        %parallel_loop3A_1008 = arith.addi %get3A_700, %parallel_loop3A_983 : vector<16xi32>
        %parallel_loop3A_1009 = tpu.vector_load_idx %arg5[%get3A_684, %parallel_loop3A_1008] : memref<500x128xf32, #tpu.memory_space<vmem>>[vector<16xi32>, vector<16xi32>], vector<16xf32>,
        %parallel_loop3A_1010 = arith.constant 0 : i32
        %parallel_loop3A_1011 = arith.constant 0 : i32
        %parallel_loop3A_1012 = tpu.memref_slice %arg7[%parallel_loop3A_734, %parallel_loop3A_1010, %parallel_loop3A_1011] : memref<4x64x128xf32, #tpu.memory_space<vmem>> -> memref<1x64x128xf32, #tpu.memory_space<vmem>>
        %parallel_loop3A_1013 = tpu.memref_squeeze %parallel_loop3A_1012 : memref<1x64x128xf32, #tpu.memory_space<vmem>> -> memref<64x128xf32, #tpu.memory_space<vmem>>
        tpu.vector_store_idx %parallel_loop3A_1013[%parallel_loop3A_983, %add3A_721], %parallel_loop3A_1009 : memref<64x128xf32, #tpu.memory_space<vmem>>[vector<16xi32>, vector<16xi32>], vector<16xf32>,
        %parallel_loop3A_1014 = arith.addi %get3A_702, %parallel_loop3A_983 : vector<16xi32>
        %parallel_loop3A_1015 = tpu.vector_load_idx %arg5[%get3A_686, %parallel_loop3A_1014] : memref<500x128xf32, #tpu.memory_space<vmem>>[vector<16xi32>, vector<16xi32>], vector<16xf32>,
        %parallel_loop3A_1016 = arith.constant 0 : i32
        %parallel_loop3A_1017 = arith.constant 0 : i32
        %parallel_loop3A_1018 = tpu.memref_slice %arg7[%parallel_loop3A_734, %parallel_loop3A_1016, %parallel_loop3A_1017] : memref<4x64x128xf32, #tpu.memory_space<vmem>> -> memref<1x64x128xf32, #tpu.memory_space<vmem>>
        %parallel_loop3A_1019 = tpu.memref_squeeze %parallel_loop3A_1018 : memref<1x64x128xf32, #tpu.memory_space<vmem>> -> memref<64x128xf32, #tpu.memory_space<vmem>>
        tpu.vector_store_idx %parallel_loop3A_1019[%parallel_loop3A_983, %add3A_724], %parallel_loop3A_1015 : memref<64x128xf32, #tpu.memory_space<vmem>>[vector<16xi32>, vector<16xi32>], vector<16xf32>,
        %parallel_loop3A_1020 = arith.addi %get3A_704, %parallel_loop3A_983 : vector<16xi32>
        %parallel_loop3A_1021 = tpu.vector_load_idx %arg5[%get3A_688, %parallel_loop3A_1020] : memref<500x128xf32, #tpu.memory_space<vmem>>[vector<16xi32>, vector<16xi32>], vector<16xf32>,
        %parallel_loop3A_1022 = arith.constant 0 : i32
        %parallel_loop3A_1023 = arith.constant 0 : i32
        %parallel_loop3A_1024 = tpu.memref_slice %arg7[%parallel_loop3A_734, %parallel_loop3A_1022, %parallel_loop3A_1023] : memref<4x64x128xf32, #tpu.memory_space<vmem>> -> memref<1x64x128xf32, #tpu.memory_space<vmem>>
        %parallel_loop3A_1025 = tpu.memref_squeeze %parallel_loop3A_1024 : memref<1x64x128xf32, #tpu.memory_space<vmem>> -> memref<64x128xf32, #tpu.memory_space<vmem>>
        tpu.vector_store_idx %parallel_loop3A_1025[%parallel_loop3A_983, %add3A_727], %parallel_loop3A_1021 : memref<64x128xf32, #tpu.memory_space<vmem>>[vector<16xi32>, vector<16xi32>], vector<16xf32>,
        %parallel_loop3A_1026 = arith.addi %get3A_706, %parallel_loop3A_983 : vector<16xi32>
        %parallel_loop3A_1027 = tpu.vector_load_idx %arg5[%get3A_690, %parallel_loop3A_1026] : memref<500x128xf32, #tpu.memory_space<vmem>>[vector<16xi32>, vector<16xi32>], vector<16xf32>,
        %parallel_loop3A_1028 = arith.constant 0 : i32
        %parallel_loop3A_1029 = arith.constant 0 : i32
        %parallel_loop3A_1030 = tpu.memref_slice %arg7[%parallel_loop3A_734, %parallel_loop3A_1028, %parallel_loop3A_1029] : memref<4x64x128xf32, #tpu.memory_space<vmem>> -> memref<1x64x128xf32, #tpu.memory_space<vmem>>
        %parallel_loop3A_1031 = tpu.memref_squeeze %parallel_loop3A_1030 : memref<1x64x128xf32, #tpu.memory_space<vmem>> -> memref<64x128xf32, #tpu.memory_space<vmem>>
        tpu.vector_store_idx %parallel_loop3A_1031[%parallel_loop3A_983, %add3A_730], %parallel_loop3A_1027 : memref<64x128xf32, #tpu.memory_space<vmem>>[vector<16xi32>, vector<16xi32>], vector<16xf32>,
      } {sc.loop_unroll_factor = 4 : i64, sc.parallel_access}
      %dma_start3A_735 = arith.constant 2 : i32
      %dma_start3A_736 = arith.constant 0 : i32
      %dma_start3A_737 = arith.constant 0 : i32
      %dma_start3A_738 = tpu.memref_slice %arg7[%dma_start3A_735, %dma_start3A_736, %dma_start3A_737] : memref<4x64x128xf32, #tpu.memory_space<vmem>> -> memref<1x64x128xf32, #tpu.memory_space<vmem>>
      %dma_start3A_739 = tpu.memref_squeeze %dma_start3A_738 : memref<1x64x128xf32, #tpu.memory_space<vmem>> -> memref<64x128xf32, #tpu.memory_space<vmem>>
      %dma_start3A_740 = arith.constant 0 : i32
      %dma_start3A_741 = tpu.memref_slice %arg4[%add3A_525, %dma_start3A_740, %mul3A_2] : memref<200x64x4096xf32, #tpu.memory_space<hbm>> -> memref<1x64x128xf32, #tpu.memory_space<hbm>>
      %dma_start3A_742 = tpu.memref_squeeze %dma_start3A_741 : memref<1x64x128xf32, #tpu.memory_space<hbm>> -> memref<64x128xf32, #tpu.memory_space<hbm>>
      %dma_start3A_743 = arith.constant 0 : i32
      %dma_start3A_744 = tpu.memref_slice %arg4[%add3A_525, %dma_start3A_743, %mul3A_2] : memref<200x64x4096xf32, #tpu.memory_space<hbm>> -> memref<1x64x128xf32, #tpu.memory_space<hbm>>
      %dma_start3A_745 = tpu.memref_squeeze %dma_start3A_744 : memref<1x64x128xf32, #tpu.memory_space<hbm>> -> memref<64x128xf32, #tpu.memory_space<hbm>>
      %dma_start3A_746 = arith.constant 0 : i32
      %dma_start3A_747 = arith.constant 0 : i32
      %dma_start3A_748 = tpu.memref_slice %arg7[%dma_start3A_735, %dma_start3A_746, %dma_start3A_747] : memref<4x64x128xf32, #tpu.memory_space<vmem>> -> memref<1x64x128xf32, #tpu.memory_space<vmem>>
      %dma_start3A_749 = tpu.memref_squeeze %dma_start3A_748 : memref<1x64x128xf32, #tpu.memory_space<vmem>> -> memref<64x128xf32, #tpu.memory_space<vmem>>
      tpu.enqueue_dma source(%dma_start3A_749 : memref<64x128xf32, #tpu.memory_space<vmem>>) target(%dma_start3A_745 : memref<64x128xf32, #tpu.memory_space<hbm>>) target_semaphore(%arg12 : memref<!tpu.dma_semaphore, #tpu.memory_space<semaphore_mem>>)
      %mul3A_750 = arith.constant 4 : i32
      %mul3A_751 = arith.muli %mul3A_750, %scan3A_76 : i32
      %add3A_752 = arith.constant 3 : i32
      %add3A_753 = arith.addi %mul3A_751, %add3A_752 : i32
      %add3A_754 = arith.constant 0 : i32
      %add3A_755 = arith.addi %add3A_754, %add3A_753 : i32
      %add3A_756 = vector.broadcast %add3A_755 : i32 to vector<16xi32>
      %add3A_757 = arith.addi %mul3A_7, %add3A_756 : vector<16xi32>
      %gather3A_758 = tpu.vector_load_idx %arg6[%add3A_757] : memref<25600xi32, #tpu.memory_space<vmem>>[vector<16xi32>], vector<16xi32>,
      %shift_right_logical3A_759 = arith.constant 1 : i32
      %shift_right_logical3A_760 = vector.broadcast %shift_right_logical3A_759 : i32 to vector<16xi32>
      %shift_right_logical3A_761 = arith.shrui %gather3A_758, %shift_right_logical3A_760 : vector<16xi32>
      %swap3A_762 = arith.constant 0 : index
      %swap3A_763 = tpu.vector_load %arg8[%swap3A_762] {strides = array<i32>} : memref<128xi32, #tpu.memory_space<vmem>>, vector<16xi32>,
      tpu.vector_store %arg8[%swap3A_762], %shift_right_logical3A_761 {strides = array<i32>} : memref<128xi32, #tpu.memory_space<vmem>>, vector<16xi32>,
      %and3A_764 = arith.constant 1 : i32
      %and3A_765 = vector.broadcast %and3A_764 : i32 to vector<16xi32>
      %and3A_766 = arith.andi %gather3A_758, %and3A_765 : vector<16xi32>
      %shift_left3A_767 = arith.constant 6 : i32
      %shift_left3A_768 = vector.broadcast %shift_left3A_767 : i32 to vector<16xi32>
      %shift_left3A_769 = arith.shli %and3A_766, %shift_left3A_768 : vector<16xi32>
      %swap3A_770 = arith.constant 0 : index
      %swap3A_771 = tpu.vector_load %arg9[%swap3A_770] {strides = array<i32>} : memref<128xi32, #tpu.memory_space<vmem>>, vector<16xi32>,
      tpu.vector_store %arg9[%swap3A_770], %shift_left3A_769 {strides = array<i32>} : memref<128xi32, #tpu.memory_space<vmem>>, vector<16xi32>,
      %add3A_772 = arith.constant 3200 : i32
      %add3A_773 = arith.addi %add3A_772, %add3A_753 : i32
      %add3A_774 = vector.broadcast %add3A_773 : i32 to vector<16xi32>
      %add3A_775 = arith.addi %mul3A_7, %add3A_774 : vector<16xi32>
      %gather3A_776 = tpu.vector_load_idx %arg6[%add3A_775] : memref<25600xi32, #tpu.memory_space<vmem>>[vector<16xi32>], vector<16xi32>,
      %shift_right_logical3A_777 = arith.constant 1 : i32
      %shift_right_logical3A_778 = vector.broadcast %shift_right_logical3A_777 : i32 to vector<16xi32>
      %shift_right_logical3A_779 = arith.shrui %gather3A_776, %shift_right_logical3A_778 : vector<16xi32>
      %swap3A_780 = arith.constant 16 : index
      %swap3A_781 = tpu.vector_load %arg8[%swap3A_780] {strides = array<i32>} : memref<128xi32, #tpu.memory_space<vmem>>, vector<16xi32>,
      tpu.vector_store %arg8[%swap3A_780], %shift_right_logical3A_779 {strides = array<i32>} : memref<128xi32, #tpu.memory_space<vmem>>, vector<16xi32>,
      %and3A_782 = arith.constant 1 : i32
      %and3A_783 = vector.broadcast %and3A_782 : i32 to vector<16xi32>
      %and3A_784 = arith.andi %gather3A_776, %and3A_783 : vector<16xi32>
      %shift_left3A_785 = arith.constant 6 : i32
      %shift_left3A_786 = vector.broadcast %shift_left3A_785 : i32 to vector<16xi32>
      %shift_left3A_787 = arith.shli %and3A_784, %shift_left3A_786 : vector<16xi32>
      %swap3A_788 = arith.constant 16 : index
      %swap3A_789 = tpu.vector_load %arg9[%swap3A_788] {strides = array<i32>} : memref<128xi32, #tpu.memory_space<vmem>>, vector<16xi32>,
      tpu.vector_store %arg9[%swap3A_788], %shift_left3A_787 {strides = array<i32>} : memref<128xi32, #tpu.memory_space<vmem>>, vector<16xi32>,
      %add3A_790 = arith.constant 6400 : i32
      %add3A_791 = arith.addi %add3A_790, %add3A_753 : i32
      %add3A_792 = vector.broadcast %add3A_791 : i32 to vector<16xi32>
      %add3A_793 = arith.addi %mul3A_7, %add3A_792 : vector<16xi32>
      %gather3A_794 = tpu.vector_load_idx %arg6[%add3A_793] : memref<25600xi32, #tpu.memory_space<vmem>>[vector<16xi32>], vector<16xi32>,
      %shift_right_logical3A_795 = arith.constant 1 : i32
      %shift_right_logical3A_796 = vector.broadcast %shift_right_logical3A_795 : i32 to vector<16xi32>
      %shift_right_logical3A_797 = arith.shrui %gather3A_794, %shift_right_logical3A_796 : vector<16xi32>
      %swap3A_798 = arith.constant 32 : index
      %swap3A_799 = tpu.vector_load %arg8[%swap3A_798] {strides = array<i32>} : memref<128xi32, #tpu.memory_space<vmem>>, vector<16xi32>,
      tpu.vector_store %arg8[%swap3A_798], %shift_right_logical3A_797 {strides = array<i32>} : memref<128xi32, #tpu.memory_space<vmem>>, vector<16xi32>,
      %and3A_800 = arith.constant 1 : i32
      %and3A_801 = vector.broadcast %and3A_800 : i32 to vector<16xi32>
      %and3A_802 = arith.andi %gather3A_794, %and3A_801 : vector<16xi32>
      %shift_left3A_803 = arith.constant 6 : i32
      %shift_left3A_804 = vector.broadcast %shift_left3A_803 : i32 to vector<16xi32>
      %shift_left3A_805 = arith.shli %and3A_802, %shift_left3A_804 : vector<16xi32>
      %swap3A_806 = arith.constant 32 : index
      %swap3A_807 = tpu.vector_load %arg9[%swap3A_806] {strides = array<i32>} : memref<128xi32, #tpu.memory_space<vmem>>, vector<16xi32>,
      tpu.vector_store %arg9[%swap3A_806], %shift_left3A_805 {strides = array<i32>} : memref<128xi32, #tpu.memory_space<vmem>>, vector<16xi32>,
      %add3A_808 = arith.constant 9600 : i32
      %add3A_809 = arith.addi %add3A_808, %add3A_753 : i32
      %add3A_810 = vector.broadcast %add3A_809 : i32 to vector<16xi32>
      %add3A_811 = arith.addi %mul3A_7, %add3A_810 : vector<16xi32>
      %gather3A_812 = tpu.vector_load_idx %arg6[%add3A_811] : memref<25600xi32, #tpu.memory_space<vmem>>[vector<16xi32>], vector<16xi32>,
      %shift_right_logical3A_813 = arith.constant 1 : i32
      %shift_right_logical3A_814 = vector.broadcast %shift_right_logical3A_813 : i32 to vector<16xi32>
      %shift_right_logical3A_815 = arith.shrui %gather3A_812, %shift_right_logical3A_814 : vector<16xi32>
      %swap3A_816 = arith.constant 48 : index
      %swap3A_817 = tpu.vector_load %arg8[%swap3A_816] {strides = array<i32>} : memref<128xi32, #tpu.memory_space<vmem>>, vector<16xi32>,
      tpu.vector_store %arg8[%swap3A_816], %shift_right_logical3A_815 {strides = array<i32>} : memref<128xi32, #tpu.memory_space<vmem>>, vector<16xi32>,
      %and3A_818 = arith.constant 1 : i32
      %and3A_819 = vector.broadcast %and3A_818 : i32 to vector<16xi32>
      %and3A_820 = arith.andi %gather3A_812, %and3A_819 : vector<16xi32>
      %shift_left3A_821 = arith.constant 6 : i32
      %shift_left3A_822 = vector.broadcast %shift_left3A_821 : i32 to vector<16xi32>
      %shift_left3A_823 = arith.shli %and3A_820, %shift_left3A_822 : vector<16xi32>
      %swap3A_824 = arith.constant 48 : index
      %swap3A_825 = tpu.vector_load %arg9[%swap3A_824] {strides = array<i32>} : memref<128xi32, #tpu.memory_space<vmem>>, vector<16xi32>,
      tpu.vector_store %arg9[%swap3A_824], %shift_left3A_823 {strides = array<i32>} : memref<128xi32, #tpu.memory_space<vmem>>, vector<16xi32>,
      %add3A_826 = arith.constant 12800 : i32
      %add3A_827 = arith.addi %add3A_826, %add3A_753 : i32
      %add3A_828 = vector.broadcast %add3A_827 : i32 to vector<16xi32>
      %add3A_829 = arith.addi %mul3A_7, %add3A_828 : vector<16xi32>
      %gather3A_830 = tpu.vector_load_idx %arg6[%add3A_829] : memref<25600xi32, #tpu.memory_space<vmem>>[vector<16xi32>], vector<16xi32>,
      %shift_right_logical3A_831 = arith.constant 1 : i32
      %shift_right_logical3A_832 = vector.broadcast %shift_right_logical3A_831 : i32 to vector<16xi32>
      %shift_right_logical3A_833 = arith.shrui %gather3A_830, %shift_right_logical3A_832 : vector<16xi32>
      %swap3A_834 = arith.constant 64 : index
      %swap3A_835 = tpu.vector_load %arg8[%swap3A_834] {strides = array<i32>} : memref<128xi32, #tpu.memory_space<vmem>>, vector<16xi32>,
      tpu.vector_store %arg8[%swap3A_834], %shift_right_logical3A_833 {strides = array<i32>} : memref<128xi32, #tpu.memory_space<vmem>>, vector<16xi32>,
      %and3A_836 = arith.constant 1 : i32
      %and3A_837 = vector.broadcast %and3A_836 : i32 to vector<16xi32>
      %and3A_838 = arith.andi %gather3A_830, %and3A_837 : vector<16xi32>
      %shift_left3A_839 = arith.constant 6 : i32
      %shift_left3A_840 = vector.broadcast %shift_left3A_839 : i32 to vector<16xi32>
      %shift_left3A_841 = arith.shli %and3A_838, %shift_left3A_840 : vector<16xi32>
      %swap3A_842 = arith.constant 64 : index
      %swap3A_843 = tpu.vector_load %arg9[%swap3A_842] {strides = array<i32>} : memref<128xi32, #tpu.memory_space<vmem>>, vector<16xi32>,
      tpu.vector_store %arg9[%swap3A_842], %shift_left3A_841 {strides = array<i32>} : memref<128xi32, #tpu.memory_space<vmem>>, vector<16xi32>,
      %add3A_844 = arith.constant 16000 : i32
      %add3A_845 = arith.addi %add3A_844, %add3A_753 : i32
      %add3A_846 = vector.broadcast %add3A_845 : i32 to vector<16xi32>
      %add3A_847 = arith.addi %mul3A_7, %add3A_846 : vector<16xi32>
      %gather3A_848 = tpu.vector_load_idx %arg6[%add3A_847] : memref<25600xi32, #tpu.memory_space<vmem>>[vector<16xi32>], vector<16xi32>,
      %shift_right_logical3A_849 = arith.constant 1 : i32
      %shift_right_logical3A_850 = vector.broadcast %shift_right_logical3A_849 : i32 to vector<16xi32>
      %shift_right_logical3A_851 = arith.shrui %gather3A_848, %shift_right_logical3A_850 : vector<16xi32>
      %swap3A_852 = arith.constant 80 : index
      %swap3A_853 = tpu.vector_load %arg8[%swap3A_852] {strides = array<i32>} : memref<128xi32, #tpu.memory_space<vmem>>, vector<16xi32>,
      tpu.vector_store %arg8[%swap3A_852], %shift_right_logical3A_851 {strides = array<i32>} : memref<128xi32, #tpu.memory_space<vmem>>, vector<16xi32>,
      %and3A_854 = arith.constant 1 : i32
      %and3A_855 = vector.broadcast %and3A_854 : i32 to vector<16xi32>
      %and3A_856 = arith.andi %gather3A_848, %and3A_855 : vector<16xi32>
      %shift_left3A_857 = arith.constant 6 : i32
      %shift_left3A_858 = vector.broadcast %shift_left3A_857 : i32 to vector<16xi32>
      %shift_left3A_859 = arith.shli %and3A_856, %shift_left3A_858 : vector<16xi32>
      %swap3A_860 = arith.constant 80 : index
      %swap3A_861 = tpu.vector_load %arg9[%swap3A_860] {strides = array<i32>} : memref<128xi32, #tpu.memory_space<vmem>>, vector<16xi32>,
      tpu.vector_store %arg9[%swap3A_860], %shift_left3A_859 {strides = array<i32>} : memref<128xi32, #tpu.memory_space<vmem>>, vector<16xi32>,
      %add3A_862 = arith.constant 19200 : i32
      %add3A_863 = arith.addi %add3A_862, %add3A_753 : i32
      %add3A_864 = vector.broadcast %add3A_863 : i32 to vector<16xi32>
      %add3A_865 = arith.addi %mul3A_7, %add3A_864 : vector<16xi32>
      %gather3A_866 = tpu.vector_load_idx %arg6[%add3A_865] : memref<25600xi32, #tpu.memory_space<vmem>>[vector<16xi32>], vector<16xi32>,
      %shift_right_logical3A_867 = arith.constant 1 : i32
      %shift_right_logical3A_868 = vector.broadcast %shift_right_logical3A_867 : i32 to vector<16xi32>
      %shift_right_logical3A_869 = arith.shrui %gather3A_866, %shift_right_logical3A_868 : vector<16xi32>
      %swap3A_870 = arith.constant 96 : index
      %swap3A_871 = tpu.vector_load %arg8[%swap3A_870] {strides = array<i32>} : memref<128xi32, #tpu.memory_space<vmem>>, vector<16xi32>,
      tpu.vector_store %arg8[%swap3A_870], %shift_right_logical3A_869 {strides = array<i32>} : memref<128xi32, #tpu.memory_space<vmem>>, vector<16xi32>,
      %and3A_872 = arith.constant 1 : i32
      %and3A_873 = vector.broadcast %and3A_872 : i32 to vector<16xi32>
      %and3A_874 = arith.andi %gather3A_866, %and3A_873 : vector<16xi32>
      %shift_left3A_875 = arith.constant 6 : i32
      %shift_left3A_876 = vector.broadcast %shift_left3A_875 : i32 to vector<16xi32>
      %shift_left3A_877 = arith.shli %and3A_874, %shift_left3A_876 : vector<16xi32>
      %swap3A_878 = arith.constant 96 : index
      %swap3A_879 = tpu.vector_load %arg9[%swap3A_878] {strides = array<i32>} : memref<128xi32, #tpu.memory_space<vmem>>, vector<16xi32>,
      tpu.vector_store %arg9[%swap3A_878], %shift_left3A_877 {strides = array<i32>} : memref<128xi32, #tpu.memory_space<vmem>>, vector<16xi32>,
      %add3A_880 = arith.constant 22400 : i32
      %add3A_881 = arith.addi %add3A_880, %add3A_753 : i32
      %add3A_882 = vector.broadcast %add3A_881 : i32 to vector<16xi32>
      %add3A_883 = arith.addi %mul3A_7, %add3A_882 : vector<16xi32>
      %gather3A_884 = tpu.vector_load_idx %arg6[%add3A_883] : memref<25600xi32, #tpu.memory_space<vmem>>[vector<16xi32>], vector<16xi32>,
      %shift_right_logical3A_885 = arith.constant 1 : i32
      %shift_right_logical3A_886 = vector.broadcast %shift_right_logical3A_885 : i32 to vector<16xi32>
      %shift_right_logical3A_887 = arith.shrui %gather3A_884, %shift_right_logical3A_886 : vector<16xi32>
      %swap3A_888 = arith.constant 112 : index
      %swap3A_889 = tpu.vector_load %arg8[%swap3A_888] {strides = array<i32>} : memref<128xi32, #tpu.memory_space<vmem>>, vector<16xi32>,
      tpu.vector_store %arg8[%swap3A_888], %shift_right_logical3A_887 {strides = array<i32>} : memref<128xi32, #tpu.memory_space<vmem>>, vector<16xi32>,
      %and3A_890 = arith.constant 1 : i32
      %and3A_891 = vector.broadcast %and3A_890 : i32 to vector<16xi32>
      %and3A_892 = arith.andi %gather3A_884, %and3A_891 : vector<16xi32>
      %shift_left3A_893 = arith.constant 6 : i32
      %shift_left3A_894 = vector.broadcast %shift_left3A_893 : i32 to vector<16xi32>
      %shift_left3A_895 = arith.shli %and3A_892, %shift_left3A_894 : vector<16xi32>
      %swap3A_896 = arith.constant 112 : index
      %swap3A_897 = tpu.vector_load %arg9[%swap3A_896] {strides = array<i32>} : memref<128xi32, #tpu.memory_space<vmem>>, vector<16xi32>,
      tpu.vector_store %arg9[%swap3A_896], %shift_left3A_895 {strides = array<i32>} : memref<128xi32, #tpu.memory_space<vmem>>, vector<16xi32>,
      %ge3A_898 = arith.constant 4 : i32
      %ge3A_899 = arith.cmpi sge, %add3A_753, %ge3A_898 : i32
      %convert_element_type3A_900 = arith.extui %ge3A_899 : i1 to i32
      %cond3A_901 = arith.constant 0 : i32
      %cond3A_902 = arith.cmpi ne, %convert_element_type3A_900, %cond3A_901 : i32
      scf.if %cond3A_902 {
        %dma_wait3A_978 = arith.constant 3 : i32
        %dma_wait3A_979 = arith.constant 0 : i32
        %dma_wait3A_980 = arith.constant 0 : i32
        %dma_wait3A_981 = tpu.memref_slice %arg7[%dma_wait3A_978, %dma_wait3A_979, %dma_wait3A_980] : memref<4x64x128xf32, #tpu.memory_space<vmem>> -> memref<1x64x128xf32, #tpu.memory_space<vmem>>
        %dma_wait3A_982 = tpu.memref_squeeze %dma_wait3A_981 : memref<1x64x128xf32, #tpu.memory_space<vmem>> -> memref<64x128xf32, #tpu.memory_space<vmem>>
        %dma_wait3A_983 = arith.constant 0 : i32
        %dma_wait3A_984 = tpu.memref_slice %arg4[%add3A_753, %dma_wait3A_983, %mul3A_2] : memref<200x64x4096xf32, #tpu.memory_space<hbm>> -> memref<1x64x128xf32, #tpu.memory_space<hbm>>
        %dma_wait3A_985 = tpu.memref_squeeze %dma_wait3A_984 : memref<1x64x128xf32, #tpu.memory_space<hbm>> -> memref<64x128xf32, #tpu.memory_space<hbm>>
        %dma_wait3A_986 = arith.constant 0 : i32
        %dma_wait3A_987 = tpu.memref_slice %arg4[%add3A_753, %dma_wait3A_986, %mul3A_2] : memref<200x64x4096xf32, #tpu.memory_space<hbm>> -> memref<1x64x128xf32, #tpu.memory_space<hbm>>
        %dma_wait3A_988 = tpu.memref_squeeze %dma_wait3A_987 : memref<1x64x128xf32, #tpu.memory_space<hbm>> -> memref<64x128xf32, #tpu.memory_space<hbm>>
        %dma_wait3A_989 = arith.constant 0 : i32
        %dma_wait3A_990 = arith.constant 0 : i32
        %dma_wait3A_991 = tpu.memref_slice %arg7[%dma_wait3A_978, %dma_wait3A_989, %dma_wait3A_990] : memref<4x64x128xf32, #tpu.memory_space<vmem>> -> memref<1x64x128xf32, #tpu.memory_space<vmem>>
        %dma_wait3A_992 = tpu.memref_squeeze %dma_wait3A_991 : memref<1x64x128xf32, #tpu.memory_space<vmem>> -> memref<64x128xf32, #tpu.memory_space<vmem>>
        tpu.wait_dma2 semaphore(%arg13 : memref<!tpu.dma_semaphore, #tpu.memory_space<semaphore_mem>>) src(%dma_wait3A_992 : memref<64x128xf32, #tpu.memory_space<vmem>>) dst(%dma_wait3A_988 : memref<64x128xf32, #tpu.memory_space<hbm>>)
      } else {
      }
      %get3A_903 = arith.constant 0 : index
      %get3A_904 = tpu.vector_load %arg8[%get3A_903] {strides = array<i32>} : memref<128xi32, #tpu.memory_space<vmem>>, vector<16xi32>,
      %get3A_905 = arith.constant 16 : index
      %get3A_906 = tpu.vector_load %arg8[%get3A_905] {strides = array<i32>} : memref<128xi32, #tpu.memory_space<vmem>>, vector<16xi32>,
      %get3A_907 = arith.constant 32 : index
      %get3A_908 = tpu.vector_load %arg8[%get3A_907] {strides = array<i32>} : memref<128xi32, #tpu.memory_space<vmem>>, vector<16xi32>,
      %get3A_909 = arith.constant 48 : index
      %get3A_910 = tpu.vector_load %arg8[%get3A_909] {strides = array<i32>} : memref<128xi32, #tpu.memory_space<vmem>>, vector<16xi32>,
      %get3A_911 = arith.constant 64 : index
      %get3A_912 = tpu.vector_load %arg8[%get3A_911] {strides = array<i32>} : memref<128xi32, #tpu.memory_space<vmem>>, vector<16xi32>,
      %get3A_913 = arith.constant 80 : index
      %get3A_914 = tpu.vector_load %arg8[%get3A_913] {strides = array<i32>} : memref<128xi32, #tpu.memory_space<vmem>>, vector<16xi32>,
      %get3A_915 = arith.constant 96 : index
      %get3A_916 = tpu.vector_load %arg8[%get3A_915] {strides = array<i32>} : memref<128xi32, #tpu.memory_space<vmem>>, vector<16xi32>,
      %get3A_917 = arith.constant 112 : index
      %get3A_918 = tpu.vector_load %arg8[%get3A_917] {strides = array<i32>} : memref<128xi32, #tpu.memory_space<vmem>>, vector<16xi32>,
      %get3A_919 = arith.constant 0 : index
      %get3A_920 = tpu.vector_load %arg9[%get3A_919] {strides = array<i32>} : memref<128xi32, #tpu.memory_space<vmem>>, vector<16xi32>,
      %get3A_921 = arith.constant 16 : index
      %get3A_922 = tpu.vector_load %arg9[%get3A_921] {strides = array<i32>} : memref<128xi32, #tpu.memory_space<vmem>>, vector<16xi32>,
      %get3A_923 = arith.constant 32 : index
      %get3A_924 = tpu.vector_load %arg9[%get3A_923] {strides = array<i32>} : memref<128xi32, #tpu.memory_space<vmem>>, vector<16xi32>,
      %get3A_925 = arith.constant 48 : index
      %get3A_926 = tpu.vector_load %arg9[%get3A_925] {strides = array<i32>} : memref<128xi32, #tpu.memory_space<vmem>>, vector<16xi32>,
      %get3A_927 = arith.constant 64 : index
      %get3A_928 = tpu.vector_load %arg9[%get3A_927] {strides = array<i32>} : memref<128xi32, #tpu.memory_space<vmem>>, vector<16xi32>,
      %get3A_929 = arith.constant 80 : index
      %get3A_930 = tpu.vector_load %arg9[%get3A_929] {strides = array<i32>} : memref<128xi32, #tpu.memory_space<vmem>>, vector<16xi32>,
      %get3A_931 = arith.constant 96 : index
      %get3A_932 = tpu.vector_load %arg9[%get3A_931] {strides = array<i32>} : memref<128xi32, #tpu.memory_space<vmem>>, vector<16xi32>,
      %get3A_933 = arith.constant 112 : index
      %get3A_934 = tpu.vector_load %arg9[%get3A_933] {strides = array<i32>} : memref<128xi32, #tpu.memory_space<vmem>>, vector<16xi32>,
      %add3A_935 = arith.constant 0 : i32
      %add3A_936 = vector.broadcast %add3A_935 : i32 to vector<16xi32>
      %add3A_937 = arith.addi %iota3A, %add3A_936 : vector<16xi32>
      %add3A_938 = arith.constant 16 : i32
      %add3A_939 = vector.broadcast %add3A_938 : i32 to vector<16xi32>
      %add3A_940 = arith.addi %iota3A, %add3A_939 : vector<16xi32>
      %add3A_941 = arith.constant 32 : i32
      %add3A_942 = vector.broadcast %add3A_941 : i32 to vector<16xi32>
      %add3A_943 = arith.addi %iota3A, %add3A_942 : vector<16xi32>
      %add3A_944 = arith.constant 48 : i32
      %add3A_945 = vector.broadcast %add3A_944 : i32 to vector<16xi32>
      %add3A_946 = arith.addi %iota3A, %add3A_945 : vector<16xi32>
      %add3A_947 = arith.constant 64 : i32
      %add3A_948 = vector.broadcast %add3A_947 : i32 to vector<16xi32>
      %add3A_949 = arith.addi %iota3A, %add3A_948 : vector<16xi32>
      %add3A_950 = arith.constant 80 : i32
      %add3A_951 = vector.broadcast %add3A_950 : i32 to vector<16xi32>
      %add3A_952 = arith.addi %iota3A, %add3A_951 : vector<16xi32>
      %add3A_953 = arith.constant 96 : i32
      %add3A_954 = vector.broadcast %add3A_953 : i32 to vector<16xi32>
      %add3A_955 = arith.addi %iota3A, %add3A_954 : vector<16xi32>
      %add3A_956 = arith.constant 112 : i32
      %add3A_957 = vector.broadcast %add3A_956 : i32 to vector<16xi32>
      %add3A_958 = arith.addi %iota3A, %add3A_957 : vector<16xi32>
      %parallel_loop3A_959 = arith.constant 0 : i32
      %parallel_loop3A_960 = arith.constant 64 : i32
      %parallel_loop3A_961 = arith.constant 1 : i32
      %parallel_loop3A_962 = arith.constant 3 : i32
      scf.for %parallel_loop3A_978 = %parallel_loop3A_959 to %parallel_loop3A_960 step %parallel_loop3A_961  : i32 {
        %parallel_loop3A_979 = vector.broadcast %parallel_loop3A_978 : i32 to vector<16xi32>
        %parallel_loop3A_980 = arith.addi %iota3A, %parallel_loop3A_979 : vector<16xi32>
        %parallel_loop3A_981 = arith.constant 63 : i32
        %parallel_loop3A_982 = vector.broadcast %parallel_loop3A_981 : i32 to vector<16xi32>
        %parallel_loop3A_983 = arith.andi %parallel_loop3A_980, %parallel_loop3A_982 : vector<16xi32>
        %parallel_loop3A_984 = arith.addi %get3A_920, %parallel_loop3A_983 : vector<16xi32>
        %parallel_loop3A_985 = tpu.vector_load_idx %arg5[%get3A_904, %parallel_loop3A_984] : memref<500x128xf32, #tpu.memory_space<vmem>>[vector<16xi32>, vector<16xi32>], vector<16xf32>,
        %parallel_loop3A_986 = arith.constant 0 : i32
        %parallel_loop3A_987 = arith.constant 0 : i32
        %parallel_loop3A_988 = tpu.memref_slice %arg7[%parallel_loop3A_962, %parallel_loop3A_986, %parallel_loop3A_987] : memref<4x64x128xf32, #tpu.memory_space<vmem>> -> memref<1x64x128xf32, #tpu.memory_space<vmem>>
        %parallel_loop3A_989 = tpu.memref_squeeze %parallel_loop3A_988 : memref<1x64x128xf32, #tpu.memory_space<vmem>> -> memref<64x128xf32, #tpu.memory_space<vmem>>
        tpu.vector_store_idx %parallel_loop3A_989[%parallel_loop3A_983, %add3A_937], %parallel_loop3A_985 : memref<64x128xf32, #tpu.memory_space<vmem>>[vector<16xi32>, vector<16xi32>], vector<16xf32>,
        %parallel_loop3A_990 = arith.addi %get3A_922, %parallel_loop3A_983 : vector<16xi32>
        %parallel_loop3A_991 = tpu.vector_load_idx %arg5[%get3A_906, %parallel_loop3A_990] : memref<500x128xf32, #tpu.memory_space<vmem>>[vector<16xi32>, vector<16xi32>], vector<16xf32>,
        %parallel_loop3A_992 = arith.constant 0 : i32
        %parallel_loop3A_993 = arith.constant 0 : i32
        %parallel_loop3A_994 = tpu.memref_slice %arg7[%parallel_loop3A_962, %parallel_loop3A_992, %parallel_loop3A_993] : memref<4x64x128xf32, #tpu.memory_space<vmem>> -> memref<1x64x128xf32, #tpu.memory_space<vmem>>
        %parallel_loop3A_995 = tpu.memref_squeeze %parallel_loop3A_994 : memref<1x64x128xf32, #tpu.memory_space<vmem>> -> memref<64x128xf32, #tpu.memory_space<vmem>>
        tpu.vector_store_idx %parallel_loop3A_995[%parallel_loop3A_983, %add3A_940], %parallel_loop3A_991 : memref<64x128xf32, #tpu.memory_space<vmem>>[vector<16xi32>, vector<16xi32>], vector<16xf32>,
        %parallel_loop3A_996 = arith.addi %get3A_924, %parallel_loop3A_983 : vector<16xi32>
        %parallel_loop3A_997 = tpu.vector_load_idx %arg5[%get3A_908, %parallel_loop3A_996] : memref<500x128xf32, #tpu.memory_space<vmem>>[vector<16xi32>, vector<16xi32>], vector<16xf32>,
        %parallel_loop3A_998 = arith.constant 0 : i32
        %parallel_loop3A_999 = arith.constant 0 : i32
        %parallel_loop3A_1000 = tpu.memref_slice %arg7[%parallel_loop3A_962, %parallel_loop3A_998, %parallel_loop3A_999] : memref<4x64x128xf32, #tpu.memory_space<vmem>> -> memref<1x64x128xf32, #tpu.memory_space<vmem>>
        %parallel_loop3A_1001 = tpu.memref_squeeze %parallel_loop3A_1000 : memref<1x64x128xf32, #tpu.memory_space<vmem>> -> memref<64x128xf32, #tpu.memory_space<vmem>>
        tpu.vector_store_idx %parallel_loop3A_1001[%parallel_loop3A_983, %add3A_943], %parallel_loop3A_997 : memref<64x128xf32, #tpu.memory_space<vmem>>[vector<16xi32>, vector<16xi32>], vector<16xf32>,
        %parallel_loop3A_1002 = arith.addi %get3A_926, %parallel_loop3A_983 : vector<16xi32>
        %parallel_loop3A_1003 = tpu.vector_load_idx %arg5[%get3A_910, %parallel_loop3A_1002] : memref<500x128xf32, #tpu.memory_space<vmem>>[vector<16xi32>, vector<16xi32>], vector<16xf32>,
        %parallel_loop3A_1004 = arith.constant 0 : i32
        %parallel_loop3A_1005 = arith.constant 0 : i32
        %parallel_loop3A_1006 = tpu.memref_slice %arg7[%parallel_loop3A_962, %parallel_loop3A_1004, %parallel_loop3A_1005] : memref<4x64x128xf32, #tpu.memory_space<vmem>> -> memref<1x64x128xf32, #tpu.memory_space<vmem>>
        %parallel_loop3A_1007 = tpu.memref_squeeze %parallel_loop3A_1006 : memref<1x64x128xf32, #tpu.memory_space<vmem>> -> memref<64x128xf32, #tpu.memory_space<vmem>>
        tpu.vector_store_idx %parallel_loop3A_1007[%parallel_loop3A_983, %add3A_946], %parallel_loop3A_1003 : memref<64x128xf32, #tpu.memory_space<vmem>>[vector<16xi32>, vector<16xi32>], vector<16xf32>,
        %parallel_loop3A_1008 = arith.addi %get3A_928, %parallel_loop3A_983 : vector<16xi32>
        %parallel_loop3A_1009 = tpu.vector_load_idx %arg5[%get3A_912, %parallel_loop3A_1008] : memref<500x128xf32, #tpu.memory_space<vmem>>[vector<16xi32>, vector<16xi32>], vector<16xf32>,
        %parallel_loop3A_1010 = arith.constant 0 : i32
        %parallel_loop3A_1011 = arith.constant 0 : i32
        %parallel_loop3A_1012 = tpu.memref_slice %arg7[%parallel_loop3A_962, %parallel_loop3A_1010, %parallel_loop3A_1011] : memref<4x64x128xf32, #tpu.memory_space<vmem>> -> memref<1x64x128xf32, #tpu.memory_space<vmem>>
        %parallel_loop3A_1013 = tpu.memref_squeeze %parallel_loop3A_1012 : memref<1x64x128xf32, #tpu.memory_space<vmem>> -> memref<64x128xf32, #tpu.memory_space<vmem>>
        tpu.vector_store_idx %parallel_loop3A_1013[%parallel_loop3A_983, %add3A_949], %parallel_loop3A_1009 : memref<64x128xf32, #tpu.memory_space<vmem>>[vector<16xi32>, vector<16xi32>], vector<16xf32>,
        %parallel_loop3A_1014 = arith.addi %get3A_930, %parallel_loop3A_983 : vector<16xi32>
        %parallel_loop3A_1015 = tpu.vector_load_idx %arg5[%get3A_914, %parallel_loop3A_1014] : memref<500x128xf32, #tpu.memory_space<vmem>>[vector<16xi32>, vector<16xi32>], vector<16xf32>,
        %parallel_loop3A_1016 = arith.constant 0 : i32
        %parallel_loop3A_1017 = arith.constant 0 : i32
        %parallel_loop3A_1018 = tpu.memref_slice %arg7[%parallel_loop3A_962, %parallel_loop3A_1016, %parallel_loop3A_1017] : memref<4x64x128xf32, #tpu.memory_space<vmem>> -> memref<1x64x128xf32, #tpu.memory_space<vmem>>
        %parallel_loop3A_1019 = tpu.memref_squeeze %parallel_loop3A_1018 : memref<1x64x128xf32, #tpu.memory_space<vmem>> -> memref<64x128xf32, #tpu.memory_space<vmem>>
        tpu.vector_store_idx %parallel_loop3A_1019[%parallel_loop3A_983, %add3A_952], %parallel_loop3A_1015 : memref<64x128xf32, #tpu.memory_space<vmem>>[vector<16xi32>, vector<16xi32>], vector<16xf32>,
        %parallel_loop3A_1020 = arith.addi %get3A_932, %parallel_loop3A_983 : vector<16xi32>
        %parallel_loop3A_1021 = tpu.vector_load_idx %arg5[%get3A_916, %parallel_loop3A_1020] : memref<500x128xf32, #tpu.memory_space<vmem>>[vector<16xi32>, vector<16xi32>], vector<16xf32>,
        %parallel_loop3A_1022 = arith.constant 0 : i32
        %parallel_loop3A_1023 = arith.constant 0 : i32
        %parallel_loop3A_1024 = tpu.memref_slice %arg7[%parallel_loop3A_962, %parallel_loop3A_1022, %parallel_loop3A_1023] : memref<4x64x128xf32, #tpu.memory_space<vmem>> -> memref<1x64x128xf32, #tpu.memory_space<vmem>>
        %parallel_loop3A_1025 = tpu.memref_squeeze %parallel_loop3A_1024 : memref<1x64x128xf32, #tpu.memory_space<vmem>> -> memref<64x128xf32, #tpu.memory_space<vmem>>
        tpu.vector_store_idx %parallel_loop3A_1025[%parallel_loop3A_983, %add3A_955], %parallel_loop3A_1021 : memref<64x128xf32, #tpu.memory_space<vmem>>[vector<16xi32>, vector<16xi32>], vector<16xf32>,
        %parallel_loop3A_1026 = arith.addi %get3A_934, %parallel_loop3A_983 : vector<16xi32>
        %parallel_loop3A_1027 = tpu.vector_load_idx %arg5[%get3A_918, %parallel_loop3A_1026] : memref<500x128xf32, #tpu.memory_space<vmem>>[vector<16xi32>, vector<16xi32>], vector<16xf32>,
        %parallel_loop3A_1028 = arith.constant 0 : i32
        %parallel_loop3A_1029 = arith.constant 0 : i32
        %parallel_loop3A_1030 = tpu.memref_slice %arg7[%parallel_loop3A_962, %parallel_loop3A_1028, %parallel_loop3A_1029] : memref<4x64x128xf32, #tpu.memory_space<vmem>> -> memref<1x64x128xf32, #tpu.memory_space<vmem>>
        %parallel_loop3A_1031 = tpu.memref_squeeze %parallel_loop3A_1030 : memref<1x64x128xf32, #tpu.memory_space<vmem>> -> memref<64x128xf32, #tpu.memory_space<vmem>>
        tpu.vector_store_idx %parallel_loop3A_1031[%parallel_loop3A_983, %add3A_958], %parallel_loop3A_1027 : memref<64x128xf32, #tpu.memory_space<vmem>>[vector<16xi32>, vector<16xi32>], vector<16xf32>,
      } {sc.loop_unroll_factor = 4 : i64, sc.parallel_access}
      %dma_start3A_963 = arith.constant 3 : i32
      %dma_start3A_964 = arith.constant 0 : i32
      %dma_start3A_965 = arith.constant 0 : i32
      %dma_start3A_966 = tpu.memref_slice %arg7[%dma_start3A_963, %dma_start3A_964, %dma_start3A_965] : memref<4x64x128xf32, #tpu.memory_space<vmem>> -> memref<1x64x128xf32, #tpu.memory_space<vmem>>
      %dma_start3A_967 = tpu.memref_squeeze %dma_start3A_966 : memref<1x64x128xf32, #tpu.memory_space<vmem>> -> memref<64x128xf32, #tpu.memory_space<vmem>>
      %dma_start3A_968 = arith.constant 0 : i32
      %dma_start3A_969 = tpu.memref_slice %arg4[%add3A_753, %dma_start3A_968, %mul3A_2] : memref<200x64x4096xf32, #tpu.memory_space<hbm>> -> memref<1x64x128xf32, #tpu.memory_space<hbm>>
      %dma_start3A_970 = tpu.memref_squeeze %dma_start3A_969 : memref<1x64x128xf32, #tpu.memory_space<hbm>> -> memref<64x128xf32, #tpu.memory_space<hbm>>
      %dma_start3A_971 = arith.constant 0 : i32
      %dma_start3A_972 = tpu.memref_slice %arg4[%add3A_753, %dma_start3A_971, %mul3A_2] : memref<200x64x4096xf32, #tpu.memory_space<hbm>> -> memref<1x64x128xf32, #tpu.memory_space<hbm>>
      %dma_start3A_973 = tpu.memref_squeeze %dma_start3A_972 : memref<1x64x128xf32, #tpu.memory_space<hbm>> -> memref<64x128xf32, #tpu.memory_space<hbm>>
      %dma_start3A_974 = arith.constant 0 : i32
      %dma_start3A_975 = arith.constant 0 : i32
      %dma_start3A_976 = tpu.memref_slice %arg7[%dma_start3A_963, %dma_start3A_974, %dma_start3A_975] : memref<4x64x128xf32, #tpu.memory_space<vmem>> -> memref<1x64x128xf32, #tpu.memory_space<vmem>>
      %dma_start3A_977 = tpu.memref_squeeze %dma_start3A_976 : memref<1x64x128xf32, #tpu.memory_space<vmem>> -> memref<64x128xf32, #tpu.memory_space<vmem>>
      tpu.enqueue_dma source(%dma_start3A_977 : memref<64x128xf32, #tpu.memory_space<vmem>>) target(%dma_start3A_973 : memref<64x128xf32, #tpu.memory_space<hbm>>) target_semaphore(%arg13 : memref<!tpu.dma_semaphore, #tpu.memory_space<semaphore_mem>>)
    }
    %scan3A_12 = arith.constant 50 : i32
    %dma_wait3A = arith.constant 0 : i32
    %dma_wait3A_13 = arith.constant 196 : i32
    %dma_wait3A_14 = arith.constant 0 : i32
    %dma_wait3A_15 = arith.constant 0 : i32
    %dma_wait3A_16 = tpu.memref_slice %arg7[%dma_wait3A, %dma_wait3A_14, %dma_wait3A_15] : memref<4x64x128xf32, #tpu.memory_space<vmem>> -> memref<1x64x128xf32, #tpu.memory_space<vmem>>
    %dma_wait3A_17 = tpu.memref_squeeze %dma_wait3A_16 : memref<1x64x128xf32, #tpu.memory_space<vmem>> -> memref<64x128xf32, #tpu.memory_space<vmem>>
    %dma_wait3A_18 = arith.constant 0 : i32
    %dma_wait3A_19 = tpu.memref_slice %arg4[%dma_wait3A_13, %dma_wait3A_18, %mul3A_2] : memref<200x64x4096xf32, #tpu.memory_space<hbm>> -> memref<1x64x128xf32, #tpu.memory_space<hbm>>
    %dma_wait3A_20 = tpu.memref_squeeze %dma_wait3A_19 : memref<1x64x128xf32, #tpu.memory_space<hbm>> -> memref<64x128xf32, #tpu.memory_space<hbm>>
    %dma_wait3A_21 = arith.constant 0 : i32
    %dma_wait3A_22 = tpu.memref_slice %arg4[%dma_wait3A_13, %dma_wait3A_21, %mul3A_2] : memref<200x64x4096xf32, #tpu.memory_space<hbm>> -> memref<1x64x128xf32, #tpu.memory_space<hbm>>
    %dma_wait3A_23 = tpu.memref_squeeze %dma_wait3A_22 : memref<1x64x128xf32, #tpu.memory_space<hbm>> -> memref<64x128xf32, #tpu.memory_space<hbm>>
    %dma_wait3A_24 = arith.constant 0 : i32
    %dma_wait3A_25 = arith.constant 0 : i32
    %dma_wait3A_26 = tpu.memref_slice %arg7[%dma_wait3A, %dma_wait3A_24, %dma_wait3A_25] : memref<4x64x128xf32, #tpu.memory_space<vmem>> -> memref<1x64x128xf32, #tpu.memory_space<vmem>>
    %dma_wait3A_27 = tpu.memref_squeeze %dma_wait3A_26 : memref<1x64x128xf32, #tpu.memory_space<vmem>> -> memref<64x128xf32, #tpu.memory_space<vmem>>
    tpu.wait_dma2 semaphore(%arg10 : memref<!tpu.dma_semaphore, #tpu.memory_space<semaphore_mem>>) src(%dma_wait3A_27 : memref<64x128xf32, #tpu.memory_space<vmem>>) dst(%dma_wait3A_23 : memref<64x128xf32, #tpu.memory_space<hbm>>)
    %dma_wait3A_28 = arith.constant 1 : i32
    %dma_wait3A_29 = arith.constant 197 : i32
    %dma_wait3A_30 = arith.constant 0 : i32
    %dma_wait3A_31 = arith.constant 0 : i32
    %dma_wait3A_32 = tpu.memref_slice %arg7[%dma_wait3A_28, %dma_wait3A_30, %dma_wait3A_31] : memref<4x64x128xf32, #tpu.memory_space<vmem>> -> memref<1x64x128xf32, #tpu.memory_space<vmem>>
    %dma_wait3A_33 = tpu.memref_squeeze %dma_wait3A_32 : memref<1x64x128xf32, #tpu.memory_space<vmem>> -> memref<64x128xf32, #tpu.memory_space<vmem>>
    %dma_wait3A_34 = arith.constant 0 : i32
    %dma_wait3A_35 = tpu.memref_slice %arg4[%dma_wait3A_29, %dma_wait3A_34, %mul3A_2] : memref<200x64x4096xf32, #tpu.memory_space<hbm>> -> memref<1x64x128xf32, #tpu.memory_space<hbm>>
    %dma_wait3A_36 = tpu.memref_squeeze %dma_wait3A_35 : memref<1x64x128xf32, #tpu.memory_space<hbm>> -> memref<64x128xf32, #tpu.memory_space<hbm>>
    %dma_wait3A_37 = arith.constant 0 : i32
    %dma_wait3A_38 = tpu.memref_slice %arg4[%dma_wait3A_29, %dma_wait3A_37, %mul3A_2] : memref<200x64x4096xf32, #tpu.memory_space<hbm>> -> memref<1x64x128xf32, #tpu.memory_space<hbm>>
    %dma_wait3A_39 = tpu.memref_squeeze %dma_wait3A_38 : memref<1x64x128xf32, #tpu.memory_space<hbm>> -> memref<64x128xf32, #tpu.memory_space<hbm>>
    %dma_wait3A_40 = arith.constant 0 : i32
    %dma_wait3A_41 = arith.constant 0 : i32
    %dma_wait3A_42 = tpu.memref_slice %arg7[%dma_wait3A_28, %dma_wait3A_40, %dma_wait3A_41] : memref<4x64x128xf32, #tpu.memory_space<vmem>> -> memref<1x64x128xf32, #tpu.memory_space<vmem>>
    %dma_wait3A_43 = tpu.memref_squeeze %dma_wait3A_42 : memref<1x64x128xf32, #tpu.memory_space<vmem>> -> memref<64x128xf32, #tpu.memory_space<vmem>>
    tpu.wait_dma2 semaphore(%arg11 : memref<!tpu.dma_semaphore, #tpu.memory_space<semaphore_mem>>) src(%dma_wait3A_43 : memref<64x128xf32, #tpu.memory_space<vmem>>) dst(%dma_wait3A_39 : memref<64x128xf32, #tpu.memory_space<hbm>>)
    %dma_wait3A_44 = arith.constant 2 : i32
    %dma_wait3A_45 = arith.constant 198 : i32
    %dma_wait3A_46 = arith.constant 0 : i32
    %dma_wait3A_47 = arith.constant 0 : i32
    %dma_wait3A_48 = tpu.memref_slice %arg7[%dma_wait3A_44, %dma_wait3A_46, %dma_wait3A_47] : memref<4x64x128xf32, #tpu.memory_space<vmem>> -> memref<1x64x128xf32, #tpu.memory_space<vmem>>
    %dma_wait3A_49 = tpu.memref_squeeze %dma_wait3A_48 : memref<1x64x128xf32, #tpu.memory_space<vmem>> -> memref<64x128xf32, #tpu.memory_space<vmem>>
    %dma_wait3A_50 = arith.constant 0 : i32
    %dma_wait3A_51 = tpu.memref_slice %arg4[%dma_wait3A_45, %dma_wait3A_50, %mul3A_2] : memref<200x64x4096xf32, #tpu.memory_space<hbm>> -> memref<1x64x128xf32, #tpu.memory_space<hbm>>
    %dma_wait3A_52 = tpu.memref_squeeze %dma_wait3A_51 : memref<1x64x128xf32, #tpu.memory_space<hbm>> -> memref<64x128xf32, #tpu.memory_space<hbm>>
    %dma_wait3A_53 = arith.constant 0 : i32
    %dma_wait3A_54 = tpu.memref_slice %arg4[%dma_wait3A_45, %dma_wait3A_53, %mul3A_2] : memref<200x64x4096xf32, #tpu.memory_space<hbm>> -> memref<1x64x128xf32, #tpu.memory_space<hbm>>
    %dma_wait3A_55 = tpu.memref_squeeze %dma_wait3A_54 : memref<1x64x128xf32, #tpu.memory_space<hbm>> -> memref<64x128xf32, #tpu.memory_space<hbm>>
    %dma_wait3A_56 = arith.constant 0 : i32
    %dma_wait3A_57 = arith.constant 0 : i32
    %dma_wait3A_58 = tpu.memref_slice %arg7[%dma_wait3A_44, %dma_wait3A_56, %dma_wait3A_57] : memref<4x64x128xf32, #tpu.memory_space<vmem>> -> memref<1x64x128xf32, #tpu.memory_space<vmem>>
    %dma_wait3A_59 = tpu.memref_squeeze %dma_wait3A_58 : memref<1x64x128xf32, #tpu.memory_space<vmem>> -> memref<64x128xf32, #tpu.memory_space<vmem>>
    tpu.wait_dma2 semaphore(%arg12 : memref<!tpu.dma_semaphore, #tpu.memory_space<semaphore_mem>>) src(%dma_wait3A_59 : memref<64x128xf32, #tpu.memory_space<vmem>>) dst(%dma_wait3A_55 : memref<64x128xf32, #tpu.memory_space<hbm>>)
    %dma_wait3A_60 = arith.constant 3 : i32
    %dma_wait3A_61 = arith.constant 199 : i32
    %dma_wait3A_62 = arith.constant 0 : i32
    %dma_wait3A_63 = arith.constant 0 : i32
    %dma_wait3A_64 = tpu.memref_slice %arg7[%dma_wait3A_60, %dma_wait3A_62, %dma_wait3A_63] : memref<4x64x128xf32, #tpu.memory_space<vmem>> -> memref<1x64x128xf32, #tpu.memory_space<vmem>>
    %dma_wait3A_65 = tpu.memref_squeeze %dma_wait3A_64 : memref<1x64x128xf32, #tpu.memory_space<vmem>> -> memref<64x128xf32, #tpu.memory_space<vmem>>
    %dma_wait3A_66 = arith.constant 0 : i32
    %dma_wait3A_67 = tpu.memref_slice %arg4[%dma_wait3A_61, %dma_wait3A_66, %mul3A_2] : memref<200x64x4096xf32, #tpu.memory_space<hbm>> -> memref<1x64x128xf32, #tpu.memory_space<hbm>>
    %dma_wait3A_68 = tpu.memref_squeeze %dma_wait3A_67 : memref<1x64x128xf32, #tpu.memory_space<hbm>> -> memref<64x128xf32, #tpu.memory_space<hbm>>
    %dma_wait3A_69 = arith.constant 0 : i32
    %dma_wait3A_70 = tpu.memref_slice %arg4[%dma_wait3A_61, %dma_wait3A_69, %mul3A_2] : memref<200x64x4096xf32, #tpu.memory_space<hbm>> -> memref<1x64x128xf32, #tpu.memory_space<hbm>>
    %dma_wait3A_71 = tpu.memref_squeeze %dma_wait3A_70 : memref<1x64x128xf32, #tpu.memory_space<hbm>> -> memref<64x128xf32, #tpu.memory_space<hbm>>
    %dma_wait3A_72 = arith.constant 0 : i32
    %dma_wait3A_73 = arith.constant 0 : i32
    %dma_wait3A_74 = tpu.memref_slice %arg7[%dma_wait3A_60, %dma_wait3A_72, %dma_wait3A_73] : memref<4x64x128xf32, #tpu.memory_space<vmem>> -> memref<1x64x128xf32, #tpu.memory_space<vmem>>
    %dma_wait3A_75 = tpu.memref_squeeze %dma_wait3A_74 : memref<1x64x128xf32, #tpu.memory_space<vmem>> -> memref<64x128xf32, #tpu.memory_space<vmem>>
    tpu.wait_dma2 semaphore(%arg13 : memref<!tpu.dma_semaphore, #tpu.memory_space<semaphore_mem>>) src(%dma_wait3A_75 : memref<64x128xf32, #tpu.memory_space<vmem>>) dst(%dma_wait3A_71 : memref<64x128xf32, #tpu.memory_space<hbm>>)
    return
  }
}

module attributes {stable_mosaic.version = 14 : i64} {
  func.func @body(%arg0: memref<1000x64xf32, #tpu.memory_space<vmem>>, %arg1: memref<1000x1xf32, #tpu.memory_space<vmem>>, %arg2: memref<1000x64xf32, #tpu.memory_space<vmem>>) attributes {dimension_semantics = [], scalar_prefetch = 0 : i64, scratch_operands = 0 : i64, tpu.core_type = #tpu.core_type<tc>} {
    %iota3A = tpu.iota {dimensions = array<i32: 0>} : vector<1000x64xi32>
    %eq3A = arith.constant 0 : i32
    %eq3A_0 = vector.broadcast %eq3A : i32 to vector<1000x64xi32>
    %eq3A_1 = arith.cmpi eq, %iota3A, %eq3A_0 : vector<1000x64xi32>
    %get3A = arith.constant 0 : index
    %get3A_2 = arith.constant 0 : index
    %get3A_3 = vector.load %arg0[%get3A, %get3A_2] : memref<1000x64xf32, #tpu.memory_space<vmem>>, vector<1000x64xf32>
    %get3A_4 = arith.constant 0 : index
    %get3A_5 = arith.constant 0 : index
    %get3A_6 = vector.load %arg1[%get3A_4, %get3A_5] : memref<1000x1xf32, #tpu.memory_space<vmem>>, vector<1000x1xf32>
    %mul3A = vector.broadcast %get3A_6 : vector<1000x1xf32> to vector<1000x64xf32>
    %mul3A_7 = arith.mulf %get3A_3, %mul3A : vector<1000x64xf32>
    %jit3A = arith.constant 0.000000e+00 : f32
    %broadcast_in_dim3A = vector.broadcast %jit3A : f32 to vector<1000x64xf32>
    %select_n3A = arith.select %eq3A_1, %broadcast_in_dim3A, %mul3A_7 : vector<1000x64xi1>, vector<1000x64xf32>
    %swap3A = arith.constant 0 : index
    %swap3A_8 = arith.constant 0 : index
    %swap3A_9 = vector.load %arg2[%swap3A, %swap3A_8] : memref<1000x64xf32, #tpu.memory_space<vmem>>, vector<1000x64xf32>
    tpu.vector_store %arg2[%swap3A, %swap3A_8], %select_n3A {strides = array<i32>} : memref<1000x64xf32, #tpu.memory_space<vmem>>, vector<1000x64xf32>,
    return
  }
}

</mosaic_0001>

<sc_bundles>
// kernel: kernel.4.cloned.1.call-start
scs
__scs_entry_jumppad:
0x0: {  	(pc) =	sbr.rel $0x88, $3  }
0x1: {  	(tag) =	ssettag $0x0;
	lr =	simm.s32 $0x1  }
0x2: {  	[smem:$0x3F9E] =	sst lr;
	_ =	strace $0xD0000000  }
0x3: {  	_ = 	snop  }
0x4: {  	_ = 	snop  }
0x5: {  	_ = 	snop  }
0x6: {  	_ = 	snop  }
0x7: {  	_ = 	snop  }
__scs_overlays_trampoline_lowered:
0x8: {  	[smem:$0x3FAD] =	sst s0  }
0x9: {  	[smem:$0x3FAE] =	sst s1  }
0xa: {  	[smem:$0x3FAF] =	sst s2  }
0xb: {  	[smem:$0x3FB0] =	sst s3  }
0xc: {  	[smem:$0x3FB1] =	sst s4  }
0xd: {  	[smem:$0x3FB2] =	sst s5  }
0xe: {  	[smem:$0x3FB3] =	sst s6  }
0xf: {  	[smem:$0x3FB4] =	sst s7  }
0x10: {  	[smem:$0x3FB5] =	sst s8  }
0x11: {  	[smem:$0x3FB6] =	sst s9;
	s0 =	simm.s32 @!p0 $0x0  }
0x12: {  	s1 =	sld [smem:$0x3F9C];
	s0 =	simm.s32 @p0 $0x1  }
0x13: {  	[smem:$0x3FB7] =	sst s0;
	s0 =	simm.s32 @!p1 $0x0  }
0x14: {  	s2 =	sld [smem:$0x3F9B];
	s0 =	simm.s32 @p1 $0x1  }
0x15: {  	[smem:$0x3FB8] =	sst s0;
	s0 =	simm.s32 @!p2 $0x0  }
0x16: {  	s3 =	sld [smem:$0x3FDB];
	s0 =	simm.s32 @p2 $0x1  }
0x17: {  	s4 =	simm.s32 $0x1BF5;
	[smem:$0x3FBA] =	sst s0  }
0x18: {  	s0 =	sld [smem:$0x3F9D];
	_ =	swait.ge [sflag:s4], $0x0  }
0x19: {  	s7 =	sld [smem:$0x3F9E]  }
0x1a: {  	s8 =	sadd.s32 $0xFFFFE003, lr  }
0x1b: {  	s9 =	sadd.s32 $0xFFFFFEF7, lr;
	s5 =	simm.s32 $0xFFFFFFFF;
	p2 =	slt.u32 s8, $0xFFFFF086  }
0x1c: {  	p1 =	slt.u32 s9, $0xF7A;
	s5 =	simm.s32 @!p2 $0x0  }
0x1d: {  	s5 =	simm.s32 @p1 $0x1;
	p0 =	seq.s32 s7, s2  }
0x1e: {  	s7 =	smul.u32 @!p0 $0xF7A, s2;
	p2 =	seq.s32 @!p0 s5, $0x0  }
0x1f: {  	s9 =	smul.u32 $0xF7A, s1;
	s8 =	simm.s32 @!p0 $0x1BF5;
	p2 =	por !p2, p0  }
0x20: {  	[sflag:s8] =	ssyncset.s32 @!p0 $0xFFFFF086;
	s6 =	sadd.s32 @!p0 s3, s7;
	s7 =	simm.s32 @!p0 $0x108  }
0x21: {  	s3 =	sadd.s32 s3, s9;
	s6 =	sadd.s32 @!p0 $0x88, s6;
	s7 =	simm.s32 @p2 $0x1082  }
0x22: {  	[simem:s7], [sflag:s8] =	dma.local @!p0 [hbm:s6], $0xF7A  }
0x23: {  	s9 =	sor.u32 $0xD0000000, s2;
	s6 =	simm.s32 $0x108;
	_ =	swait.ge @!p0 [sflag:s8], $0x0  }
0x24: {  	s3 =	sadd.s32 $0x88, s3;
	s6 =	simm.s32 @!p1 $0x1082;
	[sflag:s4] =	ssyncset.s32 $0xFFFFF086  }
0x25: {  	[simem:s6], [sflag:s4] =	dma.local [hbm:s3], $0xF7A  }
0x26: {  	[smem:$0x3F9E] =	sst s1;
	(tag) =	ssettag s2;
	_ =	strace s9  }
0x27: {  	s1 =	sld [smem:$0x3FAE]  }
0x28: {  	s2 =	sld [smem:$0x3FAF]  }
0x29: {  	s4 =	sld [smem:$0x3FB1]  }
0x2a: {  	p0 =	seq.s32 s5, $0x0;
	s5 =	sld [smem:$0x3FB2]  }
0x2b: {  	s6 =	sld [smem:$0x3FB3]  }
0x2c: {  	s7 =	sld [smem:$0x3FB4]  }
0x2d: {  	s3 =	simm.s32 $0x108;
	s8 =	sld [smem:$0x3FB5]  }
0x2e: {  	s3 =	simm.s32 @!p0 $0x1082;
	s9 =	sld [smem:$0x3FB6]  }
0x2f: {  	lr =	sadd.s32 s0, s3;
	s0 =	sld [smem:$0x3FAD]  }
0x30: {  	s3 =	sld [smem:$0x3FB0]  }
0x31: {  	[smem:$0x3FB9] =	sst s10  }
0x32: {  	s10 =	sld [smem:$0x3FB7];
	_ =	sdelay $0x3  }
0x33: {  	p0 =	seq.s32 s10, $0x1;
	s10 =	sld [smem:$0x3FB9];
	_ =	sdelay $0x3  }
0x34: {  	[smem:$0x3FB9] =	sst s10  }
0x35: {  	s10 =	sld [smem:$0x3FB8];
	_ =	sdelay $0x3  }
0x36: {  	p1 =	seq.s32 s10, $0x1;
	s10 =	sld [smem:$0x3FB9];
	_ =	sdelay $0x3  }
0x37: {  	[smem:$0x3FB9] =	sst s10  }
0x38: {  	s10 =	sld [smem:$0x3FBA]  }
0x39: {  	_ = 	snop;
	(pc) =	sbr.ind lr, $3  }
0x3a: {  	_ = 	snop  }
0x3b: {  	_ = 	snop  }
0x3c: {  	p2 =	seq.s32 s10, $0x1;
	s10 =	sld [smem:$0x3FB9]  }
0x3d: {  	_ =	shalt  }
0x3e: {  	_ =	shalt  }
0x3f: {  	_ =	shalt  }
0x40: {  	_ =	shalt  }
0x41: {  	_ =	shalt  }
0x42: {  	_ =	shalt  }
0x43: {  	_ =	shalt  }
0x44: {  	_ =	shalt  }
0x45: {  	_ =	shalt  }
0x46: {  	_ =	shalt  }
0x47: {  	_ =	shalt  }
0x48: {  	_ =	shalt  }
0x49: {  	_ =	shalt  }
0x4a: {  	_ =	shalt  }
0x4b: {  	_ =	shalt  }
0x4c: {  	_ =	shalt  }
0x4d: {  	_ =	shalt  }
0x4e: {  	_ =	shalt  }
0x4f: {  	_ =	shalt  }
0x50: {  	_ =	shalt  }
0x51: {  	_ =	shalt  }
0x52: {  	_ =	shalt  }
0x53: {  	_ =	shalt  }
0x54: {  	_ =	shalt  }
0x55: {  	_ =	shalt  }
0x56: {  	_ =	shalt  }
0x57: {  	_ =	shalt  }
0x58: {  	_ =	shalt  }
0x59: {  	_ =	shalt  }
0x5a: {  	_ =	shalt  }
0x5b: {  	_ =	shalt  }
0x5c: {  	_ =	shalt  }
0x5d: {  	_ =	shalt  }
0x5e: {  	_ =	shalt  }
0x5f: {  	_ =	shalt  }
0x60: {  	_ =	shalt  }
0x61: {  	_ =	shalt  }
0x62: {  	_ =	shalt  }
0x63: {  	_ =	shalt  }
0x64: {  	_ =	shalt  }
0x65: {  	_ =	shalt  }
0x66: {  	_ =	shalt  }
0x67: {  	_ =	shalt  }
0x68: {  	_ =	shalt  }
0x69: {  	_ =	shalt  }
0x6a: {  	_ =	shalt  }
0x6b: {  	_ =	shalt  }
0x6c: {  	_ =	shalt  }
0x6d: {  	_ =	shalt  }
0x6e: {  	_ =	shalt  }
0x6f: {  	_ =	shalt  }
0x70: {  	_ =	shalt  }
0x71: {  	_ =	shalt  }
0x72: {  	_ =	shalt  }
0x73: {  	_ =	shalt  }
0x74: {  	_ =	shalt  }
0x75: {  	_ =	shalt  }
0x76: {  	_ =	shalt  }
0x77: {  	_ =	shalt  }
0x78: {  	_ =	shalt  }
0x79: {  	_ =	shalt  }
0x7a: {  	_ =	shalt  }
0x7b: {  	_ =	shalt  }
0x7c: {  	_ =	shalt  }
0x7d: {  	_ =	shalt  }
0x7e: {  	_ =	shalt  }
0x7f: {  	_ =	shalt  }
0x80: {  	_ =	shalt  }
0x81: {  	_ =	shalt  }
0x82: {  	_ =	shalt  }
0x83: {  	_ =	shalt  }
0x84: {  	_ =	shalt  }
0x85: {  	_ =	shalt  }
0x86: {  	_ =	shalt  }
0x87: {  	_ =	shalt  }
.Lfunc_end0:
.L_simem_size_0:
called_computation_lowered:
.L_overlay_start_0:
0x88: {  	s2 =	sld [smem:$0x3FD9]  }
0x89: {  	s3 =	sld [smem:$0x3FFE];
	_ =	sdelay $0x1  }
0x8a: {  	s1 =	srdreg.scid  }
0x8b: {  	s0 =	sand.u32 $0x1, s1  }
0x8c: {  	s17 =	sshll.u32 s0, $0xA;
	s2 =	sadd.s32 s3, s2  }
0x8d: {  	s2 =	sadd.s32 s2, s17  }
0x8e: {  	[smem:$0x3FC5] =	sst s2  }
0x8f: {  	_ = 	snop  }
0x90: {  	s2 =	sld [smem:$0x3FD0];
	(tm) =	ssettm $0x1  }
0x91: {  	s18 =	sld [smem:$0x3FFB];
	_ =	sdelay $0x3  }
0x92: {  	_ =	strace s18  }
0x93: {  	s3 =	sld [smem:$0x3FFC];
	_ =	sdelay $0x3  }
0x94: {  	_ =	strace s3  }
0x95: {  	s3 =	sld [smem:$0x3FFD];
	_ =	sdelay $0x3  }
0x96: {  	_ =	strace s3  }
0x97: {  	_ =	strace $0x8FFFFFFF  }
0x98: {  	s19 =	sld [smem:$0x3FDB];
	_ =	sdelay $0x1  }
0x99: {  	s4 =	simm.s32 $_scs_section_size  }
0x9a: {  	s5 =	simm.s32 $_size__tile_overlayer_lowered;
	s6 =	simm.s32 $_tile_overlayer_lowered  }
0x9b: {  	s22 =	simm.s32 $0x1BFF;
	s21 =	sshll.u32 s6, $0x1;
	s3 =	sadd.s32 s4, s19  }
0x9c: {  	s7 =	simm.s32 $0x0;
	s20 =	sshll.u32 s5, $0x1;
	s5 =	sadd.s32 s21, s3  }
0x9d: {  	[timem:s7], [sflag:s22] =	dma.local [hbm:s5], s20  }
0x9e: {  	_ =	swait.ge [sflag:s22], s20  }
0x9f: {  	s4 =	ssub.s32 $0x0, s20;
	[sflag:s22] =	ssyncset.done $0x0  }
0xa0: {  	[sflag:s22] =	ssyncadd.s32 s4;
	_ =	sdelay $0x1  }
0xa1: {  	s23 =	simm.s32 $0x1B8B  }
0xa2: {  	_ =	swait.ge [sflag:s23], $0x1  }
0xa3: {  	[sflag:s23] =	ssyncset.done $0x0  }
0xa4: {  	s25 =	simm.s32 $0x1B8E;
	s24 =	sld [smem:$0x3FFE];
	[sflag:s23] =	ssyncadd.s32 $0xFFFFFFFF  }
0xa5: {  	s26 =	simm.s32 $execute0_lowered;
	[smem:$0x3FD2] =	sst s25  }
0xa6: {  	s5 =	sshll.u32 s26, $0x1;
	_ =	strace $0x80000046;
	[dreg:$0x1] =	wrdreg $0xFFFFFFFF  }
0xa7: {  	s28 =	simm.s32 $_size_execute0_lowered;
	s3 =	sadd.s32 s3, s5;
	[dreg:$0x0] =	wrdreg $0x0  }
0xa8: {  	s5 =	sshll.u32 s28, $0x1;
	[dreg:$0x2] =	wrdreg s3  }
0xa9: {  	[dreg:$0x3] =	wrdreg s5  }
0xaa: {  	[dreg:$0x4] =	wrdreg $0xC0  }
0xab: {  	_ =	task [dreg:s7], $0x5FFFF  }
0xac: {  	[dreg:$0x1] =	wrdreg $0xFFFFFFFF  }
0xad: {  	[dreg:$0x0] =	wrdreg $0x60  }
0xae: {  	[dreg:$0x2] =	wrdreg s24  }
0xaf: {  	[dreg:$0x3] =	wrdreg s2  }
0xb0: {  	[dreg:$0x4] =	wrdreg $0x9  }
0xb1: {  	_ =	task.clear_ibuf [dreg:s7], $0x5FFFF;
	_ =	strace $0x90000046  }
0xb2: {  	s29 =	simm.s32 $0x9;
	_ =	strace $0x80000048  }
0xb3: {  	_ =	swait.ge [sflag:s29], $0x1  }
0xb4: {  	[sflag:s29] =	ssyncadd.s32 $0xFFFFFFFF  }
0xb5: {  	_ =	strace $0x90000048  }
0xb6: {  	_ =	sfence  }
0xb7: {  	s30 =	sld [smem:$0x0];
	_ =	sdelay $0x2  }
0xb8: {  	s31 =	sshll.u32 s1, $0xD;
	s1 =	sshrl.u32 s1, $0x2  }
0xb9: {  	s3 =	sand.u32 $0x4000, s31;
	s1 =	sadd.s32 s1, s30  }
0xba: {  	s0 =	sor.u32 s3, s0;
	s1 =	sshll.u32 s1, $0x11  }
0xbb: {  	s0 =	sor.u32 s1, s0  }
0xbc: {  	s0 =	sadd.s32 $0x8F2B, s0  }
0xbd: {  	[sflag:s0] =	ssyncadd.remote.s32 $0x1  }
0xbe: {  	_ =	sfence.sel $0xFFFF  }
0xbf: {  	[dreg:$0x0] =	wrdreg $0xFFFFFFFF;
	(pc) =	sbr.abs _section_cstart, $3  }
0xc0: {  	[dreg:$0x1] =	wrdreg $0xFFFFFFFF  }
0xc1: {  	_ =	task.clear_ibuf [dreg:s7], $0x2FFFF;
	_ =	strace $0x9FFFFFFF  }
0xc2: {  	(tm) =	ssettm $0x7FFFFFFF  }
0xc3: {  	_ =	shalt  }
tec
execute0_lowered:
.L_overlay_start_1:
0x0: {  	(tag) =	ssettag $0x1  }
0x1: {  	s1 =	srdreg.scid  }
0x2: {  	s0 =	stileid.u32;
	s4 =	rddreg [dreg:$0x0]  }
0x3: {  	s2 =	rddreg [dreg:$0x1];
	s3 =	simm.s32 $0x0;
	s9 =	simm.s32 $0xFC00;
	v45 =	vlaneseq.u32  }
0x4: {  	s10 =	simm.s32 $0x16000;
	s11 =	simm.s32 $0x400;
	[smem:$0x7FF] =	sst s3;
	v46 =	vor.u32 $0x20, v45  }
0x5: {  	s5 =	sand.u32 $0x1, s1;
	s1 =	rddreg [dreg:$0x2];
	v47 =	vor.u32 $0x30, v45;
	_ =	strace $0x80000047;
	[tilespmem:$0x1FF90] =	vst v46  }
0x6: {  	s12 =	simm.s32 $0x8000;
	s13 =	simm.s32 $0x18000;
	s14 =	simm.s32 $0x1A000;
	v48 =	vor.u32 $0x40, v45;
	[tilespmem:$0x1FFA0] =	vst v47  }
0x7: {  	s15 =	simm.s32 $0x1C000;
	s16 =	simm.s32 $0x1;
	s31 =	sshll.u32 s0, $0x1;
	v49 =	vor.u32 $0x50, v45;
	[tilespmem:$0x1FFB0] =	vst v48  }
0x8: {  	s17 =	simm.s32 $0x2;
	s18 =	simm.s32 $0x3;
	v50 =	vor.u32 $0x60, v45;
	s6 =	sor.u32 s5, s31;
	[tilespmem:$0x1FFC0] =	vst v49  }
0x9: {  	s19 =	simm.s32 $0x4;
	v51 =	vor.u32 $0x70, v45;
	s5 =	ssub.s32 $0x2, s5;
	[tilespmem:$0x1FFD0] =	vst v50;
	s7 =	smul.u32 $0xC80, s6  }
0xa: {  	s20 =	simm.s32 $0x0;
	v0 =	vmul.u32 $0xC8, v45;
	v24 =	vor.u32 $0x10, v45;
	[tilespmem:$0x1FFE0] =	vst v51;
	s8 =	sshrl.u32 s5, $0x1;
	s6 =	sshll.u32 s6, $0xA  }
0xb: {  	[tilespmem:$0x1FFF0] =	vst v24;
	s8 =	ssub.s32 s5, s8;
	s7 =	sadd.s32 s7, s4;
	s4 =	sadd.s32 $0x600, s4  }
0xc: {  	[tilespmem:$0x1FF80] =	vst v0;
	s5 =	sadd.s32 $0x2600, s7;
	s7 =	smax.u32 s8, $0x1;
	s8 =	simm.s32 $0x5  }
.LBB2_1:
0xd: {  	[tilespmem:s3], [sflag:$0x5] =	stream.linear.gather [hbm4b:s4+s3], $0xFA00, $0x38;
	[tilespmem:$0x1E100] =	vst v63  }
0xe: {  	_ =	swait.ge [sflag:s8], $0xFA00  }
0xf: {  	[sflag:s8] =	ssyncset.done $0x0  }
0x10: {  	[sflag:s8] =	ssyncadd.s32 $0xFFFF0600  }
0x11: {  	[tilespmem:s9], [sflag:$0x5] =	stream.linear.gather [hbm4b:s5+s3], $0x6400, $0x38;
	[tilespmem:$0x1E100] =	vst v63  }
0x12: {  	_ =	swait.ge [sflag:s8], $0x6400  }
0x13: {  	[sflag:s8] =	ssyncset.done $0x0  }
0x14: {  	s21 =	simm.s32 $0x0;
	[sflag:s8] =	ssyncadd.s32 $0xFFFF9C00  }
.LBB2_2:
0x15: {  	v3 =	vld [tilespmem:$0x1FF80];
	_ =	sdelay $0x3  }
0x16: {  	s22 =	sshll.u32 s21, $0x2  }
0x17: {  	v0 =	vadd.s32 s22, v3;
	_ =	sdelay $0x4  }
0x18: {  	v0 =	vld.idx.msk [tilespmem:v0+s9+$0x0], $0xffff;
	_ =	sdelay $0x1  }
0x19: {  	s23 =	sadd.s32 $0xC80, s22  }
0x1a: {  	v1 =	vadd.s32 s23, v3;
	_ =	sdelay $0x1  }
0x1b: {  	v2 =	vshrl.u32 v0, $0x1;
	v0 =	vshll.u32 v0, $0x6  }
0x1c: {  	[tilespmem:$0x1E000] =	vst v2;
	v0 =	vand.u32 $0x40, v0  }
0x1d: {  	[tilespmem:$0x1E080] =	vst v0  }
0x1e: {  	v0 =	vld.idx.msk [tilespmem:v1+s9+$0x0], $0xffff;
	_ =	sdelay $0x1  }
0x1f: {  	s25 =	sor.u32 $0x1900, s22  }
0x20: {  	v1 =	vadd.s32 s25, v3;
	_ =	sdelay $0x1  }
0x21: {  	v2 =	vshrl.u32 v0, $0x1;
	v0 =	vshll.u32 v0, $0x6  }
0x22: {  	[tilespmem:$0x1E010] =	vst v2;
	v0 =	vand.u32 $0x40, v0  }
0x23: {  	[tilespmem:$0x1E090] =	vst v0  }
0x24: {  	v0 =	vld.idx.msk [tilespmem:v1+s9+$0x0], $0xffff;
	_ =	sdelay $0x1  }
0x25: {  	s26 =	sadd.s32 $0x2580, s22  }
0x26: {  	v1 =	vadd.s32 s26, v3;
	_ =	sdelay $0x1  }
0x27: {  	v2 =	vshrl.u32 v0, $0x1;
	v0 =	vshll.u32 v0, $0x6  }
0x28: {  	[tilespmem:$0x1E020] =	vst v2;
	v0 =	vand.u32 $0x40, v0  }
0x29: {  	[tilespmem:$0x1E0A0] =	vst v0  }
0x2a: {  	v0 =	vld.idx.msk [tilespmem:v1+s9+$0x0], $0xffff;
	_ =	sdelay $0x1  }
0x2b: {  	s28 =	sor.u32 $0x3200, s22  }
0x2c: {  	v1 =	vadd.s32 s28, v3;
	_ =	sdelay $0x1  }
0x2d: {  	v2 =	vshrl.u32 v0, $0x1;
	v0 =	vshll.u32 v0, $0x6  }
0x2e: {  	[tilespmem:$0x1E030] =	vst v2;
	v0 =	vand.u32 $0x40, v0  }
0x2f: {  	[tilespmem:$0x1E0B0] =	vst v0  }
0x30: {  	v0 =	vld.idx.msk [tilespmem:v1+s9+$0x0], $0xffff;
	_ =	sdelay $0x1  }
0x31: {  	s29 =	sadd.s32 $0x3E80, s22  }
0x32: {  	v1 =	vadd.s32 s29, v3;
	_ =	sdelay $0x1  }
0x33: {  	v2 =	vshrl.u32 v0, $0x1;
	v0 =	vshll.u32 v0, $0x6  }
0x34: {  	[tilespmem:$0x1E040] =	vst v2;
	v0 =	vand.u32 $0x40, v0  }
0x35: {  	[tilespmem:$0x1E0C0] =	vst v0  }
0x36: {  	v0 =	vld.idx.msk [tilespmem:v1+s9+$0x0], $0xffff;
	_ =	sdelay $0x1  }
0x37: {  	s30 =	sor.u32 $0x4B00, s22  }
0x38: {  	v1 =	vadd.s32 s30, v3;
	_ =	sdelay $0x1  }
0x39: {  	v2 =	vshrl.u32 v0, $0x1;
	v0 =	vshll.u32 v0, $0x6  }
0x3a: {  	[tilespmem:$0x1E050] =	vst v2;
	v0 =	vand.u32 $0x40, v0  }
0x3b: {  	[tilespmem:$0x1E0D0] =	vst v0  }
0x3c: {  	v0 =	vld.idx.msk [tilespmem:v1+s9+$0x0], $0xffff;
	_ =	sdelay $0x1  }
0x3d: {  	s31 =	sadd.s32 $0x5780, s22  }
0x3e: {  	v1 =	vadd.s32 s31, v3;
	_ =	sdelay $0x1  }
0x3f: {  	v2 =	vshrl.u32 v0, $0x1;
	v0 =	vshll.u32 v0, $0x6  }
0x40: {  	[tilespmem:$0x1E060] =	vst v2;
	v0 =	vand.u32 $0x40, v0  }
0x41: {  	[tilespmem:$0x1E0E0] =	vst v0  }
0x42: {  	v0 =	vld.idx.msk [tilespmem:v1+s9+$0x0], $0xffff;
	_ =	sdelay $0x4  }
0x43: {  	v1 =	vshrl.u32 v0, $0x1;
	v0 =	vshll.u32 v0, $0x6  }
0x44: {  	p0 =	seq.s32 s21, $0x0;
	[tilespmem:$0x1E070] =	vst v1;
	v0 =	vand.u32 $0x40, v0  }
0x45: {  	s23 =	simm.s32 @!p0 $0x1;
	[tilespmem:$0x1E0F0] =	vst v0  }
0x46: {  	_ =	swait.ge @!p0 [sflag:s23], $0x2000  }
0x47: {  	[sflag:s23] =	ssyncset.done @!p0 $0x0  }
0x48: {  	[sflag:s23] =	ssyncadd.s32 @!p0 $0xFFFFE000  }
0x49: {  	v1 =	vld [tilespmem:$0x1E000]  }
0x4a: {  	v2 =	vld [tilespmem:$0x1E010]  }
0x4b: {  	v3 =	vld [tilespmem:$0x1E020]  }
0x4c: {  	v4 =	vld [tilespmem:$0x1E030]  }
0x4d: {  	v5 =	vld [tilespmem:$0x1E040]  }
0x4e: {  	v6 =	vld [tilespmem:$0x1E050]  }
0x4f: {  	v7 =	vld [tilespmem:$0x1E060]  }
0x50: {  	v8 =	vld [tilespmem:$0x1E070]  }
0x51: {  	v37 =	vld [tilespmem:$0x1E080]  }
0x52: {  	v13 =	vld [tilespmem:$0x1E090]  }
0x53: {  	v62 =	vld [tilespmem:$0x1E0B0];
	v56 =	vshll.u32 v1, $0x7;
	v19 =	vshll.u32 v2, $0x7  }
0x54: {  	s24 =	simm.s32 $0x1;
	v54 =	vld [tilespmem:$0x1E0D0];
	v59 =	vshll.u32 v3, $0x7;
	v55 =	vshll.u32 v4, $0x7;
	v60 =	vshll.u32 v5, $0x7  }
0x55: {  	v58 =	vshll.u32 v6, $0x7;
	v1 =	vadd.s32 s24, v45;
	v2 =	vshll.u32 v8, $0x7  }
0x56: {  	s25 =	simm.s32 $0x2;
	v20 =	vld [tilespmem:$0x1E0E0];
	v63 =	vshll.u32 v7, $0x7;
	s24 =	simm.s32 $0x6;
	v4 =	vand.u32 $0x3F, v1;
	v1 =	vor.u32 v0, v2  }
0x57: {  	v52 =	vld [tilespmem:$0x1E0A0];
	v0 =	vadd.s32 s25, v45;
	v44 =	vadd.s32 s24, v45;
	v3 =	vadd.s32 v37, v4  }
0x58: {  	v2 =	vand.u32 $0x3F, v0;
	v57 =	vshll.u32 v4, $0x7;
	v61 =	vor.u32 v4, v1  }
0x59: {  	v7 =	vadd.s32 v62, v4;
	v16 =	vadd.s32 v13, v4;
	v43 =	vadd.s32 v54, v4  }
0x5a: {  	v0 =	vand.u32 $0xFFFFFF80, v3;
	v5 =	vadd.s32 v37, v2;
	v6 =	vor.u32 v51, v57  }
0x5b: {  	v3 =	vand.u32 $0x7F, v3;
	v17 =	vand.u32 $0x7F, v16;
	v18 =	vadd.s32 v20, v2  }
0x5c: {  	v10 =	vor.u32 v45, v57;
	v32 =	vadd.s32 v52, v2;
	v34 =	vadd.s32 v62, v2  }
0x5d: {  	v16 =	vand.u32 $0xFFFFFF80, v16;
	v0 =	vadd.s32 v56, v0;
	[tilespmem:$0x1FC80] =	vst v6;
	v6 =	vand.u32 $0xFFFFFF80, v5  }
0x5e: {  	v15 =	vand.u32 $0x7F, v5;
	v33 =	vand.u32 $0x7F, v32;
	v35 =	vand.u32 $0xFFFFFF80, v18  }
0x5f: {  	v36 =	vand.u32 $0x7F, v34;
	v34 =	vand.u32 $0xFFFFFF80, v34;
	v16 =	vadd.s32 v19, v16  }
0x60: {  	s26 =	simm.s32 $0x3;
	v14 =	vadd.s32 v56, v6;
	v6 =	vadd.s32 v13, v2;
	v22 =	vor.u32 v3, v0  }
0x61: {  	[tilespmem:$0x1FE20] =	vst v1;
	v1 =	vld [tilespmem:$0x1E0C0];
	v0 =	vadd.s32 s26, v45;
	v3 =	vor.u32 v50, v57;
	v35 =	vadd.s32 v63, v35  }
0x62: {  	[tilespmem:$0x1FC90] =	vst v3;
	v3 =	vand.u32 $0x3F, v0;
	v38 =	vor.u32 v15, v14;
	v14 =	vand.u32 $0x7F, v43  }
0x63: {  	v0 =	vadd.s32 v37, v3;
	v8 =	vadd.s32 v13, v3;
	v5 =	vshll.u32 v3, $0x7  }
0x64: {  	v23 =	vadd.s32 v54, v3;
	v30 =	vadd.s32 v52, v3;
	v9 =	vand.u32 $0xFFFFFF80, v0  }
0x65: {  	v12 =	vadd.s32 v62, v3;
	v0 =	vand.u32 $0x7F, v0;
	v9 =	vadd.s32 v56, v9  }
0x66: {  	v41 =	vadd.s32 v1, v2;
	v28 =	vor.u32 v0, v9;
	v0 =	vand.u32 $0xFFFFFF80, v6  }
0x67: {  	[tilespmem:$0x1FD00] =	vst v10;
	v10 =	vand.u32 $0xFFFFFF80, v8;
	v6 =	vand.u32 $0x7F, v6;
	v0 =	vadd.s32 v19, v0  }
0x68: {  	v21 =	vand.u32 $0xFFFFFF80, v30;
	v27 =	vor.u32 v6, v0;
	v6 =	vshll.u32 v2, $0x7  }
0x69: {  	v31 =	vand.u32 $0x7F, v8;
	v42 =	vand.u32 $0xFFFFFF80, v41;
	v0 =	vor.u32 v46, v6  }
0x6a: {  	v11 =	vadd.s32 v19, v10;
	v9 =	vadd.s32 v20, v3;
	[tilespmem:$0x1FD40] =	vst v0;
	v0 =	vadd.s32 v52, v4  }
0x6b: {  	v53 =	vadd.s32 v59, v21;
	v10 =	vand.u32 $0x7F, v9;
	v8 =	vand.u32 $0xFFFFFF80, v0  }
0x6c: {  	v9 =	vand.u32 $0xFFFFFF80, v9;
	v0 =	vand.u32 $0x7F, v0;
	v8 =	vadd.s32 v59, v8  }
0x6d: {  	v0 =	vor.u32 v0, v8;
	v8 =	vadd.s32 v63, v9;
	v9 =	vand.u32 $0xFFFFFF80, v12  }
0x6e: {  	v12 =	vand.u32 $0x7F, v12;
	v8 =	vor.u32 v10, v8;
	v9 =	vadd.s32 v55, v9  }
0x6f: {  	v21 =	vadd.s32 v60, v42;
	[tilespmem:$0x1FF60] =	vst v8;
	v8 =	vor.u32 v12, v9;
	v12 =	vand.u32 $0xFFFFFF80, v7  }
0x70: {  	v31 =	vor.u32 v31, v11;
	v7 =	vand.u32 $0x7F, v7;
	v12 =	vadd.s32 v55, v12  }
0x71: {  	v25 =	vor.u32 v24, v6;
	v12 =	vor.u32 v7, v12;
	v7 =	vadd.s32 v1, v4  }
0x72: {  	v10 =	vor.u32 v24, v5;
	v9 =	vadd.s32 v1, v3;
	v11 =	vand.u32 $0xFFFFFF80, v7  }
0x73: {  	[tilespmem:$0x1FD80] =	vst v0;
	v0 =	vmovc v24;
	v24 =	vand.u32 $0xFFFFFF80, v9;
	v7 =	vand.u32 $0x7F, v7;
	v11 =	vadd.s32 v60, v11  }
0x74: {  	v9 =	vand.u32 $0x7F, v9;
	v24 =	vadd.s32 v60, v24;
	v7 =	vor.u32 v7, v11  }
0x75: {  	v9 =	vor.u32 v9, v24;
	v24 =	vadd.s32 v55, v34;
	[tilespmem:$0x1FE40] =	vst v7;
	v7 =	vand.u32 $0xFFFFFF80, v23  }
0x76: {  	v34 =	vand.u32 $0x7F, v41;
	v23 =	vand.u32 $0x7F, v23;
	v7 =	vadd.s32 v58, v7  }
0x77: {  	v24 =	vor.u32 v36, v24;
	v7 =	vor.u32 v23, v7;
	v23 =	vadd.s32 v54, v2  }
0x78: {  	v36 =	vor.u32 v17, v16;
	v17 =	vand.u32 $0x7F, v18;
	v16 =	vand.u32 $0xFFFFFF80, v23  }
0x79: {  	v18 =	vand.u32 $0x7F, v23;
	v23 =	vand.u32 $0xFFFFFF80, v43;
	v16 =	vadd.s32 v58, v16  }
0x7a: {  	s28 =	simm.s32 $0x0;
	v21 =	vor.u32 v34, v21;
	v15 =	vadd.s32 v58, v23;
	v18 =	vor.u32 v18, v16  }
0x7b: {  	v16 =	vand.u32 $0xFFFFFF80, v32;
	v14 =	vor.u32 v14, v15;
	v15 =	vadd.s32 s28, v45  }
0x7c: {  	s29 =	simm.s32 $0x5;
	v32 =	vor.u32 v17, v35;
	[tilespmem:$0x1FCA0] =	vst v14;
	v14 =	vadd.s32 v59, v16;
	v16 =	vand.u32 $0x3F, v15  }
0x7d: {  	s30 =	simm.s32 $0x7;
	v15 =	vadd.s32 s29, v45;
	v33 =	vor.u32 v33, v14;
	v14 =	vadd.s32 v52, v16  }
0x7e: {  	v17 =	vand.u32 $0x3F, v15;
	v15 =	vadd.s32 s30, v45;
	v39 =	vand.u32 $0xFFFFFF80, v14  }
0x7f: {  	v40 =	vand.u32 $0x7F, v14;
	v41 =	vadd.s32 v37, v17;
	v14 =	vand.u32 $0x3F, v15  }
0x80: {  	v15 =	vand.u32 $0x3F, v44;
	v34 =	vand.u32 $0xFFFFFF80, v41;
	v42 =	vadd.s32 v37, v14  }
0x81: {  	v41 =	vand.u32 $0x7F, v41;
	v44 =	vadd.s32 v13, v15;
	v43 =	vand.u32 $0xFFFFFF80, v42  }
0x82: {  	v34 =	vadd.s32 v56, v34;
	v42 =	vand.u32 $0x7F, v42;
	v43 =	vadd.s32 v56, v43  }
0x83: {  	[tilespmem:$0x1FDB0] =	vst v8;
	v34 =	vor.u32 v41, v34;
	v41 =	vor.u32 v42, v43;
	v42 =	vand.u32 $0xFFFFFF80, v44  }
0x84: {  	[tilespmem:$0x1FE80] =	vst v7;
	v23 =	vand.u32 $0x7F, v30;
	v43 =	vand.u32 $0x7F, v44;
	v42 =	vadd.s32 v19, v42  }
0x85: {  	v53 =	vor.u32 v23, v53;
	[tilespmem:$0x1FCB0] =	vst v34;
	v23 =	vor.u32 v43, v42  }
0x86: {  	v30 =	vadd.s32 v37, v16;
	[tilespmem:$0x1FCC0] =	vst v23  }
0x87: {  	v29 =	vor.u32 v45, v6;
	v35 =	vand.u32 $0x7F, v30;
	v44 =	vadd.s32 v52, v17;
	v38 =	vld.idx.msk [tilespmem:v38+s3+$0x0], $0xffff  }
0x88: {  	v30 =	vand.u32 $0xFFFFFF80, v30;
	v23 =	vadd.s32 v59, v39;
	v39 =	vand.u32 $0xFFFFFF80, v44  }
0x89: {  	v23 =	vor.u32 v40, v23;
	v40 =	vand.u32 $0x7F, v44;
	v39 =	vadd.s32 v59, v39  }
0x8a: {  	v26 =	vor.u32 v45, v5;
	v30 =	vadd.s32 v56, v30;
	v39 =	vor.u32 v40, v39  }
0x8b: {  	v11 =	vmov v59;
	v30 =	vor.u32 v35, v30;
	v59 =	vadd.s32 v13, v16;
	[tilespmem:$0x1FCD0] =	vst v39  }
0x8c: {  	v35 =	vand.u32 $0x7F, v59;
	v44 =	vand.u32 $0xFFFFFF80, v59;
	v59 =	vadd.s32 v62, v14;
	v28 =	vld.idx.msk [tilespmem:v28+s3+$0x0], $0xffff;
	[tilespmem:v29+s10+$0x0] =	vst.idx.msk $0xffff, v38  }
0x8d: {  	v29 =	vand.u32 $0xFFFFFF80, v59;
	v27 =	vld.idx.msk [tilespmem:v27+s3+$0x0], $0xffff  }
0x8e: {  	v59 =	vand.u32 $0x7F, v59;
	v29 =	vadd.s32 v55, v29  }
0x8f: {  	v29 =	vor.u32 v59, v29  }
0x90: {  	[tilespmem:$0x1FCE0] =	vst v29  }
0x91: {  	v34 =	vadd.s32 v20, v14;
	[tilespmem:v26+s10+$0x0] =	vst.idx.msk $0xffff, v28  }
0x92: {  	v39 =	vand.u32 $0x7F, v34;
	[tilespmem:v25+s10+$0x0] =	vst.idx.msk $0xffff, v27  }
0x93: {  	v7 =	vmovc v20;
	v34 =	vand.u32 $0xFFFFFF80, v34;
	v40 =	vadd.s32 v19, v44;
	v26 =	vadd.s32 v20, v4;
	v20 =	vld [tilespmem:$0x1FD00]  }
0x94: {  	v34 =	vadd.s32 v63, v34;
	v8 =	vor.u32 v35, v40;
	v40 =	vadd.s32 v1, v16  }
0x95: {  	v35 =	vadd.s32 v1, v14;
	v44 =	vor.u32 v39, v34;
	v29 =	vand.u32 $0xFFFFFF80, v40  }
0x96: {  	v34 =	vand.u32 $0x7F, v40;
	v22 =	vld.idx.msk [tilespmem:v22+s3+$0x0], $0xffff;
	v29 =	vadd.s32 v60, v29;
	v4 =	vand.u32 $0xFFFFFF80, v35  }
0x97: {  	v59 =	vor.u32 v34, v29;
	v4 =	vadd.s32 v60, v4;
	v29 =	vand.u32 $0x7F, v35  }
0x98: {  	v28 =	vld.idx.msk [tilespmem:v31+s3+$0x0], $0xffff;
	v31 =	vadd.s32 v62, v17;
	v4 =	vor.u32 v29, v4  }
0x99: {  	[tilespmem:$0x1FCF0] =	vst v4;
	v4 =	vand.u32 $0xFFFFFF80, v31  }
0x9a: {  	v29 =	vand.u32 $0x7F, v31;
	v4 =	vadd.s32 v55, v4  }
0x9b: {  	v4 =	vor.u32 v29, v4;
	[tilespmem:v20+s10+$0x0] =	vst.idx.msk $0xffff, v22  }
0x9c: {  	v27 =	vld.idx.msk [tilespmem:v33+s3+$0x0], $0xffff;
	[tilespmem:$0x1FD10] =	vst v4  }
0x9d: {  	[tilespmem:v10+s10+$0x0] =	vst.idx.msk $0xffff, v28  }
0x9e: {  	v35 =	vmov v0;
	v20 =	vor.u32 v0, v57;
	v0 =	vld [tilespmem:$0x1FD40];
	_ =	sdelay $0x1  }
0x9f: {  	v31 =	vadd.s32 v62, v15  }
0xa0: {  	v4 =	vand.u32 $0xFFFFFF80, v31  }
0xa1: {  	v22 =	vand.u32 $0x7F, v31;
	v4 =	vadd.s32 v55, v4  }
0xa2: {  	v4 =	vor.u32 v22, v4  }
0xa3: {  	v43 =	vld.idx.msk [tilespmem:v36+s3+$0x0], $0xffff;
	[tilespmem:$0x1FD20] =	vst v4  }
0xa4: {  	v42 =	vor.u32 v47, v6;
	v28 =	vld.idx.msk [tilespmem:v53+s3+$0x0], $0xffff;
	[tilespmem:$0x1FD30] =	vst v62  }
0xa5: {  	v25 =	vor.u32 v46, v5;
	v31 =	vadd.s32 v13, v14;
	[tilespmem:v0+s10+$0x0] =	vst.idx.msk $0xffff, v27  }
0xa6: {  	v10 =	vand.u32 $0x7F, v31;
	v4 =	vand.u32 $0xFFFFFF80, v31;
	v31 =	vadd.s32 v62, v16;
	[tilespmem:$0x1FD50] =	vst v55  }
0xa7: {  	v22 =	vshll.u32 v14, $0x7;
	v4 =	vadd.s32 v19, v4;
	v27 =	vand.u32 $0xFFFFFF80, v31;
	v24 =	vld.idx.msk [tilespmem:v24+s3+$0x0], $0xffff  }
0xa8: {  	v39 =	vor.u32 v10, v4;
	v4 =	vand.u32 $0x7F, v31;
	v10 =	vadd.s32 v55, v27  }
0xa9: {  	[tilespmem:v20+s10+$0x0] =	vst.idx.msk $0xffff, v43;
	v20 =	vor.u32 v45, v22;
	v34 =	vor.u32 v4, v10;
	v10 =	vld.idx.msk [tilespmem:v41+s3+$0x0], $0xffff  }
0xaa: {  	[tilespmem:v25+s10+$0x0] =	vst.idx.msk $0xffff, v28  }
0xab: {  	v28 =	vld.idx.msk [tilespmem:v30+s3+$0x0], $0xffff;
	[tilespmem:$0x1FD60] =	vst v1  }
0xac: {  	[tilespmem:v42+s10+$0x0] =	vst.idx.msk $0xffff, v24  }
0xad: {  	[tilespmem:$0x1FD70] =	vst v60  }
0xae: {  	[tilespmem:v20+s10+$0x0] =	vst.idx.msk $0xffff, v10  }
0xaf: {  	v0 =	vld [tilespmem:$0x1FD80]  }
0xb0: {  	v27 =	vadd.s32 v54, v16  }
0xb1: {  	v29 =	vshll.u32 v16, $0x7;
	v31 =	vadd.s32 v1, v17;
	v4 =	vand.u32 $0xFFFFFF80, v27  }
0xb2: {  	v27 =	vand.u32 $0x7F, v27;
	v25 =	vor.u32 v45, v29;
	v4 =	vadd.s32 v58, v4  }
0xb3: {  	v4 =	vor.u32 v27, v4;
	v27 =	vand.u32 $0xFFFFFF80, v31  }
0xb4: {  	v30 =	vand.u32 $0x7F, v31;
	v31 =	vadd.s32 v1, v15;
	v27 =	vadd.s32 v60, v27  }
0xb5: {  	v40 =	vor.u32 v30, v27;
	v27 =	vand.u32 $0xFFFFFF80, v31  }
0xb6: {  	v27 =	vadd.s32 v60, v27;
	v10 =	vand.u32 $0x7F, v31  }
0xb7: {  	[tilespmem:v25+s10+$0x0] =	vst.idx.msk $0xffff, v28;
	v1 =	vor.u32 v10, v27;
	v31 =	vld.idx.msk [tilespmem:v0+s3+$0x0], $0xffff  }
0xb8: {  	[tilespmem:$0x1FD90] =	vst v1;
	v1 =	vld [tilespmem:$0x1FDB0];
	_ =	sdelay $0x2  }
0xb9: {  	v62 =	vor.u32 v46, v57  }
0xba: {  	v30 =	vadd.s32 v54, v14  }
0xbb: {  	v38 =	vor.u32 v48, v6;
	v20 =	vand.u32 $0xFFFFFF80, v30  }
0xbc: {  	v30 =	vand.u32 $0x7F, v30;
	v0 =	vadd.s32 v58, v20;
	v20 =	vadd.s32 v7, v16  }
0xbd: {  	v10 =	vor.u32 v47, v5;
	v42 =	vor.u32 v30, v0;
	v0 =	vand.u32 $0xFFFFFF80, v20;
	v21 =	vld.idx.msk [tilespmem:v21+s3+$0x0], $0xffff;
	[tilespmem:$0x1FDA0] =	vst v13  }
0xbe: {  	v24 =	vand.u32 $0xFFFFFF80, v26;
	v20 =	vand.u32 $0x7F, v20;
	v0 =	vadd.s32 v63, v0;
	[tilespmem:v62+s10+$0x0] =	vst.idx.msk $0xffff, v31;
	v27 =	vld.idx.msk [tilespmem:v1+s3+$0x0], $0xffff  }
0xbf: {  	v24 =	vadd.s32 v63, v24;
	v25 =	vand.u32 $0x7F, v26;
	v28 =	vld.idx.msk [tilespmem:v8+s3+$0x0], $0xffff;
	v0 =	vor.u32 v20, v0;
	[tilespmem:$0x1FDD0] =	vst v19  }
0xc0: {  	v20 =	vor.u32 v25, v24;
	v24 =	vor.u32 v35, v29;
	v1 =	vor.u32 v51, v6;
	[tilespmem:$0x1FDE0] =	vst v37  }
0xc1: {  	v26 =	vadd.s32 v13, v17;
	[tilespmem:$0x1FDC0] =	vst v1  }
0xc2: {  	v13 =	vand.u32 $0xFFFFFF80, v26;
	[tilespmem:v38+s10+$0x0] =	vst.idx.msk $0xffff, v21  }
0xc3: {  	v13 =	vadd.s32 v19, v13;
	v25 =	vand.u32 $0x7F, v26;
	[tilespmem:v10+s10+$0x0] =	vst.idx.msk $0xffff, v27  }
0xc4: {  	v26 =	vadd.s32 v37, v15;
	v53 =	vor.u32 v25, v13;
	v25 =	vor.u32 v49, v6;
	[tilespmem:$0x1FDF0] =	vst v56  }
0xc5: {  	v30 =	vand.u32 $0xFFFFFF80, v26;
	v26 =	vand.u32 $0x7F, v26;
	v31 =	vadd.s32 v54, v15;
	[tilespmem:v24+s10+$0x0] =	vst.idx.msk $0xffff, v28  }
0xc6: {  	v21 =	vor.u32 v47, v57;
	v10 =	vadd.s32 v56, v30;
	v27 =	vand.u32 $0xFFFFFF80, v31;
	v8 =	vld [tilespmem:$0x1FE20]  }
0xc7: {  	v27 =	vadd.s32 v58, v27;
	v24 =	vadd.s32 v54, v17;
	v28 =	vand.u32 $0x7F, v31;
	[tilespmem:$0x1FE00] =	vst v54  }
0xc8: {  	v36 =	vor.u32 v26, v10;
	v10 =	vand.u32 $0xFFFFFF80, v24;
	v54 =	vor.u32 v28, v27;
	v12 =	vld.idx.msk [tilespmem:v12+s3+$0x0], $0xffff  }
0xc9: {  	v27 =	vor.u32 v48, v5;
	v28 =	vld.idx.msk [tilespmem:v9+s3+$0x0], $0xffff;
	v9 =	vand.u32 $0x7F, v24;
	[tilespmem:$0x1FE10] =	vst v58;
	v10 =	vadd.s32 v58, v10  }
0xca: {  	v56 =	vor.u32 v50, v6;
	v6 =	vor.u32 v46, v29;
	v26 =	vor.u32 v9, v10;
	v10 =	vld.idx.msk [tilespmem:v23+s3+$0x0], $0xffff  }
0xcb: {  	v1 =	vor.u32 v3, v8  }
0xcc: {  	[tilespmem:$0x1FE30] =	vst v1  }
0xcd: {  	[tilespmem:v21+s10+$0x0] =	vst.idx.msk $0xffff, v12  }
0xce: {  	[tilespmem:v27+s10+$0x0] =	vst.idx.msk $0xffff, v28  }
0xcf: {  	[tilespmem:v6+s10+$0x0] =	vst.idx.msk $0xffff, v10  }
0xd0: {  	v6 =	vld [tilespmem:$0x1FE40];
	_ =	sdelay $0x3  }
0xd1: {  	v1 =	vld.idx.msk [tilespmem:v18+s3+$0x0], $0xffff;
	_ =	sdelay $0x3  }
0xd2: {  	v6 =	vld.idx.msk [tilespmem:v6+s3+$0x0], $0xffff;
	[tilespmem:$0x1FE50] =	vst v52  }
0xd3: {  	v10 =	vadd.s32 v52, v14;
	[tilespmem:v25+s10+$0x0] =	vst.idx.msk $0xffff, v1;
	v1 =	vor.u32 v16, v8  }
0xd4: {  	[tilespmem:$0x1FE60] =	vst v1;
	v1 =	vand.u32 $0xFFFFFF80, v10  }
0xd5: {  	v18 =	vadd.s32 v11, v1;
	v1 =	vld [tilespmem:$0x1FE80];
	_ =	sdelay $0x1  }
0xd6: {  	v43 =	vmov v63;
	v63 =	vor.u32 v51, v5;
	v3 =	vadd.s32 v7, v15  }
0xd7: {  	v9 =	vor.u32 v50, v5;
	v21 =	vor.u32 v49, v5;
	v5 =	vand.u32 $0xFFFFFF80, v3  }
0xd8: {  	v3 =	vand.u32 $0x7F, v3;
	v12 =	vadd.s32 v52, v15;
	v5 =	vadd.s32 v43, v5  }
0xd9: {  	v27 =	vor.u32 v3, v5;
	v5 =	vand.u32 $0xFFFFFF80, v12  }
0xda: {  	v3 =	vand.u32 $0x7F, v12;
	v5 =	vadd.s32 v11, v5  }
0xdb: {  	v28 =	vor.u32 v3, v5;
	v3 =	vor.u32 v17, v8;
	[tilespmem:$0x1FE70] =	vst v11  }
0xdc: {  	v58 =	vor.u32 v2, v8;
	v2 =	vor.u32 v48, v57;
	v1 =	vld.idx.msk [tilespmem:v1+s3+$0x0], $0xffff;
	[tilespmem:$0x1FE90] =	vst v3;
	v3 =	vshll.u32 v15, $0x7  }
0xdd: {  	[tilespmem:$0x1FEA0] =	vst v7;
	v5 =	vor.u32 v46, v3  }
0xde: {  	[tilespmem:$0x1FEB0] =	vst v5;
	v5 =	vor.u32 v35, v3  }
0xdf: {  	[tilespmem:$0x1FEC0] =	vst v5;
	v5 =	vor.u32 v47, v3  }
0xe0: {  	[tilespmem:$0x1FED0] =	vst v5  }
0xe1: {  	[tilespmem:v2+s10+$0x0] =	vst.idx.msk $0xffff, v6;
	v2 =	vor.u32 v48, v3  }
0xe2: {  	[tilespmem:$0x1FEE0] =	vst v2  }
0xe3: {  	v7 =	vadd.s32 v7, v17;
	[tilespmem:$0x1FEF0] =	vst v43  }
0xe4: {  	v30 =	vshll.u32 v17, $0x7;
	[tilespmem:v21+s10+$0x0] =	vst.idx.msk $0xffff, v1;
	v1 =	vand.u32 $0x7F, v7  }
0xe5: {  	[tilespmem:$0x1FF00] =	vst v1;
	v1 =	vor.u32 v51, v30  }
0xe6: {  	[tilespmem:$0x1FF10] =	vst v1;
	v1 =	vor.u32 v50, v30  }
0xe7: {  	[tilespmem:$0x1FF20] =	vst v1;
	v1 =	vor.u32 v46, v30  }
0xe8: {  	[tilespmem:$0x1FF30] =	vst v1;
	v1 =	vor.u32 v47, v30  }
0xe9: {  	[tilespmem:$0x1FF40] =	vst v1  }
0xea: {  	v16 =	vld.idx.msk [tilespmem:v34+s3+$0x0], $0xffff  }
0xeb: {  	v37 =	vld.idx.msk [tilespmem:v36+s3+$0x0], $0xffff  }
0xec: {  	v36 =	vld.idx.msk [tilespmem:v32+s3+$0x0], $0xffff;
	v1 =	vmov v35  }
0xed: {  	v24 =	vor.u32 v35, v30;
	v35 =	vld.idx.msk [tilespmem:v39+s3+$0x0], $0xffff;
	v17 =	vor.u32 v1, v22;
	v1 =	vor.u32 v48, v29  }
0xee: {  	[tilespmem:$0x1FF50] =	vst v1;
	v1 =	vld [tilespmem:$0x1FF60];
	_ =	sdelay $0x1  }
0xef: {  	v55 =	vor.u32 v51, v22;
	v41 =	vor.u32 v49, v57;
	v13 =	vor.u32 v47, v29  }
0xf0: {  	v19 =	vor.u32 v46, v22;
	v31 =	vor.u32 v49, v30;
	v57 =	vor.u32 v48, v22  }
0xf1: {  	v33 =	vand.u32 $0x7F, v10;
	v25 =	vor.u32 v15, v8;
	v10 =	vor.u32 v48, v30  }
0xf2: {  	v12 =	vor.u32 v45, v3;
	v60 =	vor.u32 v51, v3;
	v11 =	vor.u32 v49, v3  }
0xf3: {  	v23 =	vor.u32 v50, v3;
	v3 =	vor.u32 v47, v22;
	v2 =	vand.u32 $0xFFFFFF80, v7  }
0xf4: {  	s31 =	simm.s32 $0x4;
	v6 =	vor.u32 v50, v22;
	v52 =	vadd.s32 v43, v2;
	v7 =	vor.u32 v45, v30  }
0xf5: {  	v2 =	vadd.s32 s31, v45;
	v43 =	vor.u32 v49, v22;
	v21 =	vld.idx.msk [tilespmem:v1+s3+$0x0], $0xffff;
	v1 =	vor.u32 v49, v29  }
0xf6: {  	s25 =	simm.s32 $0x8;
	v62 =	vand.u32 $0x3F, v2;
	v30 =	vor.u32 v14, v8;
	v8 =	vor.u32 v51, v29;
	[tilespmem:$0x1FF70] =	vst v1  }
.LBB2_3:
0xf7: {  	v14 =	vld [tilespmem:$0x1FCA0];
	_ =	sdelay $0x5  }
0xf8: {  	v5 =	vld [tilespmem:$0x1FDE0]  }
0xf9: {  	[tilespmem:$0x1FBD0] =	vst v57;
	v57 =	vld [tilespmem:$0x1FDF0]  }
0xfa: {  	s26 =	sadd.s32 $0x1, s25;
	v22 =	vld.idx.msk [tilespmem:v14+s3+$0x0], $0xffff;
	v14 =	vmov v11;
	v11 =	vmov v10;
	v10 =	vmov v26  }
0xfb: {  	s28 =	sadd.s32 $0x2, s25;
	[tilespmem:$0x1FCA0] =	vst v10;
	v10 =	vadd.s32 s26, v45  }
0xfc: {  	v2 =	vmov v27;
	[tilespmem:$0x1FC30] =	vst v11;
	v11 =	vadd.s32 s28, v45;
	v27 =	vand.u32 $0x3F, v10  }
0xfd: {  	[tilespmem:v13+s10+$0x0] =	vst.idx.msk $0xffff, v16;
	v16 =	vand.u32 $0x3F, v11;
	v10 =	vadd.s32 v5, v27  }
0xfe: {  	[tilespmem:v17+s10+$0x0] =	vst.idx.msk $0xffff, v35;
	v17 =	vadd.s32 v5, v16;
	v11 =	vand.u32 $0xFFFFFF80, v10  }
0xff: {  	[tilespmem:v9+s10+$0x0] =	vst.idx.msk $0xffff, v21;
	v9 =	vadd.s32 v57, v11;
	v11 =	vand.u32 $0xFFFFFF80, v17  }
0x100: {  	v21 =	vand.u32 $0x7F, v10;
	v10 =	vadd.s32 v57, v11  }
0x101: {  	[tilespmem:$0x1FBB0] =	vst v10;
	v10 =	vld [tilespmem:$0x1FCC0];
	_ =	sdelay $0x4  }
0x102: {  	[tilespmem:v12+s10+$0x0] =	vst.idx.msk $0xffff, v37  }
0x103: {  	[tilespmem:v56+s10+$0x0] =	vst.idx.msk $0xffff, v36  }
0x104: {  	[tilespmem:$0x1FC10] =	vst v14;
	v14 =	vld.idx.msk [tilespmem:v59+s3+$0x0], $0xffff  }
0x105: {  	v59 =	vld.idx.msk [tilespmem:v10+s3+$0x0], $0xffff;
	v10 =	vmov v31  }
0x106: {  	[tilespmem:$0x1FC00] =	vst v10;
	v10 =	vld [tilespmem:$0x1FF50];
	_ =	sdelay $0x6  }
0x107: {  	v26 =	vor.u32 v50, v29;
	v29 =	vshll.u32 v62, $0x7  }
0x108: {  	v11 =	vor.u32 v48, v29;
	[tilespmem:v10+s10+$0x0] =	vst.idx.msk $0xffff, v14  }
0x109: {  	[tilespmem:$0x1FC70] =	vst v44;
	v44 =	vld.idx.msk [tilespmem:v4+s3+$0x0], $0xffff;
	v4 =	vmov v11  }
0x10a: {  	[tilespmem:$0x1FF50] =	vst v4;
	v4 =	vld [tilespmem:$0x1FE30];
	_ =	sdelay $0x2  }
0x10b: {  	[tilespmem:$0x1FB80] =	vst v52;
	v52 =	vld [tilespmem:$0x1FDA0];
	_ =	sdelay $0x2  }
0x10c: {  	s24 =	smov.u32 s25;
	[tilespmem:v41+s10+$0x0] =	vst.idx.msk $0xffff, v22  }
0x10d: {  	s31 =	sadd.s32 $0x3, s24;
	v37 =	vld.idx.msk [tilespmem:v20+s3+$0x0], $0xffff  }
0x10e: {  	v20 =	vadd.s32 v52, v27;
	v14 =	vadd.s32 s31, v45;
	v45 =	vld.idx.msk [tilespmem:v4+s3+$0x0], $0xffff;
	v4 =	vmov v30  }
0x10f: {  	v31 =	vor.u32 v21, v9;
	v21 =	vand.u32 $0x3F, v14;
	[tilespmem:$0x1FE30] =	vst v4;
	v4 =	vand.u32 $0x7F, v20  }
0x110: {  	v38 =	vadd.s32 v5, v62;
	[tilespmem:$0x1FB90] =	vst v4;
	v4 =	vadd.s32 v5, v21;
	v5 =	vld [tilespmem:$0x1FCB0];
	_ =	sdelay $0x6  }
0x111: {  	v14 =	vld [tilespmem:$0x1FF70]  }
0x112: {  	v48 =	vld.idx.msk [tilespmem:v5+s3+$0x0], $0xffff  }
0x113: {  	v5 =	vld [tilespmem:$0x1FC90];
	_ =	sdelay $0x5  }
0x114: {  	[tilespmem:$0x1FC40] =	vst v2;
	v2 =	vor.u32 v46, v29  }
0x115: {  	[tilespmem:v14+s10+$0x0] =	vst.idx.msk $0xffff, v44;
	v14 =	vld [tilespmem:$0x1FDD0]  }
0x116: {  	[tilespmem:v5+s10+$0x0] =	vst.idx.msk $0xffff, v37;
	v5 =	vld [tilespmem:$0x1FEC0]  }
0x117: {  	[tilespmem:$0x1FBF0] =	vst v2;
	v2 =	vmov v23  }
0x118: {  	[tilespmem:$0x1FC50] =	vst v2;
	v2 =	vand.u32 $0x7F, v17;
	v17 =	vadd.s32 v52, v16  }
0x119: {  	[tilespmem:$0x1FB70] =	vst v55;
	v55 =	vld [tilespmem:$0x1FE50];
	v44 =	vand.u32 $0xFFFFFF80, v17  }
0x11a: {  	[tilespmem:v63+s10+$0x0] =	vst.idx.msk $0xffff, v45;
	v63 =	vand.u32 $0x7F, v17;
	v17 =	vadd.s32 v14, v44;
	v44 =	vld [tilespmem:$0x1FDC0];
	_ =	sdelay $0x1  }
0x11b: {  	v13 =	vor.u32 v47, v29;
	v47 =	vld.idx.msk [tilespmem:v58+s3+$0x0], $0xffff  }
0x11c: {  	v58 =	vld [tilespmem:$0x1FEA0]  }
0x11d: {  	v15 =	vadd.s32 v55, v62;
	[tilespmem:v5+s10+$0x0] =	vst.idx.msk $0xffff, v59;
	v5 =	vld [tilespmem:$0x1FE90]  }
0x11e: {  	[tilespmem:$0x1FBA0] =	vst v40;
	v56 =	vld [tilespmem:$0x1FE20];
	v39 =	vand.u32 $0xFFFFFF80, v15;
	v40 =	vand.u32 $0x7F, v15;
	v15 =	vshll.u32 v27, $0x7  }
0x11f: {  	v35 =	vor.u32 v51, v15;
	v46 =	vadd.s32 v52, v21;
	v51 =	vld.idx.msk [tilespmem:v0+s3+$0x0], $0xffff  }
0x120: {  	[tilespmem:$0x1FBE0] =	vst v42;
	v42 =	vor.u32 v50, v15;
	v50 =	vld.idx.msk [tilespmem:v61+s3+$0x0], $0xffff;
	v61 =	vand.u32 $0xFFFFFF80, v46  }
0x121: {  	[tilespmem:v44+s10+$0x0] =	vst.idx.msk $0xffff, v47;
	v44 =	vadd.s32 v14, v61;
	v61 =	vld [tilespmem:$0x1FE70]  }
0x122: {  	v10 =	vmov v5;
	v5 =	vadd.s32 v58, v21  }
0x123: {  	[tilespmem:$0x1FC60] =	vst v43;
	v45 =	vand.u32 $0x7F, v5;
	v47 =	vand.u32 $0xFFFFFF80, v5;
	v5 =	vld [tilespmem:$0x1FF90]  }
0x124: {  	v12 =	vor.u32 v27, v56;
	[tilespmem:v26+s10+$0x0] =	vst.idx.msk $0xffff, v51  }
0x125: {  	v18 =	vor.u32 v33, v18;
	v0 =	vmov v12;
	v26 =	vld [tilespmem:$0x1FE60];
	[tilespmem:v7+s10+$0x0] =	vst.idx.msk $0xffff, v48  }
0x126: {  	v43 =	vor.u32 v49, v29;
	v7 =	vmov v42;
	[tilespmem:$0x1FE90] =	vst v0;
	v33 =	vadd.s32 v61, v39;
	v39 =	vld.idx.msk [tilespmem:v28+s3+$0x0], $0xffff  }
0x127: {  	v37 =	vor.u32 v62, v56;
	v0 =	vshll.u32 v16, $0x7;
	v28 =	vld [tilespmem:$0x1FF20];
	[tilespmem:$0x1FF20] =	vst v7;
	v7 =	vadd.s32 v55, v27  }
0x128: {  	v48 =	vor.u32 v5, v0;
	v5 =	vmovc v43;
	v43 =	vand.u32 $0x7F, v46;
	v46 =	vand.u32 $0xFFFFFF80, v7  }
0x129: {  	[tilespmem:$0x1FF70] =	vst v5;
	v5 =	vor.u32 v40, v33;
	v40 =	vmov v37;
	v33 =	vadd.s32 v61, v46;
	v46 =	vld [tilespmem:$0x1FEB0]  }
0x12a: {  	v34 =	vand.u32 $0x7F, v38;
	v38 =	vand.u32 $0xFFFFFF80, v38;
	v11 =	vand.u32 $0xFFFFFF80, v4;
	[tilespmem:$0x1FE60] =	vst v40;
	v40 =	vld [tilespmem:$0x1FC80]  }
0x12b: {  	v11 =	vadd.s32 v57, v11;
	v37 =	vadd.s32 v57, v38;
	v57 =	vld [tilespmem:$0x1FEF0]  }
0x12c: {  	v1 =	vld [tilespmem:$0x1FD60]  }
0x12d: {  	[tilespmem:$0x1FBC0] =	vst v2;
	v31 =	vmov v31;
	v26 =	vld.idx.msk [tilespmem:v26+s3+$0x0], $0xffff  }
0x12e: {  	v36 =	vmovc v54;
	v54 =	vlaneseq.u32;
	v2 =	vmovc v60;
	v22 =	vshll.u32 v21, $0x7;
	[tilespmem:$0x1FCB0] =	vst v31;
	v31 =	vadd.s32 v55, v21;
	v53 =	vld.idx.msk [tilespmem:v53+s3+$0x0], $0xffff  }
0x12f: {  	v42 =	vor.u32 v54, v22;
	v59 =	vor.u32 v54, v15;
	v12 =	vmovc v28;
	v28 =	vadd.s32 v55, v16;
	v55 =	vld [tilespmem:$0x1FFF0]  }
0x130: {  	v60 =	vld [tilespmem:$0x1FD30];
	[tilespmem:$0x1FC90] =	vst v12;
	v12 =	vor.u32 v54, v0;
	v38 =	vor.u32 v54, v29;
	v54 =	vadd.s32 v57, v47  }
0x131: {  	v37 =	vor.u32 v34, v37;
	v34 =	vor.u32 v45, v54;
	v54 =	vld [tilespmem:$0x1FD50]  }
0x132: {  	v4 =	vand.u32 $0x7F, v4;
	v7 =	vand.u32 $0x7F, v7;
	[tilespmem:v40+s10+$0x0] =	vst.idx.msk $0xffff, v50;
	v50 =	vld [tilespmem:$0x1FF10]  }
0x133: {  	v49 =	vor.u32 v4, v11;
	[tilespmem:v46+s10+$0x0] =	vst.idx.msk $0xffff, v39;
	v39 =	vor.u32 v7, v33;
	v7 =	vld [tilespmem:$0x1FFE0]  }
0x134: {  	v51 =	vor.u32 v55, v0;
	[tilespmem:v24+s10+$0x0] =	vst.idx.msk $0xffff, v53;
	v53 =	vld [tilespmem:$0x1FD70]  }
0x135: {  	v18 =	vld.idx.msk [tilespmem:v18+s3+$0x0], $0xffff  }
0x136: {  	v32 =	vadd.s32 v1, v62  }
0x137: {  	v23 =	vadd.s32 v60, v62;
	[tilespmem:$0x1FEC0] =	vst v51;
	v51 =	vmovc v35;
	v35 =	vadd.s32 v60, v21;
	v46 =	vmov v50  }
0x138: {  	v47 =	vand.u32 $0xFFFFFF80, v35;
	v40 =	vor.u32 v7, v0;
	v7 =	vmovc v59;
	v59 =	vand.u32 $0xFFFFFF80, v32;
	[tilespmem:$0x1FC80] =	vst v46;
	v46 =	vld.idx.msk [tilespmem:v49+s3+$0x0], $0xffff  }
0x139: {  	[tilespmem:v8+s10+$0x0] =	vst.idx.msk $0xffff, v26;
	v8 =	vadd.s32 v54, v47;
	v47 =	vadd.s32 v53, v59;
	v59 =	vld [tilespmem:$0x1FCD0]  }
0x13a: {  	v9 =	vadd.s32 v60, v27;
	[tilespmem:v19+s10+$0x0] =	vst.idx.msk $0xffff, v18;
	v18 =	vadd.s32 v60, v16;
	v60 =	vld [tilespmem:$0x1FCE0]  }
0x13b: {  	v63 =	vor.u32 v63, v17;
	v17 =	vadd.s32 v52, v62  }
0x13c: {  	[tilespmem:$0x1FCC0] =	vst v63;
	v63 =	vand.u32 $0x7F, v17  }
0x13d: {  	v17 =	vand.u32 $0xFFFFFF80, v17;
	[tilespmem:$0x1FF10] =	vst v51;
	v51 =	vld [tilespmem:$0x1FFA0]  }
0x13e: {  	v45 =	vadd.s32 v14, v17;
	v17 =	vld [tilespmem:$0x1FD20];
	v35 =	vand.u32 $0x7F, v35  }
0x13f: {  	v26 =	vor.u32 v63, v45;
	v63 =	vmovc v48;
	v8 =	vor.u32 v35, v8;
	v35 =	vadd.s32 v1, v21  }
0x140: {  	[tilespmem:$0x1FEB0] =	vst v63;
	v63 =	vand.u32 $0xFFFFFF80, v35  }
0x141: {  	v32 =	vand.u32 $0x7F, v32;
	v48 =	vld.idx.msk [tilespmem:v59+s3+$0x0], $0xffff  }
0x142: {  	v45 =	vor.u32 v51, v0;
	v59 =	vor.u32 v32, v47;
	v47 =	vld.idx.msk [tilespmem:v60+s3+$0x0], $0xffff;
	v60 =	vmov v39  }
0x143: {  	v32 =	vadd.s32 v53, v63;
	v63 =	vmov v2;
	v2 =	vmov v45;
	[tilespmem:$0x1FCD0] =	vst v60;
	v60 =	vld [tilespmem:$0x1FED0]  }
0x144: {  	[tilespmem:$0x1FED0] =	vst v2;
	v2 =	vld [tilespmem:$0x1FD90];
	_ =	sdelay $0x1  }
0x145: {  	v41 =	vand.u32 $0xFFFFFF80, v23;
	v35 =	vand.u32 $0x7F, v35;
	v50 =	vld.idx.msk [tilespmem:v17+s3+$0x0], $0xffff;
	v49 =	vand.u32 $0xFFFFFF80, v9  }
0x146: {  	v9 =	vand.u32 $0x7F, v9;
	v39 =	vand.u32 $0x7F, v18;
	v18 =	vand.u32 $0xFFFFFF80, v18  }
0x147: {  	v41 =	vadd.s32 v54, v41;
	v32 =	vor.u32 v35, v32;
	v18 =	vadd.s32 v54, v18  }
0x148: {  	[tilespmem:$0x1FC20] =	vst v10;
	v10 =	vld [tilespmem:$0x1FE00];
	v35 =	vadd.s32 v54, v49;
	v54 =	vor.u32 v39, v18;
	v18 =	vadd.s32 v1, v27  }
0x149: {  	[tilespmem:$0x1FDC0] =	vst v63;
	v63 =	vmovc v8;
	v8 =	vor.u32 v9, v35;
	v9 =	vmov v6;
	v6 =	vadd.s32 v1, v16;
	v1 =	vld [tilespmem:$0x1FF30]  }
0x14a: {  	v35 =	vor.u32 v43, v44;
	v43 =	vld [tilespmem:$0x1FE10];
	[tilespmem:v60+s10+$0x0] =	vst.idx.msk $0xffff, v50  }
0x14b: {  	v39 =	vld.idx.msk [tilespmem:v2+s3+$0x0], $0xffff  }
0x14c: {  	v2 =	vld [tilespmem:$0x1FB70];
	_ =	sdelay $0x1  }
0x14d: {  	v4 =	vand.u32 $0x7F, v23;
	v23 =	vadd.s32 v10, v62;
	v37 =	vld.idx.msk [tilespmem:v37+s3+$0x0], $0xffff;
	[tilespmem:v42+s10+$0x0] =	vst.idx.msk $0xffff, v46  }
0x14e: {  	v11 =	vadd.s32 v10, v21;
	v24 =	vld [tilespmem:$0x1FFB0];
	v41 =	vor.u32 v4, v41;
	[tilespmem:$0x1FD20] =	vst v54;
	v60 =	vmovc v40;
	v40 =	vand.u32 $0xFFFFFF80, v23  }
0x14f: {  	v46 =	vld [tilespmem:$0x1FF90];
	[tilespmem:$0x1FCE0] =	vst v63;
	v54 =	vmovc v8;
	v8 =	vand.u32 $0x7F, v18;
	v23 =	vand.u32 $0x7F, v23;
	v4 =	vadd.s32 v43, v40  }
0x150: {  	v44 =	vld [tilespmem:$0x1FD10];
	[tilespmem:v3+s10+$0x0] =	vst.idx.msk $0xffff, v47;
	v4 =	vor.u32 v23, v4;
	v23 =	vand.u32 $0xFFFFFF80, v11;
	v63 =	vmovc v2;
	v2 =	vand.u32 $0xFFFFFF80, v18  }
0x151: {  	[tilespmem:v1+s10+$0x0] =	vst.idx.msk $0xffff, v48;
	v3 =	vadd.s32 v43, v23;
	v23 =	vld [tilespmem:$0x1FCF0];
	v1 =	vadd.s32 v53, v2;
	v2 =	vand.u32 $0xFFFFFF80, v6  }
0x152: {  	v8 =	vor.u32 v8, v1;
	v1 =	vadd.s32 v53, v2;
	v53 =	vld [tilespmem:$0x1FEE0];
	_ =	sdelay $0x1  }
0x153: {  	v49 =	vld [tilespmem:$0x1FFC0]  }
0x154: {  	[tilespmem:v38+s10+$0x0] =	vst.idx.msk $0xffff, v37  }
0x155: {  	v24 =	vor.u32 v24, v0;
	v2 =	vld.idx.msk [tilespmem:v26+s3+$0x0], $0xffff;
	v26 =	vor.u32 v55, v29  }
0x156: {  	v42 =	vor.u32 v46, v15;
	[tilespmem:$0x1FD10] =	vst v54;
	v54 =	vmov v24;
	v50 =	vld [tilespmem:$0x1FFD0];
	v6 =	vand.u32 $0x7F, v6  }
0x157: {  	v40 =	vld.idx.msk [tilespmem:v44+s3+$0x0], $0xffff;
	[tilespmem:$0x1FEE0] =	vst v54;
	v44 =	vor.u32 v6, v1;
	v1 =	vmov v42  }
0x158: {  	v54 =	vand.u32 $0x7F, v11;
	v11 =	vor.u32 v49, v0;
	v6 =	vadd.s32 v58, v62;
	[tilespmem:$0x1FF30] =	vst v1  }
0x159: {  	v38 =	vld.idx.msk [tilespmem:v23+s3+$0x0], $0xffff;
	[tilespmem:v53+s10+$0x0] =	vst.idx.msk $0xffff, v39;
	v39 =	vor.u32 v54, v3;
	v3 =	vand.u32 $0xFFFFFF80, v6  }
0x15a: {  	v24 =	vand.u32 $0x7F, v6;
	v23 =	vmov v32;
	v1 =	vld [tilespmem:$0x1FF00];
	[tilespmem:v26+s10+$0x0] =	vst.idx.msk $0xffff, v2;
	v3 =	vadd.s32 v57, v3  }
0x15b: {  	[tilespmem:$0x1FCF0] =	vst v23;
	v23 =	vor.u32 v50, v0;
	v0 =	vor.u32 v24, v3;
	v24 =	vld.idx.msk [tilespmem:v5+s3+$0x0], $0xffff  }
0x15c: {  	v5 =	vld [tilespmem:$0x1FB80];
	_ =	sdelay $0x3  }
0x15d: {  	v20 =	vand.u32 $0xFFFFFF80, v20  }
0x15e: {  	v2 =	vadd.s32 v14, v20;
	v20 =	vor.u32 v1, v5;
	v1 =	vld [tilespmem:$0x1FB90];
	_ =	sdelay $0x4  }
0x15f: {  	v53 =	vor.u32 v1, v2;
	v1 =	vld [tilespmem:$0x1FF40];
	_ =	sdelay $0x7  }
0x160: {  	[tilespmem:v1+s10+$0x0] =	vst.idx.msk $0xffff, v40;
	v1 =	vld [tilespmem:$0x1FBA0];
	_ =	sdelay $0x6  }
0x161: {  	v30 =	vmov v25;
	v5 =	vld [tilespmem:$0x1FBC0]  }
0x162: {  	v25 =	vadd.s32 v58, v16;
	v37 =	vadd.s32 v58, v27;
	v58 =	vmov v30;
	v30 =	vld.idx.msk [tilespmem:v1+s3+$0x0], $0xffff  }
0x163: {  	v1 =	vld [tilespmem:$0x1FBB0];
	_ =	sdelay $0x4  }
0x164: {  	v62 =	vor.u32 v5, v1;
	v1 =	vld [tilespmem:$0x1FBD0];
	_ =	sdelay $0x6  }
0x165: {  	v35 =	vld.idx.msk [tilespmem:v35+s3+$0x0], $0xffff  }
0x166: {  	[tilespmem:v1+s10+$0x0] =	vst.idx.msk $0xffff, v38;
	v1 =	vld [tilespmem:$0x1FBE0];
	_ =	sdelay $0x7  }
0x167: {  	v38 =	vld.idx.msk [tilespmem:v1+s3+$0x0], $0xffff  }
0x168: {  	v1 =	vld [tilespmem:$0x1FBF0];
	_ =	sdelay $0x2  }
0x169: {  	v47 =	vld [tilespmem:$0x1FFA0];
	_ =	sdelay $0x4  }
0x16a: {  	[tilespmem:v1+s10+$0x0] =	vst.idx.msk $0xffff, v24;
	v1 =	vor.u32 v47, v15  }
0x16b: {  	[tilespmem:$0x1FF40] =	vst v1;
	v1 =	vand.u32 $0x7F, v37  }
0x16c: {  	[tilespmem:$0x1FF00] =	vst v1;
	v1 =	vld [tilespmem:$0x1FC10];
	_ =	sdelay $0x2  }
0x16d: {  	v6 =	vld.idx.msk [tilespmem:v36+s3+$0x0], $0xffff;
	_ =	sdelay $0x3  }
0x16e: {  	v36 =	vand.u32 $0xFFFFFF80, v37;
	v37 =	vld.idx.msk [tilespmem:v62+s3+$0x0], $0xffff  }
0x16f: {  	[tilespmem:v1+s10+$0x0] =	vst.idx.msk $0xffff, v6;
	v1 =	vld [tilespmem:$0x1FC30];
	_ =	sdelay $0x7  }
0x170: {  	[tilespmem:v1+s10+$0x0] =	vst.idx.msk $0xffff, v30;
	v1 =	vld [tilespmem:$0x1FC40];
	_ =	sdelay $0x6  }
0x171: {  	v52 =	vand.u32 $0xFFFFFF80, v31  }
0x172: {  	v18 =	vadd.s32 v61, v52;
	v52 =	vadd.s32 v57, v36;
	v36 =	vld.idx.msk [tilespmem:v1+s3+$0x0], $0xffff  }
0x173: {  	v1 =	vld [tilespmem:$0x1FC60];
	_ =	sdelay $0x2  }
0x174: {  	v48 =	vld [tilespmem:$0x1FFB0];
	_ =	sdelay $0x1  }
0x175: {  	v33 =	vand.u32 $0x7F, v28;
	v19 =	vand.u32 $0xFFFFFF80, v25  }
0x176: {  	v17 =	vor.u32 v55, v22;
	v25 =	vand.u32 $0x7F, v25;
	v19 =	vadd.s32 v57, v19  }
0x177: {  	v51 =	vld [tilespmem:$0x1FFE0];
	v45 =	vlaneseq.u32;
	v27 =	vadd.s32 v10, v27;
	v3 =	vadd.s32 v10, v16  }
0x178: {  	v32 =	vor.u32 v48, v22;
	v10 =	vor.u32 v48, v15;
	v2 =	vand.u32 $0xFFFFFF80, v3;
	[tilespmem:v1+s10+$0x0] =	vst.idx.msk $0xffff, v38;
	v1 =	vld [tilespmem:$0x1FC70]  }
0x179: {  	v3 =	vand.u32 $0x7F, v3;
	v2 =	vadd.s32 v43, v2;
	v40 =	vmovc v8;
	v8 =	vand.u32 $0xFFFFFF80, v27  }
0x17a: {  	v54 =	vor.u32 v3, v2;
	v2 =	vand.u32 $0x7F, v27;
	v3 =	vadd.s32 v43, v8  }
0x17b: {  	p1 =	slt.u32 s25, $0x3C;
	v27 =	vor.u32 v25, v19;
	v26 =	vor.u32 v2, v3;
	v2 =	vand.u32 $0xFFFFFF80, v28  }
.Ltmp0:
0x17c: {  	v25 =	vor.u32 v16, v56;
	v19 =	vor.u32 v46, v22;
	v2 =	vadd.s32 v61, v2;
	v61 =	vld [tilespmem:$0x1FC20];
	(pc) =	sbr.rel @p1 .LBB2_3-.Ltmp0, $4  }
0x17d: {  	v8 =	vor.u32 v51, v29;
	v43 =	vor.u32 v49, v22;
	v3 =	vor.u32 v47, v22;
	v16 =	vld.idx.msk [tilespmem:v41+s3+$0x0], $0xffff  }
0x17e: {  	[tilespmem:$0x1FD90] =	vst v44;
	v28 =	vor.u32 v33, v2;
	v33 =	vand.u32 $0x7F, v31;
	v31 =	vor.u32 v49, v15;
	v41 =	vld [tilespmem:$0x1FC00]  }
0x17f: {  	s23 =	sadd.s32 $0x4, s25;
	v44 =	vmovc v34;
	v42 =	vmovc v39;
	v24 =	vor.u32 v55, v15;
	v6 =	vadd.s32 s24, v45;
	v30 =	vor.u32 v21, v56;
	v56 =	vld [tilespmem:$0x1FC50]  }
0x180: {  	s25 =	smov.u32 s23;
	v57 =	vmovc v32;
	v55 =	vor.u32 v51, v22;
	v62 =	vand.u32 $0x3F, v6;
	v6 =	vor.u32 v50, v22;
	v21 =	vld.idx.msk [tilespmem:v1+s3+$0x0], $0xffff  }
0x181: {  	v5 =	vld [tilespmem:$0x1FDE0];
	_ =	sdelay $0x3  }
0x182: {  	v1 =	vld [tilespmem:$0x1FCB0]  }
0x183: {  	v15 =	vadd.s32 v5, v62;
	v5 =	vld [tilespmem:$0x1FDF0];
	_ =	sdelay $0x3  }
0x184: {  	v22 =	vand.u32 $0xFFFFFF80, v15  }
0x185: {  	v22 =	vadd.s32 v5, v22;
	v5 =	vld [tilespmem:$0x1FDA0];
	_ =	sdelay $0x2  }
0x186: {  	v32 =	vld.idx.msk [tilespmem:v1+s3+$0x0], $0xffff  }
0x187: {  	v15 =	vand.u32 $0x7F, v15  }
0x188: {  	v15 =	vor.u32 v15, v22;
	v22 =	vadd.s32 v5, v62;
	v5 =	vld [tilespmem:$0x1FDD0];
	[tilespmem:v13+s10+$0x0] =	vst.idx.msk $0xffff, v16  }
0x189: {  	[tilespmem:v17+s10+$0x0] =	vst.idx.msk $0xffff, v35  }
0x18a: {  	[tilespmem:v12+s10+$0x0] =	vst.idx.msk $0xffff, v37  }
0x18b: {  	[tilespmem:v7+s10+$0x0] =	vst.idx.msk $0xffff, v32  }
0x18c: {  	v1 =	vld [tilespmem:$0x1FE50];
	_ =	sdelay $0x3  }
0x18d: {  	v34 =	vshll.u32 v62, $0x7;
	v15 =	vld.idx.msk [tilespmem:v15+s3+$0x0], $0xffff  }
0x18e: {  	v39 =	vor.u32 v45, v34;
	v12 =	vadd.s32 v1, v62;
	v1 =	vld [tilespmem:$0x1FCC0];
	_ =	sdelay $0x4  }
0x18f: {  	[tilespmem:v39+s10+$0x0] =	vst.idx.msk $0xffff, v15  }
0x190: {  	v17 =	vld [tilespmem:$0x1FE70]  }
0x191: {  	v7 =	vor.u32 v33, v18;
	v33 =	vld [tilespmem:$0x1FFF0];
	[tilespmem:v56+s10+$0x0] =	vst.idx.msk $0xffff, v36  }
0x192: {  	[tilespmem:v9+s10+$0x0] =	vst.idx.msk $0xffff, v21;
	v16 =	vld.idx.msk [tilespmem:v1+s3+$0x0], $0xffff  }
0x193: {  	v1 =	vld [tilespmem:$0x1FCA0];
	_ =	sdelay $0x5  }
0x194: {  	v38 =	vand.u32 $0xFFFFFF80, v22  }
0x195: {  	v22 =	vand.u32 $0x7F, v22;
	v38 =	vadd.s32 v5, v38  }
0x196: {  	v14 =	vor.u32 v22, v38;
	v9 =	vld.idx.msk [tilespmem:v1+s3+$0x0], $0xffff  }
0x197: {  	v1 =	vld [tilespmem:$0x1FEC0];
	_ =	sdelay $0x1  }
0x198: {  	v13 =	vld.idx.msk [tilespmem:v53+s3+$0x0], $0xffff  }
0x199: {  	v15 =	vand.u32 $0xFFFFFF80, v12  }
0x19a: {  	v14 =	vld.idx.msk [tilespmem:v14+s3+$0x0], $0xffff;
	v15 =	vadd.s32 v17, v15;
	v17 =	vor.u32 v33, v34;
	_ =	sdelay $0x2  }
0x19b: {  	[tilespmem:v24+s10+$0x0] =	vst.idx.msk $0xffff, v13  }
0x19c: {  	v5 =	vld.idx.msk [tilespmem:v7+s3+$0x0], $0xffff;
	[tilespmem:v1+s10+$0x0] =	vst.idx.msk $0xffff, v16  }
0x19d: {  	v7 =	vld [tilespmem:$0x1FD30];
	[tilespmem:v17+s10+$0x0] =	vst.idx.msk $0xffff, v14  }
0x19e: {  	v1 =	vld [tilespmem:$0x1FCD0];
	_ =	sdelay $0x6  }
0x19f: {  	v16 =	vld [tilespmem:$0x1FD50];
	[tilespmem:v41+s10+$0x0] =	vst.idx.msk $0xffff, v9  }
0x1a0: {  	[tilespmem:v19+s10+$0x0] =	vst.idx.msk $0xffff, v5;
	v14 =	vld.idx.msk [tilespmem:v1+s3+$0x0], $0xffff  }
0x1a1: {  	v1 =	vld [tilespmem:$0x1FEB0];
	_ =	sdelay $0x2  }
0x1a2: {  	v13 =	vld.idx.msk [tilespmem:v28+s3+$0x0], $0xffff;
	_ =	sdelay $0x4  }
0x1a3: {  	[tilespmem:v1+s10+$0x0] =	vst.idx.msk $0xffff, v13  }
0x1a4: {  	v1 =	vld [tilespmem:$0x1FCE0];
	_ =	sdelay $0x7  }
0x1a5: {  	v9 =	vld.idx.msk [tilespmem:v1+s3+$0x0], $0xffff  }
0x1a6: {  	v1 =	vld [tilespmem:$0x1FD60];
	_ =	sdelay $0x4  }
0x1a7: {  	v13 =	vadd.s32 v1, v62;
	v1 =	vld [tilespmem:$0x1FD20];
	_ =	sdelay $0x4  }
0x1a8: {  	v12 =	vand.u32 $0x7F, v12;
	v7 =	vadd.s32 v7, v62  }
0x1a9: {  	v12 =	vor.u32 v12, v15;
	v15 =	vand.u32 $0xFFFFFF80, v7  }
0x1aa: {  	v7 =	vand.u32 $0x7F, v7;
	v15 =	vadd.s32 v16, v15  }
0x1ab: {  	v7 =	vor.u32 v7, v15;
	v15 =	vld.idx.msk [tilespmem:v1+s3+$0x0], $0xffff  }
0x1ac: {  	v1 =	vld [tilespmem:$0x1FF30];
	_ =	sdelay $0x3  }
0x1ad: {  	v12 =	vld.idx.msk [tilespmem:v12+s3+$0x0], $0xffff;
	v16 =	vor.u32 v46, v34;
	_ =	sdelay $0x3  }
0x1ae: {  	[tilespmem:v1+s10+$0x0] =	vst.idx.msk $0xffff, v14  }
0x1af: {  	v14 =	vld [tilespmem:$0x1FD10];
	[tilespmem:v16+s10+$0x0] =	vst.idx.msk $0xffff, v12  }
0x1b0: {  	v2 =	vld [tilespmem:$0x1FF50];
	_ =	sdelay $0x2  }
0x1b1: {  	v5 =	vld.idx.msk [tilespmem:v59+s3+$0x0], $0xffff;
	_ =	sdelay $0x3  }
0x1b2: {  	v16 =	vld [tilespmem:$0x1FD70];
	[tilespmem:v3+s10+$0x0] =	vst.idx.msk $0xffff, v9  }
0x1b3: {  	[tilespmem:v2+s10+$0x0] =	vst.idx.msk $0xffff, v5  }
0x1b4: {  	v2 =	vld [tilespmem:$0x1FED0];
	_ =	sdelay $0x7  }
0x1b5: {  	[tilespmem:v2+s10+$0x0] =	vst.idx.msk $0xffff, v15  }
0x1b6: {  	v2 =	vld [tilespmem:$0x1FD90];
	_ =	sdelay $0x7  }
0x1b7: {  	v9 =	vld.idx.msk [tilespmem:v2+s3+$0x0], $0xffff  }
0x1b8: {  	v2 =	vld [tilespmem:$0x1FF40];
	_ =	sdelay $0x1  }
0x1b9: {  	v12 =	vor.u32 v47, v34;
	v7 =	vld.idx.msk [tilespmem:v7+s3+$0x0], $0xffff  }
0x1ba: {  	v14 =	vld.idx.msk [tilespmem:v14+s3+$0x0], $0xffff;
	_ =	sdelay $0x2  }
0x1bb: {  	v3 =	vld [tilespmem:$0x1FCF0]  }
0x1bc: {  	v5 =	vld [tilespmem:$0x1FE00];
	[tilespmem:v12+s10+$0x0] =	vst.idx.msk $0xffff, v7  }
0x1bd: {  	[tilespmem:v2+s10+$0x0] =	vst.idx.msk $0xffff, v14  }
0x1be: {  	v7 =	vld [tilespmem:$0x1FC90];
	_ =	sdelay $0x1  }
0x1bf: {  	v1 =	vand.u32 $0xFFFFFF80, v13  }
0x1c0: {  	v1 =	vadd.s32 v16, v1;
	v16 =	vld.idx.msk [tilespmem:v20+s3+$0x0], $0xffff;
	_ =	sdelay $0x4  }
0x1c1: {  	[tilespmem:v7+s10+$0x0] =	vst.idx.msk $0xffff, v16  }
0x1c2: {  	v2 =	vld [tilespmem:$0x1FF70];
	_ =	sdelay $0x2  }
0x1c3: {  	v4 =	vld.idx.msk [tilespmem:v4+s3+$0x0], $0xffff;
	_ =	sdelay $0x4  }
0x1c4: {  	v7 =	vld [tilespmem:$0x1FE10];
	[tilespmem:v2+s10+$0x0] =	vst.idx.msk $0xffff, v4  }
0x1c5: {  	v2 =	vld [tilespmem:$0x1FE30];
	_ =	sdelay $0x2  }
0x1c6: {  	v3 =	vld.idx.msk [tilespmem:v3+s3+$0x0], $0xffff;
	_ =	sdelay $0x1  }
0x1c7: {  	v5 =	vadd.s32 v5, v62  }
0x1c8: {  	v14 =	vand.u32 $0xFFFFFF80, v5  }
0x1c9: {  	v5 =	vand.u32 $0x7F, v5;
	v7 =	vadd.s32 v7, v14  }
0x1ca: {  	v4 =	vor.u32 v5, v7;
	[tilespmem:v57+s10+$0x0] =	vst.idx.msk $0xffff, v3;
	v5 =	vld.idx.msk [tilespmem:v2+s3+$0x0], $0xffff  }
0x1cb: {  	v2 =	vld [tilespmem:$0x1FEE0]  }
0x1cc: {  	v13 =	vand.u32 $0x7F, v13  }
0x1cd: {  	v1 =	vor.u32 v13, v1;
	_ =	sdelay $0x3  }
0x1ce: {  	v15 =	vld.idx.msk [tilespmem:v40+s3+$0x0], $0xffff  }
0x1cf: {  	v13 =	vor.u32 v48, v34;
	v1 =	vld.idx.msk [tilespmem:v1+s3+$0x0], $0xffff  }
0x1d0: {  	[tilespmem:v2+s10+$0x0] =	vst.idx.msk $0xffff, v9  }
0x1d1: {  	v7 =	vld [tilespmem:$0x1FEA0]  }
0x1d2: {  	v3 =	vld.idx.msk [tilespmem:v42+s3+$0x0], $0xffff  }
0x1d3: {  	v9 =	vld.idx.msk [tilespmem:v54+s3+$0x0], $0xffff;
	[tilespmem:v10+s10+$0x0] =	vst.idx.msk $0xffff, v15  }
0x1d4: {  	[tilespmem:v13+s10+$0x0] =	vst.idx.msk $0xffff, v1;
	v14 =	vld.idx.msk [tilespmem:v26+s3+$0x0], $0xffff  }
0x1d5: {  	v2 =	vld [tilespmem:$0x1FF00]  }
0x1d6: {  	v10 =	vor.u32 v49, v34;
	v4 =	vld.idx.msk [tilespmem:v4+s3+$0x0], $0xffff;
	v7 =	vadd.s32 v7, v62  }
0x1d7: {  	v12 =	vand.u32 $0xFFFFFF80, v7;
	v1 =	vand.u32 $0x7F, v7;
	v7 =	vld [tilespmem:$0x1FEF0];
	[tilespmem:v63+s10+$0x0] =	vst.idx.msk $0xffff, v5  }
0x1d8: {  	[tilespmem:v43+s10+$0x0] =	vst.idx.msk $0xffff, v3  }
0x1d9: {  	[tilespmem:v11+s10+$0x0] =	vst.idx.msk $0xffff, v9  }
0x1da: {  	[tilespmem:v31+s10+$0x0] =	vst.idx.msk $0xffff, v14  }
0x1db: {  	[tilespmem:v10+s10+$0x0] =	vst.idx.msk $0xffff, v4  }
0x1dc: {  	v7 =	vadd.s32 v7, v12;
	v12 =	vor.u32 v2, v52;
	v2 =	vld [tilespmem:$0x1FDC0];
	_ =	sdelay $0x2  }
0x1dd: {  	v13 =	vld.idx.msk [tilespmem:v58+s3+$0x0], $0xffff  }
0x1de: {  	v0 =	vld.idx.msk [tilespmem:v0+s3+$0x0], $0xffff;
	v5 =	vor.u32 v50, v29  }
0x1df: {  	v3 =	vld.idx.msk [tilespmem:v44+s3+$0x0], $0xffff  }
0x1e0: {  	v1 =	vor.u32 v1, v7;
	v7 =	vld.idx.msk [tilespmem:v27+s3+$0x0], $0xffff;
	_ =	sdelay $0x1  }
0x1e1: {  	[tilespmem:v2+s10+$0x0] =	vst.idx.msk $0xffff, v13  }
0x1e2: {  	v10 =	vld [tilespmem:$0x1FE20];
	[tilespmem:v5+s10+$0x0] =	vst.idx.msk $0xffff, v0  }
0x1e3: {  	v0 =	vld [tilespmem:$0x1FE60];
	[tilespmem:v6+s10+$0x0] =	vst.idx.msk $0xffff, v3  }
0x1e4: {  	[tilespmem:v23+s10+$0x0] =	vst.idx.msk $0xffff, v7  }
0x1e5: {  	v2 =	vld [tilespmem:$0x1FF20];
	_ =	sdelay $0x2  }
0x1e6: {  	v9 =	vld.idx.msk [tilespmem:v12+s3+$0x0], $0xffff  }
0x1e7: {  	v4 =	vor.u32 v50, v34;
	v1 =	vld.idx.msk [tilespmem:v1+s3+$0x0], $0xffff;
	_ =	sdelay $0x3  }
0x1e8: {  	[tilespmem:v2+s10+$0x0] =	vst.idx.msk $0xffff, v9  }
0x1e9: {  	v2 =	vld [tilespmem:$0x1FE90];
	[tilespmem:v4+s10+$0x0] =	vst.idx.msk $0xffff, v1  }
0x1ea: {  	v1 =	vld [tilespmem:$0x1FC80]  }
0x1eb: {  	v3 =	vld.idx.msk [tilespmem:v30+s3+$0x0], $0xffff  }
0x1ec: {  	v0 =	vld.idx.msk [tilespmem:v0+s3+$0x0], $0xffff  }
0x1ed: {  	v11 =	vld.idx.msk [tilespmem:v61+s3+$0x0], $0xffff  }
0x1ee: {  	v5 =	vld.idx.msk [tilespmem:v25+s3+$0x0], $0xffff;
	_ =	sdelay $0x1  }
0x1ef: {  	[tilespmem:v55+s10+$0x0] =	vst.idx.msk $0xffff, v3  }
0x1f0: {  	v10 =	vor.u32 v62, v10;
	[tilespmem:v8+s10+$0x0] =	vst.idx.msk $0xffff, v0  }
0x1f1: {  	v6 =	vld.idx.msk [tilespmem:v2+s3+$0x0], $0xffff;
	[tilespmem:v1+s10+$0x0] =	vst.idx.msk $0xffff, v11  }
0x1f2: {  	v3 =	vld [tilespmem:$0x1FF80];
	[tilespmem:v60+s10+$0x0] =	vst.idx.msk $0xffff, v5  }
0x1f3: {  	v2 =	vld [tilespmem:$0x1FF10];
	_ =	sdelay $0x1  }
0x1f4: {  	v4 =	vld.idx.msk [tilespmem:v10+s3+$0x0], $0xffff;
	v1 =	vor.u32 v51, v34;
	_ =	sdelay $0x1  }
0x1f5: {  	s23 =	sor.u32 $0x1, s22  }
0x1f6: {  	s24 =	sshll.u32 s21, $0x14;
	v0 =	vadd.s32 s23, v3  }
0x1f7: {  	s24 =	sor.u32 s6, s24  }
0x1f8: {  	s24 =	sshrl.u32 s24, $0x3;
	[tilespmem:v1+s10+$0x0] =	vst.idx.msk $0xffff, v4  }
0x1f9: {  	s24 =	sadd.s32 s2, s24;
	[tilespmem:v2+s10+$0x0] =	vst.idx.msk $0xffff, v6  }
0x1fa: {  	[hbm4b:s24+s11] =	stream.strided.scatter [tilespmem:s10], [sflag:$0x1], $0x2000, s12, s11, $0x38;
	[tilespmem:$0x1E100] =	vst v63  }
0x1fb: {  	v0 =	vld.idx.msk [tilespmem:v0+s9+$0x0], $0xffff;
	_ =	sdelay $0x1  }
0x1fc: {  	s30 =	sadd.s32 $0xC81, s22  }
0x1fd: {  	v1 =	vadd.s32 s30, v3;
	_ =	sdelay $0x1  }
0x1fe: {  	v2 =	vshrl.u32 v0, $0x1;
	v0 =	vshll.u32 v0, $0x6  }
0x1ff: {  	[tilespmem:$0x1E000] =	vst v2;
	v0 =	vand.u32 $0x40, v0  }
0x200: {  	[tilespmem:$0x1E080] =	vst v0  }
0x201: {  	v0 =	vld.idx.msk [tilespmem:v1+s9+$0x0], $0xffff;
	_ =	sdelay $0x1  }
0x202: {  	s31 =	sor.u32 $0x1901, s22  }
0x203: {  	v1 =	vadd.s32 s31, v3;
	_ =	sdelay $0x1  }
0x204: {  	v2 =	vshrl.u32 v0, $0x1;
	v0 =	vshll.u32 v0, $0x6  }
0x205: {  	[tilespmem:$0x1E010] =	vst v2;
	v0 =	vand.u32 $0x40, v0  }
0x206: {  	[tilespmem:$0x1E090] =	vst v0  }
0x207: {  	v0 =	vld.idx.msk [tilespmem:v1+s9+$0x0], $0xffff;
	_ =	sdelay $0x1  }
0x208: {  	s25 =	sadd.s32 $0x2581, s22  }
0x209: {  	v1 =	vadd.s32 s25, v3;
	_ =	sdelay $0x1  }
0x20a: {  	v2 =	vshrl.u32 v0, $0x1;
	v0 =	vshll.u32 v0, $0x6  }
0x20b: {  	[tilespmem:$0x1E020] =	vst v2;
	v0 =	vand.u32 $0x40, v0  }
0x20c: {  	[tilespmem:$0x1E0A0] =	vst v0  }
0x20d: {  	v0 =	vld.idx.msk [tilespmem:v1+s9+$0x0], $0xffff;
	_ =	sdelay $0x1  }
0x20e: {  	s26 =	sor.u32 $0x3201, s22  }
0x20f: {  	v1 =	vadd.s32 s26, v3;
	_ =	sdelay $0x1  }
0x210: {  	v2 =	vshrl.u32 v0, $0x1;
	v0 =	vshll.u32 v0, $0x6  }
0x211: {  	[tilespmem:$0x1E030] =	vst v2;
	v0 =	vand.u32 $0x40, v0  }
0x212: {  	[tilespmem:$0x1E0B0] =	vst v0  }
0x213: {  	v0 =	vld.idx.msk [tilespmem:v1+s9+$0x0], $0xffff;
	_ =	sdelay $0x1  }
0x214: {  	s28 =	sadd.s32 $0x3E81, s22  }
0x215: {  	v1 =	vadd.s32 s28, v3;
	_ =	sdelay $0x1  }
0x216: {  	v2 =	vshrl.u32 v0, $0x1;
	v0 =	vshll.u32 v0, $0x6  }
0x217: {  	[tilespmem:$0x1E040] =	vst v2;
	v0 =	vand.u32 $0x40, v0  }
0x218: {  	[tilespmem:$0x1E0C0] =	vst v0  }
0x219: {  	v0 =	vld.idx.msk [tilespmem:v1+s9+$0x0], $0xffff;
	_ =	sdelay $0x1  }
0x21a: {  	s29 =	sor.u32 $0x4B01, s22  }
0x21b: {  	v1 =	vadd.s32 s29, v3;
	_ =	sdelay $0x1  }
0x21c: {  	v2 =	vshrl.u32 v0, $0x1;
	v0 =	vshll.u32 v0, $0x6  }
0x21d: {  	[tilespmem:$0x1E050] =	vst v2;
	v0 =	vand.u32 $0x40, v0  }
0x21e: {  	[tilespmem:$0x1E0D0] =	vst v0  }
0x21f: {  	v0 =	vld.idx.msk [tilespmem:v1+s9+$0x0], $0xffff;
	_ =	sdelay $0x1  }
0x220: {  	s30 =	sadd.s32 $0x5781, s22  }
0x221: {  	v1 =	vadd.s32 s30, v3;
	_ =	sdelay $0x1  }
0x222: {  	v2 =	vshrl.u32 v0, $0x1;
	v0 =	vshll.u32 v0, $0x6  }
0x223: {  	[tilespmem:$0x1E060] =	vst v2;
	v0 =	vand.u32 $0x40, v0  }
0x224: {  	[tilespmem:$0x1E0E0] =	vst v0  }
0x225: {  	v0 =	vld.idx.msk [tilespmem:v1+s9+$0x0], $0xffff;
	_ =	sdelay $0x4  }
0x226: {  	v1 =	vshrl.u32 v0, $0x1;
	v0 =	vshll.u32 v0, $0x6  }
0x227: {  	[tilespmem:$0x1E070] =	vst v1;
	v0 =	vand.u32 $0x40, v0  }
0x228: {  	s24 =	simm.s32 @!p0 $0x2;
	[tilespmem:$0x1E0F0] =	vst v0  }
0x229: {  	_ =	swait.ge @!p0 [sflag:s24], $0x2000  }
0x22a: {  	[sflag:s24] =	ssyncset.done @!p0 $0x0  }
0x22b: {  	[sflag:s24] =	ssyncadd.s32 @!p0 $0xFFFFE000  }
0x22c: {  	v1 =	vld [tilespmem:$0x1E000]  }
0x22d: {  	v2 =	vld [tilespmem:$0x1E010]  }
0x22e: {  	v3 =	vld [tilespmem:$0x1E020]  }
0x22f: {  	v4 =	vld [tilespmem:$0x1E030]  }
0x230: {  	v5 =	vld [tilespmem:$0x1E040]  }
0x231: {  	v6 =	vld [tilespmem:$0x1E050]  }
0x232: {  	v8 =	vld [tilespmem:$0x1E070]  }
0x233: {  	v7 =	vld [tilespmem:$0x1E060]  }
0x234: {  	v52 =	vld [tilespmem:$0x1E080]  }
0x235: {  	v62 =	vld [tilespmem:$0x1E0B0];
	v53 =	vshll.u32 v1, $0x7;
	v19 =	vshll.u32 v2, $0x7  }
0x236: {  	s31 =	simm.s32 $0x1;
	v13 =	vld [tilespmem:$0x1E090];
	v20 =	vshll.u32 v3, $0x7;
	v61 =	vshll.u32 v4, $0x7;
	v60 =	vshll.u32 v5, $0x7  }
0x237: {  	s25 =	simm.s32 $0x2;
	v58 =	vld [tilespmem:$0x1E0E0];
	v57 =	vshll.u32 v6, $0x7;
	v1 =	vadd.s32 s31, v45;
	v2 =	vshll.u32 v8, $0x7  }
0x238: {  	v55 =	vld [tilespmem:$0x1E0A0];
	v4 =	vand.u32 $0x3F, v1;
	v1 =	vor.u32 v0, v2;
	v0 =	vadd.s32 s25, v45  }
0x239: {  	v43 =	vshll.u32 v7, $0x7;
	v3 =	vadd.s32 v52, v4;
	v2 =	vand.u32 $0x3F, v0  }
0x23a: {  	v56 =	vshll.u32 v4, $0x7;
	v63 =	vor.u32 v4, v1;
	v7 =	vadd.s32 v62, v4  }
0x23b: {  	v16 =	vadd.s32 v13, v4;
	v0 =	vand.u32 $0xFFFFFF80, v3;
	v5 =	vadd.s32 v52, v2  }
0x23c: {  	v6 =	vor.u32 v51, v56;
	v3 =	vand.u32 $0x7F, v3;
	v17 =	vand.u32 $0x7F, v16  }
0x23d: {  	[tilespmem:$0x1FA30] =	vst v1;
	v18 =	vadd.s32 v58, v2;
	v1 =	vor.u32 v45, v56;
	v32 =	vadd.s32 v55, v2  }
0x23e: {  	v44 =	vadd.s32 v62, v2;
	v16 =	vand.u32 $0xFFFFFF80, v16;
	v0 =	vadd.s32 v53, v0  }
0x23f: {  	[tilespmem:$0x1F890] =	vst v6;
	v6 =	vand.u32 $0xFFFFFF80, v5;
	v15 =	vand.u32 $0x7F, v5;
	v59 =	vand.u32 $0xFFFFFF80, v18  }
0x240: {  	v54 =	vld [tilespmem:$0x1E0D0];
	s25 =	simm.s32 $0x6;
	v40 =	vand.u32 $0x7F, v44;
	v34 =	vand.u32 $0xFFFFFF80, v44;
	v16 =	vadd.s32 v19, v16  }
0x241: {  	s26 =	simm.s32 $0x3;
	v44 =	vadd.s32 s25, v45;
	v14 =	vadd.s32 v53, v6;
	v6 =	vadd.s32 v13, v2  }
0x242: {  	v22 =	vor.u32 v3, v0;
	v0 =	vadd.s32 s26, v45;
	v3 =	vor.u32 v50, v56  }
0x243: {  	v36 =	vor.u32 v17, v16;
	v17 =	vand.u32 $0x7F, v18;
	[tilespmem:$0x1F8A0] =	vst v3;
	v3 =	vand.u32 $0x3F, v0  }
0x244: {  	[tilespmem:$0x1F910] =	vst v1;
	v1 =	vld [tilespmem:$0x1E0C0];
	v38 =	vor.u32 v15, v14;
	v0 =	vadd.s32 v52, v3;
	v8 =	vadd.s32 v13, v3  }
0x245: {  	v5 =	vmovc v43;
	v37 =	vshll.u32 v3, $0x7;
	v23 =	vadd.s32 v54, v3;
	v30 =	vadd.s32 v55, v3  }
0x246: {  	v12 =	vadd.s32 v62, v3;
	v35 =	vadd.s32 v5, v59;
	v9 =	vand.u32 $0xFFFFFF80, v0  }
0x247: {  	v0 =	vand.u32 $0x7F, v0;
	v10 =	vand.u32 $0xFFFFFF80, v8;
	v21 =	vand.u32 $0xFFFFFF80, v30  }
0x248: {  	v31 =	vand.u32 $0x7F, v8;
	v9 =	vadd.s32 v53, v9;
	v11 =	vadd.s32 v19, v10  }
0x249: {  	v41 =	vadd.s32 v1, v2;
	v28 =	vor.u32 v0, v9;
	v0 =	vand.u32 $0xFFFFFF80, v6  }
0x24a: {  	v59 =	vadd.s32 v20, v21;
	v6 =	vand.u32 $0x7F, v6;
	v0 =	vadd.s32 v19, v0  }
0x24b: {  	v9 =	vadd.s32 v58, v3;
	v27 =	vor.u32 v6, v0;
	v6 =	vshll.u32 v2, $0x7  }
0x24c: {  	v31 =	vor.u32 v31, v11;
	v42 =	vand.u32 $0xFFFFFF80, v41;
	v0 =	vor.u32 v46, v6  }
0x24d: {  	v10 =	vand.u32 $0x7F, v9;
	v9 =	vand.u32 $0xFFFFFF80, v9;
	[tilespmem:$0x1F950] =	vst v0;
	v0 =	vadd.s32 v55, v4  }
0x24e: {  	v21 =	vadd.s32 v60, v42;
	v25 =	vor.u32 v33, v6;
	v8 =	vand.u32 $0xFFFFFF80, v0  }
0x24f: {  	v24 =	vmovc v33;
	v33 =	vand.u32 $0x7F, v32;
	v0 =	vand.u32 $0x7F, v0;
	v8 =	vadd.s32 v20, v8  }
0x250: {  	v0 =	vor.u32 v0, v8;
	v8 =	vadd.s32 v43, v9;
	v9 =	vand.u32 $0xFFFFFF80, v12  }
0x251: {  	v12 =	vand.u32 $0x7F, v12;
	[tilespmem:$0x1F990] =	vst v0;
	v0 =	vor.u32 v10, v8;
	v9 =	vadd.s32 v61, v9  }
0x252: {  	v43 =	vadd.s32 v54, v4;
	[tilespmem:$0x1FB50] =	vst v0;
	v0 =	vor.u32 v12, v9;
	v12 =	vand.u32 $0xFFFFFF80, v7  }
0x253: {  	v10 =	vor.u32 v24, v37;
	v7 =	vand.u32 $0x7F, v7;
	v12 =	vadd.s32 v61, v12  }
0x254: {  	v9 =	vadd.s32 v1, v3;
	v12 =	vor.u32 v7, v12;
	v7 =	vadd.s32 v1, v4  }
0x255: {  	v14 =	vand.u32 $0x7F, v43;
	v8 =	vmovc v24;
	v24 =	vand.u32 $0xFFFFFF80, v9;
	v11 =	vand.u32 $0xFFFFFF80, v7  }
0x256: {  	v9 =	vand.u32 $0x7F, v9;
	v7 =	vand.u32 $0x7F, v7;
	v11 =	vadd.s32 v60, v11  }
0x257: {  	v24 =	vadd.s32 v60, v24;
	v11 =	vor.u32 v7, v11;
	v7 =	vand.u32 $0xFFFFFF80, v23  }
0x258: {  	v9 =	vor.u32 v9, v24;
	v23 =	vand.u32 $0x7F, v23;
	v7 =	vadd.s32 v57, v7  }
0x259: {  	[tilespmem:$0x1F9C0] =	vst v0;
	v24 =	vadd.s32 v61, v34;
	v0 =	vor.u32 v23, v7;
	v23 =	vadd.s32 v54, v2  }
0x25a: {  	v34 =	vand.u32 $0x7F, v41;
	v24 =	vor.u32 v40, v24;
	v16 =	vand.u32 $0xFFFFFF80, v23  }
0x25b: {  	v18 =	vand.u32 $0x7F, v23;
	v23 =	vand.u32 $0xFFFFFF80, v43;
	v16 =	vadd.s32 v57, v16  }
0x25c: {  	s28 =	simm.s32 $0x0;
	v21 =	vor.u32 v34, v21;
	v15 =	vadd.s32 v57, v23;
	v18 =	vor.u32 v18, v16  }
0x25d: {  	[tilespmem:$0x1FA80] =	vst v0;
	v16 =	vand.u32 $0xFFFFFF80, v32;
	v0 =	vor.u32 v14, v15;
	v15 =	vadd.s32 s28, v45  }
0x25e: {  	s29 =	simm.s32 $0x5;
	v32 =	vor.u32 v17, v35;
	v14 =	vadd.s32 v20, v16;
	v16 =	vand.u32 $0x3F, v15  }
0x25f: {  	s30 =	simm.s32 $0x7;
	v15 =	vadd.s32 s29, v45;
	v33 =	vor.u32 v33, v14;
	v14 =	vadd.s32 v55, v16  }
0x260: {  	v17 =	vand.u32 $0x3F, v15;
	v15 =	vadd.s32 s30, v45;
	v39 =	vand.u32 $0xFFFFFF80, v14  }
0x261: {  	v40 =	vand.u32 $0x7F, v14;
	v41 =	vadd.s32 v52, v17;
	v14 =	vand.u32 $0x3F, v15  }
0x262: {  	v15 =	vand.u32 $0x3F, v44;
	v34 =	vand.u32 $0xFFFFFF80, v41;
	v42 =	vadd.s32 v52, v14  }
0x263: {  	v41 =	vand.u32 $0x7F, v41;
	v44 =	vadd.s32 v13, v15;
	v43 =	vand.u32 $0xFFFFFF80, v42  }
0x264: {  	v34 =	vadd.s32 v53, v34;
	v42 =	vand.u32 $0x7F, v42;
	v43 =	vadd.s32 v53, v43  }
0x265: {  	[tilespmem:$0x1F8B0] =	vst v0;
	v0 =	vor.u32 v41, v34;
	v41 =	vor.u32 v42, v43;
	v42 =	vand.u32 $0xFFFFFF80, v44  }
0x266: {  	v23 =	vand.u32 $0x7F, v30;
	v43 =	vand.u32 $0x7F, v44;
	v42 =	vadd.s32 v19, v42  }
0x267: {  	[tilespmem:$0x1F8C0] =	vst v0;
	v0 =	vor.u32 v23, v59;
	v23 =	vor.u32 v43, v42  }
0x268: {  	[tilespmem:$0x1F8D0] =	vst v23  }
0x269: {  	v29 =	vor.u32 v45, v6;
	v30 =	vadd.s32 v52, v16;
	v59 =	vadd.s32 v55, v17;
	v38 =	vld.idx.msk [tilespmem:v38+s3+$0x0], $0xffff  }
0x26a: {  	v35 =	vand.u32 $0x7F, v30;
	v23 =	vadd.s32 v20, v39;
	v39 =	vand.u32 $0xFFFFFF80, v59  }
0x26b: {  	v30 =	vand.u32 $0xFFFFFF80, v30;
	v59 =	vand.u32 $0x7F, v59;
	v39 =	vadd.s32 v20, v39  }
0x26c: {  	v26 =	vor.u32 v45, v37;
	v30 =	vadd.s32 v53, v30;
	v39 =	vor.u32 v59, v39  }
0x26d: {  	v30 =	vor.u32 v35, v30;
	v42 =	vadd.s32 v13, v16;
	v43 =	vadd.s32 v62, v14;
	[tilespmem:$0x1F8E0] =	vst v39  }
0x26e: {  	v44 =	vand.u32 $0xFFFFFF80, v42;
	v23 =	vor.u32 v40, v23;
	v28 =	vld.idx.msk [tilespmem:v28+s3+$0x0], $0xffff;
	[tilespmem:v29+s13+$0x0] =	vst.idx.msk $0xffff, v38  }
0x26f: {  	v40 =	vadd.s32 v19, v44;
	v59 =	vand.u32 $0x7F, v42;
	v29 =	vand.u32 $0xFFFFFF80, v43;
	v27 =	vld.idx.msk [tilespmem:v27+s3+$0x0], $0xffff  }
0x270: {  	v35 =	vor.u32 v59, v40;
	v40 =	vand.u32 $0x7F, v43;
	v29 =	vadd.s32 v61, v29  }
0x271: {  	v29 =	vor.u32 v40, v29  }
0x272: {  	[tilespmem:$0x1F8F0] =	vst v29  }
0x273: {  	v34 =	vadd.s32 v58, v14;
	[tilespmem:v26+s13+$0x0] =	vst.idx.msk $0xffff, v28  }
0x274: {  	v39 =	vand.u32 $0x7F, v34;
	v34 =	vand.u32 $0xFFFFFF80, v34;
	[tilespmem:v25+s13+$0x0] =	vst.idx.msk $0xffff, v27  }
0x275: {  	v7 =	vmov v20;
	v34 =	vadd.s32 v5, v34;
	v20 =	vld [tilespmem:$0x1F910]  }
0x276: {  	v59 =	vadd.s32 v1, v16;
	v44 =	vor.u32 v39, v34  }
0x277: {  	v34 =	vand.u32 $0x7F, v59;
	v43 =	vadd.s32 v1, v14;
	v29 =	vand.u32 $0xFFFFFF80, v59  }
0x278: {  	v22 =	vld.idx.msk [tilespmem:v22+s3+$0x0], $0xffff;
	v29 =	vadd.s32 v60, v29;
	v26 =	vadd.s32 v58, v4;
	v4 =	vand.u32 $0xFFFFFF80, v43  }
0x279: {  	v59 =	vor.u32 v34, v29;
	v4 =	vadd.s32 v60, v4;
	v29 =	vand.u32 $0x7F, v43  }
0x27a: {  	v28 =	vld.idx.msk [tilespmem:v31+s3+$0x0], $0xffff;
	v31 =	vadd.s32 v62, v17;
	v4 =	vor.u32 v29, v4  }
0x27b: {  	[tilespmem:$0x1F900] =	vst v4;
	v4 =	vand.u32 $0xFFFFFF80, v31  }
0x27c: {  	v29 =	vand.u32 $0x7F, v31;
	v4 =	vadd.s32 v61, v4  }
0x27d: {  	v31 =	vadd.s32 v62, v15;
	v4 =	vor.u32 v29, v4;
	[tilespmem:v20+s13+$0x0] =	vst.idx.msk $0xffff, v22  }
0x27e: {  	v27 =	vld.idx.msk [tilespmem:v33+s3+$0x0], $0xffff;
	[tilespmem:$0x1F920] =	vst v4;
	v4 =	vand.u32 $0xFFFFFF80, v31  }
0x27f: {  	v22 =	vand.u32 $0x7F, v31;
	v4 =	vadd.s32 v61, v4  }
0x280: {  	[tilespmem:v10+s13+$0x0] =	vst.idx.msk $0xffff, v28;
	v4 =	vor.u32 v22, v4  }
0x281: {  	v43 =	vld.idx.msk [tilespmem:v36+s3+$0x0], $0xffff;
	[tilespmem:$0x1F930] =	vst v4  }
0x282: {  	v28 =	vld.idx.msk [tilespmem:v0+s3+$0x0], $0xffff  }
0x283: {  	v0 =	vld [tilespmem:$0x1F950];
	_ =	sdelay $0x6  }
0x284: {  	v42 =	vor.u32 v47, v6;
	v20 =	vor.u32 v8, v56;
	[tilespmem:$0x1F940] =	vst v62  }
0x285: {  	v25 =	vor.u32 v46, v37;
	v31 =	vadd.s32 v13, v14;
	[tilespmem:v0+s13+$0x0] =	vst.idx.msk $0xffff, v27  }
0x286: {  	v10 =	vand.u32 $0x7F, v31;
	v4 =	vand.u32 $0xFFFFFF80, v31;
	v31 =	vadd.s32 v62, v16;
	[tilespmem:$0x1F960] =	vst v61  }
0x287: {  	v22 =	vshll.u32 v14, $0x7;
	v4 =	vadd.s32 v19, v4;
	v27 =	vand.u32 $0xFFFFFF80, v31;
	v24 =	vld.idx.msk [tilespmem:v24+s3+$0x0], $0xffff  }
0x288: {  	v39 =	vor.u32 v10, v4;
	v4 =	vand.u32 $0x7F, v31;
	v10 =	vadd.s32 v61, v27  }
0x289: {  	[tilespmem:v20+s13+$0x0] =	vst.idx.msk $0xffff, v43;
	v20 =	vor.u32 v45, v22;
	v34 =	vor.u32 v4, v10;
	v10 =	vld.idx.msk [tilespmem:v41+s3+$0x0], $0xffff  }
0x28a: {  	[tilespmem:v25+s13+$0x0] =	vst.idx.msk $0xffff, v28  }
0x28b: {  	v28 =	vld.idx.msk [tilespmem:v30+s3+$0x0], $0xffff;
	[tilespmem:$0x1F970] =	vst v1  }
0x28c: {  	[tilespmem:v42+s13+$0x0] =	vst.idx.msk $0xffff, v24  }
0x28d: {  	[tilespmem:$0x1F980] =	vst v60  }
0x28e: {  	[tilespmem:v20+s13+$0x0] =	vst.idx.msk $0xffff, v10  }
0x28f: {  	v0 =	vld [tilespmem:$0x1F990]  }
0x290: {  	v27 =	vadd.s32 v54, v16  }
0x291: {  	v29 =	vshll.u32 v16, $0x7;
	v31 =	vadd.s32 v1, v17;
	v4 =	vand.u32 $0xFFFFFF80, v27  }
0x292: {  	v27 =	vand.u32 $0x7F, v27;
	v25 =	vor.u32 v45, v29;
	v4 =	vadd.s32 v57, v4  }
0x293: {  	v4 =	vor.u32 v27, v4;
	v27 =	vand.u32 $0xFFFFFF80, v31  }
0x294: {  	v30 =	vand.u32 $0x7F, v31;
	v31 =	vadd.s32 v1, v15;
	v27 =	vadd.s32 v60, v27  }
0x295: {  	v40 =	vor.u32 v30, v27;
	v27 =	vand.u32 $0xFFFFFF80, v31  }
0x296: {  	v27 =	vadd.s32 v60, v27;
	v10 =	vand.u32 $0x7F, v31  }
0x297: {  	[tilespmem:v25+s13+$0x0] =	vst.idx.msk $0xffff, v28;
	v1 =	vor.u32 v10, v27;
	v31 =	vld.idx.msk [tilespmem:v0+s3+$0x0], $0xffff  }
0x298: {  	[tilespmem:$0x1F9A0] =	vst v1;
	v1 =	vld [tilespmem:$0x1F9C0];
	_ =	sdelay $0x2  }
0x299: {  	v62 =	vor.u32 v46, v56  }
0x29a: {  	v30 =	vadd.s32 v54, v14  }
0x29b: {  	v38 =	vor.u32 v48, v6;
	v20 =	vand.u32 $0xFFFFFF80, v30  }
0x29c: {  	v30 =	vand.u32 $0x7F, v30;
	v0 =	vadd.s32 v57, v20;
	v20 =	vadd.s32 v58, v16  }
0x29d: {  	v10 =	vor.u32 v47, v37;
	v42 =	vor.u32 v30, v0;
	v0 =	vand.u32 $0xFFFFFF80, v20;
	v21 =	vld.idx.msk [tilespmem:v21+s3+$0x0], $0xffff;
	[tilespmem:$0x1F9B0] =	vst v13  }
0x29e: {  	v24 =	vand.u32 $0xFFFFFF80, v26;
	v20 =	vand.u32 $0x7F, v20;
	v0 =	vadd.s32 v5, v0;
	[tilespmem:v62+s13+$0x0] =	vst.idx.msk $0xffff, v31;
	v27 =	vld.idx.msk [tilespmem:v1+s3+$0x0], $0xffff  }
0x29f: {  	v24 =	vadd.s32 v5, v24;
	v25 =	vand.u32 $0x7F, v26;
	v28 =	vld.idx.msk [tilespmem:v35+s3+$0x0], $0xffff;
	v0 =	vor.u32 v20, v0;
	[tilespmem:$0x1F9E0] =	vst v19  }
0x2a0: {  	v20 =	vor.u32 v25, v24;
	v24 =	vor.u32 v8, v29;
	v1 =	vor.u32 v51, v6;
	[tilespmem:$0x1F9F0] =	vst v52  }
0x2a1: {  	v26 =	vadd.s32 v13, v17;
	[tilespmem:$0x1F9D0] =	vst v1  }
0x2a2: {  	v13 =	vand.u32 $0xFFFFFF80, v26;
	[tilespmem:v38+s13+$0x0] =	vst.idx.msk $0xffff, v21  }
0x2a3: {  	v13 =	vadd.s32 v19, v13;
	v25 =	vand.u32 $0x7F, v26;
	[tilespmem:v10+s13+$0x0] =	vst.idx.msk $0xffff, v27  }
0x2a4: {  	v26 =	vadd.s32 v52, v15;
	v13 =	vor.u32 v25, v13;
	[tilespmem:$0x1FA00] =	vst v53  }
0x2a5: {  	v25 =	vor.u32 v49, v6;
	v31 =	vadd.s32 v54, v15;
	[tilespmem:v24+s13+$0x0] =	vst.idx.msk $0xffff, v28  }
0x2a6: {  	v30 =	vand.u32 $0xFFFFFF80, v26;
	v26 =	vand.u32 $0x7F, v26;
	v27 =	vand.u32 $0xFFFFFF80, v31;
	v19 =	vld [tilespmem:$0x1FA30]  }
0x2a7: {  	v21 =	vor.u32 v47, v56;
	v10 =	vadd.s32 v53, v30;
	v27 =	vadd.s32 v57, v27  }
0x2a8: {  	v36 =	vor.u32 v26, v10;
	v24 =	vadd.s32 v54, v17;
	v28 =	vand.u32 $0x7F, v31;
	[tilespmem:$0x1FA10] =	vst v54  }
0x2a9: {  	v10 =	vand.u32 $0xFFFFFF80, v24;
	v53 =	vor.u32 v28, v27;
	v27 =	vor.u32 v48, v37;
	v12 =	vld.idx.msk [tilespmem:v12+s3+$0x0], $0xffff  }
0x2aa: {  	v28 =	vld.idx.msk [tilespmem:v9+s3+$0x0], $0xffff;
	v9 =	vand.u32 $0x7F, v24;
	[tilespmem:$0x1FA20] =	vst v57;
	v10 =	vadd.s32 v57, v10;
	v57 =	vor.u32 v50, v6  }
0x2ab: {  	v6 =	vor.u32 v46, v29;
	v26 =	vor.u32 v9, v10;
	v10 =	vld.idx.msk [tilespmem:v23+s3+$0x0], $0xffff;
	v1 =	vor.u32 v3, v19  }
0x2ac: {  	[tilespmem:$0x1FA40] =	vst v1  }
0x2ad: {  	v3 =	vld.idx.msk [tilespmem:v18+s3+$0x0], $0xffff  }
0x2ae: {  	[tilespmem:v21+s13+$0x0] =	vst.idx.msk $0xffff, v12  }
0x2af: {  	[tilespmem:v27+s13+$0x0] =	vst.idx.msk $0xffff, v28  }
0x2b0: {  	v18 =	vadd.s32 v58, v15;
	[tilespmem:v6+s13+$0x0] =	vst.idx.msk $0xffff, v10  }
0x2b1: {  	v43 =	vmov v5;
	v24 =	vadd.s32 v55, v14;
	v5 =	vand.u32 $0xFFFFFF80, v18;
	v10 =	vld.idx.msk [tilespmem:v11+s3+$0x0], $0xffff;
	[tilespmem:$0x1FA50] =	vst v55  }
0x2b2: {  	v12 =	vand.u32 $0x7F, v18;
	v18 =	vadd.s32 v55, v15;
	[tilespmem:v25+s13+$0x0] =	vst.idx.msk $0xffff, v3;
	v3 =	vor.u32 v16, v19  }
0x2b3: {  	v5 =	vadd.s32 v43, v5;
	v6 =	vand.u32 $0xFFFFFF80, v18;
	[tilespmem:$0x1FA60] =	vst v3;
	v3 =	vand.u32 $0xFFFFFF80, v24  }
0x2b4: {  	v27 =	vor.u32 v12, v5;
	v5 =	vand.u32 $0x7F, v18;
	v18 =	vadd.s32 v7, v3;
	v3 =	vld [tilespmem:$0x1FA80];
	_ =	sdelay $0x5  }
0x2b5: {  	v61 =	vor.u32 v2, v19;
	v6 =	vadd.s32 v7, v6  }
0x2b6: {  	v2 =	vor.u32 v48, v56;
	v28 =	vor.u32 v5, v6;
	v5 =	vor.u32 v17, v19;
	[tilespmem:$0x1FA70] =	vst v7  }
0x2b7: {  	v6 =	vshll.u32 v15, $0x7;
	v3 =	vld.idx.msk [tilespmem:v3+s3+$0x0], $0xffff;
	[tilespmem:$0x1FA90] =	vst v5  }
0x2b8: {  	v11 =	vor.u32 v47, v6;
	[tilespmem:$0x1FAA0] =	vst v58  }
0x2b9: {  	v21 =	vor.u32 v49, v37;
	v5 =	vor.u32 v46, v6;
	[tilespmem:$0x1FAC0] =	vst v11  }
0x2ba: {  	[tilespmem:$0x1FAB0] =	vst v5  }
0x2bb: {  	[tilespmem:v2+s13+$0x0] =	vst.idx.msk $0xffff, v10;
	v2 =	vor.u32 v48, v6  }
0x2bc: {  	v7 =	vadd.s32 v58, v17;
	[tilespmem:$0x1FAD0] =	vst v2  }
0x2bd: {  	v30 =	vshll.u32 v17, $0x7;
	v2 =	vand.u32 $0xFFFFFF80, v7;
	[tilespmem:$0x1FAE0] =	vst v43  }
0x2be: {  	v54 =	vadd.s32 v43, v2;
	v2 =	vor.u32 v51, v30;
	[tilespmem:v21+s13+$0x0] =	vst.idx.msk $0xffff, v3  }
0x2bf: {  	[tilespmem:$0x1FAF0] =	vst v2;
	v2 =	vor.u32 v50, v30  }
0x2c0: {  	[tilespmem:$0x1FB00] =	vst v2;
	v2 =	vor.u32 v46, v30  }
0x2c1: {  	[tilespmem:$0x1FB10] =	vst v2;
	v2 =	vor.u32 v47, v30  }
0x2c2: {  	s31 =	simm.s32 $0x4;
	[tilespmem:$0x1FB20] =	vst v2  }
0x2c3: {  	v2 =	vadd.s32 s31, v45;
	v35 =	vld.idx.msk [tilespmem:v39+s3+$0x0], $0xffff  }
0x2c4: {  	v16 =	vld.idx.msk [tilespmem:v34+s3+$0x0], $0xffff;
	v62 =	vand.u32 $0x3F, v2;
	v2 =	vor.u32 v47, v22  }
0x2c5: {  	v9 =	vor.u32 v50, v37;
	v1 =	vor.u32 v51, v37;
	v37 =	vld.idx.msk [tilespmem:v36+s3+$0x0], $0xffff;
	[tilespmem:$0x1FB30] =	vst v2  }
0x2c6: {  	v2 =	vor.u32 v48, v29;
	v36 =	vld.idx.msk [tilespmem:v32+s3+$0x0], $0xffff  }
0x2c7: {  	[tilespmem:$0x1FB40] =	vst v2;
	v2 =	vld [tilespmem:$0x1FB50];
	_ =	sdelay $0x1  }
0x2c8: {  	v41 =	vor.u32 v49, v56;
	v52 =	vor.u32 v48, v22  }
0x2c9: {  	v31 =	vor.u32 v49, v30;
	v33 =	vand.u32 $0x7F, v24;
	v55 =	vor.u32 v51, v22  }
0x2ca: {  	v12 =	vor.u32 v45, v6;
	v60 =	vor.u32 v51, v6;
	v23 =	vor.u32 v50, v6  }
0x2cb: {  	v25 =	vor.u32 v15, v19;
	v24 =	vor.u32 v8, v30;
	v17 =	vor.u32 v8, v22  }
0x2cc: {  	v11 =	vor.u32 v49, v6;
	v58 =	vand.u32 $0x7F, v7;
	v5 =	vor.u32 v8, v6  }
0x2cd: {  	v8 =	vor.u32 v51, v29;
	v10 =	vor.u32 v48, v30;
	v6 =	vor.u32 v50, v22  }
0x2ce: {  	v7 =	vor.u32 v45, v30;
	v43 =	vor.u32 v49, v22;
	v21 =	vld.idx.msk [tilespmem:v2+s3+$0x0], $0xffff;
	v2 =	vor.u32 v49, v29  }
0x2cf: {  	s26 =	simm.s32 $0x8;
	v30 =	vor.u32 v14, v19;
	v19 =	vor.u32 v46, v22;
	v14 =	vor.u32 v47, v29;
	[tilespmem:$0x1FB60] =	vst v2  }
.LBB2_5:
0x2d0: {  	[tilespmem:$0x1F7E0] =	vst v52;
	v52 =	vld [tilespmem:$0x1F9F0]  }
0x2d1: {  	[tilespmem:v12+s13+$0x0] =	vst.idx.msk $0xffff, v37  }
0x2d2: {  	s28 =	sadd.s32 $0x1, s26;
	v34 =	vmov v11;
	v11 =	vmov v10;
	v10 =	vmov v26;
	[tilespmem:v57+s13+$0x0] =	vst.idx.msk $0xffff, v36;
	v57 =	vld [tilespmem:$0x1FA00]  }
0x2d3: {  	s29 =	sadd.s32 $0x2, s26;
	v22 =	vld [tilespmem:$0x1F8B0];
	[tilespmem:$0x1F8B0] =	vst v10;
	v10 =	vadd.s32 s28, v45  }
0x2d4: {  	v2 =	vmov v27;
	[tilespmem:$0x1F850] =	vst v11;
	v11 =	vadd.s32 s29, v45;
	v27 =	vand.u32 $0x3F, v10  }
0x2d5: {  	[tilespmem:v14+s13+$0x0] =	vst.idx.msk $0xffff, v16;
	v16 =	vand.u32 $0x3F, v11;
	v10 =	vadd.s32 v52, v27  }
0x2d6: {  	[tilespmem:v17+s13+$0x0] =	vst.idx.msk $0xffff, v35;
	v17 =	vadd.s32 v52, v16;
	v11 =	vand.u32 $0xFFFFFF80, v10  }
0x2d7: {  	[tilespmem:v9+s13+$0x0] =	vst.idx.msk $0xffff, v21;
	v9 =	vadd.s32 v57, v11;
	v11 =	vand.u32 $0xFFFFFF80, v17  }
0x2d8: {  	v21 =	vand.u32 $0x7F, v10;
	v10 =	vadd.s32 v57, v11  }
0x2d9: {  	[tilespmem:$0x1F7C0] =	vst v10;
	v10 =	vld [tilespmem:$0x1F8D0];
	_ =	sdelay $0x6  }
0x2da: {  	v14 =	vld.idx.msk [tilespmem:v59+s3+$0x0], $0xffff  }
0x2db: {  	v59 =	vld.idx.msk [tilespmem:v10+s3+$0x0], $0xffff;
	v10 =	vmov v31  }
0x2dc: {  	[tilespmem:$0x1F820] =	vst v10;
	v10 =	vld [tilespmem:$0x1FB40];
	_ =	sdelay $0x5  }
0x2dd: {  	[tilespmem:$0x1F780] =	vst v53  }
0x2de: {  	[tilespmem:$0x1F880] =	vst v44;
	v26 =	vor.u32 v50, v29;
	v29 =	vshll.u32 v62, $0x7  }
0x2df: {  	v22 =	vld.idx.msk [tilespmem:v22+s3+$0x0], $0xffff;
	v11 =	vor.u32 v48, v29;
	[tilespmem:v10+s13+$0x0] =	vst.idx.msk $0xffff, v14  }
0x2e0: {  	[tilespmem:$0x1F860] =	vst v2;
	v2 =	vor.u32 v46, v29;
	v44 =	vld.idx.msk [tilespmem:v4+s3+$0x0], $0xffff;
	v4 =	vmov v11  }
0x2e1: {  	v10 =	vmov v25;
	[tilespmem:$0x1FB40] =	vst v4;
	v4 =	vld [tilespmem:$0x1FA40]  }
0x2e2: {  	[tilespmem:$0x1F810] =	vst v10;
	v10 =	vld [tilespmem:$0x1F8C0]  }
0x2e3: {  	[tilespmem:$0x1F800] =	vst v2;
	v2 =	vmov v23  }
0x2e4: {  	v53 =	vld [tilespmem:$0x1F9B0];
	[tilespmem:$0x1F7A0] =	vst v2;
	v2 =	vand.u32 $0x7F, v17;
	_ =	sdelay $0x1  }
0x2e5: {  	[tilespmem:$0x1F7D0] =	vst v2  }
0x2e6: {  	s25 =	smov.u32 s26;
	v2 =	vmov v60;
	v60 =	vld [tilespmem:$0x1F940];
	[tilespmem:v41+s13+$0x0] =	vst.idx.msk $0xffff, v22  }
0x2e7: {  	s31 =	sadd.s32 $0x3, s25;
	v37 =	vld.idx.msk [tilespmem:v20+s3+$0x0], $0xffff  }
0x2e8: {  	v20 =	vadd.s32 v53, v27;
	v14 =	vadd.s32 s31, v45;
	v45 =	vld.idx.msk [tilespmem:v4+s3+$0x0], $0xffff;
	v4 =	vmov v30  }
0x2e9: {  	v31 =	vor.u32 v21, v9;
	v21 =	vand.u32 $0x3F, v14;
	v48 =	vld.idx.msk [tilespmem:v10+s3+$0x0], $0xffff;
	[tilespmem:$0x1FA40] =	vst v4;
	v4 =	vand.u32 $0x7F, v20  }
0x2ea: {  	v10 =	vld [tilespmem:$0x1F8A0];
	[tilespmem:$0x1F790] =	vst v4;
	v4 =	vadd.s32 v52, v21  }
0x2eb: {  	[tilespmem:$0x1F870] =	vst v43;
	v43 =	vor.u32 v49, v29;
	v11 =	vand.u32 $0xFFFFFF80, v4  }
0x2ec: {  	[tilespmem:$0x1F770] =	vst v55;
	v55 =	vld [tilespmem:$0x1FA50];
	v23 =	vadd.s32 v60, v62;
	v4 =	vand.u32 $0x7F, v4;
	v11 =	vadd.s32 v57, v11  }
0x2ed: {  	v41 =	vand.u32 $0xFFFFFF80, v23;
	v49 =	vor.u32 v4, v11;
	v4 =	vand.u32 $0x7F, v23;
	v23 =	vld [tilespmem:$0x1FB60];
	_ =	sdelay $0x1  }
0x2ee: {  	v56 =	vld [tilespmem:$0x1FA30]  }
0x2ef: {  	[tilespmem:$0x1F7B0] =	vst v40;
	v14 =	vor.u32 v47, v29;
	v47 =	vld.idx.msk [tilespmem:v61+s3+$0x0], $0xffff  }
0x2f0: {  	v15 =	vadd.s32 v55, v62;
	[tilespmem:v5+s13+$0x0] =	vst.idx.msk $0xffff, v59;
	v5 =	vld [tilespmem:$0x1FA90]  }
0x2f1: {  	v39 =	vand.u32 $0xFFFFFF80, v15;
	v40 =	vand.u32 $0x7F, v15;
	v15 =	vshll.u32 v27, $0x7;
	v30 =	vmovc v58;
	v58 =	vld [tilespmem:$0x1FAA0];
	[tilespmem:v10+s13+$0x0] =	vst.idx.msk $0xffff, v37  }
0x2f2: {  	[tilespmem:$0x1F7F0] =	vst v42;
	v42 =	vor.u32 v50, v15;
	v50 =	vld.idx.msk [tilespmem:v63+s3+$0x0], $0xffff  }
0x2f3: {  	v38 =	vadd.s32 v52, v62;
	v17 =	vadd.s32 v53, v16;
	v63 =	vld [tilespmem:$0x1F9E0]  }
0x2f4: {  	v52 =	vand.u32 $0x7F, v17;
	[tilespmem:v23+s13+$0x0] =	vst.idx.msk $0xffff, v44;
	v44 =	vand.u32 $0xFFFFFF80, v17;
	v17 =	vor.u32 v33, v18;
	v18 =	vld [tilespmem:$0x1F9D0];
	_ =	sdelay $0x2  }
0x2f5: {  	v10 =	vmov v5;
	v5 =	vadd.s32 v58, v21  }
0x2f6: {  	[tilespmem:v1+s13+$0x0] =	vst.idx.msk $0xffff, v45;
	v45 =	vand.u32 $0xFFFFFF80, v5;
	v1 =	vadd.s32 v63, v44;
	v44 =	vand.u32 $0x7F, v5;
	v5 =	vld [tilespmem:$0x1FF90]  }
0x2f7: {  	v12 =	vor.u32 v27, v56  }
0x2f8: {  	v35 =	vor.u32 v51, v15;
	v46 =	vadd.s32 v53, v21;
	v51 =	vld.idx.msk [tilespmem:v0+s3+$0x0], $0xffff;
	v0 =	vmov v12  }
0x2f9: {  	v61 =	vand.u32 $0xFFFFFF80, v46;
	[tilespmem:$0x1FA90] =	vst v0  }
0x2fa: {  	v0 =	vshll.u32 v16, $0x7;
	[tilespmem:v18+s13+$0x0] =	vst.idx.msk $0xffff, v47;
	v47 =	vor.u32 v52, v1;
	v1 =	vadd.s32 v63, v61;
	v61 =	vld [tilespmem:$0x1FA70]  }
0x2fb: {  	[tilespmem:$0x1F8D0] =	vst v47;
	v47 =	vor.u32 v5, v0;
	v5 =	vmov v43  }
0x2fc: {  	[tilespmem:$0x1FB60] =	vst v5;
	v5 =	vld [tilespmem:$0x1FA60];
	_ =	sdelay $0x1  }
0x2fd: {  	[tilespmem:v7+s13+$0x0] =	vst.idx.msk $0xffff, v48  }
0x2fe: {  	v18 =	vadd.s32 v53, v62;
	v53 =	vld.idx.msk [tilespmem:v13+s3+$0x0], $0xffff;
	v33 =	vadd.s32 v61, v39  }
0x2ff: {  	v13 =	vor.u32 v40, v33;
	v40 =	vld [tilespmem:$0x1F890]  }
0x300: {  	v43 =	vand.u32 $0x7F, v46;
	v46 =	vld [tilespmem:$0x1FAB0]  }
0x301: {  	v39 =	vld.idx.msk [tilespmem:v28+s3+$0x0], $0xffff  }
0x302: {  	[tilespmem:v26+s13+$0x0] =	vst.idx.msk $0xffff, v51;
	v28 =	vld [tilespmem:$0x1FB00]  }
0x303: {  	[tilespmem:$0x1F830] =	vst v34;
	v34 =	vand.u32 $0x7F, v38;
	v38 =	vand.u32 $0xFFFFFF80, v38;
	v37 =	vor.u32 v62, v56;
	v26 =	vld.idx.msk [tilespmem:v5+s3+$0x0], $0xffff  }
0x304: {  	v7 =	vmov v42;
	v5 =	vmov v37;
	v37 =	vadd.s32 v57, v38;
	v57 =	vld [tilespmem:$0x1FAE0]  }
0x305: {  	v36 =	vmov v54;
	v54 =	vlaneseq.u32;
	[tilespmem:$0x1FB00] =	vst v7;
	v7 =	vadd.s32 v55, v27  }
0x306: {  	v59 =	vor.u32 v54, v15;
	v22 =	vshll.u32 v21, $0x7;
	v51 =	vand.u32 $0xFFFFFF80, v7  }
0x307: {  	v42 =	vor.u32 v54, v22;
	v52 =	vand.u32 $0x7F, v18;
	v18 =	vand.u32 $0xFFFFFF80, v18;
	[tilespmem:v40+s13+$0x0] =	vst.idx.msk $0xffff, v50;
	v50 =	vld [tilespmem:$0x1FAF0]  }
0x308: {  	v3 =	vld [tilespmem:$0x1F970];
	v33 =	vadd.s32 v61, v51;
	v12 =	vmov v28;
	v38 =	vor.u32 v54, v29;
	[tilespmem:v46+s13+$0x0] =	vst.idx.msk $0xffff, v39  }
0x309: {  	v51 =	vmov v35;
	[tilespmem:$0x1F8A0] =	vst v12;
	v12 =	vor.u32 v54, v0;
	v54 =	vadd.s32 v57, v45;
	v45 =	vld.idx.msk [tilespmem:v17+s3+$0x0], $0xffff  }
0x30a: {  	[tilespmem:$0x1FAF0] =	vst v51;
	v51 =	vadd.s32 v63, v18;
	v18 =	vmov v47;
	v17 =	vld [tilespmem:$0x1F930]  }
0x30b: {  	[tilespmem:$0x1FAB0] =	vst v18;
	v18 =	vld [tilespmem:$0x1FFA0]  }
0x30c: {  	v7 =	vand.u32 $0x7F, v7;
	[tilespmem:v8+s13+$0x0] =	vst.idx.msk $0xffff, v26;
	v26 =	vor.u32 v52, v51;
	v51 =	vld [tilespmem:$0x1F8E0];
	v46 =	vmov v50  }
0x30d: {  	v9 =	vadd.s32 v60, v27;
	v35 =	vadd.s32 v60, v21;
	v39 =	vor.u32 v7, v33;
	v52 =	vld [tilespmem:$0x1F8F0];
	[tilespmem:$0x1F890] =	vst v46  }
0x30e: {  	v46 =	vld.idx.msk [tilespmem:v49+s3+$0x0], $0xffff;
	[tilespmem:v19+s13+$0x0] =	vst.idx.msk $0xffff, v45;
	v19 =	vadd.s32 v60, v16;
	v60 =	vmov v39  }
0x30f: {  	[tilespmem:$0x1F8E0] =	vst v60;
	v60 =	vld [tilespmem:$0x1FAC0]  }
0x310: {  	v37 =	vor.u32 v34, v37;
	v34 =	vor.u32 v44, v54;
	v54 =	vld [tilespmem:$0x1F960];
	_ =	sdelay $0x1  }
0x311: {  	v50 =	vld.idx.msk [tilespmem:v17+s3+$0x0], $0xffff  }
0x312: {  	v32 =	vadd.s32 v3, v62  }
0x313: {  	v49 =	vand.u32 $0xFFFFFF80, v35;
	v35 =	vand.u32 $0x7F, v35;
	v18 =	vor.u32 v18, v0  }
0x314: {  	v8 =	vadd.s32 v54, v49;
	v49 =	vand.u32 $0xFFFFFF80, v9;
	v9 =	vand.u32 $0x7F, v9  }
0x315: {  	v8 =	vor.u32 v35, v8;
	v35 =	vadd.s32 v3, v21;
	v45 =	vld.idx.msk [tilespmem:v52+s3+$0x0], $0xffff;
	v52 =	vadd.s32 v54, v49  }
0x316: {  	[tilespmem:v60+s13+$0x0] =	vst.idx.msk $0xffff, v50;
	v60 =	vmovc v2;
	v2 =	vmov v18;
	v18 =	vmov v8;
	v8 =	vor.u32 v9, v52  }
0x317: {  	v9 =	vmov v6;
	v6 =	vadd.s32 v3, v16;
	[tilespmem:$0x1F8F0] =	vst v18;
	v18 =	vadd.s32 v3, v27;
	v3 =	vld [tilespmem:$0x1FB10];
	_ =	sdelay $0x1  }
0x318: {  	[tilespmem:v24+s13+$0x0] =	vst.idx.msk $0xffff, v53  }
0x319: {  	v47 =	vld.idx.msk [tilespmem:v51+s3+$0x0], $0xffff;
	_ =	sdelay $0x4  }
0x31a: {  	v39 =	vand.u32 $0x7F, v19;
	v19 =	vand.u32 $0xFFFFFF80, v19;
	[tilespmem:v3+s13+$0x0] =	vst.idx.msk $0xffff, v47;
	v3 =	vld [tilespmem:$0x1F920]  }
0x31b: {  	[tilespmem:$0x1F840] =	vst v10;
	v10 =	vld [tilespmem:$0x1FA10];
	v19 =	vadd.s32 v54, v19  }
0x31c: {  	v52 =	vor.u32 v39, v19  }
0x31d: {  	[tilespmem:$0x1F930] =	vst v52;
	v52 =	vld [tilespmem:$0x1FA20]  }
0x31e: {  	v19 =	vor.u32 v43, v1;
	v1 =	vld [tilespmem:$0x1F9A0];
	_ =	sdelay $0x1  }
0x31f: {  	v23 =	vadd.s32 v10, v62  }
0x320: {  	v24 =	vld [tilespmem:$0x1FFB0];
	v41 =	vadd.s32 v54, v41;
	[tilespmem:v42+s13+$0x0] =	vst.idx.msk $0xffff, v46;
	v42 =	vand.u32 $0xFFFFFF80, v23  }
0x321: {  	v41 =	vor.u32 v4, v41;
	v4 =	vadd.s32 v52, v42;
	v42 =	vld.idx.msk [tilespmem:v3+s3+$0x0], $0xffff;
	v3 =	vmov v8  }
0x322: {  	[tilespmem:$0x1F920] =	vst v3;
	v3 =	vld [tilespmem:$0x1FAD0]  }
0x323: {  	[tilespmem:$0x1FAC0] =	vst v2;
	v2 =	vld [tilespmem:$0x1F770]  }
0x324: {  	v53 =	vld [tilespmem:$0x1F980]  }
0x325: {  	v39 =	vld.idx.msk [tilespmem:v1+s3+$0x0], $0xffff;
	_ =	sdelay $0x2  }
0x326: {  	v24 =	vor.u32 v24, v0;
	v43 =	vand.u32 $0xFFFFFF80, v6;
	v1 =	vmovc v2;
	v2 =	vand.u32 $0xFFFFFF80, v18  }
0x327: {  	v6 =	vand.u32 $0x7F, v6;
	v2 =	vadd.s32 v53, v2;
	v8 =	vand.u32 $0x7F, v18  }
0x328: {  	v2 =	vor.u32 v8, v2;
	v8 =	vadd.s32 v53, v43;
	[tilespmem:v3+s13+$0x0] =	vst.idx.msk $0xffff, v39;
	v3 =	vmov v24  }
0x329: {  	[tilespmem:$0x1FAD0] =	vst v3;
	v3 =	vor.u32 v6, v8  }
0x32a: {  	[tilespmem:$0x1F9A0] =	vst v3;
	v3 =	vld [tilespmem:$0x1FB30];
	_ =	sdelay $0x3  }
0x32b: {  	v31 =	vmov v31  }
0x32c: {  	[tilespmem:$0x1F8C0] =	vst v31;
	v31 =	vadd.s32 v55, v21;
	v28 =	vadd.s32 v55, v16;
	v55 =	vld [tilespmem:$0x1FFF0]  }
0x32d: {  	v11 =	vadd.s32 v10, v21;
	v7 =	vld [tilespmem:$0x1FFE0];
	v23 =	vand.u32 $0x7F, v23  }
0x32e: {  	v37 =	vld.idx.msk [tilespmem:v37+s3+$0x0], $0xffff;
	v4 =	vor.u32 v23, v4;
	v23 =	vand.u32 $0xFFFFFF80, v11  }
0x32f: {  	v6 =	vand.u32 $0x7F, v11;
	v8 =	vadd.s32 v58, v62;
	[tilespmem:v3+s13+$0x0] =	vst.idx.msk $0xffff, v45;
	v3 =	vadd.s32 v52, v23;
	v23 =	vld [tilespmem:$0x1F900]  }
0x330: {  	v24 =	vand.u32 $0x7F, v8;
	v6 =	vor.u32 v6, v3;
	v3 =	vand.u32 $0xFFFFFF80, v8;
	v8 =	vld [tilespmem:$0x1F780];
	_ =	sdelay $0x1  }
0x331: {  	v46 =	vld [tilespmem:$0x1FF90]  }
0x332: {  	[tilespmem:$0x1FA60] =	vst v5;
	v5 =	vor.u32 v55, v0;
	v40 =	vor.u32 v7, v0;
	v7 =	vmovc v59;
	v59 =	vand.u32 $0xFFFFFF80, v32;
	v49 =	vld [tilespmem:$0x1FFC0]  }
0x333: {  	v32 =	vand.u32 $0x7F, v32;
	v44 =	vadd.s32 v53, v59;
	v51 =	vand.u32 $0xFFFFFF80, v35;
	v50 =	vld [tilespmem:$0x1FFD0]  }
0x334: {  	v59 =	vor.u32 v32, v44;
	[tilespmem:v38+s13+$0x0] =	vst.idx.msk $0xffff, v37;
	v35 =	vand.u32 $0x7F, v35;
	v44 =	vadd.s32 v53, v51  }
0x335: {  	v37 =	vadd.s32 v58, v27;
	v26 =	vld.idx.msk [tilespmem:v26+s3+$0x0], $0xffff;
	v54 =	vor.u32 v55, v29;
	v35 =	vor.u32 v35, v44  }
0x336: {  	[tilespmem:$0x1F9D0] =	vst v60;
	v60 =	vmov v40;
	v40 =	vor.u32 v46, v15;
	v39 =	vld.idx.msk [tilespmem:v23+s3+$0x0], $0xffff;
	v23 =	vmov v35  }
0x337: {  	v27 =	vadd.s32 v10, v27;
	v11 =	vor.u32 v49, v0;
	[tilespmem:$0x1F900] =	vst v23;
	v44 =	vld.idx.msk [tilespmem:v8+s3+$0x0], $0xffff;
	v8 =	vmov v40  }
0x338: {  	v3 =	vadd.s32 v57, v3;
	v23 =	vor.u32 v50, v0;
	[tilespmem:$0x1FB10] =	vst v8;
	v8 =	vand.u32 $0xFFFFFF80, v20  }
0x339: {  	v0 =	vor.u32 v24, v3;
	v3 =	vadd.s32 v63, v8;
	v8 =	vadd.s32 v10, v16;
	v10 =	vld [tilespmem:$0x1F790];
	_ =	sdelay $0x2  }
0x33a: {  	[tilespmem:v54+s13+$0x0] =	vst.idx.msk $0xffff, v26  }
0x33b: {  	v24 =	vld.idx.msk [tilespmem:v13+s3+$0x0], $0xffff  }
0x33c: {  	v13 =	vor.u32 v10, v3;
	v10 =	vld [tilespmem:$0x1FB20];
	_ =	sdelay $0x4  }
0x33d: {  	v3 =	vand.u32 $0xFFFFFF80, v8  }
0x33e: {  	v8 =	vand.u32 $0x7F, v8;
	v3 =	vadd.s32 v52, v3  }
0x33f: {  	v53 =	vor.u32 v8, v3;
	v3 =	vld [tilespmem:$0x1F7E0]  }
0x340: {  	[tilespmem:v10+s13+$0x0] =	vst.idx.msk $0xffff, v42;
	v10 =	vld [tilespmem:$0x1F7B0];
	_ =	sdelay $0x3  }
0x341: {  	v47 =	vld [tilespmem:$0x1FFA0];
	_ =	sdelay $0x1  }
0x342: {  	v35 =	vld.idx.msk [tilespmem:v19+s3+$0x0], $0xffff;
	v19 =	vand.u32 $0xFFFFFF80, v37  }
0x343: {  	v54 =	vadd.s32 v57, v19;
	v40 =	vmovc v2;
	v2 =	vand.u32 $0xFFFFFF80, v27;
	v19 =	vld [tilespmem:$0x1F7D0];
	v20 =	vor.u32 v30, v36  }
0x344: {  	v2 =	vadd.s32 v52, v2;
	[tilespmem:v3+s13+$0x0] =	vst.idx.msk $0xffff, v39;
	v3 =	vand.u32 $0x7F, v27;
	v30 =	vld.idx.msk [tilespmem:v10+s3+$0x0], $0xffff  }
0x345: {  	v26 =	vor.u32 v3, v2;
	v2 =	vor.u32 v47, v22;
	v10 =	vld [tilespmem:$0x1F7C0]  }
0x346: {  	[tilespmem:$0x1FB30] =	vst v2;
	v2 =	vand.u32 $0xFFFFFF80, v28  }
0x347: {  	v33 =	vand.u32 $0x7F, v28;
	v2 =	vadd.s32 v61, v2  }
0x348: {  	v28 =	vor.u32 v33, v2;
	v2 =	vld [tilespmem:$0x1F830];
	_ =	sdelay $0x1  }
0x349: {  	v36 =	vor.u32 v19, v10;
	_ =	sdelay $0x4  }
0x34a: {  	v25 =	vadd.s32 v58, v16;
	v58 =	vand.u32 $0x7F, v37;
	v37 =	vld.idx.msk [tilespmem:v36+s3+$0x0], $0xffff  }
0x34b: {  	[tilespmem:v2+s13+$0x0] =	vst.idx.msk $0xffff, v44;
	v2 =	vld [tilespmem:$0x1F850];
	_ =	sdelay $0x7  }
0x34c: {  	[tilespmem:v2+s13+$0x0] =	vst.idx.msk $0xffff, v30;
	v2 =	vld [tilespmem:$0x1F860];
	_ =	sdelay $0x3  }
0x34d: {  	v8 =	vld [tilespmem:$0x1F7F0];
	_ =	sdelay $0x3  }
0x34e: {  	v36 =	vld.idx.msk [tilespmem:v2+s3+$0x0], $0xffff  }
0x34f: {  	v2 =	vld [tilespmem:$0x1F870];
	_ =	sdelay $0x2  }
0x350: {  	v38 =	vld.idx.msk [tilespmem:v8+s3+$0x0], $0xffff;
	_ =	sdelay $0x1  }
0x351: {  	v48 =	vand.u32 $0xFFFFFF80, v31;
	v3 =	vld [tilespmem:$0x1F800]  }
0x352: {  	v18 =	vadd.s32 v61, v48;
	v48 =	vld [tilespmem:$0x1FFB0]  }
0x353: {  	v51 =	vld [tilespmem:$0x1FFE0]  }
0x354: {  	[tilespmem:v2+s13+$0x0] =	vst.idx.msk $0xffff, v38;
	v2 =	vld [tilespmem:$0x1F880]  }
0x355: {  	v32 =	vand.u32 $0xFFFFFF80, v25;
	v25 =	vand.u32 $0x7F, v25  }
0x356: {  	v32 =	vadd.s32 v57, v32;
	v17 =	vor.u32 v55, v22;
	v45 =	vlaneseq.u32  }
0x357: {  	p1 =	slt.u32 s26, $0x3C;
	v43 =	vor.u32 v49, v22;
	v62 =	vor.u32 v48, v22;
	v57 =	vld [tilespmem:$0x1F7A0];
	v42 =	vmovc v6;
	v6 =	vadd.s32 s25, v45  }
.Ltmp1:
0x358: {  	v63 =	vld [tilespmem:$0x1F840];
	v52 =	vmovc v62;
	v62 =	vand.u32 $0x3F, v6;
	v6 =	vor.u32 v50, v22;
	v27 =	vor.u32 v25, v32;
	(pc) =	sbr.rel @p1 .LBB2_5-.Ltmp1, $4  }
0x359: {  	v25 =	vor.u32 v16, v56;
	v8 =	vor.u32 v51, v29;
	v61 =	vld [tilespmem:$0x1F810];
	[tilespmem:v3+s13+$0x0] =	vst.idx.msk $0xffff, v24  }
0x35a: {  	v33 =	vand.u32 $0x7F, v31;
	v31 =	vor.u32 v49, v15;
	v3 =	vor.u32 v47, v15;
	v16 =	vld.idx.msk [tilespmem:v41+s3+$0x0], $0xffff  }
0x35b: {  	s24 =	sadd.s32 $0x4, s26;
	v24 =	vor.u32 v55, v15;
	v55 =	vor.u32 v51, v22;
	v41 =	vld [tilespmem:$0x1F820];
	v10 =	vor.u32 v48, v15  }
0x35c: {  	s26 =	smov.u32 s24;
	[tilespmem:$0x1FB20] =	vst v3;
	v19 =	vor.u32 v46, v22;
	v44 =	vmov v34;
	v30 =	vor.u32 v21, v56;
	v21 =	vld.idx.msk [tilespmem:v2+s3+$0x0], $0xffff  }
0x35d: {  	v3 =	vld [tilespmem:$0x1F8C0]  }
0x35e: {  	v15 =	vld [tilespmem:$0x1F9F0];
	_ =	sdelay $0x1  }
0x35f: {  	v32 =	vld [tilespmem:$0x1FA00];
	_ =	sdelay $0x2  }
0x360: {  	v15 =	vadd.s32 v15, v62  }
0x361: {  	v22 =	vand.u32 $0xFFFFFF80, v15  }
0x362: {  	v22 =	vadd.s32 v32, v22;
	v32 =	vld.idx.msk [tilespmem:v3+s3+$0x0], $0xffff  }
0x363: {  	v39 =	vld [tilespmem:$0x1F9E0];
	v15 =	vand.u32 $0x7F, v15  }
0x364: {  	v15 =	vor.u32 v15, v22;
	v22 =	vld [tilespmem:$0x1F9B0];
	[tilespmem:v14+s13+$0x0] =	vst.idx.msk $0xffff, v16  }
0x365: {  	[tilespmem:v17+s13+$0x0] =	vst.idx.msk $0xffff, v35  }
0x366: {  	[tilespmem:v12+s13+$0x0] =	vst.idx.msk $0xffff, v37  }
0x367: {  	[tilespmem:v7+s13+$0x0] =	vst.idx.msk $0xffff, v32  }
0x368: {  	v3 =	vld [tilespmem:$0x1FA50];
	_ =	sdelay $0x3  }
0x369: {  	v34 =	vshll.u32 v62, $0x7;
	v15 =	vld.idx.msk [tilespmem:v15+s3+$0x0], $0xffff  }
0x36a: {  	v56 =	vor.u32 v45, v34;
	v12 =	vadd.s32 v3, v62;
	v3 =	vld [tilespmem:$0x1F8D0];
	_ =	sdelay $0x4  }
0x36b: {  	[tilespmem:v56+s13+$0x0] =	vst.idx.msk $0xffff, v15  }
0x36c: {  	v22 =	vadd.s32 v22, v62;
	v17 =	vld [tilespmem:$0x1FA70]  }
0x36d: {  	v7 =	vor.u32 v33, v18;
	v38 =	vand.u32 $0xFFFFFF80, v22;
	v33 =	vld [tilespmem:$0x1FFF0];
	[tilespmem:v57+s13+$0x0] =	vst.idx.msk $0xffff, v36  }
0x36e: {  	v22 =	vand.u32 $0x7F, v22;
	v38 =	vadd.s32 v39, v38;
	[tilespmem:v9+s13+$0x0] =	vst.idx.msk $0xffff, v21;
	v16 =	vld.idx.msk [tilespmem:v3+s3+$0x0], $0xffff  }
0x36f: {  	v14 =	vor.u32 v22, v38;
	v3 =	vld [tilespmem:$0x1F8B0];
	_ =	sdelay $0x3  }
0x370: {  	v13 =	vld.idx.msk [tilespmem:v13+s3+$0x0], $0xffff;
	v15 =	vand.u32 $0xFFFFFF80, v12  }
0x371: {  	v14 =	vld.idx.msk [tilespmem:v14+s3+$0x0], $0xffff;
	v15 =	vadd.s32 v17, v15;
	v17 =	vor.u32 v33, v34;
	_ =	sdelay $0x1  }
0x372: {  	[tilespmem:v5+s13+$0x0] =	vst.idx.msk $0xffff, v16;
	v5 =	vld.idx.msk [tilespmem:v7+s3+$0x0], $0xffff  }
0x373: {  	v9 =	vld.idx.msk [tilespmem:v3+s3+$0x0], $0xffff  }
0x374: {  	[tilespmem:v24+s13+$0x0] =	vst.idx.msk $0xffff, v13  }
0x375: {  	v7 =	vld [tilespmem:$0x1F940];
	[tilespmem:v17+s13+$0x0] =	vst.idx.msk $0xffff, v14  }
0x376: {  	v16 =	vld [tilespmem:$0x1F960]  }
0x377: {  	v3 =	vld [tilespmem:$0x1F8E0];
	[tilespmem:v19+s13+$0x0] =	vst.idx.msk $0xffff, v5  }
0x378: {  	[tilespmem:v41+s13+$0x0] =	vst.idx.msk $0xffff, v9  }
0x379: {  	v2 =	vld [tilespmem:$0x1FAB0];
	_ =	sdelay $0x2  }
0x37a: {  	v13 =	vld.idx.msk [tilespmem:v28+s3+$0x0], $0xffff;
	_ =	sdelay $0x4  }
0x37b: {  	v14 =	vld.idx.msk [tilespmem:v3+s3+$0x0], $0xffff;
	[tilespmem:v2+s13+$0x0] =	vst.idx.msk $0xffff, v13  }
0x37c: {  	v3 =	vld [tilespmem:$0x1F8F0];
	_ =	sdelay $0x7  }
0x37d: {  	v9 =	vld.idx.msk [tilespmem:v3+s3+$0x0], $0xffff  }
0x37e: {  	v3 =	vld [tilespmem:$0x1F970];
	_ =	sdelay $0x2  }
0x37f: {  	v12 =	vand.u32 $0x7F, v12  }
0x380: {  	v12 =	vor.u32 v12, v15;
	v2 =	vld [tilespmem:$0x1FB10]  }
0x381: {  	v13 =	vadd.s32 v3, v62;
	v3 =	vld [tilespmem:$0x1F930];
	_ =	sdelay $0x1  }
0x382: {  	v7 =	vadd.s32 v7, v62  }
0x383: {  	v15 =	vand.u32 $0xFFFFFF80, v7  }
0x384: {  	v12 =	vld.idx.msk [tilespmem:v12+s3+$0x0], $0xffff;
	v15 =	vadd.s32 v16, v15;
	v16 =	vor.u32 v46, v34;
	_ =	sdelay $0x2  }
0x385: {  	v7 =	vand.u32 $0x7F, v7  }
0x386: {  	v7 =	vor.u32 v7, v15;
	[tilespmem:v2+s13+$0x0] =	vst.idx.msk $0xffff, v14;
	v15 =	vld.idx.msk [tilespmem:v3+s3+$0x0], $0xffff  }
0x387: {  	v3 =	vld [tilespmem:$0x1F920];
	[tilespmem:v16+s13+$0x0] =	vst.idx.msk $0xffff, v12  }
0x388: {  	v2 =	vld [tilespmem:$0x1FB40];
	_ =	sdelay $0x2  }
0x389: {  	v5 =	vld.idx.msk [tilespmem:v59+s3+$0x0], $0xffff;
	_ =	sdelay $0x4  }
0x38a: {  	v16 =	vld [tilespmem:$0x1F980];
	[tilespmem:v2+s13+$0x0] =	vst.idx.msk $0xffff, v5  }
0x38b: {  	v2 =	vld [tilespmem:$0x1FB30];
	_ =	sdelay $0x7  }
0x38c: {  	[tilespmem:v2+s13+$0x0] =	vst.idx.msk $0xffff, v9  }
0x38d: {  	v2 =	vld [tilespmem:$0x1FAC0];
	_ =	sdelay $0x7  }
0x38e: {  	[tilespmem:v2+s13+$0x0] =	vst.idx.msk $0xffff, v15  }
0x38f: {  	v2 =	vld [tilespmem:$0x1F9A0];
	_ =	sdelay $0x5  }
0x390: {  	v14 =	vand.u32 $0xFFFFFF80, v13  }
0x391: {  	v13 =	vand.u32 $0x7F, v13;
	v14 =	vadd.s32 v16, v14  }
0x392: {  	v5 =	vor.u32 v13, v14;
	v13 =	vld.idx.msk [tilespmem:v2+s3+$0x0], $0xffff  }
0x393: {  	v2 =	vld [tilespmem:$0x1FB20];
	_ =	sdelay $0x1  }
0x394: {  	v12 =	vor.u32 v47, v34;
	v7 =	vld.idx.msk [tilespmem:v7+s3+$0x0], $0xffff  }
0x395: {  	v17 =	vld.idx.msk [tilespmem:v3+s3+$0x0], $0xffff;
	_ =	sdelay $0x2  }
0x396: {  	v3 =	vld [tilespmem:$0x1F900]  }
0x397: {  	v9 =	vld [tilespmem:$0x1FA10];
	[tilespmem:v12+s13+$0x0] =	vst.idx.msk $0xffff, v7  }
0x398: {  	[tilespmem:v2+s13+$0x0] =	vst.idx.msk $0xffff, v17  }
0x399: {  	v7 =	vld [tilespmem:$0x1F8A0];
	_ =	sdelay $0x2  }
0x39a: {  	v16 =	vld.idx.msk [tilespmem:v20+s3+$0x0], $0xffff;
	_ =	sdelay $0x4  }
0x39b: {  	[tilespmem:v7+s13+$0x0] =	vst.idx.msk $0xffff, v16  }
0x39c: {  	v2 =	vld [tilespmem:$0x1FB60];
	_ =	sdelay $0x2  }
0x39d: {  	v4 =	vld.idx.msk [tilespmem:v4+s3+$0x0], $0xffff;
	_ =	sdelay $0x3  }
0x39e: {  	v9 =	vadd.s32 v9, v62  }
0x39f: {  	v15 =	vand.u32 $0xFFFFFF80, v9;
	v7 =	vand.u32 $0x7F, v9;
	v9 =	vld [tilespmem:$0x1FA20];
	[tilespmem:v2+s13+$0x0] =	vst.idx.msk $0xffff, v4  }
0x3a0: {  	v2 =	vld [tilespmem:$0x1FA40];
	_ =	sdelay $0x2  }
0x3a1: {  	v3 =	vld.idx.msk [tilespmem:v3+s3+$0x0], $0xffff;
	_ =	sdelay $0x3  }
0x3a2: {  	v9 =	vadd.s32 v9, v15  }
0x3a3: {  	v4 =	vor.u32 v7, v9;
	[tilespmem:v52+s13+$0x0] =	vst.idx.msk $0xffff, v3;
	v7 =	vld.idx.msk [tilespmem:v2+s3+$0x0], $0xffff  }
0x3a4: {  	v2 =	vld [tilespmem:$0x1FAD0];
	_ =	sdelay $0x6  }
0x3a5: {  	v17 =	vld.idx.msk [tilespmem:v40+s3+$0x0], $0xffff  }
0x3a6: {  	v14 =	vor.u32 v48, v34;
	v5 =	vld.idx.msk [tilespmem:v5+s3+$0x0], $0xffff;
	[tilespmem:v2+s13+$0x0] =	vst.idx.msk $0xffff, v13  }
0x3a7: {  	v9 =	vld [tilespmem:$0x1FAA0];
	_ =	sdelay $0x1  }
0x3a8: {  	v3 =	vld.idx.msk [tilespmem:v42+s3+$0x0], $0xffff  }
0x3a9: {  	v12 =	vld.idx.msk [tilespmem:v53+s3+$0x0], $0xffff;
	[tilespmem:v10+s13+$0x0] =	vst.idx.msk $0xffff, v17  }
0x3aa: {  	[tilespmem:v14+s13+$0x0] =	vst.idx.msk $0xffff, v5;
	v15 =	vld.idx.msk [tilespmem:v26+s3+$0x0], $0xffff  }
0x3ab: {  	v10 =	vor.u32 v49, v34;
	v4 =	vld.idx.msk [tilespmem:v4+s3+$0x0], $0xffff;
	v9 =	vadd.s32 v9, v62  }
0x3ac: {  	v13 =	vand.u32 $0xFFFFFF80, v9;
	v5 =	vand.u32 $0x7F, v9;
	v9 =	vld [tilespmem:$0x1FAE0];
	[tilespmem:v1+s13+$0x0] =	vst.idx.msk $0xffff, v7  }
0x3ad: {  	[tilespmem:v43+s13+$0x0] =	vst.idx.msk $0xffff, v3  }
0x3ae: {  	[tilespmem:v11+s13+$0x0] =	vst.idx.msk $0xffff, v12  }
0x3af: {  	[tilespmem:v31+s13+$0x0] =	vst.idx.msk $0xffff, v15  }
0x3b0: {  	[tilespmem:v10+s13+$0x0] =	vst.idx.msk $0xffff, v4  }
0x3b1: {  	v2 =	vld [tilespmem:$0x1F9D0];
	_ =	sdelay $0x2  }
0x3b2: {  	v14 =	vld.idx.msk [tilespmem:v61+s3+$0x0], $0xffff;
	v9 =	vadd.s32 v9, v13  }
0x3b3: {  	v0 =	vld.idx.msk [tilespmem:v0+s3+$0x0], $0xffff;
	v1 =	vor.u32 v5, v9;
	v5 =	vor.u32 v50, v29  }
0x3b4: {  	v3 =	vld.idx.msk [tilespmem:v44+s3+$0x0], $0xffff  }
0x3b5: {  	v7 =	vld.idx.msk [tilespmem:v27+s3+$0x0], $0xffff;
	_ =	sdelay $0x1  }
0x3b6: {  	[tilespmem:v2+s13+$0x0] =	vst.idx.msk $0xffff, v14  }
0x3b7: {  	v10 =	vld [tilespmem:$0x1FA30];
	[tilespmem:v5+s13+$0x0] =	vst.idx.msk $0xffff, v0  }
0x3b8: {  	v13 =	vor.u32 v58, v54;
	v0 =	vld [tilespmem:$0x1FA60];
	[tilespmem:v6+s13+$0x0] =	vst.idx.msk $0xffff, v3  }
0x3b9: {  	[tilespmem:v23+s13+$0x0] =	vst.idx.msk $0xffff, v7  }
0x3ba: {  	v2 =	vld [tilespmem:$0x1FB00];
	_ =	sdelay $0x2  }
0x3bb: {  	v9 =	vld.idx.msk [tilespmem:v13+s3+$0x0], $0xffff  }
0x3bc: {  	v4 =	vor.u32 v50, v34;
	v1 =	vld.idx.msk [tilespmem:v1+s3+$0x0], $0xffff;
	_ =	sdelay $0x3  }
0x3bd: {  	[tilespmem:v2+s13+$0x0] =	vst.idx.msk $0xffff, v9  }
0x3be: {  	v2 =	vld [tilespmem:$0x1FA90];
	[tilespmem:v4+s13+$0x0] =	vst.idx.msk $0xffff, v1  }
0x3bf: {  	v1 =	vld [tilespmem:$0x1F890]  }
0x3c0: {  	v3 =	vld.idx.msk [tilespmem:v30+s3+$0x0], $0xffff  }
0x3c1: {  	v0 =	vld.idx.msk [tilespmem:v0+s3+$0x0], $0xffff  }
0x3c2: {  	v11 =	vld.idx.msk [tilespmem:v63+s3+$0x0], $0xffff  }
0x3c3: {  	v5 =	vld.idx.msk [tilespmem:v25+s3+$0x0], $0xffff;
	_ =	sdelay $0x1  }
0x3c4: {  	[tilespmem:v55+s13+$0x0] =	vst.idx.msk $0xffff, v3  }
0x3c5: {  	v10 =	vor.u32 v62, v10;
	[tilespmem:v8+s13+$0x0] =	vst.idx.msk $0xffff, v0  }
0x3c6: {  	v6 =	vld.idx.msk [tilespmem:v2+s3+$0x0], $0xffff;
	[tilespmem:v1+s13+$0x0] =	vst.idx.msk $0xffff, v11  }
0x3c7: {  	v3 =	vld [tilespmem:$0x1FF80];
	[tilespmem:v60+s13+$0x0] =	vst.idx.msk $0xffff, v5  }
0x3c8: {  	v2 =	vld [tilespmem:$0x1FAF0];
	_ =	sdelay $0x1  }
0x3c9: {  	v4 =	vld.idx.msk [tilespmem:v10+s3+$0x0], $0xffff;
	v1 =	vor.u32 v51, v34;
	_ =	sdelay $0x1  }
0x3ca: {  	s24 =	sor.u32 $0x2, s22  }
0x3cb: {  	s23 =	sshll.u32 s23, $0x12;
	v0 =	vadd.s32 s24, v3  }
0x3cc: {  	s23 =	sor.u32 s6, s23  }
0x3cd: {  	s23 =	sshrl.u32 s23, $0x3;
	[tilespmem:v1+s13+$0x0] =	vst.idx.msk $0xffff, v4  }
0x3ce: {  	s23 =	sadd.s32 s2, s23;
	[tilespmem:v2+s13+$0x0] =	vst.idx.msk $0xffff, v6  }
0x3cf: {  	[hbm4b:s23+s11] =	stream.strided.scatter [tilespmem:s13], [sflag:$0x2], $0x2000, s12, s11, $0x38;
	[tilespmem:$0x1E100] =	vst v63  }
0x3d0: {  	v0 =	vld.idx.msk [tilespmem:v0+s9+$0x0], $0xffff;
	_ =	sdelay $0x1  }
0x3d1: {  	s30 =	sadd.s32 $0xC82, s22  }
0x3d2: {  	v1 =	vadd.s32 s30, v3;
	_ =	sdelay $0x1  }
0x3d3: {  	v2 =	vshrl.u32 v0, $0x1;
	v0 =	vshll.u32 v0, $0x6  }
0x3d4: {  	[tilespmem:$0x1E000] =	vst v2;
	v0 =	vand.u32 $0x40, v0  }
0x3d5: {  	[tilespmem:$0x1E080] =	vst v0  }
0x3d6: {  	v0 =	vld.idx.msk [tilespmem:v1+s9+$0x0], $0xffff;
	_ =	sdelay $0x1  }
0x3d7: {  	s31 =	sor.u32 $0x1902, s22  }
0x3d8: {  	v1 =	vadd.s32 s31, v3;
	_ =	sdelay $0x1  }
0x3d9: {  	v2 =	vshrl.u32 v0, $0x1;
	v0 =	vshll.u32 v0, $0x6  }
0x3da: {  	[tilespmem:$0x1E010] =	vst v2;
	v0 =	vand.u32 $0x40, v0  }
0x3db: {  	[tilespmem:$0x1E090] =	vst v0  }
0x3dc: {  	v0 =	vld.idx.msk [tilespmem:v1+s9+$0x0], $0xffff;
	_ =	sdelay $0x1  }
0x3dd: {  	s25 =	sadd.s32 $0x2582, s22  }
0x3de: {  	v1 =	vadd.s32 s25, v3;
	_ =	sdelay $0x1  }
0x3df: {  	v2 =	vshrl.u32 v0, $0x1;
	v0 =	vshll.u32 v0, $0x6  }
0x3e0: {  	[tilespmem:$0x1E020] =	vst v2;
	v0 =	vand.u32 $0x40, v0  }
0x3e1: {  	[tilespmem:$0x1E0A0] =	vst v0  }
0x3e2: {  	v0 =	vld.idx.msk [tilespmem:v1+s9+$0x0], $0xffff;
	_ =	sdelay $0x1  }
0x3e3: {  	s26 =	sor.u32 $0x3202, s22  }
0x3e4: {  	v1 =	vadd.s32 s26, v3;
	_ =	sdelay $0x1  }
0x3e5: {  	v2 =	vshrl.u32 v0, $0x1;
	v0 =	vshll.u32 v0, $0x6  }
0x3e6: {  	[tilespmem:$0x1E030] =	vst v2;
	v0 =	vand.u32 $0x40, v0  }
0x3e7: {  	[tilespmem:$0x1E0B0] =	vst v0  }
0x3e8: {  	v0 =	vld.idx.msk [tilespmem:v1+s9+$0x0], $0xffff;
	_ =	sdelay $0x1  }
0x3e9: {  	s28 =	sadd.s32 $0x3E82, s22  }
0x3ea: {  	v1 =	vadd.s32 s28, v3;
	_ =	sdelay $0x1  }
0x3eb: {  	v2 =	vshrl.u32 v0, $0x1;
	v0 =	vshll.u32 v0, $0x6  }
0x3ec: {  	[tilespmem:$0x1E040] =	vst v2;
	v0 =	vand.u32 $0x40, v0  }
0x3ed: {  	[tilespmem:$0x1E0C0] =	vst v0  }
0x3ee: {  	v0 =	vld.idx.msk [tilespmem:v1+s9+$0x0], $0xffff;
	_ =	sdelay $0x1  }
0x3ef: {  	s29 =	sor.u32 $0x4B02, s22  }
0x3f0: {  	v1 =	vadd.s32 s29, v3;
	_ =	sdelay $0x1  }
0x3f1: {  	v2 =	vshrl.u32 v0, $0x1;
	v0 =	vshll.u32 v0, $0x6  }
0x3f2: {  	[tilespmem:$0x1E050] =	vst v2;
	v0 =	vand.u32 $0x40, v0  }
0x3f3: {  	[tilespmem:$0x1E0D0] =	vst v0  }
0x3f4: {  	v0 =	vld.idx.msk [tilespmem:v1+s9+$0x0], $0xffff;
	_ =	sdelay $0x1  }
0x3f5: {  	s30 =	sadd.s32 $0x5782, s22  }
0x3f6: {  	v1 =	vadd.s32 s30, v3;
	_ =	sdelay $0x1  }
0x3f7: {  	v2 =	vshrl.u32 v0, $0x1;
	v0 =	vshll.u32 v0, $0x6  }
0x3f8: {  	[tilespmem:$0x1E060] =	vst v2;
	v0 =	vand.u32 $0x40, v0  }
0x3f9: {  	[tilespmem:$0x1E0E0] =	vst v0  }
0x3fa: {  	v0 =	vld.idx.msk [tilespmem:v1+s9+$0x0], $0xffff;
	_ =	sdelay $0x4  }
0x3fb: {  	v1 =	vshrl.u32 v0, $0x1;
	v0 =	vshll.u32 v0, $0x6  }
0x3fc: {  	[tilespmem:$0x1E070] =	vst v1;
	v0 =	vand.u32 $0x40, v0  }
0x3fd: {  	s23 =	simm.s32 @!p0 $0x3;
	[tilespmem:$0x1E0F0] =	vst v0  }
0x3fe: {  	_ =	swait.ge @!p0 [sflag:s23], $0x2000  }
0x3ff: {  	[sflag:s23] =	ssyncset.done @!p0 $0x0  }
0x400: {  	[sflag:s23] =	ssyncadd.s32 @!p0 $0xFFFFE000  }
0x401: {  	v1 =	vld [tilespmem:$0x1E000]  }
0x402: {  	v2 =	vld [tilespmem:$0x1E010]  }
0x403: {  	v3 =	vld [tilespmem:$0x1E020]  }
0x404: {  	v4 =	vld [tilespmem:$0x1E030]  }
0x405: {  	v5 =	vld [tilespmem:$0x1E040]  }
0x406: {  	v6 =	vld [tilespmem:$0x1E050]  }
0x407: {  	v8 =	vld [tilespmem:$0x1E070]  }
0x408: {  	v7 =	vld [tilespmem:$0x1E060]  }
0x409: {  	v52 =	vld [tilespmem:$0x1E080]  }
0x40a: {  	v62 =	vld [tilespmem:$0x1E0B0];
	v53 =	vshll.u32 v1, $0x7;
	v19 =	vshll.u32 v2, $0x7  }
0x40b: {  	s31 =	simm.s32 $0x1;
	v13 =	vld [tilespmem:$0x1E090];
	v20 =	vshll.u32 v3, $0x7;
	v61 =	vshll.u32 v4, $0x7;
	v60 =	vshll.u32 v5, $0x7  }
0x40c: {  	s25 =	simm.s32 $0x2;
	v58 =	vld [tilespmem:$0x1E0E0];
	v57 =	vshll.u32 v6, $0x7;
	v1 =	vadd.s32 s31, v45;
	v2 =	vshll.u32 v8, $0x7  }
0x40d: {  	v55 =	vld [tilespmem:$0x1E0A0];
	v4 =	vand.u32 $0x3F, v1;
	v1 =	vor.u32 v0, v2;
	v0 =	vadd.s32 s25, v45  }
0x40e: {  	v43 =	vshll.u32 v7, $0x7;
	v3 =	vadd.s32 v52, v4;
	v2 =	vand.u32 $0x3F, v0  }
0x40f: {  	v56 =	vshll.u32 v4, $0x7;
	v63 =	vor.u32 v4, v1;
	v7 =	vadd.s32 v62, v4  }
0x410: {  	v16 =	vadd.s32 v13, v4;
	v0 =	vand.u32 $0xFFFFFF80, v3;
	v5 =	vadd.s32 v52, v2  }
0x411: {  	v6 =	vor.u32 v51, v56;
	v3 =	vand.u32 $0x7F, v3;
	v17 =	vand.u32 $0x7F, v16  }
0x412: {  	[tilespmem:$0x1F630] =	vst v1;
	v18 =	vadd.s32 v58, v2;
	v1 =	vor.u32 v45, v56;
	v32 =	vadd.s32 v55, v2  }
0x413: {  	v44 =	vadd.s32 v62, v2;
	v16 =	vand.u32 $0xFFFFFF80, v16;
	v0 =	vadd.s32 v53, v0  }
0x414: {  	[tilespmem:$0x1F490] =	vst v6;
	v6 =	vand.u32 $0xFFFFFF80, v5;
	v15 =	vand.u32 $0x7F, v5;
	v59 =	vand.u32 $0xFFFFFF80, v18  }
0x415: {  	v54 =	vld [tilespmem:$0x1E0D0];
	s25 =	simm.s32 $0x6;
	v40 =	vand.u32 $0x7F, v44;
	v34 =	vand.u32 $0xFFFFFF80, v44;
	v16 =	vadd.s32 v19, v16  }
0x416: {  	s26 =	simm.s32 $0x3;
	v44 =	vadd.s32 s25, v45;
	v14 =	vadd.s32 v53, v6;
	v6 =	vadd.s32 v13, v2  }
0x417: {  	v22 =	vor.u32 v3, v0;
	v0 =	vadd.s32 s26, v45;
	v3 =	vor.u32 v50, v56  }
0x418: {  	v36 =	vor.u32 v17, v16;
	v17 =	vand.u32 $0x7F, v18;
	[tilespmem:$0x1F4A0] =	vst v3;
	v3 =	vand.u32 $0x3F, v0  }
0x419: {  	[tilespmem:$0x1F510] =	vst v1;
	v1 =	vld [tilespmem:$0x1E0C0];
	v38 =	vor.u32 v15, v14;
	v0 =	vadd.s32 v52, v3;
	v8 =	vadd.s32 v13, v3  }
0x41a: {  	v5 =	vmovc v43;
	v37 =	vshll.u32 v3, $0x7;
	v23 =	vadd.s32 v54, v3;
	v30 =	vadd.s32 v55, v3  }
0x41b: {  	v12 =	vadd.s32 v62, v3;
	v35 =	vadd.s32 v5, v59;
	v9 =	vand.u32 $0xFFFFFF80, v0  }
0x41c: {  	v0 =	vand.u32 $0x7F, v0;
	v10 =	vand.u32 $0xFFFFFF80, v8;
	v21 =	vand.u32 $0xFFFFFF80, v30  }
0x41d: {  	v31 =	vand.u32 $0x7F, v8;
	v9 =	vadd.s32 v53, v9;
	v11 =	vadd.s32 v19, v10  }
0x41e: {  	v41 =	vadd.s32 v1, v2;
	v28 =	vor.u32 v0, v9;
	v0 =	vand.u32 $0xFFFFFF80, v6  }
0x41f: {  	v59 =	vadd.s32 v20, v21;
	v6 =	vand.u32 $0x7F, v6;
	v0 =	vadd.s32 v19, v0  }
0x420: {  	v9 =	vadd.s32 v58, v3;
	v27 =	vor.u32 v6, v0;
	v6 =	vshll.u32 v2, $0x7  }
0x421: {  	v31 =	vor.u32 v31, v11;
	v42 =	vand.u32 $0xFFFFFF80, v41;
	v0 =	vor.u32 v46, v6  }
0x422: {  	v10 =	vand.u32 $0x7F, v9;
	v9 =	vand.u32 $0xFFFFFF80, v9;
	[tilespmem:$0x1F550] =	vst v0;
	v0 =	vadd.s32 v55, v4  }
0x423: {  	v21 =	vadd.s32 v60, v42;
	v25 =	vor.u32 v33, v6;
	v8 =	vand.u32 $0xFFFFFF80, v0  }
0x424: {  	v24 =	vmovc v33;
	v33 =	vand.u32 $0x7F, v32;
	v0 =	vand.u32 $0x7F, v0;
	v8 =	vadd.s32 v20, v8  }
0x425: {  	v0 =	vor.u32 v0, v8;
	v8 =	vadd.s32 v43, v9;
	v9 =	vand.u32 $0xFFFFFF80, v12  }
0x426: {  	v12 =	vand.u32 $0x7F, v12;
	[tilespmem:$0x1F590] =	vst v0;
	v0 =	vor.u32 v10, v8;
	v9 =	vadd.s32 v61, v9  }
0x427: {  	v43 =	vadd.s32 v54, v4;
	[tilespmem:$0x1F750] =	vst v0;
	v0 =	vor.u32 v12, v9;
	v12 =	vand.u32 $0xFFFFFF80, v7  }
0x428: {  	v10 =	vor.u32 v24, v37;
	v7 =	vand.u32 $0x7F, v7;
	v12 =	vadd.s32 v61, v12  }
0x429: {  	v9 =	vadd.s32 v1, v3;
	v12 =	vor.u32 v7, v12;
	v7 =	vadd.s32 v1, v4  }
0x42a: {  	v14 =	vand.u32 $0x7F, v43;
	v8 =	vmovc v24;
	v24 =	vand.u32 $0xFFFFFF80, v9;
	v11 =	vand.u32 $0xFFFFFF80, v7  }
0x42b: {  	v9 =	vand.u32 $0x7F, v9;
	v7 =	vand.u32 $0x7F, v7;
	v11 =	vadd.s32 v60, v11  }
0x42c: {  	v24 =	vadd.s32 v60, v24;
	v11 =	vor.u32 v7, v11;
	v7 =	vand.u32 $0xFFFFFF80, v23  }
0x42d: {  	v9 =	vor.u32 v9, v24;
	v23 =	vand.u32 $0x7F, v23;
	v7 =	vadd.s32 v57, v7  }
0x42e: {  	[tilespmem:$0x1F5C0] =	vst v0;
	v24 =	vadd.s32 v61, v34;
	v0 =	vor.u32 v23, v7;
	v23 =	vadd.s32 v54, v2  }
0x42f: {  	v34 =	vand.u32 $0x7F, v41;
	v24 =	vor.u32 v40, v24;
	v16 =	vand.u32 $0xFFFFFF80, v23  }
0x430: {  	v18 =	vand.u32 $0x7F, v23;
	v23 =	vand.u32 $0xFFFFFF80, v43;
	v16 =	vadd.s32 v57, v16  }
0x431: {  	s28 =	simm.s32 $0x0;
	v21 =	vor.u32 v34, v21;
	v15 =	vadd.s32 v57, v23;
	v18 =	vor.u32 v18, v16  }
0x432: {  	[tilespmem:$0x1F680] =	vst v0;
	v16 =	vand.u32 $0xFFFFFF80, v32;
	v0 =	vor.u32 v14, v15;
	v15 =	vadd.s32 s28, v45  }
0x433: {  	s29 =	simm.s32 $0x5;
	v32 =	vor.u32 v17, v35;
	v14 =	vadd.s32 v20, v16;
	v16 =	vand.u32 $0x3F, v15  }
0x434: {  	s30 =	simm.s32 $0x7;
	v15 =	vadd.s32 s29, v45;
	v33 =	vor.u32 v33, v14;
	v14 =	vadd.s32 v55, v16  }
0x435: {  	v17 =	vand.u32 $0x3F, v15;
	v15 =	vadd.s32 s30, v45;
	v39 =	vand.u32 $0xFFFFFF80, v14  }
0x436: {  	v40 =	vand.u32 $0x7F, v14;
	v41 =	vadd.s32 v52, v17;
	v14 =	vand.u32 $0x3F, v15  }
0x437: {  	v15 =	vand.u32 $0x3F, v44;
	v34 =	vand.u32 $0xFFFFFF80, v41;
	v42 =	vadd.s32 v52, v14  }
0x438: {  	v41 =	vand.u32 $0x7F, v41;
	v44 =	vadd.s32 v13, v15;
	v43 =	vand.u32 $0xFFFFFF80, v42  }
0x439: {  	v34 =	vadd.s32 v53, v34;
	v42 =	vand.u32 $0x7F, v42;
	v43 =	vadd.s32 v53, v43  }
0x43a: {  	[tilespmem:$0x1F4B0] =	vst v0;
	v0 =	vor.u32 v41, v34;
	v41 =	vor.u32 v42, v43;
	v42 =	vand.u32 $0xFFFFFF80, v44  }
0x43b: {  	v23 =	vand.u32 $0x7F, v30;
	v43 =	vand.u32 $0x7F, v44;
	v42 =	vadd.s32 v19, v42  }
0x43c: {  	[tilespmem:$0x1F4C0] =	vst v0;
	v0 =	vor.u32 v23, v59;
	v23 =	vor.u32 v43, v42  }
0x43d: {  	[tilespmem:$0x1F4D0] =	vst v23  }
0x43e: {  	v29 =	vor.u32 v45, v6;
	v30 =	vadd.s32 v52, v16;
	v59 =	vadd.s32 v55, v17;
	v38 =	vld.idx.msk [tilespmem:v38+s3+$0x0], $0xffff  }
0x43f: {  	v35 =	vand.u32 $0x7F, v30;
	v23 =	vadd.s32 v20, v39;
	v39 =	vand.u32 $0xFFFFFF80, v59  }
0x440: {  	v30 =	vand.u32 $0xFFFFFF80, v30;
	v59 =	vand.u32 $0x7F, v59;
	v39 =	vadd.s32 v20, v39  }
0x441: {  	v26 =	vor.u32 v45, v37;
	v30 =	vadd.s32 v53, v30;
	v39 =	vor.u32 v59, v39  }
0x442: {  	v30 =	vor.u32 v35, v30;
	v42 =	vadd.s32 v13, v16;
	v43 =	vadd.s32 v62, v14;
	[tilespmem:$0x1F4E0] =	vst v39  }
0x443: {  	v44 =	vand.u32 $0xFFFFFF80, v42;
	v23 =	vor.u32 v40, v23;
	v28 =	vld.idx.msk [tilespmem:v28+s3+$0x0], $0xffff;
	[tilespmem:v29+s14+$0x0] =	vst.idx.msk $0xffff, v38  }
0x444: {  	v40 =	vadd.s32 v19, v44;
	v59 =	vand.u32 $0x7F, v42;
	v29 =	vand.u32 $0xFFFFFF80, v43;
	v27 =	vld.idx.msk [tilespmem:v27+s3+$0x0], $0xffff  }
0x445: {  	v35 =	vor.u32 v59, v40;
	v40 =	vand.u32 $0x7F, v43;
	v29 =	vadd.s32 v61, v29  }
0x446: {  	v29 =	vor.u32 v40, v29  }
0x447: {  	[tilespmem:$0x1F4F0] =	vst v29  }
0x448: {  	v34 =	vadd.s32 v58, v14;
	[tilespmem:v26+s14+$0x0] =	vst.idx.msk $0xffff, v28  }
0x449: {  	v39 =	vand.u32 $0x7F, v34;
	v34 =	vand.u32 $0xFFFFFF80, v34;
	[tilespmem:v25+s14+$0x0] =	vst.idx.msk $0xffff, v27  }
0x44a: {  	v7 =	vmov v20;
	v34 =	vadd.s32 v5, v34;
	v20 =	vld [tilespmem:$0x1F510]  }
0x44b: {  	v59 =	vadd.s32 v1, v16;
	v44 =	vor.u32 v39, v34  }
0x44c: {  	v34 =	vand.u32 $0x7F, v59;
	v43 =	vadd.s32 v1, v14;
	v29 =	vand.u32 $0xFFFFFF80, v59  }
0x44d: {  	v22 =	vld.idx.msk [tilespmem:v22+s3+$0x0], $0xffff;
	v29 =	vadd.s32 v60, v29;
	v26 =	vadd.s32 v58, v4;
	v4 =	vand.u32 $0xFFFFFF80, v43  }
0x44e: {  	v59 =	vor.u32 v34, v29;
	v4 =	vadd.s32 v60, v4;
	v29 =	vand.u32 $0x7F, v43  }
0x44f: {  	v28 =	vld.idx.msk [tilespmem:v31+s3+$0x0], $0xffff;
	v31 =	vadd.s32 v62, v17;
	v4 =	vor.u32 v29, v4  }
0x450: {  	[tilespmem:$0x1F500] =	vst v4;
	v4 =	vand.u32 $0xFFFFFF80, v31  }
0x451: {  	v29 =	vand.u32 $0x7F, v31;
	v4 =	vadd.s32 v61, v4  }
0x452: {  	v31 =	vadd.s32 v62, v15;
	v4 =	vor.u32 v29, v4;
	[tilespmem:v20+s14+$0x0] =	vst.idx.msk $0xffff, v22  }
0x453: {  	v27 =	vld.idx.msk [tilespmem:v33+s3+$0x0], $0xffff;
	[tilespmem:$0x1F520] =	vst v4;
	v4 =	vand.u32 $0xFFFFFF80, v31  }
0x454: {  	v22 =	vand.u32 $0x7F, v31;
	v4 =	vadd.s32 v61, v4  }
0x455: {  	[tilespmem:v10+s14+$0x0] =	vst.idx.msk $0xffff, v28;
	v4 =	vor.u32 v22, v4  }
0x456: {  	v43 =	vld.idx.msk [tilespmem:v36+s3+$0x0], $0xffff;
	[tilespmem:$0x1F530] =	vst v4  }
0x457: {  	v28 =	vld.idx.msk [tilespmem:v0+s3+$0x0], $0xffff  }
0x458: {  	v0 =	vld [tilespmem:$0x1F550];
	_ =	sdelay $0x6  }
0x459: {  	v42 =	vor.u32 v47, v6;
	v20 =	vor.u32 v8, v56;
	[tilespmem:$0x1F540] =	vst v62  }
0x45a: {  	v25 =	vor.u32 v46, v37;
	v31 =	vadd.s32 v13, v14;
	[tilespmem:v0+s14+$0x0] =	vst.idx.msk $0xffff, v27  }
0x45b: {  	v10 =	vand.u32 $0x7F, v31;
	v4 =	vand.u32 $0xFFFFFF80, v31;
	v31 =	vadd.s32 v62, v16;
	[tilespmem:$0x1F560] =	vst v61  }
0x45c: {  	v22 =	vshll.u32 v14, $0x7;
	v4 =	vadd.s32 v19, v4;
	v27 =	vand.u32 $0xFFFFFF80, v31;
	v24 =	vld.idx.msk [tilespmem:v24+s3+$0x0], $0xffff  }
0x45d: {  	v39 =	vor.u32 v10, v4;
	v4 =	vand.u32 $0x7F, v31;
	v10 =	vadd.s32 v61, v27  }
0x45e: {  	[tilespmem:v20+s14+$0x0] =	vst.idx.msk $0xffff, v43;
	v20 =	vor.u32 v45, v22;
	v34 =	vor.u32 v4, v10;
	v10 =	vld.idx.msk [tilespmem:v41+s3+$0x0], $0xffff  }
0x45f: {  	[tilespmem:v25+s14+$0x0] =	vst.idx.msk $0xffff, v28  }
0x460: {  	v28 =	vld.idx.msk [tilespmem:v30+s3+$0x0], $0xffff;
	[tilespmem:$0x1F570] =	vst v1  }
0x461: {  	[tilespmem:v42+s14+$0x0] =	vst.idx.msk $0xffff, v24  }
0x462: {  	[tilespmem:$0x1F580] =	vst v60  }
0x463: {  	[tilespmem:v20+s14+$0x0] =	vst.idx.msk $0xffff, v10  }
0x464: {  	v0 =	vld [tilespmem:$0x1F590]  }
0x465: {  	v27 =	vadd.s32 v54, v16  }
0x466: {  	v29 =	vshll.u32 v16, $0x7;
	v31 =	vadd.s32 v1, v17;
	v4 =	vand.u32 $0xFFFFFF80, v27  }
0x467: {  	v27 =	vand.u32 $0x7F, v27;
	v25 =	vor.u32 v45, v29;
	v4 =	vadd.s32 v57, v4  }
0x468: {  	v4 =	vor.u32 v27, v4;
	v27 =	vand.u32 $0xFFFFFF80, v31  }
0x469: {  	v30 =	vand.u32 $0x7F, v31;
	v31 =	vadd.s32 v1, v15;
	v27 =	vadd.s32 v60, v27  }
0x46a: {  	v40 =	vor.u32 v30, v27;
	v27 =	vand.u32 $0xFFFFFF80, v31  }
0x46b: {  	v27 =	vadd.s32 v60, v27;
	v10 =	vand.u32 $0x7F, v31  }
0x46c: {  	[tilespmem:v25+s14+$0x0] =	vst.idx.msk $0xffff, v28;
	v1 =	vor.u32 v10, v27;
	v31 =	vld.idx.msk [tilespmem:v0+s3+$0x0], $0xffff  }
0x46d: {  	[tilespmem:$0x1F5A0] =	vst v1;
	v1 =	vld [tilespmem:$0x1F5C0];
	_ =	sdelay $0x2  }
0x46e: {  	v62 =	vor.u32 v46, v56  }
0x46f: {  	v30 =	vadd.s32 v54, v14  }
0x470: {  	v38 =	vor.u32 v48, v6;
	v20 =	vand.u32 $0xFFFFFF80, v30  }
0x471: {  	v30 =	vand.u32 $0x7F, v30;
	v0 =	vadd.s32 v57, v20;
	v20 =	vadd.s32 v58, v16  }
0x472: {  	v10 =	vor.u32 v47, v37;
	v42 =	vor.u32 v30, v0;
	v0 =	vand.u32 $0xFFFFFF80, v20;
	v21 =	vld.idx.msk [tilespmem:v21+s3+$0x0], $0xffff;
	[tilespmem:$0x1F5B0] =	vst v13  }
0x473: {  	v24 =	vand.u32 $0xFFFFFF80, v26;
	v20 =	vand.u32 $0x7F, v20;
	v0 =	vadd.s32 v5, v0;
	[tilespmem:v62+s14+$0x0] =	vst.idx.msk $0xffff, v31;
	v27 =	vld.idx.msk [tilespmem:v1+s3+$0x0], $0xffff  }
0x474: {  	v24 =	vadd.s32 v5, v24;
	v25 =	vand.u32 $0x7F, v26;
	v28 =	vld.idx.msk [tilespmem:v35+s3+$0x0], $0xffff;
	v0 =	vor.u32 v20, v0;
	[tilespmem:$0x1F5E0] =	vst v19  }
0x475: {  	v20 =	vor.u32 v25, v24;
	v24 =	vor.u32 v8, v29;
	v1 =	vor.u32 v51, v6;
	[tilespmem:$0x1F5F0] =	vst v52  }
0x476: {  	v26 =	vadd.s32 v13, v17;
	[tilespmem:$0x1F5D0] =	vst v1  }
0x477: {  	v13 =	vand.u32 $0xFFFFFF80, v26;
	[tilespmem:v38+s14+$0x0] =	vst.idx.msk $0xffff, v21  }
0x478: {  	v13 =	vadd.s32 v19, v13;
	v25 =	vand.u32 $0x7F, v26;
	[tilespmem:v10+s14+$0x0] =	vst.idx.msk $0xffff, v27  }
0x479: {  	v26 =	vadd.s32 v52, v15;
	v13 =	vor.u32 v25, v13;
	[tilespmem:$0x1F600] =	vst v53  }
0x47a: {  	v25 =	vor.u32 v49, v6;
	v31 =	vadd.s32 v54, v15;
	[tilespmem:v24+s14+$0x0] =	vst.idx.msk $0xffff, v28  }
0x47b: {  	v30 =	vand.u32 $0xFFFFFF80, v26;
	v26 =	vand.u32 $0x7F, v26;
	v27 =	vand.u32 $0xFFFFFF80, v31;
	v19 =	vld [tilespmem:$0x1F630]  }
0x47c: {  	v21 =	vor.u32 v47, v56;
	v10 =	vadd.s32 v53, v30;
	v27 =	vadd.s32 v57, v27  }
0x47d: {  	v36 =	vor.u32 v26, v10;
	v24 =	vadd.s32 v54, v17;
	v28 =	vand.u32 $0x7F, v31;
	[tilespmem:$0x1F610] =	vst v54  }
0x47e: {  	v10 =	vand.u32 $0xFFFFFF80, v24;
	v53 =	vor.u32 v28, v27;
	v27 =	vor.u32 v48, v37;
	v12 =	vld.idx.msk [tilespmem:v12+s3+$0x0], $0xffff  }
0x47f: {  	v28 =	vld.idx.msk [tilespmem:v9+s3+$0x0], $0xffff;
	v9 =	vand.u32 $0x7F, v24;
	[tilespmem:$0x1F620] =	vst v57;
	v10 =	vadd.s32 v57, v10;
	v57 =	vor.u32 v50, v6  }
0x480: {  	v6 =	vor.u32 v46, v29;
	v26 =	vor.u32 v9, v10;
	v10 =	vld.idx.msk [tilespmem:v23+s3+$0x0], $0xffff;
	v1 =	vor.u32 v3, v19  }
0x481: {  	[tilespmem:$0x1F640] =	vst v1  }
0x482: {  	v3 =	vld.idx.msk [tilespmem:v18+s3+$0x0], $0xffff  }
0x483: {  	[tilespmem:v21+s14+$0x0] =	vst.idx.msk $0xffff, v12  }
0x484: {  	[tilespmem:v27+s14+$0x0] =	vst.idx.msk $0xffff, v28  }
0x485: {  	v18 =	vadd.s32 v58, v15;
	[tilespmem:v6+s14+$0x0] =	vst.idx.msk $0xffff, v10  }
0x486: {  	v43 =	vmov v5;
	v24 =	vadd.s32 v55, v14;
	v5 =	vand.u32 $0xFFFFFF80, v18;
	v10 =	vld.idx.msk [tilespmem:v11+s3+$0x0], $0xffff;
	[tilespmem:$0x1F650] =	vst v55  }
0x487: {  	v12 =	vand.u32 $0x7F, v18;
	v18 =	vadd.s32 v55, v15;
	[tilespmem:v25+s14+$0x0] =	vst.idx.msk $0xffff, v3;
	v3 =	vor.u32 v16, v19  }
0x488: {  	v5 =	vadd.s32 v43, v5;
	v6 =	vand.u32 $0xFFFFFF80, v18;
	[tilespmem:$0x1F660] =	vst v3;
	v3 =	vand.u32 $0xFFFFFF80, v24  }
0x489: {  	v27 =	vor.u32 v12, v5;
	v5 =	vand.u32 $0x7F, v18;
	v18 =	vadd.s32 v7, v3;
	v3 =	vld [tilespmem:$0x1F680];
	_ =	sdelay $0x5  }
0x48a: {  	v61 =	vor.u32 v2, v19;
	v6 =	vadd.s32 v7, v6  }
0x48b: {  	v2 =	vor.u32 v48, v56;
	v28 =	vor.u32 v5, v6;
	v5 =	vor.u32 v17, v19;
	[tilespmem:$0x1F670] =	vst v7  }
0x48c: {  	v6 =	vshll.u32 v15, $0x7;
	v3 =	vld.idx.msk [tilespmem:v3+s3+$0x0], $0xffff;
	[tilespmem:$0x1F690] =	vst v5  }
0x48d: {  	v11 =	vor.u32 v47, v6;
	[tilespmem:$0x1F6A0] =	vst v58  }
0x48e: {  	v21 =	vor.u32 v49, v37;
	v5 =	vor.u32 v46, v6;
	[tilespmem:$0x1F6C0] =	vst v11  }
0x48f: {  	[tilespmem:$0x1F6B0] =	vst v5  }
0x490: {  	[tilespmem:v2+s14+$0x0] =	vst.idx.msk $0xffff, v10;
	v2 =	vor.u32 v48, v6  }
0x491: {  	v7 =	vadd.s32 v58, v17;
	[tilespmem:$0x1F6D0] =	vst v2  }
0x492: {  	v30 =	vshll.u32 v17, $0x7;
	v2 =	vand.u32 $0xFFFFFF80, v7;
	[tilespmem:$0x1F6E0] =	vst v43  }
0x493: {  	v54 =	vadd.s32 v43, v2;
	v2 =	vor.u32 v51, v30;
	[tilespmem:v21+s14+$0x0] =	vst.idx.msk $0xffff, v3  }
0x494: {  	[tilespmem:$0x1F6F0] =	vst v2;
	v2 =	vor.u32 v50, v30  }
0x495: {  	[tilespmem:$0x1F700] =	vst v2;
	v2 =	vor.u32 v46, v30  }
0x496: {  	[tilespmem:$0x1F710] =	vst v2;
	v2 =	vor.u32 v47, v30  }
0x497: {  	s31 =	simm.s32 $0x4;
	[tilespmem:$0x1F720] =	vst v2  }
0x498: {  	v2 =	vadd.s32 s31, v45;
	v35 =	vld.idx.msk [tilespmem:v39+s3+$0x0], $0xffff  }
0x499: {  	v16 =	vld.idx.msk [tilespmem:v34+s3+$0x0], $0xffff;
	v62 =	vand.u32 $0x3F, v2;
	v2 =	vor.u32 v47, v22  }
0x49a: {  	v9 =	vor.u32 v50, v37;
	v1 =	vor.u32 v51, v37;
	v37 =	vld.idx.msk [tilespmem:v36+s3+$0x0], $0xffff;
	[tilespmem:$0x1F730] =	vst v2  }
0x49b: {  	v2 =	vor.u32 v48, v29;
	v36 =	vld.idx.msk [tilespmem:v32+s3+$0x0], $0xffff  }
0x49c: {  	[tilespmem:$0x1F740] =	vst v2;
	v2 =	vld [tilespmem:$0x1F750];
	_ =	sdelay $0x1  }
0x49d: {  	v41 =	vor.u32 v49, v56;
	v52 =	vor.u32 v48, v22  }
0x49e: {  	v31 =	vor.u32 v49, v30;
	v33 =	vand.u32 $0x7F, v24;
	v55 =	vor.u32 v51, v22  }
0x49f: {  	v12 =	vor.u32 v45, v6;
	v60 =	vor.u32 v51, v6;
	v23 =	vor.u32 v50, v6  }
0x4a0: {  	v25 =	vor.u32 v15, v19;
	v24 =	vor.u32 v8, v30;
	v17 =	vor.u32 v8, v22  }
0x4a1: {  	v11 =	vor.u32 v49, v6;
	v58 =	vand.u32 $0x7F, v7;
	v5 =	vor.u32 v8, v6  }
0x4a2: {  	v8 =	vor.u32 v51, v29;
	v10 =	vor.u32 v48, v30;
	v6 =	vor.u32 v50, v22  }
0x4a3: {  	v7 =	vor.u32 v45, v30;
	v43 =	vor.u32 v49, v22;
	v21 =	vld.idx.msk [tilespmem:v2+s3+$0x0], $0xffff;
	v2 =	vor.u32 v49, v29  }
0x4a4: {  	s26 =	simm.s32 $0x8;
	v30 =	vor.u32 v14, v19;
	v19 =	vor.u32 v46, v22;
	v14 =	vor.u32 v47, v29;
	[tilespmem:$0x1F760] =	vst v2  }
.LBB2_7:
0x4a5: {  	[tilespmem:$0x1F3E0] =	vst v52;
	v52 =	vld [tilespmem:$0x1F5F0]  }
0x4a6: {  	[tilespmem:v12+s14+$0x0] =	vst.idx.msk $0xffff, v37  }
0x4a7: {  	s28 =	sadd.s32 $0x1, s26;
	v34 =	vmov v11;
	v11 =	vmov v10;
	v10 =	vmov v26;
	[tilespmem:v57+s14+$0x0] =	vst.idx.msk $0xffff, v36;
	v57 =	vld [tilespmem:$0x1F600]  }
0x4a8: {  	s29 =	sadd.s32 $0x2, s26;
	v22 =	vld [tilespmem:$0x1F4B0];
	[tilespmem:$0x1F4B0] =	vst v10;
	v10 =	vadd.s32 s28, v45  }
0x4a9: {  	v2 =	vmov v27;
	[tilespmem:$0x1F450] =	vst v11;
	v11 =	vadd.s32 s29, v45;
	v27 =	vand.u32 $0x3F, v10  }
0x4aa: {  	[tilespmem:v14+s14+$0x0] =	vst.idx.msk $0xffff, v16;
	v16 =	vand.u32 $0x3F, v11;
	v10 =	vadd.s32 v52, v27  }
0x4ab: {  	[tilespmem:v17+s14+$0x0] =	vst.idx.msk $0xffff, v35;
	v17 =	vadd.s32 v52, v16;
	v11 =	vand.u32 $0xFFFFFF80, v10  }
0x4ac: {  	[tilespmem:v9+s14+$0x0] =	vst.idx.msk $0xffff, v21;
	v9 =	vadd.s32 v57, v11;
	v11 =	vand.u32 $0xFFFFFF80, v17  }
0x4ad: {  	v21 =	vand.u32 $0x7F, v10;
	v10 =	vadd.s32 v57, v11  }
0x4ae: {  	[tilespmem:$0x1F3C0] =	vst v10;
	v10 =	vld [tilespmem:$0x1F4D0];
	_ =	sdelay $0x6  }
0x4af: {  	v14 =	vld.idx.msk [tilespmem:v59+s3+$0x0], $0xffff  }
0x4b0: {  	v59 =	vld.idx.msk [tilespmem:v10+s3+$0x0], $0xffff;
	v10 =	vmov v31  }
0x4b1: {  	[tilespmem:$0x1F420] =	vst v10;
	v10 =	vld [tilespmem:$0x1F740];
	_ =	sdelay $0x5  }
0x4b2: {  	[tilespmem:$0x1F380] =	vst v53  }
0x4b3: {  	[tilespmem:$0x1F480] =	vst v44;
	v26 =	vor.u32 v50, v29;
	v29 =	vshll.u32 v62, $0x7  }
0x4b4: {  	v22 =	vld.idx.msk [tilespmem:v22+s3+$0x0], $0xffff;
	v11 =	vor.u32 v48, v29;
	[tilespmem:v10+s14+$0x0] =	vst.idx.msk $0xffff, v14  }
0x4b5: {  	[tilespmem:$0x1F460] =	vst v2;
	v2 =	vor.u32 v46, v29;
	v44 =	vld.idx.msk [tilespmem:v4+s3+$0x0], $0xffff;
	v4 =	vmov v11  }
0x4b6: {  	v10 =	vmov v25;
	[tilespmem:$0x1F740] =	vst v4;
	v4 =	vld [tilespmem:$0x1F640]  }
0x4b7: {  	[tilespmem:$0x1F410] =	vst v10;
	v10 =	vld [tilespmem:$0x1F4C0]  }
0x4b8: {  	[tilespmem:$0x1F400] =	vst v2;
	v2 =	vmov v23  }
0x4b9: {  	v53 =	vld [tilespmem:$0x1F5B0];
	[tilespmem:$0x1F3A0] =	vst v2;
	v2 =	vand.u32 $0x7F, v17;
	_ =	sdelay $0x1  }
0x4ba: {  	[tilespmem:$0x1F3D0] =	vst v2  }
0x4bb: {  	s25 =	smov.u32 s26;
	v2 =	vmov v60;
	v60 =	vld [tilespmem:$0x1F540];
	[tilespmem:v41+s14+$0x0] =	vst.idx.msk $0xffff, v22  }
0x4bc: {  	s31 =	sadd.s32 $0x3, s25;
	v37 =	vld.idx.msk [tilespmem:v20+s3+$0x0], $0xffff  }
0x4bd: {  	v20 =	vadd.s32 v53, v27;
	v14 =	vadd.s32 s31, v45;
	v45 =	vld.idx.msk [tilespmem:v4+s3+$0x0], $0xffff;
	v4 =	vmov v30  }
0x4be: {  	v31 =	vor.u32 v21, v9;
	v21 =	vand.u32 $0x3F, v14;
	v48 =	vld.idx.msk [tilespmem:v10+s3+$0x0], $0xffff;
	[tilespmem:$0x1F640] =	vst v4;
	v4 =	vand.u32 $0x7F, v20  }
0x4bf: {  	v10 =	vld [tilespmem:$0x1F4A0];
	[tilespmem:$0x1F390] =	vst v4;
	v4 =	vadd.s32 v52, v21  }
0x4c0: {  	[tilespmem:$0x1F470] =	vst v43;
	v43 =	vor.u32 v49, v29;
	v11 =	vand.u32 $0xFFFFFF80, v4  }
0x4c1: {  	[tilespmem:$0x1F370] =	vst v55;
	v55 =	vld [tilespmem:$0x1F650];
	v23 =	vadd.s32 v60, v62;
	v4 =	vand.u32 $0x7F, v4;
	v11 =	vadd.s32 v57, v11  }
0x4c2: {  	v41 =	vand.u32 $0xFFFFFF80, v23;
	v49 =	vor.u32 v4, v11;
	v4 =	vand.u32 $0x7F, v23;
	v23 =	vld [tilespmem:$0x1F760];
	_ =	sdelay $0x1  }
0x4c3: {  	v56 =	vld [tilespmem:$0x1F630]  }
0x4c4: {  	[tilespmem:$0x1F3B0] =	vst v40;
	v14 =	vor.u32 v47, v29;
	v47 =	vld.idx.msk [tilespmem:v61+s3+$0x0], $0xffff  }
0x4c5: {  	v15 =	vadd.s32 v55, v62;
	[tilespmem:v5+s14+$0x0] =	vst.idx.msk $0xffff, v59;
	v5 =	vld [tilespmem:$0x1F690]  }
0x4c6: {  	v39 =	vand.u32 $0xFFFFFF80, v15;
	v40 =	vand.u32 $0x7F, v15;
	v15 =	vshll.u32 v27, $0x7;
	v30 =	vmovc v58;
	v58 =	vld [tilespmem:$0x1F6A0];
	[tilespmem:v10+s14+$0x0] =	vst.idx.msk $0xffff, v37  }
0x4c7: {  	[tilespmem:$0x1F3F0] =	vst v42;
	v42 =	vor.u32 v50, v15;
	v50 =	vld.idx.msk [tilespmem:v63+s3+$0x0], $0xffff  }
0x4c8: {  	v38 =	vadd.s32 v52, v62;
	v17 =	vadd.s32 v53, v16;
	v63 =	vld [tilespmem:$0x1F5E0]  }
0x4c9: {  	v52 =	vand.u32 $0x7F, v17;
	[tilespmem:v23+s14+$0x0] =	vst.idx.msk $0xffff, v44;
	v44 =	vand.u32 $0xFFFFFF80, v17;
	v17 =	vor.u32 v33, v18;
	v18 =	vld [tilespmem:$0x1F5D0];
	_ =	sdelay $0x2  }
0x4ca: {  	v10 =	vmov v5;
	v5 =	vadd.s32 v58, v21  }
0x4cb: {  	[tilespmem:v1+s14+$0x0] =	vst.idx.msk $0xffff, v45;
	v45 =	vand.u32 $0xFFFFFF80, v5;
	v1 =	vadd.s32 v63, v44;
	v44 =	vand.u32 $0x7F, v5;
	v5 =	vld [tilespmem:$0x1FF90]  }
0x4cc: {  	v12 =	vor.u32 v27, v56  }
0x4cd: {  	v35 =	vor.u32 v51, v15;
	v46 =	vadd.s32 v53, v21;
	v51 =	vld.idx.msk [tilespmem:v0+s3+$0x0], $0xffff;
	v0 =	vmov v12  }
0x4ce: {  	v61 =	vand.u32 $0xFFFFFF80, v46;
	[tilespmem:$0x1F690] =	vst v0  }
0x4cf: {  	v0 =	vshll.u32 v16, $0x7;
	[tilespmem:v18+s14+$0x0] =	vst.idx.msk $0xffff, v47;
	v47 =	vor.u32 v52, v1;
	v1 =	vadd.s32 v63, v61;
	v61 =	vld [tilespmem:$0x1F670]  }
0x4d0: {  	[tilespmem:$0x1F4D0] =	vst v47;
	v47 =	vor.u32 v5, v0;
	v5 =	vmov v43  }
0x4d1: {  	[tilespmem:$0x1F760] =	vst v5;
	v5 =	vld [tilespmem:$0x1F660];
	_ =	sdelay $0x1  }
0x4d2: {  	[tilespmem:v7+s14+$0x0] =	vst.idx.msk $0xffff, v48  }
0x4d3: {  	v18 =	vadd.s32 v53, v62;
	v53 =	vld.idx.msk [tilespmem:v13+s3+$0x0], $0xffff;
	v33 =	vadd.s32 v61, v39  }
0x4d4: {  	v13 =	vor.u32 v40, v33;
	v40 =	vld [tilespmem:$0x1F490]  }
0x4d5: {  	v43 =	vand.u32 $0x7F, v46;
	v46 =	vld [tilespmem:$0x1F6B0]  }
0x4d6: {  	v39 =	vld.idx.msk [tilespmem:v28+s3+$0x0], $0xffff  }
0x4d7: {  	[tilespmem:v26+s14+$0x0] =	vst.idx.msk $0xffff, v51;
	v28 =	vld [tilespmem:$0x1F700]  }
0x4d8: {  	[tilespmem:$0x1F430] =	vst v34;
	v34 =	vand.u32 $0x7F, v38;
	v38 =	vand.u32 $0xFFFFFF80, v38;
	v37 =	vor.u32 v62, v56;
	v26 =	vld.idx.msk [tilespmem:v5+s3+$0x0], $0xffff  }
0x4d9: {  	v7 =	vmov v42;
	v5 =	vmov v37;
	v37 =	vadd.s32 v57, v38;
	v57 =	vld [tilespmem:$0x1F6E0]  }
0x4da: {  	v36 =	vmov v54;
	v54 =	vlaneseq.u32;
	[tilespmem:$0x1F700] =	vst v7;
	v7 =	vadd.s32 v55, v27  }
0x4db: {  	v59 =	vor.u32 v54, v15;
	v22 =	vshll.u32 v21, $0x7;
	v51 =	vand.u32 $0xFFFFFF80, v7  }
0x4dc: {  	v42 =	vor.u32 v54, v22;
	v52 =	vand.u32 $0x7F, v18;
	v18 =	vand.u32 $0xFFFFFF80, v18;
	[tilespmem:v40+s14+$0x0] =	vst.idx.msk $0xffff, v50;
	v50 =	vld [tilespmem:$0x1F6F0]  }
0x4dd: {  	v3 =	vld [tilespmem:$0x1F570];
	v33 =	vadd.s32 v61, v51;
	v12 =	vmov v28;
	v38 =	vor.u32 v54, v29;
	[tilespmem:v46+s14+$0x0] =	vst.idx.msk $0xffff, v39  }
0x4de: {  	v51 =	vmov v35;
	[tilespmem:$0x1F4A0] =	vst v12;
	v12 =	vor.u32 v54, v0;
	v54 =	vadd.s32 v57, v45;
	v45 =	vld.idx.msk [tilespmem:v17+s3+$0x0], $0xffff  }
0x4df: {  	[tilespmem:$0x1F6F0] =	vst v51;
	v51 =	vadd.s32 v63, v18;
	v18 =	vmov v47;
	v17 =	vld [tilespmem:$0x1F530]  }
0x4e0: {  	[tilespmem:$0x1F6B0] =	vst v18;
	v18 =	vld [tilespmem:$0x1FFA0]  }
0x4e1: {  	v7 =	vand.u32 $0x7F, v7;
	[tilespmem:v8+s14+$0x0] =	vst.idx.msk $0xffff, v26;
	v26 =	vor.u32 v52, v51;
	v51 =	vld [tilespmem:$0x1F4E0];
	v46 =	vmov v50  }
0x4e2: {  	v9 =	vadd.s32 v60, v27;
	v35 =	vadd.s32 v60, v21;
	v39 =	vor.u32 v7, v33;
	v52 =	vld [tilespmem:$0x1F4F0];
	[tilespmem:$0x1F490] =	vst v46  }
0x4e3: {  	v46 =	vld.idx.msk [tilespmem:v49+s3+$0x0], $0xffff;
	[tilespmem:v19+s14+$0x0] =	vst.idx.msk $0xffff, v45;
	v19 =	vadd.s32 v60, v16;
	v60 =	vmov v39  }
0x4e4: {  	[tilespmem:$0x1F4E0] =	vst v60;
	v60 =	vld [tilespmem:$0x1F6C0]  }
0x4e5: {  	v37 =	vor.u32 v34, v37;
	v34 =	vor.u32 v44, v54;
	v54 =	vld [tilespmem:$0x1F560];
	_ =	sdelay $0x1  }
0x4e6: {  	v50 =	vld.idx.msk [tilespmem:v17+s3+$0x0], $0xffff  }
0x4e7: {  	v32 =	vadd.s32 v3, v62  }
0x4e8: {  	v49 =	vand.u32 $0xFFFFFF80, v35;
	v35 =	vand.u32 $0x7F, v35;
	v18 =	vor.u32 v18, v0  }
0x4e9: {  	v8 =	vadd.s32 v54, v49;
	v49 =	vand.u32 $0xFFFFFF80, v9;
	v9 =	vand.u32 $0x7F, v9  }
0x4ea: {  	v8 =	vor.u32 v35, v8;
	v35 =	vadd.s32 v3, v21;
	v45 =	vld.idx.msk [tilespmem:v52+s3+$0x0], $0xffff;
	v52 =	vadd.s32 v54, v49  }
0x4eb: {  	[tilespmem:v60+s14+$0x0] =	vst.idx.msk $0xffff, v50;
	v60 =	vmovc v2;
	v2 =	vmov v18;
	v18 =	vmov v8;
	v8 =	vor.u32 v9, v52  }
0x4ec: {  	v9 =	vmov v6;
	v6 =	vadd.s32 v3, v16;
	[tilespmem:$0x1F4F0] =	vst v18;
	v18 =	vadd.s32 v3, v27;
	v3 =	vld [tilespmem:$0x1F710];
	_ =	sdelay $0x1  }
0x4ed: {  	[tilespmem:v24+s14+$0x0] =	vst.idx.msk $0xffff, v53  }
0x4ee: {  	v47 =	vld.idx.msk [tilespmem:v51+s3+$0x0], $0xffff;
	_ =	sdelay $0x4  }
0x4ef: {  	v39 =	vand.u32 $0x7F, v19;
	v19 =	vand.u32 $0xFFFFFF80, v19;
	[tilespmem:v3+s14+$0x0] =	vst.idx.msk $0xffff, v47;
	v3 =	vld [tilespmem:$0x1F520]  }
0x4f0: {  	[tilespmem:$0x1F440] =	vst v10;
	v10 =	vld [tilespmem:$0x1F610];
	v19 =	vadd.s32 v54, v19  }
0x4f1: {  	v52 =	vor.u32 v39, v19  }
0x4f2: {  	[tilespmem:$0x1F530] =	vst v52;
	v52 =	vld [tilespmem:$0x1F620]  }
0x4f3: {  	v19 =	vor.u32 v43, v1;
	v1 =	vld [tilespmem:$0x1F5A0];
	_ =	sdelay $0x1  }
0x4f4: {  	v23 =	vadd.s32 v10, v62  }
0x4f5: {  	v24 =	vld [tilespmem:$0x1FFB0];
	v41 =	vadd.s32 v54, v41;
	[tilespmem:v42+s14+$0x0] =	vst.idx.msk $0xffff, v46;
	v42 =	vand.u32 $0xFFFFFF80, v23  }
0x4f6: {  	v41 =	vor.u32 v4, v41;
	v4 =	vadd.s32 v52, v42;
	v42 =	vld.idx.msk [tilespmem:v3+s3+$0x0], $0xffff;
	v3 =	vmov v8  }
0x4f7: {  	[tilespmem:$0x1F520] =	vst v3;
	v3 =	vld [tilespmem:$0x1F6D0]  }
0x4f8: {  	[tilespmem:$0x1F6C0] =	vst v2;
	v2 =	vld [tilespmem:$0x1F370]  }
0x4f9: {  	v53 =	vld [tilespmem:$0x1F580]  }
0x4fa: {  	v39 =	vld.idx.msk [tilespmem:v1+s3+$0x0], $0xffff;
	_ =	sdelay $0x2  }
0x4fb: {  	v24 =	vor.u32 v24, v0;
	v43 =	vand.u32 $0xFFFFFF80, v6;
	v1 =	vmovc v2;
	v2 =	vand.u32 $0xFFFFFF80, v18  }
0x4fc: {  	v6 =	vand.u32 $0x7F, v6;
	v2 =	vadd.s32 v53, v2;
	v8 =	vand.u32 $0x7F, v18  }
0x4fd: {  	v2 =	vor.u32 v8, v2;
	v8 =	vadd.s32 v53, v43;
	[tilespmem:v3+s14+$0x0] =	vst.idx.msk $0xffff, v39;
	v3 =	vmov v24  }
0x4fe: {  	[tilespmem:$0x1F6D0] =	vst v3;
	v3 =	vor.u32 v6, v8  }
0x4ff: {  	[tilespmem:$0x1F5A0] =	vst v3;
	v3 =	vld [tilespmem:$0x1F730];
	_ =	sdelay $0x3  }
0x500: {  	v31 =	vmov v31  }
0x501: {  	[tilespmem:$0x1F4C0] =	vst v31;
	v31 =	vadd.s32 v55, v21;
	v28 =	vadd.s32 v55, v16;
	v55 =	vld [tilespmem:$0x1FFF0]  }
0x502: {  	v11 =	vadd.s32 v10, v21;
	v7 =	vld [tilespmem:$0x1FFE0];
	v23 =	vand.u32 $0x7F, v23  }
0x503: {  	v37 =	vld.idx.msk [tilespmem:v37+s3+$0x0], $0xffff;
	v4 =	vor.u32 v23, v4;
	v23 =	vand.u32 $0xFFFFFF80, v11  }
0x504: {  	v6 =	vand.u32 $0x7F, v11;
	v8 =	vadd.s32 v58, v62;
	[tilespmem:v3+s14+$0x0] =	vst.idx.msk $0xffff, v45;
	v3 =	vadd.s32 v52, v23;
	v23 =	vld [tilespmem:$0x1F500]  }
0x505: {  	v24 =	vand.u32 $0x7F, v8;
	v6 =	vor.u32 v6, v3;
	v3 =	vand.u32 $0xFFFFFF80, v8;
	v8 =	vld [tilespmem:$0x1F380];
	_ =	sdelay $0x1  }
0x506: {  	v46 =	vld [tilespmem:$0x1FF90]  }
0x507: {  	[tilespmem:$0x1F660] =	vst v5;
	v5 =	vor.u32 v55, v0;
	v40 =	vor.u32 v7, v0;
	v7 =	vmovc v59;
	v59 =	vand.u32 $0xFFFFFF80, v32;
	v49 =	vld [tilespmem:$0x1FFC0]  }
0x508: {  	v32 =	vand.u32 $0x7F, v32;
	v44 =	vadd.s32 v53, v59;
	v51 =	vand.u32 $0xFFFFFF80, v35;
	v50 =	vld [tilespmem:$0x1FFD0]  }
0x509: {  	v59 =	vor.u32 v32, v44;
	[tilespmem:v38+s14+$0x0] =	vst.idx.msk $0xffff, v37;
	v35 =	vand.u32 $0x7F, v35;
	v44 =	vadd.s32 v53, v51  }
0x50a: {  	v37 =	vadd.s32 v58, v27;
	v26 =	vld.idx.msk [tilespmem:v26+s3+$0x0], $0xffff;
	v54 =	vor.u32 v55, v29;
	v35 =	vor.u32 v35, v44  }
0x50b: {  	[tilespmem:$0x1F5D0] =	vst v60;
	v60 =	vmov v40;
	v40 =	vor.u32 v46, v15;
	v39 =	vld.idx.msk [tilespmem:v23+s3+$0x0], $0xffff;
	v23 =	vmov v35  }
0x50c: {  	v27 =	vadd.s32 v10, v27;
	v11 =	vor.u32 v49, v0;
	[tilespmem:$0x1F500] =	vst v23;
	v44 =	vld.idx.msk [tilespmem:v8+s3+$0x0], $0xffff;
	v8 =	vmov v40  }
0x50d: {  	v3 =	vadd.s32 v57, v3;
	v23 =	vor.u32 v50, v0;
	[tilespmem:$0x1F710] =	vst v8;
	v8 =	vand.u32 $0xFFFFFF80, v20  }
0x50e: {  	v0 =	vor.u32 v24, v3;
	v3 =	vadd.s32 v63, v8;
	v8 =	vadd.s32 v10, v16;
	v10 =	vld [tilespmem:$0x1F390];
	_ =	sdelay $0x2  }
0x50f: {  	[tilespmem:v54+s14+$0x0] =	vst.idx.msk $0xffff, v26  }
0x510: {  	v24 =	vld.idx.msk [tilespmem:v13+s3+$0x0], $0xffff  }
0x511: {  	v13 =	vor.u32 v10, v3;
	v10 =	vld [tilespmem:$0x1F720];
	_ =	sdelay $0x4  }
0x512: {  	v3 =	vand.u32 $0xFFFFFF80, v8  }
0x513: {  	v8 =	vand.u32 $0x7F, v8;
	v3 =	vadd.s32 v52, v3  }
0x514: {  	v53 =	vor.u32 v8, v3;
	v3 =	vld [tilespmem:$0x1F3E0]  }
0x515: {  	[tilespmem:v10+s14+$0x0] =	vst.idx.msk $0xffff, v42;
	v10 =	vld [tilespmem:$0x1F3B0];
	_ =	sdelay $0x3  }
0x516: {  	v47 =	vld [tilespmem:$0x1FFA0];
	_ =	sdelay $0x1  }
0x517: {  	v35 =	vld.idx.msk [tilespmem:v19+s3+$0x0], $0xffff;
	v19 =	vand.u32 $0xFFFFFF80, v37  }
0x518: {  	v54 =	vadd.s32 v57, v19;
	v40 =	vmovc v2;
	v2 =	vand.u32 $0xFFFFFF80, v27;
	v19 =	vld [tilespmem:$0x1F3D0];
	v20 =	vor.u32 v30, v36  }
0x519: {  	v2 =	vadd.s32 v52, v2;
	[tilespmem:v3+s14+$0x0] =	vst.idx.msk $0xffff, v39;
	v3 =	vand.u32 $0x7F, v27;
	v30 =	vld.idx.msk [tilespmem:v10+s3+$0x0], $0xffff  }
0x51a: {  	v26 =	vor.u32 v3, v2;
	v2 =	vor.u32 v47, v22;
	v10 =	vld [tilespmem:$0x1F3C0]  }
0x51b: {  	[tilespmem:$0x1F730] =	vst v2;
	v2 =	vand.u32 $0xFFFFFF80, v28  }
0x51c: {  	v33 =	vand.u32 $0x7F, v28;
	v2 =	vadd.s32 v61, v2  }
0x51d: {  	v28 =	vor.u32 v33, v2;
	v2 =	vld [tilespmem:$0x1F430];
	_ =	sdelay $0x1  }
0x51e: {  	v36 =	vor.u32 v19, v10;
	_ =	sdelay $0x4  }
0x51f: {  	v25 =	vadd.s32 v58, v16;
	v58 =	vand.u32 $0x7F, v37;
	v37 =	vld.idx.msk [tilespmem:v36+s3+$0x0], $0xffff  }
0x520: {  	[tilespmem:v2+s14+$0x0] =	vst.idx.msk $0xffff, v44;
	v2 =	vld [tilespmem:$0x1F450];
	_ =	sdelay $0x7  }
0x521: {  	[tilespmem:v2+s14+$0x0] =	vst.idx.msk $0xffff, v30;
	v2 =	vld [tilespmem:$0x1F460];
	_ =	sdelay $0x3  }
0x522: {  	v8 =	vld [tilespmem:$0x1F3F0];
	_ =	sdelay $0x3  }
0x523: {  	v36 =	vld.idx.msk [tilespmem:v2+s3+$0x0], $0xffff  }
0x524: {  	v2 =	vld [tilespmem:$0x1F470];
	_ =	sdelay $0x2  }
0x525: {  	v38 =	vld.idx.msk [tilespmem:v8+s3+$0x0], $0xffff;
	_ =	sdelay $0x1  }
0x526: {  	v48 =	vand.u32 $0xFFFFFF80, v31;
	v3 =	vld [tilespmem:$0x1F400]  }
0x527: {  	v18 =	vadd.s32 v61, v48;
	v48 =	vld [tilespmem:$0x1FFB0]  }
0x528: {  	v51 =	vld [tilespmem:$0x1FFE0]  }
0x529: {  	[tilespmem:v2+s14+$0x0] =	vst.idx.msk $0xffff, v38;
	v2 =	vld [tilespmem:$0x1F480]  }
0x52a: {  	v32 =	vand.u32 $0xFFFFFF80, v25;
	v25 =	vand.u32 $0x7F, v25  }
0x52b: {  	v32 =	vadd.s32 v57, v32;
	v17 =	vor.u32 v55, v22;
	v45 =	vlaneseq.u32  }
0x52c: {  	p1 =	slt.u32 s26, $0x3C;
	v43 =	vor.u32 v49, v22;
	v62 =	vor.u32 v48, v22;
	v57 =	vld [tilespmem:$0x1F3A0];
	v42 =	vmovc v6;
	v6 =	vadd.s32 s25, v45  }
.Ltmp2:
0x52d: {  	v63 =	vld [tilespmem:$0x1F440];
	v52 =	vmovc v62;
	v62 =	vand.u32 $0x3F, v6;
	v6 =	vor.u32 v50, v22;
	v27 =	vor.u32 v25, v32;
	(pc) =	sbr.rel @p1 .LBB2_7-.Ltmp2, $4  }
0x52e: {  	v25 =	vor.u32 v16, v56;
	v8 =	vor.u32 v51, v29;
	v61 =	vld [tilespmem:$0x1F410];
	[tilespmem:v3+s14+$0x0] =	vst.idx.msk $0xffff, v24  }
0x52f: {  	v33 =	vand.u32 $0x7F, v31;
	v31 =	vor.u32 v49, v15;
	v3 =	vor.u32 v47, v15;
	v16 =	vld.idx.msk [tilespmem:v41+s3+$0x0], $0xffff  }
0x530: {  	s23 =	sadd.s32 $0x4, s26;
	v24 =	vor.u32 v55, v15;
	v55 =	vor.u32 v51, v22;
	v41 =	vld [tilespmem:$0x1F420];
	v10 =	vor.u32 v48, v15  }
0x531: {  	s26 =	smov.u32 s23;
	[tilespmem:$0x1F720] =	vst v3;
	v19 =	vor.u32 v46, v22;
	v44 =	vmov v34;
	v30 =	vor.u32 v21, v56;
	v21 =	vld.idx.msk [tilespmem:v2+s3+$0x0], $0xffff  }
0x532: {  	v3 =	vld [tilespmem:$0x1F4C0]  }
0x533: {  	v15 =	vld [tilespmem:$0x1F5F0];
	_ =	sdelay $0x1  }
0x534: {  	v32 =	vld [tilespmem:$0x1F600];
	_ =	sdelay $0x2  }
0x535: {  	v15 =	vadd.s32 v15, v62  }
0x536: {  	v22 =	vand.u32 $0xFFFFFF80, v15  }
0x537: {  	v22 =	vadd.s32 v32, v22;
	v32 =	vld.idx.msk [tilespmem:v3+s3+$0x0], $0xffff  }
0x538: {  	v39 =	vld [tilespmem:$0x1F5E0];
	v15 =	vand.u32 $0x7F, v15  }
0x539: {  	v15 =	vor.u32 v15, v22;
	v22 =	vld [tilespmem:$0x1F5B0];
	[tilespmem:v14+s14+$0x0] =	vst.idx.msk $0xffff, v16  }
0x53a: {  	[tilespmem:v17+s14+$0x0] =	vst.idx.msk $0xffff, v35  }
0x53b: {  	[tilespmem:v12+s14+$0x0] =	vst.idx.msk $0xffff, v37  }
0x53c: {  	[tilespmem:v7+s14+$0x0] =	vst.idx.msk $0xffff, v32  }
0x53d: {  	v3 =	vld [tilespmem:$0x1F650];
	_ =	sdelay $0x3  }
0x53e: {  	v34 =	vshll.u32 v62, $0x7;
	v15 =	vld.idx.msk [tilespmem:v15+s3+$0x0], $0xffff  }
0x53f: {  	v56 =	vor.u32 v45, v34;
	v12 =	vadd.s32 v3, v62;
	v3 =	vld [tilespmem:$0x1F4D0];
	_ =	sdelay $0x4  }
0x540: {  	[tilespmem:v56+s14+$0x0] =	vst.idx.msk $0xffff, v15  }
0x541: {  	v22 =	vadd.s32 v22, v62;
	v17 =	vld [tilespmem:$0x1F670]  }
0x542: {  	v7 =	vor.u32 v33, v18;
	v38 =	vand.u32 $0xFFFFFF80, v22;
	v33 =	vld [tilespmem:$0x1FFF0];
	[tilespmem:v57+s14+$0x0] =	vst.idx.msk $0xffff, v36  }
0x543: {  	v22 =	vand.u32 $0x7F, v22;
	v38 =	vadd.s32 v39, v38;
	[tilespmem:v9+s14+$0x0] =	vst.idx.msk $0xffff, v21;
	v16 =	vld.idx.msk [tilespmem:v3+s3+$0x0], $0xffff  }
0x544: {  	v14 =	vor.u32 v22, v38;
	v3 =	vld [tilespmem:$0x1F4B0];
	_ =	sdelay $0x3  }
0x545: {  	v13 =	vld.idx.msk [tilespmem:v13+s3+$0x0], $0xffff;
	v15 =	vand.u32 $0xFFFFFF80, v12  }
0x546: {  	v14 =	vld.idx.msk [tilespmem:v14+s3+$0x0], $0xffff;
	v15 =	vadd.s32 v17, v15;
	v17 =	vor.u32 v33, v34;
	_ =	sdelay $0x1  }
0x547: {  	[tilespmem:v5+s14+$0x0] =	vst.idx.msk $0xffff, v16;
	v5 =	vld.idx.msk [tilespmem:v7+s3+$0x0], $0xffff  }
0x548: {  	v9 =	vld.idx.msk [tilespmem:v3+s3+$0x0], $0xffff  }
0x549: {  	[tilespmem:v24+s14+$0x0] =	vst.idx.msk $0xffff, v13  }
0x54a: {  	v7 =	vld [tilespmem:$0x1F540];
	[tilespmem:v17+s14+$0x0] =	vst.idx.msk $0xffff, v14  }
0x54b: {  	v16 =	vld [tilespmem:$0x1F560]  }
0x54c: {  	v3 =	vld [tilespmem:$0x1F4E0];
	[tilespmem:v19+s14+$0x0] =	vst.idx.msk $0xffff, v5  }
0x54d: {  	[tilespmem:v41+s14+$0x0] =	vst.idx.msk $0xffff, v9  }
0x54e: {  	v2 =	vld [tilespmem:$0x1F6B0];
	_ =	sdelay $0x2  }
0x54f: {  	v13 =	vld.idx.msk [tilespmem:v28+s3+$0x0], $0xffff;
	_ =	sdelay $0x4  }
0x550: {  	v14 =	vld.idx.msk [tilespmem:v3+s3+$0x0], $0xffff;
	[tilespmem:v2+s14+$0x0] =	vst.idx.msk $0xffff, v13  }
0x551: {  	v3 =	vld [tilespmem:$0x1F4F0];
	_ =	sdelay $0x7  }
0x552: {  	v9 =	vld.idx.msk [tilespmem:v3+s3+$0x0], $0xffff  }
0x553: {  	v3 =	vld [tilespmem:$0x1F570];
	_ =	sdelay $0x2  }
0x554: {  	v12 =	vand.u32 $0x7F, v12  }
0x555: {  	v12 =	vor.u32 v12, v15;
	v2 =	vld [tilespmem:$0x1F710]  }
0x556: {  	v13 =	vadd.s32 v3, v62;
	v3 =	vld [tilespmem:$0x1F530];
	_ =	sdelay $0x1  }
0x557: {  	v7 =	vadd.s32 v7, v62  }
0x558: {  	v15 =	vand.u32 $0xFFFFFF80, v7  }
0x559: {  	v12 =	vld.idx.msk [tilespmem:v12+s3+$0x0], $0xffff;
	v15 =	vadd.s32 v16, v15;
	v16 =	vor.u32 v46, v34;
	_ =	sdelay $0x2  }
0x55a: {  	v7 =	vand.u32 $0x7F, v7  }
0x55b: {  	v7 =	vor.u32 v7, v15;
	[tilespmem:v2+s14+$0x0] =	vst.idx.msk $0xffff, v14;
	v15 =	vld.idx.msk [tilespmem:v3+s3+$0x0], $0xffff  }
0x55c: {  	v3 =	vld [tilespmem:$0x1F520];
	[tilespmem:v16+s14+$0x0] =	vst.idx.msk $0xffff, v12  }
0x55d: {  	v2 =	vld [tilespmem:$0x1F740];
	_ =	sdelay $0x2  }
0x55e: {  	v5 =	vld.idx.msk [tilespmem:v59+s3+$0x0], $0xffff;
	_ =	sdelay $0x4  }
0x55f: {  	v16 =	vld [tilespmem:$0x1F580];
	[tilespmem:v2+s14+$0x0] =	vst.idx.msk $0xffff, v5  }
0x560: {  	v2 =	vld [tilespmem:$0x1F730];
	_ =	sdelay $0x7  }
0x561: {  	[tilespmem:v2+s14+$0x0] =	vst.idx.msk $0xffff, v9  }
0x562: {  	v2 =	vld [tilespmem:$0x1F6C0];
	_ =	sdelay $0x7  }
0x563: {  	[tilespmem:v2+s14+$0x0] =	vst.idx.msk $0xffff, v15  }
0x564: {  	v2 =	vld [tilespmem:$0x1F5A0];
	_ =	sdelay $0x5  }
0x565: {  	v14 =	vand.u32 $0xFFFFFF80, v13  }
0x566: {  	v13 =	vand.u32 $0x7F, v13;
	v14 =	vadd.s32 v16, v14  }
0x567: {  	v5 =	vor.u32 v13, v14;
	v13 =	vld.idx.msk [tilespmem:v2+s3+$0x0], $0xffff  }
0x568: {  	v2 =	vld [tilespmem:$0x1F720];
	_ =	sdelay $0x1  }
0x569: {  	v12 =	vor.u32 v47, v34;
	v7 =	vld.idx.msk [tilespmem:v7+s3+$0x0], $0xffff  }
0x56a: {  	v17 =	vld.idx.msk [tilespmem:v3+s3+$0x0], $0xffff;
	_ =	sdelay $0x2  }
0x56b: {  	v3 =	vld [tilespmem:$0x1F500]  }
0x56c: {  	v9 =	vld [tilespmem:$0x1F610];
	[tilespmem:v12+s14+$0x0] =	vst.idx.msk $0xffff, v7  }
0x56d: {  	[tilespmem:v2+s14+$0x0] =	vst.idx.msk $0xffff, v17  }
0x56e: {  	v7 =	vld [tilespmem:$0x1F4A0];
	_ =	sdelay $0x2  }
0x56f: {  	v16 =	vld.idx.msk [tilespmem:v20+s3+$0x0], $0xffff;
	_ =	sdelay $0x4  }
0x570: {  	[tilespmem:v7+s14+$0x0] =	vst.idx.msk $0xffff, v16  }
0x571: {  	v2 =	vld [tilespmem:$0x1F760];
	_ =	sdelay $0x2  }
0x572: {  	v4 =	vld.idx.msk [tilespmem:v4+s3+$0x0], $0xffff;
	_ =	sdelay $0x3  }
0x573: {  	v9 =	vadd.s32 v9, v62  }
0x574: {  	v15 =	vand.u32 $0xFFFFFF80, v9;
	v7 =	vand.u32 $0x7F, v9;
	v9 =	vld [tilespmem:$0x1F620];
	[tilespmem:v2+s14+$0x0] =	vst.idx.msk $0xffff, v4  }
0x575: {  	v2 =	vld [tilespmem:$0x1F640];
	_ =	sdelay $0x2  }
0x576: {  	v3 =	vld.idx.msk [tilespmem:v3+s3+$0x0], $0xffff;
	_ =	sdelay $0x3  }
0x577: {  	v9 =	vadd.s32 v9, v15  }
0x578: {  	v4 =	vor.u32 v7, v9;
	[tilespmem:v52+s14+$0x0] =	vst.idx.msk $0xffff, v3;
	v7 =	vld.idx.msk [tilespmem:v2+s3+$0x0], $0xffff  }
0x579: {  	v2 =	vld [tilespmem:$0x1F6D0];
	_ =	sdelay $0x6  }
0x57a: {  	v17 =	vld.idx.msk [tilespmem:v40+s3+$0x0], $0xffff  }
0x57b: {  	v14 =	vor.u32 v48, v34;
	v5 =	vld.idx.msk [tilespmem:v5+s3+$0x0], $0xffff;
	[tilespmem:v2+s14+$0x0] =	vst.idx.msk $0xffff, v13  }
0x57c: {  	v9 =	vld [tilespmem:$0x1F6A0];
	_ =	sdelay $0x1  }
0x57d: {  	v3 =	vld.idx.msk [tilespmem:v42+s3+$0x0], $0xffff  }
0x57e: {  	v12 =	vld.idx.msk [tilespmem:v53+s3+$0x0], $0xffff;
	[tilespmem:v10+s14+$0x0] =	vst.idx.msk $0xffff, v17  }
0x57f: {  	[tilespmem:v14+s14+$0x0] =	vst.idx.msk $0xffff, v5;
	v15 =	vld.idx.msk [tilespmem:v26+s3+$0x0], $0xffff  }
0x580: {  	v10 =	vor.u32 v49, v34;
	v4 =	vld.idx.msk [tilespmem:v4+s3+$0x0], $0xffff;
	v9 =	vadd.s32 v9, v62  }
0x581: {  	v13 =	vand.u32 $0xFFFFFF80, v9;
	v5 =	vand.u32 $0x7F, v9;
	v9 =	vld [tilespmem:$0x1F6E0];
	[tilespmem:v1+s14+$0x0] =	vst.idx.msk $0xffff, v7  }
0x582: {  	[tilespmem:v43+s14+$0x0] =	vst.idx.msk $0xffff, v3  }
0x583: {  	[tilespmem:v11+s14+$0x0] =	vst.idx.msk $0xffff, v12  }
0x584: {  	[tilespmem:v31+s14+$0x0] =	vst.idx.msk $0xffff, v15  }
0x585: {  	[tilespmem:v10+s14+$0x0] =	vst.idx.msk $0xffff, v4  }
0x586: {  	v2 =	vld [tilespmem:$0x1F5D0];
	_ =	sdelay $0x2  }
0x587: {  	v14 =	vld.idx.msk [tilespmem:v61+s3+$0x0], $0xffff;
	v9 =	vadd.s32 v9, v13  }
0x588: {  	v0 =	vld.idx.msk [tilespmem:v0+s3+$0x0], $0xffff;
	v1 =	vor.u32 v5, v9;
	v5 =	vor.u32 v50, v29  }
0x589: {  	v3 =	vld.idx.msk [tilespmem:v44+s3+$0x0], $0xffff  }
0x58a: {  	v7 =	vld.idx.msk [tilespmem:v27+s3+$0x0], $0xffff;
	_ =	sdelay $0x1  }
0x58b: {  	[tilespmem:v2+s14+$0x0] =	vst.idx.msk $0xffff, v14  }
0x58c: {  	v10 =	vld [tilespmem:$0x1F630];
	[tilespmem:v5+s14+$0x0] =	vst.idx.msk $0xffff, v0  }
0x58d: {  	v13 =	vor.u32 v58, v54;
	v0 =	vld [tilespmem:$0x1F660];
	[tilespmem:v6+s14+$0x0] =	vst.idx.msk $0xffff, v3  }
0x58e: {  	[tilespmem:v23+s14+$0x0] =	vst.idx.msk $0xffff, v7  }
0x58f: {  	v2 =	vld [tilespmem:$0x1F700];
	_ =	sdelay $0x2  }
0x590: {  	v9 =	vld.idx.msk [tilespmem:v13+s3+$0x0], $0xffff  }
0x591: {  	v4 =	vor.u32 v50, v34;
	v1 =	vld.idx.msk [tilespmem:v1+s3+$0x0], $0xffff;
	_ =	sdelay $0x3  }
0x592: {  	[tilespmem:v2+s14+$0x0] =	vst.idx.msk $0xffff, v9  }
0x593: {  	v2 =	vld [tilespmem:$0x1F690];
	[tilespmem:v4+s14+$0x0] =	vst.idx.msk $0xffff, v1  }
0x594: {  	v1 =	vld [tilespmem:$0x1F490]  }
0x595: {  	v3 =	vld.idx.msk [tilespmem:v30+s3+$0x0], $0xffff  }
0x596: {  	v0 =	vld.idx.msk [tilespmem:v0+s3+$0x0], $0xffff  }
0x597: {  	v11 =	vld.idx.msk [tilespmem:v63+s3+$0x0], $0xffff  }
0x598: {  	v5 =	vld.idx.msk [tilespmem:v25+s3+$0x0], $0xffff;
	_ =	sdelay $0x1  }
0x599: {  	[tilespmem:v55+s14+$0x0] =	vst.idx.msk $0xffff, v3  }
0x59a: {  	v10 =	vor.u32 v62, v10;
	[tilespmem:v8+s14+$0x0] =	vst.idx.msk $0xffff, v0  }
0x59b: {  	v6 =	vld.idx.msk [tilespmem:v2+s3+$0x0], $0xffff;
	[tilespmem:v1+s14+$0x0] =	vst.idx.msk $0xffff, v11  }
0x59c: {  	v3 =	vld [tilespmem:$0x1FF80];
	[tilespmem:v60+s14+$0x0] =	vst.idx.msk $0xffff, v5  }
0x59d: {  	v2 =	vld [tilespmem:$0x1F6F0];
	_ =	sdelay $0x1  }
0x59e: {  	v4 =	vld.idx.msk [tilespmem:v10+s3+$0x0], $0xffff;
	v1 =	vor.u32 v51, v34;
	_ =	sdelay $0x1  }
0x59f: {  	s23 =	sor.u32 $0x3, s22  }
0x5a0: {  	s24 =	sshll.u32 s24, $0x12;
	v0 =	vadd.s32 s23, v3  }
0x5a1: {  	s24 =	sor.u32 s6, s24  }
0x5a2: {  	s24 =	sshrl.u32 s24, $0x3;
	[tilespmem:v1+s14+$0x0] =	vst.idx.msk $0xffff, v4  }
0x5a3: {  	s24 =	sadd.s32 s2, s24;
	[tilespmem:v2+s14+$0x0] =	vst.idx.msk $0xffff, v6  }
0x5a4: {  	[hbm4b:s24+s11] =	stream.strided.scatter [tilespmem:s14], [sflag:$0x3], $0x2000, s12, s11, $0x38;
	[tilespmem:$0x1E100] =	vst v63  }
0x5a5: {  	v0 =	vld.idx.msk [tilespmem:v0+s9+$0x0], $0xffff;
	_ =	sdelay $0x1  }
0x5a6: {  	s30 =	sadd.s32 $0xC83, s22  }
0x5a7: {  	v1 =	vadd.s32 s30, v3;
	_ =	sdelay $0x1  }
0x5a8: {  	v2 =	vshrl.u32 v0, $0x1;
	v0 =	vshll.u32 v0, $0x6  }
0x5a9: {  	[tilespmem:$0x1E000] =	vst v2;
	v0 =	vand.u32 $0x40, v0  }
0x5aa: {  	[tilespmem:$0x1E080] =	vst v0  }
0x5ab: {  	v0 =	vld.idx.msk [tilespmem:v1+s9+$0x0], $0xffff;
	_ =	sdelay $0x1  }
0x5ac: {  	s31 =	sor.u32 $0x1903, s22  }
0x5ad: {  	v1 =	vadd.s32 s31, v3;
	_ =	sdelay $0x1  }
0x5ae: {  	v2 =	vshrl.u32 v0, $0x1;
	v0 =	vshll.u32 v0, $0x6  }
0x5af: {  	[tilespmem:$0x1E010] =	vst v2;
	v0 =	vand.u32 $0x40, v0  }
0x5b0: {  	[tilespmem:$0x1E090] =	vst v0  }
0x5b1: {  	v0 =	vld.idx.msk [tilespmem:v1+s9+$0x0], $0xffff;
	_ =	sdelay $0x1  }
0x5b2: {  	s25 =	sadd.s32 $0x2583, s22  }
0x5b3: {  	v1 =	vadd.s32 s25, v3;
	_ =	sdelay $0x1  }
0x5b4: {  	v2 =	vshrl.u32 v0, $0x1;
	v0 =	vshll.u32 v0, $0x6  }
0x5b5: {  	[tilespmem:$0x1E020] =	vst v2;
	v0 =	vand.u32 $0x40, v0  }
0x5b6: {  	[tilespmem:$0x1E0A0] =	vst v0  }
0x5b7: {  	v0 =	vld.idx.msk [tilespmem:v1+s9+$0x0], $0xffff;
	_ =	sdelay $0x1  }
0x5b8: {  	s26 =	sor.u32 $0x3203, s22  }
0x5b9: {  	v1 =	vadd.s32 s26, v3;
	_ =	sdelay $0x1  }
0x5ba: {  	v2 =	vshrl.u32 v0, $0x1;
	v0 =	vshll.u32 v0, $0x6  }
0x5bb: {  	[tilespmem:$0x1E030] =	vst v2;
	v0 =	vand.u32 $0x40, v0  }
0x5bc: {  	[tilespmem:$0x1E0B0] =	vst v0  }
0x5bd: {  	v0 =	vld.idx.msk [tilespmem:v1+s9+$0x0], $0xffff;
	_ =	sdelay $0x1  }
0x5be: {  	s28 =	sadd.s32 $0x3E83, s22  }
0x5bf: {  	v1 =	vadd.s32 s28, v3;
	_ =	sdelay $0x1  }
0x5c0: {  	v2 =	vshrl.u32 v0, $0x1;
	v0 =	vshll.u32 v0, $0x6  }
0x5c1: {  	[tilespmem:$0x1E040] =	vst v2;
	v0 =	vand.u32 $0x40, v0  }
0x5c2: {  	[tilespmem:$0x1E0C0] =	vst v0  }
0x5c3: {  	v0 =	vld.idx.msk [tilespmem:v1+s9+$0x0], $0xffff;
	_ =	sdelay $0x1  }
0x5c4: {  	s29 =	sor.u32 $0x4B03, s22  }
0x5c5: {  	v1 =	vadd.s32 s29, v3;
	_ =	sdelay $0x1  }
0x5c6: {  	v2 =	vshrl.u32 v0, $0x1;
	v0 =	vshll.u32 v0, $0x6  }
0x5c7: {  	[tilespmem:$0x1E050] =	vst v2;
	v0 =	vand.u32 $0x40, v0  }
0x5c8: {  	[tilespmem:$0x1E0D0] =	vst v0  }
0x5c9: {  	v0 =	vld.idx.msk [tilespmem:v1+s9+$0x0], $0xffff;
	_ =	sdelay $0x1  }
0x5ca: {  	s30 =	sadd.s32 $0x5783, s22  }
0x5cb: {  	v1 =	vadd.s32 s30, v3;
	_ =	sdelay $0x1  }
0x5cc: {  	v2 =	vshrl.u32 v0, $0x1;
	v0 =	vshll.u32 v0, $0x6  }
0x5cd: {  	[tilespmem:$0x1E060] =	vst v2;
	v0 =	vand.u32 $0x40, v0  }
0x5ce: {  	[tilespmem:$0x1E0E0] =	vst v0  }
0x5cf: {  	v0 =	vld.idx.msk [tilespmem:v1+s9+$0x0], $0xffff;
	_ =	sdelay $0x4  }
0x5d0: {  	v1 =	vshrl.u32 v0, $0x1;
	v0 =	vshll.u32 v0, $0x6  }
0x5d1: {  	[tilespmem:$0x1E070] =	vst v1;
	v0 =	vand.u32 $0x40, v0  }
0x5d2: {  	s22 =	simm.s32 @!p0 $0x4;
	[tilespmem:$0x1E0F0] =	vst v0  }
0x5d3: {  	_ =	swait.ge @!p0 [sflag:s22], $0x2000  }
0x5d4: {  	[sflag:s22] =	ssyncset.done @!p0 $0x0  }
0x5d5: {  	[sflag:s22] =	ssyncadd.s32 @!p0 $0xFFFFE000  }
0x5d6: {  	v1 =	vld [tilespmem:$0x1E000]  }
0x5d7: {  	v2 =	vld [tilespmem:$0x1E010]  }
0x5d8: {  	v3 =	vld [tilespmem:$0x1E020]  }
0x5d9: {  	v4 =	vld [tilespmem:$0x1E030]  }
0x5da: {  	v5 =	vld [tilespmem:$0x1E040]  }
0x5db: {  	v6 =	vld [tilespmem:$0x1E050]  }
0x5dc: {  	v7 =	vld [tilespmem:$0x1E060]  }
0x5dd: {  	v8 =	vld [tilespmem:$0x1E070]  }
0x5de: {  	v52 =	vld [tilespmem:$0x1E080]  }
0x5df: {  	v19 =	vld [tilespmem:$0x1E090]  }
0x5e0: {  	v62 =	vld [tilespmem:$0x1E0B0];
	v57 =	vshll.u32 v1, $0x7;
	v37 =	vshll.u32 v2, $0x7;
	v59 =	vshll.u32 v3, $0x7  }
0x5e1: {  	s31 =	simm.s32 $0x1;
	v54 =	vld [tilespmem:$0x1E0D0];
	v55 =	vshll.u32 v4, $0x7;
	v60 =	vshll.u32 v5, $0x7;
	v63 =	vshll.u32 v6, $0x7  }
0x5e2: {  	s24 =	simm.s32 $0x2;
	v20 =	vld [tilespmem:$0x1E0E0];
	v1 =	vadd.s32 s31, v45;
	v25 =	vshll.u32 v7, $0x7;
	v2 =	vshll.u32 v8, $0x7  }
0x5e3: {  	v56 =	vld [tilespmem:$0x1E0A0];
	v3 =	vand.u32 $0x3F, v1;
	v1 =	vor.u32 v0, v2;
	v0 =	vadd.s32 s24, v45  }
0x5e4: {  	v4 =	vadd.s32 v52, v3;
	v2 =	vand.u32 $0x3F, v0;
	v58 =	vshll.u32 v3, $0x7  }
0x5e5: {  	v61 =	vor.u32 v3, v1;
	v7 =	vadd.s32 v62, v3;
	v16 =	vadd.s32 v19, v3  }
0x5e6: {  	v43 =	vadd.s32 v54, v3;
	v0 =	vand.u32 $0xFFFFFF80, v4;
	v5 =	vadd.s32 v52, v2  }
0x5e7: {  	v6 =	vor.u32 v51, v58;
	v4 =	vand.u32 $0x7F, v4;
	v17 =	vand.u32 $0x7F, v16  }
0x5e8: {  	v18 =	vadd.s32 v20, v2;
	v10 =	vor.u32 v45, v58;
	v32 =	vadd.s32 v56, v2  }
0x5e9: {  	v44 =	vadd.s32 v62, v2;
	v16 =	vand.u32 $0xFFFFFF80, v16;
	v0 =	vadd.s32 v57, v0  }
0x5ea: {  	[tilespmem:$0x1F0A0] =	vst v6;
	v6 =	vand.u32 $0xFFFFFF80, v5;
	v15 =	vand.u32 $0x7F, v5;
	v53 =	vand.u32 $0xFFFFFF80, v18  }
0x5eb: {  	s29 =	simm.s32 $0x6;
	v40 =	vand.u32 $0x7F, v44;
	v34 =	vand.u32 $0xFFFFFF80, v44;
	v16 =	vadd.s32 v37, v16  }
0x5ec: {  	s25 =	simm.s32 $0x3;
	v44 =	vadd.s32 s29, v45;
	v14 =	vadd.s32 v57, v6;
	v6 =	vadd.s32 v19, v2  }
0x5ed: {  	v22 =	vor.u32 v4, v0;
	v0 =	vadd.s32 s25, v45;
	v4 =	vor.u32 v50, v58  }
0x5ee: {  	v36 =	vor.u32 v17, v16;
	v17 =	vand.u32 $0x7F, v18;
	[tilespmem:$0x1F0B0] =	vst v4;
	v4 =	vand.u32 $0x3F, v0  }
0x5ef: {  	[tilespmem:$0x1F230] =	vst v1;
	v1 =	vld [tilespmem:$0x1E0C0];
	v38 =	vor.u32 v15, v14;
	v14 =	vand.u32 $0x7F, v43;
	v0 =	vadd.s32 v52, v4  }
0x5f0: {  	v8 =	vadd.s32 v19, v4;
	v5 =	vshll.u32 v4, $0x7;
	v9 =	vand.u32 $0xFFFFFF80, v0  }
0x5f1: {  	v23 =	vadd.s32 v54, v4;
	v0 =	vand.u32 $0x7F, v0;
	v9 =	vadd.s32 v57, v9  }
0x5f2: {  	v24 =	vadd.s32 v56, v4;
	v29 =	vor.u32 v0, v9;
	v0 =	vand.u32 $0xFFFFFF80, v6  }
0x5f3: {  	v12 =	vadd.s32 v62, v4;
	v6 =	vand.u32 $0x7F, v6;
	v0 =	vadd.s32 v37, v0  }
0x5f4: {  	v41 =	vadd.s32 v1, v2;
	v28 =	vor.u32 v6, v0;
	v6 =	vshll.u32 v2, $0x7  }
0x5f5: {  	[tilespmem:$0x1F120] =	vst v10;
	v10 =	vand.u32 $0xFFFFFF80, v8;
	v21 =	vand.u32 $0xFFFFFF80, v24;
	v0 =	vor.u32 v46, v6  }
0x5f6: {  	v31 =	vand.u32 $0x7F, v8;
	v9 =	vadd.s32 v20, v4;
	[tilespmem:$0x1F160] =	vst v0;
	v0 =	vadd.s32 v56, v3  }
0x5f7: {  	v11 =	vadd.s32 v37, v10;
	v10 =	vand.u32 $0x7F, v9;
	v8 =	vand.u32 $0xFFFFFF80, v0  }
0x5f8: {  	v9 =	vand.u32 $0xFFFFFF80, v9;
	v0 =	vand.u32 $0x7F, v0;
	v8 =	vadd.s32 v59, v8  }
0x5f9: {  	v42 =	vand.u32 $0xFFFFFF80, v41;
	v0 =	vor.u32 v0, v8;
	v8 =	vadd.s32 v25, v9  }
0x5fa: {  	v31 =	vor.u32 v31, v11;
	v9 =	vand.u32 $0xFFFFFF80, v12;
	v8 =	vor.u32 v10, v8  }
0x5fb: {  	v26 =	vor.u32 v33, v6;
	v12 =	vand.u32 $0x7F, v12;
	v9 =	vadd.s32 v55, v9  }
0x5fc: {  	v13 =	vmovc v33;
	v33 =	vand.u32 $0x7F, v32;
	[tilespmem:$0x1F1A0] =	vst v0;
	v12 =	vor.u32 v12, v9;
	v9 =	vadd.s32 v1, v4  }
0x5fd: {  	v10 =	vor.u32 v13, v5;
	[tilespmem:$0x1F350] =	vst v8;
	v0 =	vmovc v25;
	v25 =	vand.u32 $0xFFFFFF80, v9;
	v8 =	vmovc v13;
	v13 =	vand.u32 $0xFFFFFF80, v7  }
0x5fe: {  	v9 =	vand.u32 $0x7F, v9;
	v7 =	vand.u32 $0x7F, v7;
	v13 =	vadd.s32 v55, v13  }
0x5ff: {  	v25 =	vadd.s32 v60, v25;
	v13 =	vor.u32 v7, v13;
	v7 =	vadd.s32 v1, v3  }
0x600: {  	v35 =	vadd.s32 v0, v53;
	v53 =	vadd.s32 v59, v21;
	v11 =	vand.u32 $0xFFFFFF80, v7  }
0x601: {  	v21 =	vadd.s32 v60, v42;
	v7 =	vand.u32 $0x7F, v7;
	v11 =	vadd.s32 v60, v11  }
0x602: {  	v9 =	vor.u32 v9, v25;
	v11 =	vor.u32 v7, v11;
	v7 =	vand.u32 $0xFFFFFF80, v23  }
0x603: {  	v25 =	vadd.s32 v55, v34;
	v23 =	vand.u32 $0x7F, v23;
	v7 =	vadd.s32 v63, v7  }
0x604: {  	v34 =	vand.u32 $0x7F, v41;
	v7 =	vor.u32 v23, v7;
	v23 =	vadd.s32 v54, v2  }
0x605: {  	v25 =	vor.u32 v40, v25;
	v21 =	vor.u32 v34, v21;
	v16 =	vand.u32 $0xFFFFFF80, v23  }
0x606: {  	v18 =	vand.u32 $0x7F, v23;
	v23 =	vand.u32 $0xFFFFFF80, v43;
	v16 =	vadd.s32 v63, v16  }
0x607: {  	s26 =	simm.s32 $0x0;
	v15 =	vadd.s32 v63, v23;
	v23 =	vor.u32 v17, v35;
	v18 =	vor.u32 v18, v16  }
0x608: {  	s28 =	simm.s32 $0x5;
	v16 =	vand.u32 $0xFFFFFF80, v32;
	v14 =	vor.u32 v14, v15;
	v15 =	vadd.s32 s26, v45  }
0x609: {  	[tilespmem:$0x1F0C0] =	vst v14;
	v14 =	vadd.s32 v59, v16;
	v16 =	vand.u32 $0x3F, v15;
	v15 =	vadd.s32 s28, v45  }
0x60a: {  	s30 =	simm.s32 $0x7;
	v32 =	vor.u32 v33, v14;
	v14 =	vadd.s32 v56, v16;
	v17 =	vand.u32 $0x3F, v15  }
0x60b: {  	v15 =	vadd.s32 s30, v45;
	v39 =	vand.u32 $0xFFFFFF80, v14;
	v40 =	vand.u32 $0x7F, v14  }
0x60c: {  	v41 =	vadd.s32 v52, v17;
	v14 =	vand.u32 $0x3F, v15;
	v15 =	vand.u32 $0x3F, v44  }
0x60d: {  	v34 =	vand.u32 $0xFFFFFF80, v41;
	v42 =	vadd.s32 v52, v14;
	v41 =	vand.u32 $0x7F, v41  }
0x60e: {  	v44 =	vadd.s32 v19, v15;
	v34 =	vadd.s32 v57, v34;
	v43 =	vand.u32 $0xFFFFFF80, v42  }
0x60f: {  	v42 =	vand.u32 $0x7F, v42;
	v43 =	vadd.s32 v57, v43;
	v34 =	vor.u32 v41, v34  }
0x610: {  	[tilespmem:$0x1F0D0] =	vst v34;
	v34 =	vor.u32 v42, v43;
	v42 =	vand.u32 $0xFFFFFF80, v44  }
0x611: {  	v24 =	vand.u32 $0x7F, v24;
	v43 =	vand.u32 $0x7F, v44;
	v42 =	vadd.s32 v37, v42  }
0x612: {  	v53 =	vor.u32 v24, v53;
	[tilespmem:$0x1F280] =	vst v7;
	v24 =	vor.u32 v43, v42  }
0x613: {  	[tilespmem:$0x1F0E0] =	vst v24  }
0x614: {  	v30 =	vor.u32 v45, v6;
	v44 =	vadd.s32 v56, v17;
	v38 =	vld.idx.msk [tilespmem:v38+s3+$0x0], $0xffff  }
0x615: {  	v24 =	vadd.s32 v59, v39;
	v39 =	vand.u32 $0xFFFFFF80, v44  }
0x616: {  	v24 =	vor.u32 v40, v24;
	v40 =	vand.u32 $0x7F, v44;
	v39 =	vadd.s32 v59, v39  }
0x617: {  	v39 =	vor.u32 v40, v39  }
0x618: {  	[tilespmem:$0x1F0F0] =	vst v39  }
0x619: {  	v27 =	vor.u32 v45, v5;
	v43 =	vadd.s32 v62, v14;
	v29 =	vld.idx.msk [tilespmem:v29+s3+$0x0], $0xffff;
	[tilespmem:v30+s15+$0x0] =	vst.idx.msk $0xffff, v38  }
0x61a: {  	v30 =	vand.u32 $0xFFFFFF80, v43;
	v28 =	vld.idx.msk [tilespmem:v28+s3+$0x0], $0xffff  }
0x61b: {  	v43 =	vand.u32 $0x7F, v43;
	v30 =	vadd.s32 v55, v30  }
0x61c: {  	v33 =	vadd.s32 v52, v16;
	v41 =	vadd.s32 v20, v14;
	v30 =	vor.u32 v43, v30  }
0x61d: {  	v35 =	vand.u32 $0x7F, v33;
	v33 =	vand.u32 $0xFFFFFF80, v33;
	v39 =	vand.u32 $0x7F, v41;
	[tilespmem:$0x1F100] =	vst v30  }
0x61e: {  	v33 =	vadd.s32 v57, v33;
	v42 =	vadd.s32 v19, v16;
	v40 =	vand.u32 $0xFFFFFF80, v41;
	[tilespmem:v27+s15+$0x0] =	vst.idx.msk $0xffff, v29  }
0x61f: {  	v7 =	vmovc v59;
	v59 =	vand.u32 $0x7F, v42;
	v44 =	vand.u32 $0xFFFFFF80, v42;
	v40 =	vadd.s32 v0, v40;
	[tilespmem:v26+s15+$0x0] =	vst.idx.msk $0xffff, v28  }
0x620: {  	v41 =	vadd.s32 v37, v44;
	v44 =	vor.u32 v39, v40;
	v39 =	vmovc v20;
	v27 =	vadd.s32 v20, v3;
	v20 =	vld [tilespmem:$0x1F120]  }
0x621: {  	v33 =	vor.u32 v35, v33;
	v35 =	vor.u32 v59, v41;
	v59 =	vadd.s32 v1, v16  }
0x622: {  	v40 =	vadd.s32 v1, v14;
	v30 =	vand.u32 $0xFFFFFF80, v59  }
0x623: {  	v38 =	vand.u32 $0x7F, v59;
	v22 =	vld.idx.msk [tilespmem:v22+s3+$0x0], $0xffff;
	v30 =	vadd.s32 v60, v30;
	v3 =	vand.u32 $0xFFFFFF80, v40  }
0x624: {  	v59 =	vor.u32 v38, v30;
	v3 =	vadd.s32 v60, v3;
	v30 =	vand.u32 $0x7F, v40  }
0x625: {  	v29 =	vld.idx.msk [tilespmem:v31+s3+$0x0], $0xffff;
	v31 =	vadd.s32 v62, v17;
	v3 =	vor.u32 v30, v3  }
0x626: {  	[tilespmem:$0x1F110] =	vst v3;
	v3 =	vand.u32 $0xFFFFFF80, v31  }
0x627: {  	v30 =	vand.u32 $0x7F, v31;
	v3 =	vadd.s32 v55, v3  }
0x628: {  	v31 =	vadd.s32 v62, v15;
	v3 =	vor.u32 v30, v3;
	[tilespmem:v20+s15+$0x0] =	vst.idx.msk $0xffff, v22  }
0x629: {  	v28 =	vld.idx.msk [tilespmem:v32+s3+$0x0], $0xffff;
	[tilespmem:$0x1F130] =	vst v3;
	v3 =	vand.u32 $0xFFFFFF80, v31  }
0x62a: {  	v20 =	vand.u32 $0x7F, v31;
	v3 =	vadd.s32 v55, v3;
	[tilespmem:v10+s15+$0x0] =	vst.idx.msk $0xffff, v29  }
0x62b: {  	v3 =	vor.u32 v20, v3;
	v20 =	vld [tilespmem:$0x1F160];
	_ =	sdelay $0x5  }
0x62c: {  	v31 =	vadd.s32 v19, v14;
	v30 =	vld.idx.msk [tilespmem:v36+s3+$0x0], $0xffff;
	[tilespmem:$0x1F140] =	vst v3  }
0x62d: {  	v22 =	vor.u32 v8, v58;
	v10 =	vand.u32 $0x7F, v31;
	v3 =	vand.u32 $0xFFFFFF80, v31;
	v31 =	vld.idx.msk [tilespmem:v53+s3+$0x0], $0xffff;
	[tilespmem:$0x1F150] =	vst v62  }
0x62e: {  	v26 =	vor.u32 v46, v5;
	[tilespmem:v20+s15+$0x0] =	vst.idx.msk $0xffff, v28  }
0x62f: {  	v3 =	vadd.s32 v37, v3;
	v53 =	vadd.s32 v62, v16;
	[tilespmem:$0x1F170] =	vst v55  }
0x630: {  	v42 =	vor.u32 v47, v6;
	v36 =	vor.u32 v10, v3;
	v28 =	vand.u32 $0xFFFFFF80, v53;
	v25 =	vld.idx.msk [tilespmem:v25+s3+$0x0], $0xffff  }
0x631: {  	v3 =	vand.u32 $0x7F, v53;
	v20 =	vshll.u32 v14, $0x7;
	v10 =	vadd.s32 v55, v28  }
0x632: {  	[tilespmem:v22+s15+$0x0] =	vst.idx.msk $0xffff, v30;
	v22 =	vor.u32 v45, v20;
	v32 =	vor.u32 v3, v10;
	v10 =	vld.idx.msk [tilespmem:v34+s3+$0x0], $0xffff  }
0x633: {  	[tilespmem:v26+s15+$0x0] =	vst.idx.msk $0xffff, v31  }
0x634: {  	v31 =	vld.idx.msk [tilespmem:v33+s3+$0x0], $0xffff;
	[tilespmem:$0x1F180] =	vst v1  }
0x635: {  	[tilespmem:v42+s15+$0x0] =	vst.idx.msk $0xffff, v25  }
0x636: {  	[tilespmem:$0x1F190] =	vst v60  }
0x637: {  	v25 =	vand.u32 $0xFFFFFF80, v27;
	[tilespmem:v22+s15+$0x0] =	vst.idx.msk $0xffff, v10  }
0x638: {  	v38 =	vmov v0;
	v25 =	vadd.s32 v0, v25;
	v0 =	vld [tilespmem:$0x1F1A0]  }
0x639: {  	v28 =	vadd.s32 v54, v16  }
0x63a: {  	v3 =	vand.u32 $0xFFFFFF80, v28  }
0x63b: {  	v28 =	vand.u32 $0x7F, v28;
	v30 =	vadd.s32 v1, v17;
	v3 =	vadd.s32 v63, v3  }
0x63c: {  	v29 =	vshll.u32 v16, $0x7;
	v3 =	vor.u32 v28, v3;
	v28 =	vand.u32 $0xFFFFFF80, v30  }
0x63d: {  	v26 =	vor.u32 v45, v29;
	v30 =	vand.u32 $0x7F, v30;
	v28 =	vadd.s32 v60, v28  }
0x63e: {  	v42 =	vor.u32 v30, v28;
	v30 =	vadd.s32 v54, v14  }
0x63f: {  	v62 =	vadd.s32 v1, v15;
	v22 =	vand.u32 $0xFFFFFF80, v30  }
0x640: {  	v28 =	vand.u32 $0xFFFFFF80, v62;
	v53 =	vld.idx.msk [tilespmem:v0+s3+$0x0], $0xffff;
	v0 =	vadd.s32 v63, v22;
	v22 =	vor.u32 v46, v58  }
0x641: {  	v28 =	vadd.s32 v60, v28;
	v10 =	vand.u32 $0x7F, v62  }
0x642: {  	[tilespmem:v26+s15+$0x0] =	vst.idx.msk $0xffff, v31;
	v1 =	vor.u32 v10, v28  }
0x643: {  	v41 =	vor.u32 v48, v6;
	v55 =	vadd.s32 v39, v16;
	[tilespmem:$0x1F1B0] =	vst v1  }
0x644: {  	v30 =	vand.u32 $0x7F, v30;
	v10 =	vor.u32 v47, v5;
	v1 =	vor.u32 v51, v6;
	v26 =	vld.idx.msk [tilespmem:v21+s3+$0x0], $0xffff;
	[tilespmem:$0x1F1C0] =	vst v19  }
0x645: {  	v60 =	vor.u32 v30, v0;
	v0 =	vand.u32 $0xFFFFFF80, v55;
	v30 =	vld.idx.msk [tilespmem:v12+s3+$0x0], $0xffff;
	[tilespmem:v22+s15+$0x0] =	vst.idx.msk $0xffff, v53  }
0x646: {  	v27 =	vand.u32 $0x7F, v27;
	v21 =	vand.u32 $0x7F, v55;
	v0 =	vadd.s32 v38, v0;
	v31 =	vld.idx.msk [tilespmem:v35+s3+$0x0], $0xffff;
	[tilespmem:$0x1F1D0] =	vst v1  }
0x647: {  	v0 =	vor.u32 v21, v0;
	v21 =	vor.u32 v27, v25;
	v25 =	vor.u32 v8, v29;
	[tilespmem:$0x1F1E0] =	vst v37  }
0x648: {  	[tilespmem:$0x1F1F0] =	vst v52  }
0x649: {  	v28 =	vadd.s32 v19, v17;
	[tilespmem:v41+s15+$0x0] =	vst.idx.msk $0xffff, v26  }
0x64a: {  	v12 =	vand.u32 $0xFFFFFF80, v28;
	[tilespmem:v10+s15+$0x0] =	vst.idx.msk $0xffff, v30  }
0x64b: {  	v43 =	vor.u32 v50, v6;
	v62 =	vadd.s32 v54, v15;
	v12 =	vadd.s32 v37, v12;
	[tilespmem:$0x1F200] =	vst v57  }
0x64c: {  	v27 =	vadd.s32 v52, v15;
	v22 =	vand.u32 $0x7F, v28;
	v28 =	vor.u32 v47, v58;
	[tilespmem:v25+s15+$0x0] =	vst.idx.msk $0xffff, v31  }
0x64d: {  	v53 =	vor.u32 v22, v12;
	v22 =	vor.u32 v49, v6;
	v26 =	vand.u32 $0xFFFFFF80, v27;
	v12 =	vld [tilespmem:$0x1F230]  }
0x64e: {  	v10 =	vadd.s32 v57, v26;
	v26 =	vand.u32 $0x7F, v27;
	v27 =	vand.u32 $0xFFFFFF80, v62  }
0x64f: {  	v30 =	vand.u32 $0x7F, v62;
	v25 =	vadd.s32 v54, v17;
	v27 =	vadd.s32 v63, v27;
	[tilespmem:$0x1F210] =	vst v54  }
0x650: {  	v34 =	vor.u32 v26, v10;
	v10 =	vand.u32 $0xFFFFFF80, v25;
	v52 =	vor.u32 v30, v27;
	v13 =	vld.idx.msk [tilespmem:v13+s3+$0x0], $0xffff  }
0x651: {  	v27 =	vor.u32 v48, v5;
	v30 =	vld.idx.msk [tilespmem:v9+s3+$0x0], $0xffff;
	v9 =	vand.u32 $0x7F, v25;
	[tilespmem:$0x1F220] =	vst v63;
	v10 =	vadd.s32 v63, v10  }
0x652: {  	v6 =	vor.u32 v46, v29;
	v26 =	vor.u32 v9, v10;
	v10 =	vld.idx.msk [tilespmem:v24+s3+$0x0], $0xffff;
	v1 =	vor.u32 v2, v12  }
0x653: {  	[tilespmem:$0x1F240] =	vst v1  }
0x654: {  	v1 =	vld.idx.msk [tilespmem:v18+s3+$0x0], $0xffff  }
0x655: {  	[tilespmem:v28+s15+$0x0] =	vst.idx.msk $0xffff, v13  }
0x656: {  	[tilespmem:v27+s15+$0x0] =	vst.idx.msk $0xffff, v30  }
0x657: {  	[tilespmem:v6+s15+$0x0] =	vst.idx.msk $0xffff, v10  }
0x658: {  	v6 =	vld.idx.msk [tilespmem:v11+s3+$0x0], $0xffff;
	[tilespmem:$0x1F250] =	vst v56  }
0x659: {  	v10 =	vadd.s32 v56, v14;
	[tilespmem:v22+s15+$0x0] =	vst.idx.msk $0xffff, v1;
	v1 =	vor.u32 v16, v12  }
0x65a: {  	[tilespmem:$0x1F260] =	vst v1;
	v1 =	vand.u32 $0xFFFFFF80, v10  }
0x65b: {  	v18 =	vadd.s32 v7, v1;
	v1 =	vld [tilespmem:$0x1F280];
	_ =	sdelay $0x1  }
0x65c: {  	v63 =	vor.u32 v51, v5;
	v54 =	vor.u32 v4, v12;
	v4 =	vadd.s32 v39, v15  }
0x65d: {  	v24 =	vor.u32 v49, v5;
	v9 =	vor.u32 v50, v5;
	v5 =	vand.u32 $0xFFFFFF80, v4  }
0x65e: {  	v4 =	vand.u32 $0x7F, v4;
	v5 =	vadd.s32 v38, v5;
	v13 =	vadd.s32 v56, v15  }
0x65f: {  	v27 =	vor.u32 v4, v5;
	v5 =	vand.u32 $0xFFFFFF80, v13  }
0x660: {  	v4 =	vand.u32 $0x7F, v13;
	v5 =	vadd.s32 v7, v5  }
0x661: {  	v11 =	vor.u32 v4, v5;
	v4 =	vor.u32 v17, v12;
	[tilespmem:$0x1F270] =	vst v7  }
0x662: {  	v1 =	vld.idx.msk [tilespmem:v1+s3+$0x0], $0xffff;
	[tilespmem:$0x1F290] =	vst v4;
	v4 =	vshll.u32 v15, $0x7  }
0x663: {  	v2 =	vor.u32 v48, v58;
	[tilespmem:$0x1F2A0] =	vst v39;
	v5 =	vor.u32 v46, v4  }
0x664: {  	[tilespmem:$0x1F2B0] =	vst v5;
	v5 =	vor.u32 v8, v4  }
0x665: {  	[tilespmem:$0x1F2C0] =	vst v5;
	v5 =	vor.u32 v51, v4  }
0x666: {  	[tilespmem:$0x1F2D0] =	vst v5;
	v5 =	vor.u32 v47, v4  }
0x667: {  	[tilespmem:$0x1F2E0] =	vst v5  }
0x668: {  	[tilespmem:v2+s15+$0x0] =	vst.idx.msk $0xffff, v6;
	v2 =	vor.u32 v48, v4  }
0x669: {  	[tilespmem:$0x1F2F0] =	vst v2  }
0x66a: {  	v30 =	vshll.u32 v17, $0x7;
	[tilespmem:$0x1F300] =	vst v38  }
0x66b: {  	[tilespmem:v24+s15+$0x0] =	vst.idx.msk $0xffff, v1;
	v1 =	vor.u32 v51, v30  }
0x66c: {  	[tilespmem:$0x1F310] =	vst v1;
	v1 =	vor.u32 v50, v30  }
0x66d: {  	[tilespmem:$0x1F320] =	vst v1;
	v1 =	vor.u32 v46, v30  }
0x66e: {  	[tilespmem:$0x1F330] =	vst v1  }
0x66f: {  	v35 =	vld.idx.msk [tilespmem:v36+s3+$0x0], $0xffff  }
0x670: {  	v16 =	vld.idx.msk [tilespmem:v32+s3+$0x0], $0xffff  }
0x671: {  	v1 =	vor.u32 v47, v20;
	v36 =	vld.idx.msk [tilespmem:v34+s3+$0x0], $0xffff  }
0x672: {  	v19 =	vor.u32 v46, v20;
	v41 =	vor.u32 v49, v58;
	[tilespmem:$0x1F340] =	vst v1;
	v1 =	vld [tilespmem:$0x1F350]  }
0x673: {  	v25 =	vor.u32 v15, v12;
	v33 =	vand.u32 $0x7F, v10;
	v58 =	vor.u32 v47, v30  }
0x674: {  	v31 =	vor.u32 v49, v30;
	v10 =	vor.u32 v48, v30;
	v7 =	vadd.s32 v39, v17  }
0x675: {  	v17 =	vor.u32 v8, v20;
	v40 =	vand.u32 $0x7F, v7;
	v39 =	vor.u32 v48, v20  }
0x676: {  	v13 =	vor.u32 v45, v4;
	v28 =	vor.u32 v49, v4;
	v22 =	vor.u32 v50, v4  }
0x677: {  	v4 =	vor.u32 v51, v20;
	v6 =	vor.u32 v50, v20;
	v2 =	vand.u32 $0xFFFFFF80, v7  }
0x678: {  	s31 =	simm.s32 $0x4;
	v7 =	vor.u32 v45, v30;
	v57 =	vadd.s32 v38, v2;
	v24 =	vor.u32 v8, v30  }
0x679: {  	v2 =	vadd.s32 s31, v45;
	v38 =	vor.u32 v49, v20;
	v8 =	vor.u32 v51, v29  }
0x67a: {  	v62 =	vand.u32 $0x3F, v2;
	v2 =	vor.u32 v48, v29;
	v20 =	vld.idx.msk [tilespmem:v1+s3+$0x0], $0xffff;
	v1 =	vor.u32 v49, v29  }
0x67b: {  	s25 =	simm.s32 $0x8;
	v30 =	vor.u32 v14, v12;
	v12 =	vor.u32 v47, v29;
	v37 =	vld.idx.msk [tilespmem:v23+s3+$0x0], $0xffff;
	[tilespmem:$0x1F360] =	vst v1  }
.LBB2_9:
0x67c: {  	v14 =	vld [tilespmem:$0x1F0C0];
	_ =	sdelay $0x1  }
0x67d: {  	v5 =	vld [tilespmem:$0x1F1F0];
	_ =	sdelay $0x1  }
0x67e: {  	[tilespmem:$0x1EFA0] =	vst v57;
	s26 =	sadd.s32 $0x1, s25;
	v57 =	vmov v28;
	v28 =	vmov v10;
	v10 =	vmov v27  }
0x67f: {  	[tilespmem:$0x1F070] =	vst v10;
	v10 =	vadd.s32 s26, v45  }
0x680: {  	[tilespmem:$0x1EFF0] =	vst v60;
	v27 =	vand.u32 $0x3F, v10  }
0x681: {  	s28 =	sadd.s32 $0x2, s25;
	[tilespmem:v17+s15+$0x0] =	vst.idx.msk $0xffff, v35;
	v10 =	vadd.s32 v5, v27  }
0x682: {  	[tilespmem:v13+s15+$0x0] =	vst.idx.msk $0xffff, v36;
	v23 =	vld.idx.msk [tilespmem:v14+s3+$0x0], $0xffff;
	v14 =	vmov v26;
	v26 =	vadd.s32 s28, v45  }
0x683: {  	[tilespmem:v12+s15+$0x0] =	vst.idx.msk $0xffff, v16;
	v16 =	vand.u32 $0x3F, v26  }
0x684: {  	[tilespmem:v9+s15+$0x0] =	vst.idx.msk $0xffff, v20;
	v13 =	vand.u32 $0xFFFFFF80, v10;
	v20 =	vand.u32 $0x7F, v10;
	v10 =	vmovc v22;
	v60 =	vadd.s32 v5, v16  }
0x685: {  	[tilespmem:$0x1F010] =	vst v10;
	v10 =	vand.u32 $0x7F, v60  }
0x686: {  	[tilespmem:$0x1EFD0] =	vst v10;
	v10 =	vld [tilespmem:$0x1F0E0]  }
0x687: {  	[tilespmem:$0x1F0C0] =	vst v14;
	v14 =	vld.idx.msk [tilespmem:v59+s3+$0x0], $0xffff  }
0x688: {  	[tilespmem:$0x1F040] =	vst v57;
	v57 =	vld [tilespmem:$0x1F200];
	_ =	sdelay $0x2  }
0x689: {  	[tilespmem:$0x1F090] =	vst v44;
	s24 =	smov.u32 s25  }
0x68a: {  	s31 =	sadd.s32 $0x3, s24;
	[tilespmem:v2+s15+$0x0] =	vst.idx.msk $0xffff, v14  }
0x68b: {  	[tilespmem:v43+s15+$0x0] =	vst.idx.msk $0xffff, v37;
	v9 =	vadd.s32 v57, v13;
	v14 =	vadd.s32 s31, v45;
	v44 =	vld.idx.msk [tilespmem:v3+s3+$0x0], $0xffff  }
0x68c: {  	v35 =	vld.idx.msk [tilespmem:v10+s3+$0x0], $0xffff;
	v10 =	vmov v31;
	v31 =	vor.u32 v20, v9;
	v20 =	vand.u32 $0x3F, v14  }
0x68d: {  	v34 =	vadd.s32 v5, v62;
	v3 =	vadd.s32 v5, v20;
	v5 =	vld [tilespmem:$0x1F240];
	_ =	sdelay $0x6  }
0x68e: {  	[tilespmem:$0x1F080] =	vst v38;
	v38 =	vor.u32 v50, v29;
	v29 =	vshll.u32 v62, $0x7  }
0x68f: {  	v12 =	vor.u32 v46, v29;
	v46 =	vld.idx.msk [tilespmem:v5+s3+$0x0], $0xffff;
	v5 =	vmov v25  }
0x690: {  	[tilespmem:$0x1F240] =	vst v5;
	v5 =	vld [tilespmem:$0x1F0D0];
	_ =	sdelay $0x6  }
0x691: {  	v13 =	vand.u32 $0xFFFFFF80, v60;
	[tilespmem:v41+s15+$0x0] =	vst.idx.msk $0xffff, v23  }
0x692: {  	[tilespmem:$0x1F020] =	vst v12;
	v12 =	vadd.s32 v57, v13;
	v13 =	vor.u32 v48, v29;
	v48 =	vld.idx.msk [tilespmem:v5+s3+$0x0], $0xffff  }
0x693: {  	v5 =	vld [tilespmem:$0x1F0B0];
	_ =	sdelay $0x1  }
0x694: {  	v37 =	vld.idx.msk [tilespmem:v21+s3+$0x0], $0xffff  }
0x695: {  	v14 =	vld [tilespmem:$0x1F360];
	_ =	sdelay $0x3  }
0x696: {  	[tilespmem:$0x1EF80] =	vst v52;
	v52 =	vld [tilespmem:$0x1F1C0]  }
0x697: {  	[tilespmem:v5+s15+$0x0] =	vst.idx.msk $0xffff, v37;
	v5 =	vld [tilespmem:$0x1F2C0]  }
0x698: {  	v2 =	vmov v13;
	v13 =	vld.idx.msk [tilespmem:v54+s3+$0x0], $0xffff  }
0x699: {  	[tilespmem:$0x1EFB0] =	vst v42;
	v55 =	vld [tilespmem:$0x1F250]  }
0x69a: {  	[tilespmem:v14+s15+$0x0] =	vst.idx.msk $0xffff, v44;
	v14 =	vld [tilespmem:$0x1F1E0]  }
0x69b: {  	[tilespmem:$0x1EF90] =	vst v40;
	v56 =	vld [tilespmem:$0x1F230]  }
0x69c: {  	[tilespmem:$0x1EFE0] =	vst v39  }
0x69d: {  	v59 =	vadd.s32 v52, v16;
	[tilespmem:v63+s15+$0x0] =	vst.idx.msk $0xffff, v13;
	v63 =	vld [tilespmem:$0x1F1D0]  }
0x69e: {  	[tilespmem:$0x1F060] =	vst v28;
	v26 =	vmov v58;
	v58 =	vld [tilespmem:$0x1F2A0];
	v44 =	vand.u32 $0xFFFFFF80, v59  }
0x69f: {  	v59 =	vand.u32 $0x7F, v59;
	v13 =	vadd.s32 v14, v44;
	[tilespmem:v5+s15+$0x0] =	vst.idx.msk $0xffff, v35;
	v5 =	vld [tilespmem:$0x1F290]  }
0x6a0: {  	v15 =	vadd.s32 v55, v62;
	v17 =	vor.u32 v27, v56;
	[tilespmem:$0x1EFC0] =	vst v12;
	v13 =	vor.u32 v59, v13  }
0x6a1: {  	v39 =	vand.u32 $0xFFFFFF80, v15;
	v40 =	vand.u32 $0x7F, v15;
	v15 =	vshll.u32 v27, $0x7;
	[tilespmem:$0x1F0E0] =	vst v13;
	v13 =	vld [tilespmem:$0x1F320]  }
0x6a2: {  	v36 =	vor.u32 v51, v15;
	[tilespmem:$0x1F030] =	vst v10;
	v45 =	vadd.s32 v52, v20;
	v31 =	vmov v31;
	v51 =	vld.idx.msk [tilespmem:v0+s3+$0x0], $0xffff  }
0x6a3: {  	v28 =	vand.u32 $0x7F, v34;
	v42 =	vor.u32 v50, v15;
	[tilespmem:$0x1F0D0] =	vst v31;
	v50 =	vld.idx.msk [tilespmem:v61+s3+$0x0], $0xffff;
	v61 =	vand.u32 $0xFFFFFF80, v45  }
0x6a4: {  	[tilespmem:v7+s15+$0x0] =	vst.idx.msk $0xffff, v48;
	v44 =	vadd.s32 v14, v61;
	v61 =	vld [tilespmem:$0x1F270];
	v10 =	vmov v5;
	v5 =	vadd.s32 v58, v20  }
0x6a5: {  	v34 =	vand.u32 $0xFFFFFF80, v34;
	v0 =	vmovc v17;
	v7 =	vmovc v42;
	[tilespmem:v63+s15+$0x0] =	vst.idx.msk $0xffff, v46;
	v17 =	vand.u32 $0x7F, v5;
	v59 =	vand.u32 $0xFFFFFF80, v5;
	v5 =	vld [tilespmem:$0x1FF90]  }
0x6a6: {  	v43 =	vor.u32 v49, v29;
	v34 =	vadd.s32 v57, v34;
	v54 =	vlaneseq.u32;
	[tilespmem:$0x1F320] =	vst v7;
	v46 =	vld.idx.msk [tilespmem:v11+s3+$0x0], $0xffff;
	v11 =	vmovc v13  }
0x6a7: {  	v31 =	vadd.s32 v55, v20;
	v7 =	vadd.s32 v55, v27;
	[tilespmem:$0x1F0B0] =	vst v11;
	v11 =	vadd.s32 v55, v16;
	v55 =	vld [tilespmem:$0x1FFF0]  }
0x6a8: {  	v12 =	vor.u32 v47, v29;
	v49 =	vor.u32 v54, v15;
	v47 =	vand.u32 $0xFFFFFF80, v3;
	[tilespmem:v38+s15+$0x0] =	vst.idx.msk $0xffff, v51  }
0x6a9: {  	v23 =	vshll.u32 v20, $0x7;
	v51 =	vld [tilespmem:$0x1F0A0];
	v37 =	vadd.s32 v57, v47;
	[tilespmem:$0x1F290] =	vst v0;
	v0 =	vshll.u32 v16, $0x7  }
0x6aa: {  	v47 =	vor.u32 v62, v56;
	v57 =	vld [tilespmem:$0x1F310];
	v39 =	vadd.s32 v61, v39;
	v48 =	vor.u32 v5, v0;
	v5 =	vmovc v43  }
0x6ab: {  	v42 =	vor.u32 v54, v23;
	[tilespmem:$0x1F360] =	vst v5;
	v5 =	vor.u32 v40, v39;
	v39 =	vld [tilespmem:$0x1F260];
	v40 =	vmov v47  }
0x6ac: {  	v13 =	vor.u32 v54, v0;
	v47 =	vor.u32 v55, v0;
	[tilespmem:$0x1F260] =	vst v40;
	v40 =	vor.u32 v54, v29;
	v54 =	vld [tilespmem:$0x1F2B0];
	_ =	sdelay $0x2  }
0x6ad: {  	[tilespmem:$0x1F2C0] =	vst v47;
	v47 =	vmov v57;
	v57 =	vld [tilespmem:$0x1F300]  }
0x6ae: {  	v53 =	vld.idx.msk [tilespmem:v53+s3+$0x0], $0xffff  }
0x6af: {  	v60 =	vld [tilespmem:$0x1F150]  }
0x6b0: {  	v18 =	vor.u32 v33, v18  }
0x6b1: {  	v1 =	vld [tilespmem:$0x1F180];
	v28 =	vor.u32 v28, v34;
	[tilespmem:v51+s15+$0x0] =	vst.idx.msk $0xffff, v50  }
0x6b2: {  	v3 =	vand.u32 $0x7F, v3;
	v39 =	vld.idx.msk [tilespmem:v39+s3+$0x0], $0xffff;
	[tilespmem:v54+s15+$0x0] =	vst.idx.msk $0xffff, v46;
	v54 =	vadd.s32 v57, v59  }
0x6b3: {  	v37 =	vor.u32 v3, v37;
	[tilespmem:v24+s15+$0x0] =	vst.idx.msk $0xffff, v53;
	v34 =	vor.u32 v17, v54;
	v54 =	vld [tilespmem:$0x1F170]  }
0x6b4: {  	v53 =	vld [tilespmem:$0x1F190];
	[tilespmem:$0x1F0A0] =	vst v47;
	v47 =	vmov v36;
	v36 =	vadd.s32 v60, v20  }
0x6b5: {  	v18 =	vld.idx.msk [tilespmem:v18+s3+$0x0], $0xffff;
	[tilespmem:$0x1F310] =	vst v47;
	v47 =	vand.u32 $0xFFFFFF80, v36;
	_ =	sdelay $0x1  }
0x6b6: {  	v32 =	vadd.s32 v1, v62  }
0x6b7: {  	v37 =	vld.idx.msk [tilespmem:v37+s3+$0x0], $0xffff;
	v59 =	vand.u32 $0xFFFFFF80, v32;
	[tilespmem:v8+s15+$0x0] =	vst.idx.msk $0xffff, v39;
	v8 =	vadd.s32 v54, v47;
	v47 =	vmov v48  }
0x6b8: {  	v22 =	vadd.s32 v60, v62;
	[tilespmem:$0x1F2B0] =	vst v47;
	v47 =	vadd.s32 v53, v59;
	v59 =	vld [tilespmem:$0x1F0F0]  }
0x6b9: {  	v9 =	vadd.s32 v60, v27;
	[tilespmem:v19+s15+$0x0] =	vst.idx.msk $0xffff, v18;
	v18 =	vadd.s32 v60, v16;
	v60 =	vld [tilespmem:$0x1F100];
	_ =	sdelay $0x3  }
0x6ba: {  	v33 =	vadd.s32 v52, v62;
	v17 =	vld [tilespmem:$0x1F140]  }
0x6bb: {  	v38 =	vand.u32 $0xFFFFFF80, v33;
	v43 =	vand.u32 $0x7F, v45;
	v45 =	vand.u32 $0xFFFFFF80, v7  }
0x6bc: {  	v63 =	vand.u32 $0x7F, v33;
	v7 =	vand.u32 $0x7F, v7;
	v33 =	vadd.s32 v61, v45  }
0x6bd: {  	v45 =	vor.u32 v7, v33;
	v32 =	vand.u32 $0x7F, v32;
	v48 =	vld.idx.msk [tilespmem:v59+s3+$0x0], $0xffff  }
0x6be: {  	v59 =	vor.u32 v32, v47;
	v47 =	vld.idx.msk [tilespmem:v60+s3+$0x0], $0xffff;
	v60 =	vmov v45  }
0x6bf: {  	[tilespmem:$0x1F0F0] =	vst v60;
	v60 =	vld [tilespmem:$0x1F2E0];
	_ =	sdelay $0x2  }
0x6c0: {  	v50 =	vld.idx.msk [tilespmem:v17+s3+$0x0], $0xffff;
	_ =	sdelay $0x3  }
0x6c1: {  	v7 =	vld [tilespmem:$0x1FFE0]  }
0x6c2: {  	v36 =	vand.u32 $0x7F, v36;
	[tilespmem:v60+s15+$0x0] =	vst.idx.msk $0xffff, v50;
	v60 =	vld [tilespmem:$0x1F2D0]  }
0x6c3: {  	v38 =	vadd.s32 v14, v38;
	v8 =	vor.u32 v36, v8;
	v36 =	vadd.s32 v1, v20  }
0x6c4: {  	v38 =	vor.u32 v63, v38;
	v63 =	vand.u32 $0xFFFFFF80, v36;
	_ =	sdelay $0x1  }
0x6c5: {  	v46 =	vor.u32 v7, v0;
	v7 =	vmov v49;
	v49 =	vand.u32 $0xFFFFFF80, v9  }
0x6c6: {  	v32 =	vadd.s32 v53, v63;
	v45 =	vand.u32 $0x7F, v18;
	v18 =	vand.u32 $0xFFFFFF80, v18;
	v63 =	vmovc v60  }
0x6c7: {  	v51 =	vld [tilespmem:$0x1FFA0];
	v9 =	vand.u32 $0x7F, v9;
	v18 =	vadd.s32 v54, v18;
	[tilespmem:$0x1F1D0] =	vst v63;
	v63 =	vadd.s32 v54, v49  }
0x6c8: {  	[tilespmem:v42+s15+$0x0] =	vst.idx.msk $0xffff, v37;
	v42 =	vmov v8;
	v8 =	vor.u32 v9, v63;
	v9 =	vor.u32 v45, v18  }
0x6c9: {  	[tilespmem:$0x1F140] =	vst v9;
	v9 =	vld [tilespmem:$0x1F1B0]  }
0x6ca: {  	[tilespmem:$0x1F000] =	vst v2;
	v2 =	vmov v30;
	_ =	sdelay $0x1  }
0x6cb: {  	v41 =	vand.u32 $0xFFFFFF80, v22;
	v39 =	vor.u32 v51, v0  }
0x6cc: {  	v41 =	vadd.s32 v54, v41;
	v54 =	vmov v2;
	v2 =	vmov v39  }
0x6cd: {  	[tilespmem:$0x1F2E0] =	vst v2;
	v2 =	vld [tilespmem:$0x1F2F0];
	_ =	sdelay $0x1  }
0x6ce: {  	v24 =	vld [tilespmem:$0x1FFB0]  }
0x6cf: {  	v39 =	vld.idx.msk [tilespmem:v9+s3+$0x0], $0xffff  }
0x6d0: {  	v18 =	vadd.s32 v1, v27;
	v9 =	vmov v6;
	v6 =	vadd.s32 v1, v16;
	v1 =	vld [tilespmem:$0x1F330];
	_ =	sdelay $0x1  }
0x6d1: {  	[tilespmem:$0x1F050] =	vst v10;
	v10 =	vld [tilespmem:$0x1F210]  }
0x6d2: {  	v24 =	vor.u32 v24, v0;
	v36 =	vand.u32 $0x7F, v36  }
0x6d3: {  	v32 =	vor.u32 v36, v32;
	v36 =	vor.u32 v43, v44;
	v43 =	vld [tilespmem:$0x1F130];
	[tilespmem:v2+s15+$0x0] =	vst.idx.msk $0xffff, v39;
	v2 =	vmov v24  }
0x6d4: {  	v60 =	vmov v46;
	[tilespmem:$0x1F2F0] =	vst v2;
	v2 =	vld [tilespmem:$0x1F340]  }
0x6d5: {  	v21 =	vadd.s32 v52, v27;
	v52 =	vand.u32 $0xFFFFFF80, v31;
	v28 =	vld.idx.msk [tilespmem:v28+s3+$0x0], $0xffff  }
0x6d6: {  	v3 =	vand.u32 $0x7F, v22;
	v35 =	vadd.s32 v10, v62;
	v44 =	vld [tilespmem:$0x1F220];
	[tilespmem:$0x1F2D0] =	vst v60;
	v63 =	vmovc v4;
	v4 =	vand.u32 $0xFFFFFF80, v18  }
0x6d7: {  	v60 =	vmovc v8;
	v8 =	vand.u32 $0x7F, v18;
	[tilespmem:v1+s15+$0x0] =	vst.idx.msk $0xffff, v48;
	v1 =	vadd.s32 v53, v4;
	v4 =	vand.u32 $0xFFFFFF80, v6  }
0x6d8: {  	v6 =	vand.u32 $0x7F, v6;
	v8 =	vor.u32 v8, v1;
	v1 =	vadd.s32 v53, v4  }
0x6d9: {  	v22 =	vadd.s32 v10, v20;
	v37 =	vand.u32 $0xFFFFFF80, v35;
	v49 =	vld [tilespmem:$0x1FFC0];
	v1 =	vor.u32 v6, v1  }
0x6da: {  	v18 =	vadd.s32 v61, v52;
	v52 =	vand.u32 $0xFFFFFF80, v22;
	[tilespmem:$0x1F1B0] =	vst v1;
	v1 =	vand.u32 $0x7F, v22;
	v22 =	vld [tilespmem:$0x1F110]  }
0x6db: {  	v41 =	vor.u32 v3, v41;
	[tilespmem:v40+s15+$0x0] =	vst.idx.msk $0xffff, v28;
	v3 =	vadd.s32 v44, v37;
	v37 =	vld.idx.msk [tilespmem:v43+s3+$0x0], $0xffff  }
0x6dc: {  	v4 =	vld.idx.msk [tilespmem:v38+s3+$0x0], $0xffff;
	[tilespmem:v2+s15+$0x0] =	vst.idx.msk $0xffff, v47;
	v2 =	vadd.s32 v44, v52  }
0x6dd: {  	v53 =	vor.u32 v55, v29;
	v43 =	vor.u32 v1, v2;
	v1 =	vld [tilespmem:$0x1EF80]  }
0x6de: {  	v50 =	vld [tilespmem:$0x1FFD0]  }
0x6df: {  	v46 =	vld [tilespmem:$0x1FF90]  }
0x6e0: {  	v6 =	vadd.s32 v58, v62  }
0x6e1: {  	v28 =	vor.u32 v49, v0;
	v2 =	vand.u32 $0xFFFFFF80, v6  }
0x6e2: {  	v24 =	vand.u32 $0x7F, v6;
	[tilespmem:v53+s15+$0x0] =	vst.idx.msk $0xffff, v4;
	v2 =	vadd.s32 v57, v2;
	v39 =	vld.idx.msk [tilespmem:v22+s3+$0x0], $0xffff;
	v22 =	vmov v32  }
0x6e3: {  	[tilespmem:$0x1F110] =	vst v22;
	v22 =	vor.u32 v50, v0;
	v0 =	vor.u32 v24, v2;
	v24 =	vld.idx.msk [tilespmem:v5+s3+$0x0], $0xffff  }
0x6e4: {  	[tilespmem:$0x1F100] =	vst v42;
	v42 =	vor.u32 v46, v15;
	v5 =	vld [tilespmem:$0x1EFA0]  }
0x6e5: {  	v6 =	vld.idx.msk [tilespmem:v1+s3+$0x0], $0xffff;
	v1 =	vmov v42  }
0x6e6: {  	[tilespmem:$0x1F330] =	vst v1;
	v1 =	vld [tilespmem:$0x1EF90];
	_ =	sdelay $0x3  }
0x6e7: {  	v30 =	vand.u32 $0x7F, v21;
	v21 =	vand.u32 $0xFFFFFF80, v21  }
0x6e8: {  	v2 =	vadd.s32 v14, v21;
	v21 =	vor.u32 v1, v5;
	v1 =	vld [tilespmem:$0x1EFB0];
	_ =	sdelay $0x6  }
0x6e9: {  	[tilespmem:v26+s15+$0x0] =	vst.idx.msk $0xffff, v37;
	v5 =	vld [tilespmem:$0x1EFD0]  }
0x6ea: {  	v53 =	vor.u32 v30, v2;
	v30 =	vld.idx.msk [tilespmem:v1+s3+$0x0], $0xffff  }
0x6eb: {  	v1 =	vld [tilespmem:$0x1EFC0];
	_ =	sdelay $0x2  }
0x6ec: {  	v35 =	vand.u32 $0x7F, v35  }
0x6ed: {  	v3 =	vor.u32 v35, v3;
	v35 =	vld.idx.msk [tilespmem:v36+s3+$0x0], $0xffff  }
0x6ee: {  	v36 =	vor.u32 v5, v1;
	v1 =	vld [tilespmem:$0x1EFE0];
	_ =	sdelay $0x7  }
0x6ef: {  	[tilespmem:v1+s15+$0x0] =	vst.idx.msk $0xffff, v39;
	v1 =	vld [tilespmem:$0x1EFF0];
	_ =	sdelay $0x2  }
0x6f0: {  	v47 =	vld [tilespmem:$0x1FFA0];
	_ =	sdelay $0x4  }
0x6f1: {  	v38 =	vld.idx.msk [tilespmem:v1+s3+$0x0], $0xffff;
	v1 =	vor.u32 v47, v23  }
0x6f2: {  	[tilespmem:$0x1F340] =	vst v1;
	v1 =	vld [tilespmem:$0x1F020];
	_ =	sdelay $0x7  }
0x6f3: {  	[tilespmem:v1+s15+$0x0] =	vst.idx.msk $0xffff, v24;
	v1 =	vld [tilespmem:$0x1F040];
	_ =	sdelay $0x6  }
0x6f4: {  	v36 =	vld.idx.msk [tilespmem:v36+s3+$0x0], $0xffff  }
0x6f5: {  	[tilespmem:v1+s15+$0x0] =	vst.idx.msk $0xffff, v6;
	v1 =	vld [tilespmem:$0x1F060];
	_ =	sdelay $0x7  }
0x6f6: {  	[tilespmem:v1+s15+$0x0] =	vst.idx.msk $0xffff, v30;
	v1 =	vld [tilespmem:$0x1F070];
	_ =	sdelay $0x7  }
0x6f7: {  	v37 =	vld.idx.msk [tilespmem:v1+s3+$0x0], $0xffff  }
0x6f8: {  	v1 =	vld [tilespmem:$0x1F080];
	_ =	sdelay $0x1  }
0x6f9: {  	v48 =	vld [tilespmem:$0x1FFB0]  }
0x6fa: {  	v25 =	vadd.s32 v58, v16  }
0x6fb: {  	v19 =	vand.u32 $0xFFFFFF80, v25;
	v25 =	vand.u32 $0x7F, v25;
	v33 =	vand.u32 $0x7F, v11  }
0x6fc: {  	v19 =	vadd.s32 v57, v19;
	v17 =	vor.u32 v55, v23;
	v40 =	vadd.s32 v58, v27  }
0x6fd: {  	v45 =	vlaneseq.u32;
	v27 =	vadd.s32 v10, v27;
	v62 =	vand.u32 $0xFFFFFF80, v40  }
0x6fe: {  	v51 =	vld [tilespmem:$0x1FFE0];
	[tilespmem:$0x1F130] =	vst v60;
	v60 =	vor.u32 v48, v23;
	v4 =	vadd.s32 v10, v16;
	v10 =	vor.u32 v48, v15  }
0x6ff: {  	v57 =	vadd.s32 v57, v62;
	v58 =	vor.u32 v47, v15;
	v2 =	vand.u32 $0xFFFFFF80, v4;
	[tilespmem:v1+s15+$0x0] =	vst.idx.msk $0xffff, v38;
	v1 =	vld [tilespmem:$0x1F090]  }
0x700: {  	v4 =	vand.u32 $0x7F, v4;
	v2 =	vadd.s32 v44, v2;
	v42 =	vmovc v8;
	v8 =	vand.u32 $0xFFFFFF80, v27  }
0x701: {  	v52 =	vor.u32 v4, v2;
	v2 =	vand.u32 $0x7F, v27;
	v4 =	vadd.s32 v44, v8  }
0x702: {  	p0 =	slt.u32 s25, $0x3C;
	v27 =	vor.u32 v25, v19;
	v26 =	vor.u32 v2, v4;
	v2 =	vld [tilespmem:$0x1F000];
	v4 =	vand.u32 $0xFFFFFF80, v11  }
.Ltmp3:
0x703: {  	v25 =	vor.u32 v16, v56;
	v19 =	vor.u32 v46, v23;
	v4 =	vadd.s32 v61, v4;
	v61 =	vld [tilespmem:$0x1F050];
	(pc) =	sbr.rel @p0 .LBB2_9-.Ltmp3, $4  }
0x704: {  	v40 =	vand.u32 $0x7F, v40;
	v8 =	vor.u32 v51, v29;
	v11 =	vor.u32 v33, v4;
	v39 =	vmovc v60;
	v60 =	vmovc v43;
	v43 =	vld [tilespmem:$0x1F010]  }
0x705: {  	v33 =	vand.u32 $0x7F, v31;
	v31 =	vor.u32 v49, v15;
	v16 =	vld.idx.msk [tilespmem:v41+s3+$0x0], $0xffff;
	v6 =	vadd.s32 s24, v45  }
0x706: {  	s22 =	sadd.s32 $0x4, s25;
	v44 =	vmovc v34;
	v4 =	vor.u32 v51, v23;
	v24 =	vor.u32 v55, v15;
	v41 =	vld [tilespmem:$0x1F030];
	v62 =	vand.u32 $0x3F, v6  }
0x707: {  	s25 =	smov.u32 s22;
	v6 =	vor.u32 v50, v23;
	v30 =	vor.u32 v20, v56;
	v38 =	vor.u32 v49, v23;
	v20 =	vld.idx.msk [tilespmem:v1+s3+$0x0], $0xffff  }
0x708: {  	_ = 	snop  }
0x709: {  	v55 =	vld [tilespmem:$0x1F1C0];
	_ =	sdelay $0x1  }
0x70a: {  	v5 =	vld [tilespmem:$0x1F1F0]  }
0x70b: {  	v34 =	vld [tilespmem:$0x1F200];
	[tilespmem:v12+s15+$0x0] =	vst.idx.msk $0xffff, v16  }
0x70c: {  	v1 =	vld [tilespmem:$0x1F0D0]  }
0x70d: {  	v56 =	vadd.s32 v55, v62;
	v55 =	vld [tilespmem:$0x1F1E0];
	_ =	sdelay $0x1  }
0x70e: {  	v15 =	vadd.s32 v5, v62  }
0x70f: {  	[tilespmem:v17+s15+$0x0] =	vst.idx.msk $0xffff, v35;
	v23 =	vand.u32 $0xFFFFFF80, v15  }
0x710: {  	[tilespmem:v13+s15+$0x0] =	vst.idx.msk $0xffff, v36;
	v15 =	vand.u32 $0x7F, v15;
	v32 =	vand.u32 $0xFFFFFF80, v56;
	v23 =	vadd.s32 v34, v23  }
0x711: {  	[tilespmem:v43+s15+$0x0] =	vst.idx.msk $0xffff, v37;
	v15 =	vor.u32 v15, v23;
	v23 =	vand.u32 $0x7F, v56;
	v32 =	vadd.s32 v55, v32  }
0x712: {  	v56 =	vor.u32 v23, v32;
	v32 =	vld [tilespmem:$0x1F0C0]  }
0x713: {  	v14 =	vld.idx.msk [tilespmem:v1+s3+$0x0], $0xffff;
	_ =	sdelay $0x2  }
0x714: {  	v16 =	vshll.u32 v62, $0x7  }
0x715: {  	v34 =	vor.u32 v45, v16;
	v15 =	vld.idx.msk [tilespmem:v15+s3+$0x0], $0xffff  }
0x716: {  	[tilespmem:v7+s15+$0x0] =	vst.idx.msk $0xffff, v14  }
0x717: {  	v7 =	vor.u32 v33, v18;
	v33 =	vld [tilespmem:$0x1F250]  }
0x718: {  	v13 =	vld.idx.msk [tilespmem:v32+s3+$0x0], $0xffff  }
0x719: {  	v36 =	vld [tilespmem:$0x1F0E0]  }
0x71a: {  	[tilespmem:v34+s15+$0x0] =	vst.idx.msk $0xffff, v15  }
0x71b: {  	v55 =	vld [tilespmem:$0x1F270]  }
0x71c: {  	v32 =	vld [tilespmem:$0x1FFF0];
	[tilespmem:v9+s15+$0x0] =	vst.idx.msk $0xffff, v20  }
0x71d: {  	v43 =	vld.idx.msk [tilespmem:v53+s3+$0x0], $0xffff;
	v35 =	vadd.s32 v33, v62;
	[tilespmem:v41+s15+$0x0] =	vst.idx.msk $0xffff, v13  }
0x71e: {  	v53 =	vand.u32 $0xFFFFFF80, v35;
	v14 =	vand.u32 $0x7F, v35;
	v35 =	vld [tilespmem:$0x1F2C0];
	_ =	sdelay $0x2  }
0x71f: {  	v37 =	vld.idx.msk [tilespmem:v36+s3+$0x0], $0xffff  }
0x720: {  	v17 =	vld.idx.msk [tilespmem:v56+s3+$0x0], $0xffff;
	v56 =	vor.u32 v32, v16;
	_ =	sdelay $0x1  }
0x721: {  	v34 =	vld.idx.msk [tilespmem:v59+s3+$0x0], $0xffff  }
0x722: {  	v36 =	vld.idx.msk [tilespmem:v7+s3+$0x0], $0xffff;
	[tilespmem:v24+s15+$0x0] =	vst.idx.msk $0xffff, v43  }
0x723: {  	[tilespmem:v35+s15+$0x0] =	vst.idx.msk $0xffff, v37  }
0x724: {  	v37 =	vld [tilespmem:$0x1F150];
	[tilespmem:v56+s15+$0x0] =	vst.idx.msk $0xffff, v17  }
0x725: {  	v1 =	vld [tilespmem:$0x1F0F0]  }
0x726: {  	v43 =	vld [tilespmem:$0x1F170];
	[tilespmem:v2+s15+$0x0] =	vst.idx.msk $0xffff, v34  }
0x727: {  	[tilespmem:v19+s15+$0x0] =	vst.idx.msk $0xffff, v36  }
0x728: {  	v56 =	vld [tilespmem:$0x1F2B0];
	_ =	sdelay $0x2  }
0x729: {  	v11 =	vld.idx.msk [tilespmem:v11+s3+$0x0], $0xffff;
	_ =	sdelay $0x4  }
0x72a: {  	v12 =	vld.idx.msk [tilespmem:v1+s3+$0x0], $0xffff;
	[tilespmem:v56+s15+$0x0] =	vst.idx.msk $0xffff, v11  }
0x72b: {  	v15 =	vadd.s32 v55, v53;
	v1 =	vld [tilespmem:$0x1F100]  }
0x72c: {  	v33 =	vor.u32 v14, v15;
	v17 =	vld [tilespmem:$0x1F330];
	_ =	sdelay $0x4  }
0x72d: {  	v53 =	vor.u32 v46, v16;
	v9 =	vld.idx.msk [tilespmem:v33+s3+$0x0], $0xffff;
	_ =	sdelay $0x2  }
0x72e: {  	v59 =	vld.idx.msk [tilespmem:v1+s3+$0x0], $0xffff;
	[tilespmem:v17+s15+$0x0] =	vst.idx.msk $0xffff, v12  }
0x72f: {  	v1 =	vld [tilespmem:$0x1F180]  }
0x730: {  	v12 =	vld [tilespmem:$0x1F140];
	[tilespmem:v53+s15+$0x0] =	vst.idx.msk $0xffff, v9  }
0x731: {  	v15 =	vld [tilespmem:$0x1F0B0];
	_ =	sdelay $0x2  }
0x732: {  	v55 =	vld.idx.msk [tilespmem:v21+s3+$0x0], $0xffff;
	_ =	sdelay $0x3  }
0x733: {  	v13 =	vld [tilespmem:$0x1F130]  }
0x734: {  	v19 =	vld [tilespmem:$0x1F190];
	[tilespmem:v15+s15+$0x0] =	vst.idx.msk $0xffff, v55  }
0x735: {  	v2 =	vld [tilespmem:$0x1F340];
	_ =	sdelay $0x7  }
0x736: {  	v7 =	vadd.s32 v37, v62;
	[tilespmem:v2+s15+$0x0] =	vst.idx.msk $0xffff, v59  }
0x737: {  	v41 =	vand.u32 $0xFFFFFF80, v7;
	v23 =	vld [tilespmem:$0x1F2E0]  }
0x738: {  	v7 =	vand.u32 $0x7F, v7;
	v14 =	vadd.s32 v43, v41  }
0x739: {  	v7 =	vor.u32 v7, v14  }
0x73a: {  	v12 =	vld.idx.msk [tilespmem:v12+s3+$0x0], $0xffff;
	_ =	sdelay $0x1  }
0x73b: {  	v13 =	vld.idx.msk [tilespmem:v13+s3+$0x0], $0xffff;
	_ =	sdelay $0x1  }
0x73c: {  	v20 =	vor.u32 v47, v16;
	v7 =	vld.idx.msk [tilespmem:v7+s3+$0x0], $0xffff  }
0x73d: {  	v21 =	vld.idx.msk [tilespmem:v3+s3+$0x0], $0xffff;
	[tilespmem:v23+s15+$0x0] =	vst.idx.msk $0xffff, v12  }
0x73e: {  	v3 =	vld [tilespmem:$0x1F110]  }
0x73f: {  	[tilespmem:v58+s15+$0x0] =	vst.idx.msk $0xffff, v13  }
0x740: {  	v5 =	vld [tilespmem:$0x1F210]  }
0x741: {  	v33 =	vld [tilespmem:$0x1F1B0];
	[tilespmem:v20+s15+$0x0] =	vst.idx.msk $0xffff, v7  }
0x742: {  	v13 =	vld [tilespmem:$0x1F360];
	_ =	sdelay $0x3  }
0x743: {  	v3 =	vld.idx.msk [tilespmem:v3+s3+$0x0], $0xffff;
	_ =	sdelay $0x2  }
0x744: {  	v1 =	vadd.s32 v1, v62  }
0x745: {  	v18 =	vand.u32 $0xFFFFFF80, v1;
	v12 =	vld [tilespmem:$0x1F220];
	[tilespmem:v13+s15+$0x0] =	vst.idx.msk $0xffff, v21  }
0x746: {  	v1 =	vand.u32 $0x7F, v1;
	v9 =	vadd.s32 v19, v18;
	[tilespmem:v39+s15+$0x0] =	vst.idx.msk $0xffff, v3  }
0x747: {  	v1 =	vor.u32 v1, v9;
	v41 =	vld [tilespmem:$0x1F2F0];
	_ =	sdelay $0x2  }
0x748: {  	v9 =	vld.idx.msk [tilespmem:v33+s3+$0x0], $0xffff  }
0x749: {  	v35 =	vld.idx.msk [tilespmem:v42+s3+$0x0], $0xffff  }
0x74a: {  	v36 =	vor.u32 v48, v16;
	v1 =	vld.idx.msk [tilespmem:v1+s3+$0x0], $0xffff;
	v5 =	vadd.s32 v5, v62  }
0x74b: {  	v34 =	vand.u32 $0xFFFFFF80, v5  }
0x74c: {  	v5 =	vand.u32 $0x7F, v5;
	v7 =	vadd.s32 v12, v34;
	v39 =	vld.idx.msk [tilespmem:v54+s3+$0x0], $0xffff  }
0x74d: {  	v37 =	vor.u32 v5, v7;
	v42 =	vld.idx.msk [tilespmem:v60+s3+$0x0], $0xffff;
	[tilespmem:v41+s15+$0x0] =	vst.idx.msk $0xffff, v9  }
0x74e: {  	v5 =	vld [tilespmem:$0x1F2A0];
	[tilespmem:v10+s15+$0x0] =	vst.idx.msk $0xffff, v35  }
0x74f: {  	v53 =	vld.idx.msk [tilespmem:v52+s3+$0x0], $0xffff;
	[tilespmem:v36+s15+$0x0] =	vst.idx.msk $0xffff, v1  }
0x750: {  	v1 =	vld [tilespmem:$0x1F300]  }
0x751: {  	v54 =	vld.idx.msk [tilespmem:v26+s3+$0x0], $0xffff  }
0x752: {  	v56 =	vor.u32 v49, v16;
	v2 =	vld.idx.msk [tilespmem:v37+s3+$0x0], $0xffff;
	[tilespmem:v63+s15+$0x0] =	vst.idx.msk $0xffff, v39  }
0x753: {  	v3 =	vld [tilespmem:$0x1F240]  }
0x754: {  	[tilespmem:v38+s15+$0x0] =	vst.idx.msk $0xffff, v42  }
0x755: {  	[tilespmem:v28+s15+$0x0] =	vst.idx.msk $0xffff, v53  }
0x756: {  	[tilespmem:v31+s15+$0x0] =	vst.idx.msk $0xffff, v54  }
0x757: {  	[tilespmem:v56+s15+$0x0] =	vst.idx.msk $0xffff, v2  }
0x758: {  	v10 =	vld [tilespmem:$0x1F1D0];
	_ =	sdelay $0x1  }
0x759: {  	v55 =	vor.u32 v40, v57;
	v57 =	vor.u32 v50, v29;
	v0 =	vld.idx.msk [tilespmem:v0+s3+$0x0], $0xffff  }
0x75a: {  	v3 =	vld.idx.msk [tilespmem:v3+s3+$0x0], $0xffff  }
0x75b: {  	v7 =	vld.idx.msk [tilespmem:v44+s3+$0x0], $0xffff  }
0x75c: {  	v5 =	vadd.s32 v5, v62;
	v58 =	vld.idx.msk [tilespmem:v27+s3+$0x0], $0xffff  }
0x75d: {  	v43 =	vand.u32 $0xFFFFFF80, v5  }
0x75e: {  	v5 =	vand.u32 $0x7F, v5;
	v1 =	vadd.s32 v1, v43;
	[tilespmem:v57+s15+$0x0] =	vst.idx.msk $0xffff, v0  }
0x75f: {  	v1 =	vor.u32 v5, v1;
	[tilespmem:v10+s15+$0x0] =	vst.idx.msk $0xffff, v3  }
0x760: {  	v0 =	vld [tilespmem:$0x1F230];
	[tilespmem:v6+s15+$0x0] =	vst.idx.msk $0xffff, v7  }
0x761: {  	v6 =	vld [tilespmem:$0x1F260];
	[tilespmem:v22+s15+$0x0] =	vst.idx.msk $0xffff, v58  }
0x762: {  	v9 =	vld [tilespmem:$0x1F320];
	_ =	sdelay $0x1  }
0x763: {  	v60 =	vor.u32 v50, v16;
	v1 =	vld.idx.msk [tilespmem:v1+s3+$0x0], $0xffff  }
0x764: {  	v59 =	vld.idx.msk [tilespmem:v55+s3+$0x0], $0xffff;
	_ =	sdelay $0x3  }
0x765: {  	[tilespmem:v60+s15+$0x0] =	vst.idx.msk $0xffff, v1  }
0x766: {  	[tilespmem:v9+s15+$0x0] =	vst.idx.msk $0xffff, v59  }
0x767: {  	v3 =	vld [tilespmem:$0x1F0A0]  }
0x768: {  	v7 =	vld.idx.msk [tilespmem:v30+s3+$0x0], $0xffff  }
0x769: {  	v6 =	vld.idx.msk [tilespmem:v6+s3+$0x0], $0xffff  }
0x76a: {  	v61 =	vld.idx.msk [tilespmem:v61+s3+$0x0], $0xffff;
	_ =	sdelay $0x2  }
0x76b: {  	v1 =	vld [tilespmem:$0x1F290];
	[tilespmem:v4+s15+$0x0] =	vst.idx.msk $0xffff, v7  }
0x76c: {  	[tilespmem:v8+s15+$0x0] =	vst.idx.msk $0xffff, v6  }
0x76d: {  	[tilespmem:v3+s15+$0x0] =	vst.idx.msk $0xffff, v61  }
0x76e: {  	v4 =	vld [tilespmem:$0x1F2D0];
	_ =	sdelay $0x2  }
0x76f: {  	v0 =	vor.u32 v62, v0;
	v62 =	vld.idx.msk [tilespmem:v25+s3+$0x0], $0xffff;
	_ =	sdelay $0x4  }
0x770: {  	[tilespmem:v4+s15+$0x0] =	vst.idx.msk $0xffff, v62  }
0x771: {  	v2 =	vld [tilespmem:$0x1F310];
	_ =	sdelay $0x1  }
0x772: {  	v63 =	vor.u32 v51, v16;
	v0 =	vld.idx.msk [tilespmem:v0+s3+$0x0], $0xffff  }
0x773: {  	s21 =	sadd.s32 $0x1, s21;
	v1 =	vld.idx.msk [tilespmem:v1+s3+$0x0], $0xffff  }
0x774: {  	p0 =	sne.s32 s21, $0x32  }
.Ltmp4:
0x775: {  	s22 =	sshll.u32 s23, $0x12;
	(pc) =	sbr.rel @p0 .LBB2_2-.Ltmp4, $4  }
0x776: {  	s22 =	sor.u32 s6, s22  }
0x777: {  	s22 =	sshrl.u32 s22, $0x3;
	[tilespmem:v63+s15+$0x0] =	vst.idx.msk $0xffff, v0  }
0x778: {  	s22 =	sadd.s32 s2, s22;
	[tilespmem:v2+s15+$0x0] =	vst.idx.msk $0xffff, v1  }
0x779: {  	v24 =	vmov v32;
	[hbm4b:s22+s11] =	stream.strided.scatter [tilespmem:s15], [sflag:$0x4], $0x2000, s12, s11, $0x38;
	[tilespmem:$0x1E100] =	vst v63  }
0x77a: {  	_ =	swait.ge [sflag:s16], $0x2000  }
0x77b: {  	[sflag:s16] =	ssyncset.done $0x0  }
0x77c: {  	[sflag:s16] =	ssyncadd.s32 $0xFFFFE000  }
0x77d: {  	_ =	swait.ge [sflag:s17], $0x2000  }
0x77e: {  	[sflag:s17] =	ssyncset.done $0x0  }
0x77f: {  	s20 =	sadd.s32 $0x1, s20;
	[sflag:s17] =	ssyncadd.s32 $0xFFFFE000  }
0x780: {  	p0 =	sne.s32 s20, s7;
	_ =	swait.ge [sflag:s18], $0x2000  }
.Ltmp5:
0x781: {  	[sflag:s18] =	ssyncset.done $0x0;
	(pc) =	sbr.rel @p0 .LBB2_1-.Ltmp5, $4  }
0x782: {  	[sflag:s18] =	ssyncadd.s32 $0xFFFFE000  }
0x783: {  	_ =	swait.ge [sflag:s19], $0x2000  }
0x784: {  	[sflag:s19] =	ssyncset.done $0x0  }
0x785: {  	[sflag:s19] =	ssyncadd.s32 $0xFFFFE000  }
0x786: {  	_ =	sfence.sel $0x180000  }
0x787: {  	[bflag:$0x0] =	sbarrier.arrive $0xFFFF  }
0x788: {  	p0 =	sne.s32 s0, $0x0;
	_ =	strace $0x90000047  }
0x789: {  	s0 =	sadd.s32 @!p0 $0x100000, s1;
	[bflag:$0x2] =	sbarrier.arrive $0xFFFF  }
0x78a: {  	[sflag:s0] =	ssyncadd.tile.s32 @!p0 $0x1;
	_ =	shalt  }
.Lfunc_end2:
_tile_overlayer_lowered:
.L_overlay_start_2:
0x78b: {  	(tag) =	ssettag $0x2  }
0x78c: {  	s0 =	rddreg [dreg:$0x0];
	s2 =	stileid.u32  }
0x78d: {  	s1 =	rddreg [dreg:$0x1];
	p0 =	sne.s32 s2, $0x0  }
0x78e: {  	s3 =	rddreg [dreg:$0x2];
	[bflag:$0x3] =	sbarrier.arrive $0xFFFF;
	s2 =	simm.s32 @!p0 $0x1C05  }
0x78f: {  	[timem:s3], [sflag:s2] =	dma.local @!p0 [hbm:s0], s1  }
0x790: {  	s0 =	simm.s32 @!p0 $0x5  }
0x791: {  	_ =	swait.ge @!p0 [sflag:s0], s1  }
0x792: {  	s1 =	ssub.s32 @!p0 $0x0, s1;
	[sflag:s0] =	ssyncset.done @!p0 $0x0  }
0x793: {  	[sflag:s0] =	ssyncadd.s32 @!p0 s1  }
0x794: {  	[bflag:$0x3] =	sbarrier.arrive $0xFFFF  }
0x795: {  	_ =	shalt  }

</sc_bundles>
